<compile_context>
chip_gen: v7x
topology: tpu7x:2x2x1
jax: 0.10.2.dev20260603
libtpu: 0.0.44.dev20260713+nightly
codegen_flags: <defaults>
</compile_context>

<pallas_src>
import functools

import jax
import jax.numpy as jnp
from jax import lax
from jax.experimental import pallas as pl
from jax.experimental.pallas import tpu as pltpu
from jax.experimental.pallas import tpu_sc as plsc

K = 16
DIST2 = 100.0 * 100.0
QT = 128
QTK = 128

_dot = functools.partial(jnp.dot, precision=lax.Precision.HIGHEST)


def _lrelu(x):
    return jnp.where(x >= 0, x, 0.01 * x)


def _tables_body(x1t_ref, f1t_ref, x2t_ref, f2t_ref,
                 W0aT_ref, W0bT_ref, W0cT_ref, b0_ref,
                 w1W0T_ref, w1b0_ref, w2W0T_ref, w2b0_ref,
                 aT_ref, tab2_ref, c1T_ref, u1T_ref, c2T_ref):
    x1t = x1t_ref[...]
    f1t = f1t_ref[...]
    x2t = x2t_ref[...]
    f2t = f2t_ref[...]
    n = x1t.shape[0]
    aT_ref[...] = _dot(f1t, W0aT_ref[...]) - _dot(x1t, W0cT_ref[...]) + b0_ref[...]
    h2 = _dot(f2t, W0bT_ref[...]) + _dot(x2t, W0cT_ref[...])
    u2 = _dot(x2t, w2W0T_ref[...])
    tab2_ref[...] = jnp.concatenate(
        [h2, u2, jnp.zeros((n, 56), jnp.float32)], axis=1)
    u1 = _dot(x1t, w1W0T_ref[...])
    u1T_ref[...] = u1
    c1T_ref[...] = w2b0_ref[...] - _dot(x1t, w2W0T_ref[...])
    c2T_ref[...] = w1b0_ref[...] - u1


def _knn_body(x1t_ref, keys_ref, idx_ref, mask_ref, *, n_keys):
    b = pl.program_id(0)
    q = x1t_ref[...]
    keys = keys_ref[0]
    cross = jnp.dot(q, keys, precision=lax.Precision.DEFAULT)
    q2 = jnp.sum(q * q, axis=1, keepdims=True)
    i2 = jnp.sum(keys * keys, axis=0, keepdims=True)
    d = (q2 + i2) - 2.0 * cross
    nq = q.shape[0]
    half = n_keys // 2
    ilo = lax.broadcasted_iota(jnp.int32, (nq, half), 1).astype(jnp.float32)
    lo = d[:, :half]
    hi = d[:, half:]
    take_hi = hi < lo
    pv = jnp.minimum(lo, hi)
    qv = jnp.maximum(lo, hi)
    pi = jnp.where(take_hi, ilo + float(half), ilo)
    qi = jnp.where(take_hi, ilo, ilo + float(half))
    ncol = half // 128
    idx_cols = []
    mask_cols = []
    slots_seen = []
    for k in range(K):
        v = pv[:, 0:128]
        ai = pi[:, 0:128]
        for c in range(1, ncol):
            w = pv[:, c * 128:(c + 1) * 128]
            take = w < v
            ai = jnp.where(take, pi[:, c * 128:(c + 1) * 128], ai)
            v = jnp.minimum(v, w)
        m = jnp.min(v, axis=1, keepdims=True)
        idxk = jnp.min(jnp.where(v == m, ai, 16777215.0), axis=1,
                       keepdims=True)
        idx_cols.append(idxk)
        mask_cols.append((m < DIST2).astype(jnp.float32))
        if k + 1 < K:
            slot = idxk - jnp.where(idxk >= float(half), float(half), 0.0)
            if slots_seen:
                repeat = slots_seen[0] == slot
                for s in slots_seen[1:]:
                    repeat = repeat | (s == slot)
            else:
                repeat = jnp.zeros(slot.shape, jnp.bool_)
            slots_seen.append(slot)
            hit = ilo == slot
            pv = jnp.where(hit, jnp.where(repeat, jnp.inf, qv), pv)
            pi = jnp.where(hit, qi, pi)
    idx_ref[...] = (jnp.concatenate(idx_cols, axis=1).astype(jnp.int32)
                    + b * n_keys)
    mask_ref[...] = jnp.concatenate(mask_cols, axis=1)


def _gather_rows(table, idx, out_d, row0=0, ni=None, idx_offs=0):
    info = plsc.get_sparse_core_info()
    nw = info.num_cores * info.num_subcores
    if ni is None:
        ni = idx.shape[0]
    per_w = ni // nw
    ch = 384
    nch = per_w // ch
    d = table.shape[1]
    mesh = plsc.VectorSubcoreMesh(core_axis_name="c", subcore_axis_name="s")

    def _load_idx(idx_hbm, buf, off):
        pltpu.sync_copy(idx_hbm.at[pl.ds(row0 + off, ch)], buf)
        if idx_offs:
            for i in range(ch // 16):
                sl = pl.ds(i * 16, 16)
                buf[sl] = buf[sl] + idx_offs

    @functools.partial(
        pl.kernel, mesh=mesh,
        out_type=jax.ShapeDtypeStruct((ni, out_d), jnp.float32),
        scratch_types=[
            pltpu.VMEM((ch,), jnp.int32),
            pltpu.VMEM((ch,), jnp.int32),
            pltpu.VMEM((ch, d), jnp.float32),
            pltpu.VMEM((ch, d), jnp.float32),
            pltpu.SemaphoreType.DMA,
            pltpu.SemaphoreType.DMA,
        ],
    )
    def gk(table_hbm, idx_hbm, out_hbm, idx0, idx1, rows0, rows1, gsem, wsem):
        wid = lax.axis_index("s") * info.num_cores + lax.axis_index("c")
        base = wid * per_w
        idx_v = (idx0, idx1)
        rows_v = (rows0, rows1)
        _load_idx(idx_hbm, idx_v[0], base)
        gath = pltpu.async_copy(table_hbm.at[idx_v[0]], rows_v[0], gsem)
        writes = []
        for c in range(nch):
            cur = c & 1
            nxt = 1 - cur
            if c + 1 < nch:
                _load_idx(idx_hbm, idx_v[nxt], base + (c + 1) * ch)
            gath.wait()
            if c >= 1:
                writes[c - 1].wait()
            if c + 1 < nch:
                gath = pltpu.async_copy(table_hbm.at[idx_v[nxt]],
                                        rows_v[nxt], gsem)
            writes.append(pltpu.async_copy(
                rows_v[cur].at[:, pl.ds(0, out_d)],
                out_hbm.at[pl.ds(base + c * ch, ch)], wsem))
        writes[-1].wait()

    return gk(table, idx)


def _stage1_body(G_ref, mask_ref, aT_ref, c1T_ref, u1T_ref,
                 Wc_ref, bc_ref, w2W2T_ref, w2b2_ref, tab1_ref):
    G = G_ref[...].reshape(QT, K, 128) * mask_ref[...][:, :, None]
    h = _lrelu(G[:, :, :64] + aT_ref[...][:, None, :]).reshape(QT * K, 64)
    r0 = jnp.maximum(G[:, :, 64:72] + c1T_ref[...][:, None, :], 0.0)
    r0 = r0.reshape(QT * K, 8)
    hr = jnp.concatenate([h, r0], axis=1)
    pre = jnp.dot(hr, Wc_ref[...], precision=lax.Precision.HIGHEST) + bc_ref[...]
    p2p = _lrelu(pre[:, :64])
    r1 = jnp.maximum(pre[:, 64:72], 0.0)
    r2 = jnp.maximum(
        jnp.dot(r1, w2W2T_ref[...], precision=lax.Precision.DEFAULT)
        + w2b2_ref[...], 0.0)
    z = (r2 * p2p).reshape(QT, K, 64).sum(axis=1)
    tab1_ref[...] = jnp.concatenate(
        [z, u1T_ref[...], jnp.zeros((QT, 56), jnp.float32)], axis=1)


def _stage2_body(G_ref, mask_ref, c2T_ref,
                 w1W1T_ref, w1b1_ref, w1W2T_ref, w1b2_ref, out_ref):
    G = G_ref[...].reshape(QT, K, 128) * mask_ref[...][:, :, None]
    r0 = jnp.maximum(G[:, :, 64:72] + c2T_ref[...][:, None, :], 0.0)
    r0 = r0.reshape(QT * K, 8)
    r1 = jnp.maximum(
        jnp.dot(r0, w1W1T_ref[...], precision=lax.Precision.DEFAULT)
        + w1b1_ref[...], 0.0)
    r2 = jnp.maximum(
        jnp.dot(r1, w1W2T_ref[...], precision=lax.Precision.DEFAULT)
        + w1b2_ref[...], 0.0)
    z = (r2 * G[:, :, :64].reshape(QT * K, 64)).reshape(QT, K, 64).sum(axis=1)
    out_ref[...] = z.T


def kernel(xyz1, feat1, xyz2, feat2, cost_W0, cost_b0, cost_W1, cost_b1,
           w1_W0, w1_b0, w1_W1, w1_b1, w1_W2, w1_b2,
           w2_W0, w2_b0, w2_W1, w2_b1, w2_W2, w2_b2):
    B, C, H, W = feat1.shape
    N = H * W
    OUT = cost_W1.shape[0]
    nt = N // QT

    x1 = xyz1.reshape(B, 3, N)
    x2 = xyz2.reshape(B, 3, N)
    x1t = x1.transpose(0, 2, 1).reshape(B * N, 3)
    x2t = x2.transpose(0, 2, 1).reshape(B * N, 3)
    f1t = feat1.reshape(B, C, N).transpose(0, 2, 1).reshape(B * N, C)
    f2t = feat2.reshape(B, C, N).transpose(0, 2, 1).reshape(B * N, C)

    W0aT = cost_W0[:, :C].T
    W0bT = cost_W0[:, C:2 * C].T
    W0cT = cost_W0[:, 2 * C:].T

    f32 = jnp.float32
    row2 = lambda v: v.reshape(1, -1)

    full = lambda shape: pl.BlockSpec(shape, lambda b: (0,) * len(shape))
    perb = lambda shape: pl.BlockSpec(shape, lambda b: (b,) + (0,) * (len(shape) - 1))
    aT, tab2, c1T, u1T, c2T = pl.pallas_call(
        _tables_body,
        grid=(B,),
        in_specs=[perb((N, 3)), perb((N, C)), perb((N, 3)), perb((N, C)),
                  full((C, C)), full((C, C)), full((3, C)), full((1, C)),
                  full((3, 8)), full((1, 8)), full((3, 8)), full((1, 8))],
        out_specs=[perb((N, C)), perb((N, 128)), perb((N, 8)),
                   perb((N, 8)), perb((N, 8))],
        out_shape=[jax.ShapeDtypeStruct((B * N, C), f32),
                   jax.ShapeDtypeStruct((B * N, 128), f32),
                   jax.ShapeDtypeStruct((B * N, 8), f32),
                   jax.ShapeDtypeStruct((B * N, 8), f32),
                   jax.ShapeDtypeStruct((B * N, 8), f32)],
    )(x1t, f1t, x2t, f2t, W0aT, W0bT, W0cT, row2(cost_b0),
      w1_W0.T, row2(w1_b0), w2_W0.T, row2(w2_b0))

    ntk = N // QTK
    qspec = pl.BlockSpec((QTK, 3), lambda b, t: (b * ntk + t, 0))
    kspec = pl.BlockSpec((1, 3, N), lambda b, t: (b, 0, 0))
    ospec = pl.BlockSpec((QTK, K), lambda b, t: (b * ntk + t, 0))
    knn = pl.pallas_call(
        functools.partial(_knn_body, n_keys=N),
        grid=(B, ntk),
        in_specs=[qspec, kspec],
        out_specs=[ospec, ospec],
        out_shape=[jax.ShapeDtypeStruct((B * N, K), jnp.int32),
                   jax.ShapeDtypeStruct((B * N, K), f32)],
    )
    idx12, mask12 = knn(x1t, x2)
    idx11, mask11 = knn(x1t, x1)

    wfull = lambda shape: pl.BlockSpec(shape, lambda b, t: (0,) * len(shape))
    Wc = jnp.zeros((C + 8, C + 8), f32)
    Wc = Wc.at[:C, :C].set(cost_W1.T).at[C:, C:].set(w2_W1.T)
    bc = jnp.concatenate([row2(cost_b1), row2(w2_b1)], axis=1)

    idx12f = idx12.reshape(-1)
    idx11f = idx11.reshape(-1)
    outs = []
    for bb in range(B):
        def bmap(b, t, bb=bb):
            return (bb * nt + t, 0)
        gspec = pl.BlockSpec((QT * K, 128), lambda b, t: (t, 0))
        mspec = pl.BlockSpec((QT, K), bmap)
        pspec = lambda ch: pl.BlockSpec((QT, ch), bmap)
        G2_b = _gather_rows(tab2, idx12f, 128, row0=bb * N * K, ni=N * K)
        tab1_b = pl.pallas_call(
            _stage1_body,
            grid=(1, nt),
            in_specs=[gspec, mspec, pspec(C), pspec(8), pspec(8),
                      wfull((C + 8, C + 8)), wfull((1, C + 8)),
                      wfull((8, C)), wfull((1, C))],
            out_specs=pl.BlockSpec((QT, 128), lambda b, t: (t, 0)),
            out_shape=jax.ShapeDtypeStruct((N, 128), f32),
        )(G2_b, mask12, aT, c1T, u1T, Wc, bc, w2_W2.T, row2(w2_b2))
        G1_b = _gather_rows(tab1_b, idx11f, 128, row0=bb * N * K, ni=N * K,
                            idx_offs=-bb * N)
        outs.append(pl.pallas_call(
            _stage2_body,
            grid=(1, nt),
            in_specs=[gspec, mspec, pspec(8),
                      wfull((8, 8)), wfull((1, 8)), wfull((8, C)),
                      wfull((1, C))],
            out_specs=pl.BlockSpec((OUT, QT), lambda b, t: (b, t)),
            out_shape=jax.ShapeDtypeStruct((OUT, N), f32),
        )(G1_b, mask11, c2T, w1_W1.T, row2(w1_b1), w1_W2.T, row2(w1_b2)))

    return jnp.concatenate(outs, axis=0).reshape(B, OUT, H, W)

# --- scband reference (transcript-rebuilt; emitter-appended) ---
"""Pipeline reference for scband-costvolume3-d-90323162235010 (READ-ONLY COPY).

The authoritative reference and input builder live on the scoring server;
editing this copy changes nothing except your own understanding.
"""

import jax, jax.numpy as jnp
import numpy as np

K = 16
DIST = 100.0


def _mlp2d(x, params, act):
    # x: [B, C, N, K]; each layer is a 1x1 conv (pointwise linear over channel dim) + act
    for (W, b) in params:
        x = jnp.einsum('oc,bcnk->bonk', W, x) + b[None, :, None, None]
        x = act(x)
    return x


def _knn(query, inp, k, dist):
    # query, inp: [B, 3, N] -> indices [B, N, k], valid mask [B, N, k]
    q2 = jnp.sum(query ** 2, axis=1)
    i2 = jnp.sum(inp ** 2, axis=1)
    cross = jnp.einsum('bdn,bdm->bnm', query, inp)
    d2 = q2[:, :, None] + i2[:, None, :] - 2.0 * cross
    neg_vals, idx = jax.lax.top_k(-d2, k)
    valid = (-neg_vals) < dist * dist
    return idx, valid


def _gather(features, idx, mask):
    # features [B, C, N], idx [B, N, k], mask [B, N, k] -> [B, C, N, k] with invalid entries zeroed
    def g(f, i):
        return f[:, i]
    out = jax.vmap(g)(features, idx)
    return out * mask[:, None, :, :].astype(features.dtype)


def _forward(xyz1, feat1, xyz2, feat2, cost_W0, cost_b0, cost_W1, cost_b1,
             w1_W0, w1_b0, w1_W1, w1_b1, w1_W2, w1_b2,
             w2_W0, w2_b0, w2_W1, w2_b1, w2_W2, w2_b2):
    B, C, H, W = feat1.shape
    N = H * W
    f1 = feat1.reshape(B, C, N)
    f2 = feat2.reshape(B, C, N)
    x1 = xyz1.reshape(B, 3, N)
    x2 = xyz2.reshape(B, 3, N)

    idx12, mask12 = _knn(x1, x2, K, DIST)
    knn_xyz2 = _gather(x2, idx12, mask12)
    knn_xyz2_norm = knn_xyz2 - x1[:, :, :, None]
    knn_f2 = _gather(f2, idx12, mask12)
    f1_exp = jnp.broadcast_to(f1[:, :, :, None], (B, C, N, K))
    cat = jnp.concatenate([f1_exp, knn_f2, knn_xyz2_norm], axis=1)

    p2p_cost = _mlp2d(cat, [(cost_W0, cost_b0), (cost_W1, cost_b1)], jax.nn.leaky_relu)
    weights2 = _mlp2d(knn_xyz2_norm, [(w2_W0, w2_b0), (w2_W1, w2_b1), (w2_W2, w2_b2)], jax.nn.relu)
    p2n_cost = jnp.sum(weights2 * p2p_cost, axis=3)

    idx11, mask11 = _knn(x1, x1, K, DIST)
    knn_xyz1 = _gather(x1, idx11, mask11)
    knn_xyz1_norm = knn_xyz1 - x1[:, :, :, None]
    weights1 = _mlp2d(knn_xyz1_norm, [(w1_W0, w1_b0), (w1_W1, w1_b1), (w1_W2, w1_b2)], jax.nn.relu)
    n2n_cost = _gather(p2n_cost, idx11, mask11)
    n2n_cost = jnp.sum(weights1 * n2n_cost, axis=3)
    return n2n_cost.reshape(B, -1, H, W)


def setup_inputs(seed: int = 0):
    key = jax.random.key(seed)
    ks = jax.random.split(key, 16)
    B, H, W, C, OUT = 2, 48, 64, 64, 64
    cin = 3 + 2 * C
    inp = {}
    inp['xyz1'] = jax.random.normal(ks[0], (B, 3, H, W), dtype=jnp.float32) * 2.0
    inp['feat1'] = jax.random.normal(ks[1], (B, C, H, W), dtype=jnp.float32)
    inp['xyz2'] = jax.random.normal(ks[2], (B, 3, H, W), dtype=jnp.float32) * 2.0
    inp['feat2'] = jax.random.normal(ks[3], (B, C, H, W), dtype=jnp.float32)
    inp['cost_W0'] = jax.random.normal(ks[4], (OUT, cin), dtype=jnp.float32) * 0.05
    inp['cost_b0'] = jnp.zeros((OUT,), jnp.float32)
    inp['cost_W1'] = jax.random.normal(ks[5], (OUT, OUT), dtype=jnp.float32) * 0.05
    inp['cost_b1'] = jnp.zeros((OUT,), jnp.float32)
    inp['w1_W0'] = jax.random.normal(ks[6], (8, 3), dtype=jnp.float32) * 0.1
    inp['w1_b0'] = jnp.zeros((8,), jnp.float32)
    inp['w1_W1'] = jax.random.normal(ks[7], (8, 8), dtype=jnp.float32) * 0.1
    inp['w1_b1'] = jnp.zeros((8,), jnp.float32)
    inp['w1_W2'] = jax.random.normal(ks[8], (OUT, 8), dtype=jnp.float32) * 0.1
    inp['w1_b2'] = jnp.zeros((OUT,), jnp.float32)
    inp['w2_W0'] = jax.random.normal(ks[9], (8, 3), dtype=jnp.float32) * 0.1
    inp['w2_b0'] = jnp.zeros((8,), jnp.float32)
    inp['w2_W1'] = jax.random.normal(ks[10], (8, 8), dtype=jnp.float32) * 0.1
    inp['w2_b1'] = jnp.zeros((8,), jnp.float32)
    inp['w2_W2'] = jax.random.normal(ks[11], (OUT, 8), dtype=jnp.float32) * 0.1
    inp['w2_b2'] = jnp.zeros((OUT,), jnp.float32)
    return inp


def reference(xyz1, feat1, xyz2, feat2, cost_W0, cost_b0, cost_W1, cost_b1,
              w1_W0, w1_b0, w1_W1, w1_b1, w1_W2, w1_b2,
              w2_W0, w2_b0, w2_W1, w2_b1, w2_W2, w2_b2):
    return _forward(xyz1, feat1, xyz2, feat2, cost_W0, cost_b0, cost_W1, cost_b1,
                    w1_W0, w1_b0, w1_W1, w1_b1, w1_W2, w1_b2,
                    w2_W0, w2_b0, w2_W1, w2_b1, w2_W2, w2_b2)

if __name__ == "__main__":
    import jax
    _d = setup_inputs()
    print(jax.jit(kernel)(*tuple(_d.values())))

</pallas_src>

<mosaic_0001>
#map = affine_map<(d0, d1) -> (0, 0)>
#map1 = affine_map<(d0, d1) -> (0)>
module attributes {stable_mosaic.version = 14 : i64} {
  func.func @gk(%arg0: i32, %arg1: i32, %arg2: memref<6144x128xf32, #tpu.memory_space<hbm>>, %arg3: memref<98304xi32, #tpu.memory_space<hbm>>, %arg4: memref<49152x128xf32, #tpu.memory_space<hbm>>, %arg5: memref<384xi32, #tpu.memory_space<vmem>>, %arg6: memref<384xi32, #tpu.memory_space<vmem>>, %arg7: memref<384x128xf32, #tpu.memory_space<vmem>>, %arg8: memref<384x128xf32, #tpu.memory_space<vmem>>, %arg9: memref<!tpu.dma_semaphore, #tpu.memory_space<semaphore_mem>>, %arg10: memref<!tpu.dma_semaphore, #tpu.memory_space<semaphore_mem>>) attributes {dimension_semantics = [#tpu.dimension_semantics<core_parallel>, #tpu.dimension_semantics<subcore_parallel>], iteration_bounds = array<i64: 2, 16>, scalar_prefetch = 0 : i64, scratch_operands = 6 : i64, tpu.core_type = #tpu.core_type<sc_vector_subcore>, window_params = [{transform_indices = #map}, {transform_indices = #map1}, {transform_indices = #map}]} {
    %mul3A = arith.constant 2 : i32
    %mul3A_0 = arith.muli %arg1, %mul3A : i32
    %add3A = arith.addi %mul3A_0, %arg0 : i32
    %mul3A_1 = arith.constant 1536 : i32
    %mul3A_2 = arith.muli %add3A, %mul3A_1 : i32
    %add3A_3 = arith.constant 0 : i32
    %add3A_4 = arith.addi %add3A_3, %mul3A_2 : i32
    "tpu.region"() ({
      %run_scoped3A = tpu.sem_alloc : memref<!tpu.dma_semaphore, #tpu.memory_space<semaphore_mem>>
      %dma_start3A_127 = tpu.memref_slice %arg3[%add3A_4] : memref<98304xi32, #tpu.memory_space<hbm>> -> memref<384xi32, #tpu.memory_space<hbm>>
      %dma_start3A_128 = tpu.memref_slice %arg3[%add3A_4] : memref<98304xi32, #tpu.memory_space<hbm>> -> memref<384xi32, #tpu.memory_space<hbm>>
      tpu.enqueue_dma source(%dma_start3A_128 : memref<384xi32, #tpu.memory_space<hbm>>) target(%arg5 : memref<384xi32, #tpu.memory_space<vmem>>) target_semaphore(%run_scoped3A : memref<!tpu.dma_semaphore, #tpu.memory_space<semaphore_mem>>)
      %dma_wait3A_129 = tpu.memref_slice %arg3[%add3A_4] : memref<98304xi32, #tpu.memory_space<hbm>> -> memref<384xi32, #tpu.memory_space<hbm>>
      %dma_wait3A_130 = tpu.memref_slice %arg3[%add3A_4] : memref<98304xi32, #tpu.memory_space<hbm>> -> memref<384xi32, #tpu.memory_space<hbm>>
      tpu.wait_dma2 semaphore(%run_scoped3A : memref<!tpu.dma_semaphore, #tpu.memory_space<semaphore_mem>>) src(%dma_wait3A_130 : memref<384xi32, #tpu.memory_space<hbm>>) dst(%arg5 : memref<384xi32, #tpu.memory_space<vmem>>)
      tpu.yield
    }) : () -> ()
    %dma_start3A = arith.constant 0 : i32
    %dma_start3A_5 = arith.constant 0 : i32
    %dma_start3A_6 = tpu.memref_slice %arg2[%dma_start3A, %dma_start3A_5] : memref<6144x128xf32, #tpu.memory_space<hbm>> -> memref<6144x128xf32, #tpu.memory_space<hbm>>
    tpu.enqueue_indirect_dma source(%dma_start3A_6 : memref<6144x128xf32, #tpu.memory_space<hbm>>) target(%arg7 : memref<384x128xf32, #tpu.memory_space<vmem>>) offsets(%arg5 : memref<384xi32, #tpu.memory_space<vmem>>) semaphore(%arg9 : memref<!tpu.dma_semaphore, #tpu.memory_space<semaphore_mem>>)
    %add3A_7 = arith.constant 384 : i32
    %add3A_8 = arith.addi %mul3A_2, %add3A_7 : i32
    %add3A_9 = arith.constant 0 : i32
    %add3A_10 = arith.addi %add3A_9, %add3A_8 : i32
    "tpu.region"() ({
      %run_scoped3A = tpu.sem_alloc : memref<!tpu.dma_semaphore, #tpu.memory_space<semaphore_mem>>
      %dma_start3A_127 = tpu.memref_slice %arg3[%add3A_10] : memref<98304xi32, #tpu.memory_space<hbm>> -> memref<384xi32, #tpu.memory_space<hbm>>
      %dma_start3A_128 = tpu.memref_slice %arg3[%add3A_10] : memref<98304xi32, #tpu.memory_space<hbm>> -> memref<384xi32, #tpu.memory_space<hbm>>
      tpu.enqueue_dma source(%dma_start3A_128 : memref<384xi32, #tpu.memory_space<hbm>>) target(%arg6 : memref<384xi32, #tpu.memory_space<vmem>>) target_semaphore(%run_scoped3A : memref<!tpu.dma_semaphore, #tpu.memory_space<semaphore_mem>>)
      %dma_wait3A_129 = tpu.memref_slice %arg3[%add3A_10] : memref<98304xi32, #tpu.memory_space<hbm>> -> memref<384xi32, #tpu.memory_space<hbm>>
      %dma_wait3A_130 = tpu.memref_slice %arg3[%add3A_10] : memref<98304xi32, #tpu.memory_space<hbm>> -> memref<384xi32, #tpu.memory_space<hbm>>
      tpu.wait_dma2 semaphore(%run_scoped3A : memref<!tpu.dma_semaphore, #tpu.memory_space<semaphore_mem>>) src(%dma_wait3A_130 : memref<384xi32, #tpu.memory_space<hbm>>) dst(%arg6 : memref<384xi32, #tpu.memory_space<vmem>>)
      tpu.yield
    }) : () -> ()
    %dma_wait3A = arith.constant 0 : i32
    %dma_wait3A_11 = arith.constant 0 : i32
    %dma_wait3A_12 = tpu.memref_slice %arg2[%dma_wait3A, %dma_wait3A_11] : memref<6144x128xf32, #tpu.memory_space<hbm>> -> memref<6144x128xf32, #tpu.memory_space<hbm>>
    tpu.wait_indirect_dma semaphore(%arg9 : memref<!tpu.dma_semaphore, #tpu.memory_space<semaphore_mem>>) src(%dma_wait3A_12 : memref<6144x128xf32, #tpu.memory_space<hbm>>) dst(%arg7 : memref<384x128xf32, #tpu.memory_space<vmem>>)
    %dma_start3A_13 = arith.constant 0 : i32
    %dma_start3A_14 = arith.constant 0 : i32
    %dma_start3A_15 = tpu.memref_slice %arg2[%dma_start3A_13, %dma_start3A_14] : memref<6144x128xf32, #tpu.memory_space<hbm>> -> memref<6144x128xf32, #tpu.memory_space<hbm>>
    tpu.enqueue_indirect_dma source(%dma_start3A_15 : memref<6144x128xf32, #tpu.memory_space<hbm>>) target(%arg8 : memref<384x128xf32, #tpu.memory_space<vmem>>) offsets(%arg6 : memref<384xi32, #tpu.memory_space<vmem>>) semaphore(%arg9 : memref<!tpu.dma_semaphore, #tpu.memory_space<semaphore_mem>>)
    %add3A_16 = arith.constant 0 : i32
    %add3A_17 = arith.addi %mul3A_2, %add3A_16 : i32
    %dma_start3A_18 = arith.constant 0 : i32
    %dma_start3A_19 = arith.constant 0 : i32
    %dma_start3A_20 = tpu.memref_slice %arg7[%dma_start3A_18, %dma_start3A_19] : memref<384x128xf32, #tpu.memory_space<vmem>> -> memref<384x128xf32, #tpu.memory_space<vmem>>
    %dma_start3A_21 = arith.constant 0 : i32
    %dma_start3A_22 = tpu.memref_slice %arg4[%add3A_17, %dma_start3A_21] : memref<49152x128xf32, #tpu.memory_space<hbm>> -> memref<384x128xf32, #tpu.memory_space<hbm>>
    %dma_start3A_23 = arith.constant 0 : i32
    %dma_start3A_24 = tpu.memref_slice %arg4[%add3A_17, %dma_start3A_23] : memref<49152x128xf32, #tpu.memory_space<hbm>> -> memref<384x128xf32, #tpu.memory_space<hbm>>
    %dma_start3A_25 = arith.constant 0 : i32
    %dma_start3A_26 = arith.constant 0 : i32
    %dma_start3A_27 = tpu.memref_slice %arg7[%dma_start3A_25, %dma_start3A_26] : memref<384x128xf32, #tpu.memory_space<vmem>> -> memref<384x128xf32, #tpu.memory_space<vmem>>
    tpu.enqueue_dma source(%dma_start3A_27 : memref<384x128xf32, #tpu.memory_space<vmem>>) target(%dma_start3A_24 : memref<384x128xf32, #tpu.memory_space<hbm>>) target_semaphore(%arg10 : memref<!tpu.dma_semaphore, #tpu.memory_space<semaphore_mem>>)
    %add3A_28 = arith.constant 768 : i32
    %add3A_29 = arith.addi %mul3A_2, %add3A_28 : i32
    %add3A_30 = arith.constant 0 : i32
    %add3A_31 = arith.addi %add3A_30, %add3A_29 : i32
    "tpu.region"() ({
      %run_scoped3A = tpu.sem_alloc : memref<!tpu.dma_semaphore, #tpu.memory_space<semaphore_mem>>
      %dma_start3A_127 = tpu.memref_slice %arg3[%add3A_31] : memref<98304xi32, #tpu.memory_space<hbm>> -> memref<384xi32, #tpu.memory_space<hbm>>
      %dma_start3A_128 = tpu.memref_slice %arg3[%add3A_31] : memref<98304xi32, #tpu.memory_space<hbm>> -> memref<384xi32, #tpu.memory_space<hbm>>
      tpu.enqueue_dma source(%dma_start3A_128 : memref<384xi32, #tpu.memory_space<hbm>>) target(%arg5 : memref<384xi32, #tpu.memory_space<vmem>>) target_semaphore(%run_scoped3A : memref<!tpu.dma_semaphore, #tpu.memory_space<semaphore_mem>>)
      %dma_wait3A_129 = tpu.memref_slice %arg3[%add3A_31] : memref<98304xi32, #tpu.memory_space<hbm>> -> memref<384xi32, #tpu.memory_space<hbm>>
      %dma_wait3A_130 = tpu.memref_slice %arg3[%add3A_31] : memref<98304xi32, #tpu.memory_space<hbm>> -> memref<384xi32, #tpu.memory_space<hbm>>
      tpu.wait_dma2 semaphore(%run_scoped3A : memref<!tpu.dma_semaphore, #tpu.memory_space<semaphore_mem>>) src(%dma_wait3A_130 : memref<384xi32, #tpu.memory_space<hbm>>) dst(%arg5 : memref<384xi32, #tpu.memory_space<vmem>>)
      tpu.yield
    }) : () -> ()
    %dma_wait3A_32 = arith.constant 0 : i32
    %dma_wait3A_33 = arith.constant 0 : i32
    %dma_wait3A_34 = tpu.memref_slice %arg2[%dma_wait3A_32, %dma_wait3A_33] : memref<6144x128xf32, #tpu.memory_space<hbm>> -> memref<6144x128xf32, #tpu.memory_space<hbm>>
    tpu.wait_indirect_dma semaphore(%arg9 : memref<!tpu.dma_semaphore, #tpu.memory_space<semaphore_mem>>) src(%dma_wait3A_34 : memref<6144x128xf32, #tpu.memory_space<hbm>>) dst(%arg8 : memref<384x128xf32, #tpu.memory_space<vmem>>)
    %dma_wait3A_35 = arith.constant 0 : i32
    %dma_wait3A_36 = arith.constant 0 : i32
    %dma_wait3A_37 = tpu.memref_slice %arg7[%dma_wait3A_35, %dma_wait3A_36] : memref<384x128xf32, #tpu.memory_space<vmem>> -> memref<384x128xf32, #tpu.memory_space<vmem>>
    %dma_wait3A_38 = arith.constant 0 : i32
    %dma_wait3A_39 = tpu.memref_slice %arg4[%add3A_17, %dma_wait3A_38] : memref<49152x128xf32, #tpu.memory_space<hbm>> -> memref<384x128xf32, #tpu.memory_space<hbm>>
    %dma_wait3A_40 = arith.constant 0 : i32
    %dma_wait3A_41 = tpu.memref_slice %arg4[%add3A_17, %dma_wait3A_40] : memref<49152x128xf32, #tpu.memory_space<hbm>> -> memref<384x128xf32, #tpu.memory_space<hbm>>
    %dma_wait3A_42 = arith.constant 0 : i32
    %dma_wait3A_43 = arith.constant 0 : i32
    %dma_wait3A_44 = tpu.memref_slice %arg7[%dma_wait3A_42, %dma_wait3A_43] : memref<384x128xf32, #tpu.memory_space<vmem>> -> memref<384x128xf32, #tpu.memory_space<vmem>>
    tpu.wait_dma2 semaphore(%arg10 : memref<!tpu.dma_semaphore, #tpu.memory_space<semaphore_mem>>) src(%dma_wait3A_44 : memref<384x128xf32, #tpu.memory_space<vmem>>) dst(%dma_wait3A_41 : memref<384x128xf32, #tpu.memory_space<hbm>>)
    %dma_start3A_45 = arith.constant 0 : i32
    %dma_start3A_46 = arith.constant 0 : i32
    %dma_start3A_47 = tpu.memref_slice %arg2[%dma_start3A_45, %dma_start3A_46] : memref<6144x128xf32, #tpu.memory_space<hbm>> -> memref<6144x128xf32, #tpu.memory_space<hbm>>
    tpu.enqueue_indirect_dma source(%dma_start3A_47 : memref<6144x128xf32, #tpu.memory_space<hbm>>) target(%arg7 : memref<384x128xf32, #tpu.memory_space<vmem>>) offsets(%arg5 : memref<384xi32, #tpu.memory_space<vmem>>) semaphore(%arg9 : memref<!tpu.dma_semaphore, #tpu.memory_space<semaphore_mem>>)
    %add3A_48 = arith.constant 384 : i32
    %add3A_49 = arith.addi %mul3A_2, %add3A_48 : i32
    %dma_start3A_50 = arith.constant 0 : i32
    %dma_start3A_51 = arith.constant 0 : i32
    %dma_start3A_52 = tpu.memref_slice %arg8[%dma_start3A_50, %dma_start3A_51] : memref<384x128xf32, #tpu.memory_space<vmem>> -> memref<384x128xf32, #tpu.memory_space<vmem>>
    %dma_start3A_53 = arith.constant 0 : i32
    %dma_start3A_54 = tpu.memref_slice %arg4[%add3A_49, %dma_start3A_53] : memref<49152x128xf32, #tpu.memory_space<hbm>> -> memref<384x128xf32, #tpu.memory_space<hbm>>
    %dma_start3A_55 = arith.constant 0 : i32
    %dma_start3A_56 = tpu.memref_slice %arg4[%add3A_49, %dma_start3A_55] : memref<49152x128xf32, #tpu.memory_space<hbm>> -> memref<384x128xf32, #tpu.memory_space<hbm>>
    %dma_start3A_57 = arith.constant 0 : i32
    %dma_start3A_58 = arith.constant 0 : i32
    %dma_start3A_59 = tpu.memref_slice %arg8[%dma_start3A_57, %dma_start3A_58] : memref<384x128xf32, #tpu.memory_space<vmem>> -> memref<384x128xf32, #tpu.memory_space<vmem>>
    tpu.enqueue_dma source(%dma_start3A_59 : memref<384x128xf32, #tpu.memory_space<vmem>>) target(%dma_start3A_56 : memref<384x128xf32, #tpu.memory_space<hbm>>) target_semaphore(%arg10 : memref<!tpu.dma_semaphore, #tpu.memory_space<semaphore_mem>>)
    %add3A_60 = arith.constant 1152 : i32
    %add3A_61 = arith.addi %mul3A_2, %add3A_60 : i32
    %add3A_62 = arith.constant 0 : i32
    %add3A_63 = arith.addi %add3A_62, %add3A_61 : i32
    "tpu.region"() ({
      %run_scoped3A = tpu.sem_alloc : memref<!tpu.dma_semaphore, #tpu.memory_space<semaphore_mem>>
      %dma_start3A_127 = tpu.memref_slice %arg3[%add3A_63] : memref<98304xi32, #tpu.memory_space<hbm>> -> memref<384xi32, #tpu.memory_space<hbm>>
      %dma_start3A_128 = tpu.memref_slice %arg3[%add3A_63] : memref<98304xi32, #tpu.memory_space<hbm>> -> memref<384xi32, #tpu.memory_space<hbm>>
      tpu.enqueue_dma source(%dma_start3A_128 : memref<384xi32, #tpu.memory_space<hbm>>) target(%arg6 : memref<384xi32, #tpu.memory_space<vmem>>) target_semaphore(%run_scoped3A : memref<!tpu.dma_semaphore, #tpu.memory_space<semaphore_mem>>)
      %dma_wait3A_129 = tpu.memref_slice %arg3[%add3A_63] : memref<98304xi32, #tpu.memory_space<hbm>> -> memref<384xi32, #tpu.memory_space<hbm>>
      %dma_wait3A_130 = tpu.memref_slice %arg3[%add3A_63] : memref<98304xi32, #tpu.memory_space<hbm>> -> memref<384xi32, #tpu.memory_space<hbm>>
      tpu.wait_dma2 semaphore(%run_scoped3A : memref<!tpu.dma_semaphore, #tpu.memory_space<semaphore_mem>>) src(%dma_wait3A_130 : memref<384xi32, #tpu.memory_space<hbm>>) dst(%arg6 : memref<384xi32, #tpu.memory_space<vmem>>)
      tpu.yield
    }) : () -> ()
    %dma_wait3A_64 = arith.constant 0 : i32
    %dma_wait3A_65 = arith.constant 0 : i32
    %dma_wait3A_66 = tpu.memref_slice %arg2[%dma_wait3A_64, %dma_wait3A_65] : memref<6144x128xf32, #tpu.memory_space<hbm>> -> memref<6144x128xf32, #tpu.memory_space<hbm>>
    tpu.wait_indirect_dma semaphore(%arg9 : memref<!tpu.dma_semaphore, #tpu.memory_space<semaphore_mem>>) src(%dma_wait3A_66 : memref<6144x128xf32, #tpu.memory_space<hbm>>) dst(%arg7 : memref<384x128xf32, #tpu.memory_space<vmem>>)
    %dma_wait3A_67 = arith.constant 0 : i32
    %dma_wait3A_68 = arith.constant 0 : i32
    %dma_wait3A_69 = tpu.memref_slice %arg8[%dma_wait3A_67, %dma_wait3A_68] : memref<384x128xf32, #tpu.memory_space<vmem>> -> memref<384x128xf32, #tpu.memory_space<vmem>>
    %dma_wait3A_70 = arith.constant 0 : i32
    %dma_wait3A_71 = tpu.memref_slice %arg4[%add3A_49, %dma_wait3A_70] : memref<49152x128xf32, #tpu.memory_space<hbm>> -> memref<384x128xf32, #tpu.memory_space<hbm>>
    %dma_wait3A_72 = arith.constant 0 : i32
    %dma_wait3A_73 = tpu.memref_slice %arg4[%add3A_49, %dma_wait3A_72] : memref<49152x128xf32, #tpu.memory_space<hbm>> -> memref<384x128xf32, #tpu.memory_space<hbm>>
    %dma_wait3A_74 = arith.constant 0 : i32
    %dma_wait3A_75 = arith.constant 0 : i32
    %dma_wait3A_76 = tpu.memref_slice %arg8[%dma_wait3A_74, %dma_wait3A_75] : memref<384x128xf32, #tpu.memory_space<vmem>> -> memref<384x128xf32, #tpu.memory_space<vmem>>
    tpu.wait_dma2 semaphore(%arg10 : memref<!tpu.dma_semaphore, #tpu.memory_space<semaphore_mem>>) src(%dma_wait3A_76 : memref<384x128xf32, #tpu.memory_space<vmem>>) dst(%dma_wait3A_73 : memref<384x128xf32, #tpu.memory_space<hbm>>)
    %dma_start3A_77 = arith.constant 0 : i32
    %dma_start3A_78 = arith.constant 0 : i32
    %dma_start3A_79 = tpu.memref_slice %arg2[%dma_start3A_77, %dma_start3A_78] : memref<6144x128xf32, #tpu.memory_space<hbm>> -> memref<6144x128xf32, #tpu.memory_space<hbm>>
    tpu.enqueue_indirect_dma source(%dma_start3A_79 : memref<6144x128xf32, #tpu.memory_space<hbm>>) target(%arg8 : memref<384x128xf32, #tpu.memory_space<vmem>>) offsets(%arg6 : memref<384xi32, #tpu.memory_space<vmem>>) semaphore(%arg9 : memref<!tpu.dma_semaphore, #tpu.memory_space<semaphore_mem>>)
    %add3A_80 = arith.constant 768 : i32
    %add3A_81 = arith.addi %mul3A_2, %add3A_80 : i32
    %dma_start3A_82 = arith.constant 0 : i32
    %dma_start3A_83 = arith.constant 0 : i32
    %dma_start3A_84 = tpu.memref_slice %arg7[%dma_start3A_82, %dma_start3A_83] : memref<384x128xf32, #tpu.memory_space<vmem>> -> memref<384x128xf32, #tpu.memory_space<vmem>>
    %dma_start3A_85 = arith.constant 0 : i32
    %dma_start3A_86 = tpu.memref_slice %arg4[%add3A_81, %dma_start3A_85] : memref<49152x128xf32, #tpu.memory_space<hbm>> -> memref<384x128xf32, #tpu.memory_space<hbm>>
    %dma_start3A_87 = arith.constant 0 : i32
    %dma_start3A_88 = tpu.memref_slice %arg4[%add3A_81, %dma_start3A_87] : memref<49152x128xf32, #tpu.memory_space<hbm>> -> memref<384x128xf32, #tpu.memory_space<hbm>>
    %dma_start3A_89 = arith.constant 0 : i32
    %dma_start3A_90 = arith.constant 0 : i32
    %dma_start3A_91 = tpu.memref_slice %arg7[%dma_start3A_89, %dma_start3A_90] : memref<384x128xf32, #tpu.memory_space<vmem>> -> memref<384x128xf32, #tpu.memory_space<vmem>>
    tpu.enqueue_dma source(%dma_start3A_91 : memref<384x128xf32, #tpu.memory_space<vmem>>) target(%dma_start3A_88 : memref<384x128xf32, #tpu.memory_space<hbm>>) target_semaphore(%arg10 : memref<!tpu.dma_semaphore, #tpu.memory_space<semaphore_mem>>)
    %dma_wait3A_92 = arith.constant 0 : i32
    %dma_wait3A_93 = arith.constant 0 : i32
    %dma_wait3A_94 = tpu.memref_slice %arg2[%dma_wait3A_92, %dma_wait3A_93] : memref<6144x128xf32, #tpu.memory_space<hbm>> -> memref<6144x128xf32, #tpu.memory_space<hbm>>
    tpu.wait_indirect_dma semaphore(%arg9 : memref<!tpu.dma_semaphore, #tpu.memory_space<semaphore_mem>>) src(%dma_wait3A_94 : memref<6144x128xf32, #tpu.memory_space<hbm>>) dst(%arg8 : memref<384x128xf32, #tpu.memory_space<vmem>>)
    %dma_wait3A_95 = arith.constant 0 : i32
    %dma_wait3A_96 = arith.constant 0 : i32
    %dma_wait3A_97 = tpu.memref_slice %arg7[%dma_wait3A_95, %dma_wait3A_96] : memref<384x128xf32, #tpu.memory_space<vmem>> -> memref<384x128xf32, #tpu.memory_space<vmem>>
    %dma_wait3A_98 = arith.constant 0 : i32
    %dma_wait3A_99 = tpu.memref_slice %arg4[%add3A_81, %dma_wait3A_98] : memref<49152x128xf32, #tpu.memory_space<hbm>> -> memref<384x128xf32, #tpu.memory_space<hbm>>
    %dma_wait3A_100 = arith.constant 0 : i32
    %dma_wait3A_101 = tpu.memref_slice %arg4[%add3A_81, %dma_wait3A_100] : memref<49152x128xf32, #tpu.memory_space<hbm>> -> memref<384x128xf32, #tpu.memory_space<hbm>>
    %dma_wait3A_102 = arith.constant 0 : i32
    %dma_wait3A_103 = arith.constant 0 : i32
    %dma_wait3A_104 = tpu.memref_slice %arg7[%dma_wait3A_102, %dma_wait3A_103] : memref<384x128xf32, #tpu.memory_space<vmem>> -> memref<384x128xf32, #tpu.memory_space<vmem>>
    tpu.wait_dma2 semaphore(%arg10 : memref<!tpu.dma_semaphore, #tpu.memory_space<semaphore_mem>>) src(%dma_wait3A_104 : memref<384x128xf32, #tpu.memory_space<vmem>>) dst(%dma_wait3A_101 : memref<384x128xf32, #tpu.memory_space<hbm>>)
    %add3A_105 = arith.constant 1152 : i32
    %add3A_106 = arith.addi %mul3A_2, %add3A_105 : i32
    %dma_start3A_107 = arith.constant 0 : i32
    %dma_start3A_108 = arith.constant 0 : i32
    %dma_start3A_109 = tpu.memref_slice %arg8[%dma_start3A_107, %dma_start3A_108] : memref<384x128xf32, #tpu.memory_space<vmem>> -> memref<384x128xf32, #tpu.memory_space<vmem>>
    %dma_start3A_110 = arith.constant 0 : i32
    %dma_start3A_111 = tpu.memref_slice %arg4[%add3A_106, %dma_start3A_110] : memref<49152x128xf32, #tpu.memory_space<hbm>> -> memref<384x128xf32, #tpu.memory_space<hbm>>
    %dma_start3A_112 = arith.constant 0 : i32
    %dma_start3A_113 = tpu.memref_slice %arg4[%add3A_106, %dma_start3A_112] : memref<49152x128xf32, #tpu.memory_space<hbm>> -> memref<384x128xf32, #tpu.memory_space<hbm>>
    %dma_start3A_114 = arith.constant 0 : i32
    %dma_start3A_115 = arith.constant 0 : i32
    %dma_start3A_116 = tpu.memref_slice %arg8[%dma_start3A_114, %dma_start3A_115] : memref<384x128xf32, #tpu.memory_space<vmem>> -> memref<384x128xf32, #tpu.memory_space<vmem>>
    tpu.enqueue_dma source(%dma_start3A_116 : memref<384x128xf32, #tpu.memory_space<vmem>>) target(%dma_start3A_113 : memref<384x128xf32, #tpu.memory_space<hbm>>) target_semaphore(%arg10 : memref<!tpu.dma_semaphore, #tpu.memory_space<semaphore_mem>>)
    %dma_wait3A_117 = arith.constant 0 : i32
    %dma_wait3A_118 = arith.constant 0 : i32
    %dma_wait3A_119 = tpu.memref_slice %arg8[%dma_wait3A_117, %dma_wait3A_118] : memref<384x128xf32, #tpu.memory_space<vmem>> -> memref<384x128xf32, #tpu.memory_space<vmem>>
    %dma_wait3A_120 = arith.constant 0 : i32
    %dma_wait3A_121 = tpu.memref_slice %arg4[%add3A_106, %dma_wait3A_120] : memref<49152x128xf32, #tpu.memory_space<hbm>> -> memref<384x128xf32, #tpu.memory_space<hbm>>
    %dma_wait3A_122 = arith.constant 0 : i32
    %dma_wait3A_123 = tpu.memref_slice %arg4[%add3A_106, %dma_wait3A_122] : memref<49152x128xf32, #tpu.memory_space<hbm>> -> memref<384x128xf32, #tpu.memory_space<hbm>>
    %dma_wait3A_124 = arith.constant 0 : i32
    %dma_wait3A_125 = arith.constant 0 : i32
    %dma_wait3A_126 = tpu.memref_slice %arg8[%dma_wait3A_124, %dma_wait3A_125] : memref<384x128xf32, #tpu.memory_space<vmem>> -> memref<384x128xf32, #tpu.memory_space<vmem>>
    tpu.wait_dma2 semaphore(%arg10 : memref<!tpu.dma_semaphore, #tpu.memory_space<semaphore_mem>>) src(%dma_wait3A_126 : memref<384x128xf32, #tpu.memory_space<vmem>>) dst(%dma_wait3A_123 : memref<384x128xf32, #tpu.memory_space<hbm>>)
    return
  }
}

#map = affine_map<(d0, d1) -> (0, 0)>
#map1 = affine_map<(d0, d1) -> (0)>
module attributes {stable_mosaic.version = 14 : i64} {
  func.func @gk(%arg0: i32, %arg1: i32, %arg2: memref<3072x128xf32, #tpu.memory_space<hbm>>, %arg3: memref<98304xi32, #tpu.memory_space<hbm>>, %arg4: memref<49152x128xf32, #tpu.memory_space<hbm>>, %arg5: memref<384xi32, #tpu.memory_space<vmem>>, %arg6: memref<384xi32, #tpu.memory_space<vmem>>, %arg7: memref<384x128xf32, #tpu.memory_space<vmem>>, %arg8: memref<384x128xf32, #tpu.memory_space<vmem>>, %arg9: memref<!tpu.dma_semaphore, #tpu.memory_space<semaphore_mem>>, %arg10: memref<!tpu.dma_semaphore, #tpu.memory_space<semaphore_mem>>) attributes {dimension_semantics = [#tpu.dimension_semantics<core_parallel>, #tpu.dimension_semantics<subcore_parallel>], iteration_bounds = array<i64: 2, 16>, scalar_prefetch = 0 : i64, scratch_operands = 6 : i64, tpu.core_type = #tpu.core_type<sc_vector_subcore>, window_params = [{transform_indices = #map}, {transform_indices = #map1}, {transform_indices = #map}]} {
    %mul3A = arith.constant 2 : i32
    %mul3A_0 = arith.muli %arg1, %mul3A : i32
    %add3A = arith.addi %mul3A_0, %arg0 : i32
    %mul3A_1 = arith.constant 1536 : i32
    %mul3A_2 = arith.muli %add3A, %mul3A_1 : i32
    %add3A_3 = arith.constant 0 : i32
    %add3A_4 = arith.addi %add3A_3, %mul3A_2 : i32
    "tpu.region"() ({
      %run_scoped3A = tpu.sem_alloc : memref<!tpu.dma_semaphore, #tpu.memory_space<semaphore_mem>>
      %dma_start3A_127 = tpu.memref_slice %arg3[%add3A_4] : memref<98304xi32, #tpu.memory_space<hbm>> -> memref<384xi32, #tpu.memory_space<hbm>>
      %dma_start3A_128 = tpu.memref_slice %arg3[%add3A_4] : memref<98304xi32, #tpu.memory_space<hbm>> -> memref<384xi32, #tpu.memory_space<hbm>>
      tpu.enqueue_dma source(%dma_start3A_128 : memref<384xi32, #tpu.memory_space<hbm>>) target(%arg5 : memref<384xi32, #tpu.memory_space<vmem>>) target_semaphore(%run_scoped3A : memref<!tpu.dma_semaphore, #tpu.memory_space<semaphore_mem>>)
      %dma_wait3A_129 = tpu.memref_slice %arg3[%add3A_4] : memref<98304xi32, #tpu.memory_space<hbm>> -> memref<384xi32, #tpu.memory_space<hbm>>
      %dma_wait3A_130 = tpu.memref_slice %arg3[%add3A_4] : memref<98304xi32, #tpu.memory_space<hbm>> -> memref<384xi32, #tpu.memory_space<hbm>>
      tpu.wait_dma2 semaphore(%run_scoped3A : memref<!tpu.dma_semaphore, #tpu.memory_space<semaphore_mem>>) src(%dma_wait3A_130 : memref<384xi32, #tpu.memory_space<hbm>>) dst(%arg5 : memref<384xi32, #tpu.memory_space<vmem>>)
      tpu.yield
    }) : () -> ()
    %dma_start3A = arith.constant 0 : i32
    %dma_start3A_5 = arith.constant 0 : i32
    %dma_start3A_6 = tpu.memref_slice %arg2[%dma_start3A, %dma_start3A_5] : memref<3072x128xf32, #tpu.memory_space<hbm>> -> memref<3072x128xf32, #tpu.memory_space<hbm>>
    tpu.enqueue_indirect_dma source(%dma_start3A_6 : memref<3072x128xf32, #tpu.memory_space<hbm>>) target(%arg7 : memref<384x128xf32, #tpu.memory_space<vmem>>) offsets(%arg5 : memref<384xi32, #tpu.memory_space<vmem>>) semaphore(%arg9 : memref<!tpu.dma_semaphore, #tpu.memory_space<semaphore_mem>>)
    %add3A_7 = arith.constant 384 : i32
    %add3A_8 = arith.addi %mul3A_2, %add3A_7 : i32
    %add3A_9 = arith.constant 0 : i32
    %add3A_10 = arith.addi %add3A_9, %add3A_8 : i32
    "tpu.region"() ({
      %run_scoped3A = tpu.sem_alloc : memref<!tpu.dma_semaphore, #tpu.memory_space<semaphore_mem>>
      %dma_start3A_127 = tpu.memref_slice %arg3[%add3A_10] : memref<98304xi32, #tpu.memory_space<hbm>> -> memref<384xi32, #tpu.memory_space<hbm>>
      %dma_start3A_128 = tpu.memref_slice %arg3[%add3A_10] : memref<98304xi32, #tpu.memory_space<hbm>> -> memref<384xi32, #tpu.memory_space<hbm>>
      tpu.enqueue_dma source(%dma_start3A_128 : memref<384xi32, #tpu.memory_space<hbm>>) target(%arg6 : memref<384xi32, #tpu.memory_space<vmem>>) target_semaphore(%run_scoped3A : memref<!tpu.dma_semaphore, #tpu.memory_space<semaphore_mem>>)
      %dma_wait3A_129 = tpu.memref_slice %arg3[%add3A_10] : memref<98304xi32, #tpu.memory_space<hbm>> -> memref<384xi32, #tpu.memory_space<hbm>>
      %dma_wait3A_130 = tpu.memref_slice %arg3[%add3A_10] : memref<98304xi32, #tpu.memory_space<hbm>> -> memref<384xi32, #tpu.memory_space<hbm>>
      tpu.wait_dma2 semaphore(%run_scoped3A : memref<!tpu.dma_semaphore, #tpu.memory_space<semaphore_mem>>) src(%dma_wait3A_130 : memref<384xi32, #tpu.memory_space<hbm>>) dst(%arg6 : memref<384xi32, #tpu.memory_space<vmem>>)
      tpu.yield
    }) : () -> ()
    %dma_wait3A = arith.constant 0 : i32
    %dma_wait3A_11 = arith.constant 0 : i32
    %dma_wait3A_12 = tpu.memref_slice %arg2[%dma_wait3A, %dma_wait3A_11] : memref<3072x128xf32, #tpu.memory_space<hbm>> -> memref<3072x128xf32, #tpu.memory_space<hbm>>
    tpu.wait_indirect_dma semaphore(%arg9 : memref<!tpu.dma_semaphore, #tpu.memory_space<semaphore_mem>>) src(%dma_wait3A_12 : memref<3072x128xf32, #tpu.memory_space<hbm>>) dst(%arg7 : memref<384x128xf32, #tpu.memory_space<vmem>>)
    %dma_start3A_13 = arith.constant 0 : i32
    %dma_start3A_14 = arith.constant 0 : i32
    %dma_start3A_15 = tpu.memref_slice %arg2[%dma_start3A_13, %dma_start3A_14] : memref<3072x128xf32, #tpu.memory_space<hbm>> -> memref<3072x128xf32, #tpu.memory_space<hbm>>
    tpu.enqueue_indirect_dma source(%dma_start3A_15 : memref<3072x128xf32, #tpu.memory_space<hbm>>) target(%arg8 : memref<384x128xf32, #tpu.memory_space<vmem>>) offsets(%arg6 : memref<384xi32, #tpu.memory_space<vmem>>) semaphore(%arg9 : memref<!tpu.dma_semaphore, #tpu.memory_space<semaphore_mem>>)
    %add3A_16 = arith.constant 0 : i32
    %add3A_17 = arith.addi %mul3A_2, %add3A_16 : i32
    %dma_start3A_18 = arith.constant 0 : i32
    %dma_start3A_19 = arith.constant 0 : i32
    %dma_start3A_20 = tpu.memref_slice %arg7[%dma_start3A_18, %dma_start3A_19] : memref<384x128xf32, #tpu.memory_space<vmem>> -> memref<384x128xf32, #tpu.memory_space<vmem>>
    %dma_start3A_21 = arith.constant 0 : i32
    %dma_start3A_22 = tpu.memref_slice %arg4[%add3A_17, %dma_start3A_21] : memref<49152x128xf32, #tpu.memory_space<hbm>> -> memref<384x128xf32, #tpu.memory_space<hbm>>
    %dma_start3A_23 = arith.constant 0 : i32
    %dma_start3A_24 = tpu.memref_slice %arg4[%add3A_17, %dma_start3A_23] : memref<49152x128xf32, #tpu.memory_space<hbm>> -> memref<384x128xf32, #tpu.memory_space<hbm>>
    %dma_start3A_25 = arith.constant 0 : i32
    %dma_start3A_26 = arith.constant 0 : i32
    %dma_start3A_27 = tpu.memref_slice %arg7[%dma_start3A_25, %dma_start3A_26] : memref<384x128xf32, #tpu.memory_space<vmem>> -> memref<384x128xf32, #tpu.memory_space<vmem>>
    tpu.enqueue_dma source(%dma_start3A_27 : memref<384x128xf32, #tpu.memory_space<vmem>>) target(%dma_start3A_24 : memref<384x128xf32, #tpu.memory_space<hbm>>) target_semaphore(%arg10 : memref<!tpu.dma_semaphore, #tpu.memory_space<semaphore_mem>>)
    %add3A_28 = arith.constant 768 : i32
    %add3A_29 = arith.addi %mul3A_2, %add3A_28 : i32
    %add3A_30 = arith.constant 0 : i32
    %add3A_31 = arith.addi %add3A_30, %add3A_29 : i32
    "tpu.region"() ({
      %run_scoped3A = tpu.sem_alloc : memref<!tpu.dma_semaphore, #tpu.memory_space<semaphore_mem>>
      %dma_start3A_127 = tpu.memref_slice %arg3[%add3A_31] : memref<98304xi32, #tpu.memory_space<hbm>> -> memref<384xi32, #tpu.memory_space<hbm>>
      %dma_start3A_128 = tpu.memref_slice %arg3[%add3A_31] : memref<98304xi32, #tpu.memory_space<hbm>> -> memref<384xi32, #tpu.memory_space<hbm>>
      tpu.enqueue_dma source(%dma_start3A_128 : memref<384xi32, #tpu.memory_space<hbm>>) target(%arg5 : memref<384xi32, #tpu.memory_space<vmem>>) target_semaphore(%run_scoped3A : memref<!tpu.dma_semaphore, #tpu.memory_space<semaphore_mem>>)
      %dma_wait3A_129 = tpu.memref_slice %arg3[%add3A_31] : memref<98304xi32, #tpu.memory_space<hbm>> -> memref<384xi32, #tpu.memory_space<hbm>>
      %dma_wait3A_130 = tpu.memref_slice %arg3[%add3A_31] : memref<98304xi32, #tpu.memory_space<hbm>> -> memref<384xi32, #tpu.memory_space<hbm>>
      tpu.wait_dma2 semaphore(%run_scoped3A : memref<!tpu.dma_semaphore, #tpu.memory_space<semaphore_mem>>) src(%dma_wait3A_130 : memref<384xi32, #tpu.memory_space<hbm>>) dst(%arg5 : memref<384xi32, #tpu.memory_space<vmem>>)
      tpu.yield
    }) : () -> ()
    %dma_wait3A_32 = arith.constant 0 : i32
    %dma_wait3A_33 = arith.constant 0 : i32
    %dma_wait3A_34 = tpu.memref_slice %arg2[%dma_wait3A_32, %dma_wait3A_33] : memref<3072x128xf32, #tpu.memory_space<hbm>> -> memref<3072x128xf32, #tpu.memory_space<hbm>>
    tpu.wait_indirect_dma semaphore(%arg9 : memref<!tpu.dma_semaphore, #tpu.memory_space<semaphore_mem>>) src(%dma_wait3A_34 : memref<3072x128xf32, #tpu.memory_space<hbm>>) dst(%arg8 : memref<384x128xf32, #tpu.memory_space<vmem>>)
    %dma_wait3A_35 = arith.constant 0 : i32
    %dma_wait3A_36 = arith.constant 0 : i32
    %dma_wait3A_37 = tpu.memref_slice %arg7[%dma_wait3A_35, %dma_wait3A_36] : memref<384x128xf32, #tpu.memory_space<vmem>> -> memref<384x128xf32, #tpu.memory_space<vmem>>
    %dma_wait3A_38 = arith.constant 0 : i32
    %dma_wait3A_39 = tpu.memref_slice %arg4[%add3A_17, %dma_wait3A_38] : memref<49152x128xf32, #tpu.memory_space<hbm>> -> memref<384x128xf32, #tpu.memory_space<hbm>>
    %dma_wait3A_40 = arith.constant 0 : i32
    %dma_wait3A_41 = tpu.memref_slice %arg4[%add3A_17, %dma_wait3A_40] : memref<49152x128xf32, #tpu.memory_space<hbm>> -> memref<384x128xf32, #tpu.memory_space<hbm>>
    %dma_wait3A_42 = arith.constant 0 : i32
    %dma_wait3A_43 = arith.constant 0 : i32
    %dma_wait3A_44 = tpu.memref_slice %arg7[%dma_wait3A_42, %dma_wait3A_43] : memref<384x128xf32, #tpu.memory_space<vmem>> -> memref<384x128xf32, #tpu.memory_space<vmem>>
    tpu.wait_dma2 semaphore(%arg10 : memref<!tpu.dma_semaphore, #tpu.memory_space<semaphore_mem>>) src(%dma_wait3A_44 : memref<384x128xf32, #tpu.memory_space<vmem>>) dst(%dma_wait3A_41 : memref<384x128xf32, #tpu.memory_space<hbm>>)
    %dma_start3A_45 = arith.constant 0 : i32
    %dma_start3A_46 = arith.constant 0 : i32
    %dma_start3A_47 = tpu.memref_slice %arg2[%dma_start3A_45, %dma_start3A_46] : memref<3072x128xf32, #tpu.memory_space<hbm>> -> memref<3072x128xf32, #tpu.memory_space<hbm>>
    tpu.enqueue_indirect_dma source(%dma_start3A_47 : memref<3072x128xf32, #tpu.memory_space<hbm>>) target(%arg7 : memref<384x128xf32, #tpu.memory_space<vmem>>) offsets(%arg5 : memref<384xi32, #tpu.memory_space<vmem>>) semaphore(%arg9 : memref<!tpu.dma_semaphore, #tpu.memory_space<semaphore_mem>>)
    %add3A_48 = arith.constant 384 : i32
    %add3A_49 = arith.addi %mul3A_2, %add3A_48 : i32
    %dma_start3A_50 = arith.constant 0 : i32
    %dma_start3A_51 = arith.constant 0 : i32
    %dma_start3A_52 = tpu.memref_slice %arg8[%dma_start3A_50, %dma_start3A_51] : memref<384x128xf32, #tpu.memory_space<vmem>> -> memref<384x128xf32, #tpu.memory_space<vmem>>
    %dma_start3A_53 = arith.constant 0 : i32
    %dma_start3A_54 = tpu.memref_slice %arg4[%add3A_49, %dma_start3A_53] : memref<49152x128xf32, #tpu.memory_space<hbm>> -> memref<384x128xf32, #tpu.memory_space<hbm>>
    %dma_start3A_55 = arith.constant 0 : i32
    %dma_start3A_56 = tpu.memref_slice %arg4[%add3A_49, %dma_start3A_55] : memref<49152x128xf32, #tpu.memory_space<hbm>> -> memref<384x128xf32, #tpu.memory_space<hbm>>
    %dma_start3A_57 = arith.constant 0 : i32
    %dma_start3A_58 = arith.constant 0 : i32
    %dma_start3A_59 = tpu.memref_slice %arg8[%dma_start3A_57, %dma_start3A_58] : memref<384x128xf32, #tpu.memory_space<vmem>> -> memref<384x128xf32, #tpu.memory_space<vmem>>
    tpu.enqueue_dma source(%dma_start3A_59 : memref<384x128xf32, #tpu.memory_space<vmem>>) target(%dma_start3A_56 : memref<384x128xf32, #tpu.memory_space<hbm>>) target_semaphore(%arg10 : memref<!tpu.dma_semaphore, #tpu.memory_space<semaphore_mem>>)
    %add3A_60 = arith.constant 1152 : i32
    %add3A_61 = arith.addi %mul3A_2, %add3A_60 : i32
    %add3A_62 = arith.constant 0 : i32
    %add3A_63 = arith.addi %add3A_62, %add3A_61 : i32
    "tpu.region"() ({
      %run_scoped3A = tpu.sem_alloc : memref<!tpu.dma_semaphore, #tpu.memory_space<semaphore_mem>>
      %dma_start3A_127 = tpu.memref_slice %arg3[%add3A_63] : memref<98304xi32, #tpu.memory_space<hbm>> -> memref<384xi32, #tpu.memory_space<hbm>>
      %dma_start3A_128 = tpu.memref_slice %arg3[%add3A_63] : memref<98304xi32, #tpu.memory_space<hbm>> -> memref<384xi32, #tpu.memory_space<hbm>>
      tpu.enqueue_dma source(%dma_start3A_128 : memref<384xi32, #tpu.memory_space<hbm>>) target(%arg6 : memref<384xi32, #tpu.memory_space<vmem>>) target_semaphore(%run_scoped3A : memref<!tpu.dma_semaphore, #tpu.memory_space<semaphore_mem>>)
      %dma_wait3A_129 = tpu.memref_slice %arg3[%add3A_63] : memref<98304xi32, #tpu.memory_space<hbm>> -> memref<384xi32, #tpu.memory_space<hbm>>
      %dma_wait3A_130 = tpu.memref_slice %arg3[%add3A_63] : memref<98304xi32, #tpu.memory_space<hbm>> -> memref<384xi32, #tpu.memory_space<hbm>>
      tpu.wait_dma2 semaphore(%run_scoped3A : memref<!tpu.dma_semaphore, #tpu.memory_space<semaphore_mem>>) src(%dma_wait3A_130 : memref<384xi32, #tpu.memory_space<hbm>>) dst(%arg6 : memref<384xi32, #tpu.memory_space<vmem>>)
      tpu.yield
    }) : () -> ()
    %dma_wait3A_64 = arith.constant 0 : i32
    %dma_wait3A_65 = arith.constant 0 : i32
    %dma_wait3A_66 = tpu.memref_slice %arg2[%dma_wait3A_64, %dma_wait3A_65] : memref<3072x128xf32, #tpu.memory_space<hbm>> -> memref<3072x128xf32, #tpu.memory_space<hbm>>
    tpu.wait_indirect_dma semaphore(%arg9 : memref<!tpu.dma_semaphore, #tpu.memory_space<semaphore_mem>>) src(%dma_wait3A_66 : memref<3072x128xf32, #tpu.memory_space<hbm>>) dst(%arg7 : memref<384x128xf32, #tpu.memory_space<vmem>>)
    %dma_wait3A_67 = arith.constant 0 : i32
    %dma_wait3A_68 = arith.constant 0 : i32
    %dma_wait3A_69 = tpu.memref_slice %arg8[%dma_wait3A_67, %dma_wait3A_68] : memref<384x128xf32, #tpu.memory_space<vmem>> -> memref<384x128xf32, #tpu.memory_space<vmem>>
    %dma_wait3A_70 = arith.constant 0 : i32
    %dma_wait3A_71 = tpu.memref_slice %arg4[%add3A_49, %dma_wait3A_70] : memref<49152x128xf32, #tpu.memory_space<hbm>> -> memref<384x128xf32, #tpu.memory_space<hbm>>
    %dma_wait3A_72 = arith.constant 0 : i32
    %dma_wait3A_73 = tpu.memref_slice %arg4[%add3A_49, %dma_wait3A_72] : memref<49152x128xf32, #tpu.memory_space<hbm>> -> memref<384x128xf32, #tpu.memory_space<hbm>>
    %dma_wait3A_74 = arith.constant 0 : i32
    %dma_wait3A_75 = arith.constant 0 : i32
    %dma_wait3A_76 = tpu.memref_slice %arg8[%dma_wait3A_74, %dma_wait3A_75] : memref<384x128xf32, #tpu.memory_space<vmem>> -> memref<384x128xf32, #tpu.memory_space<vmem>>
    tpu.wait_dma2 semaphore(%arg10 : memref<!tpu.dma_semaphore, #tpu.memory_space<semaphore_mem>>) src(%dma_wait3A_76 : memref<384x128xf32, #tpu.memory_space<vmem>>) dst(%dma_wait3A_73 : memref<384x128xf32, #tpu.memory_space<hbm>>)
    %dma_start3A_77 = arith.constant 0 : i32
    %dma_start3A_78 = arith.constant 0 : i32
    %dma_start3A_79 = tpu.memref_slice %arg2[%dma_start3A_77, %dma_start3A_78] : memref<3072x128xf32, #tpu.memory_space<hbm>> -> memref<3072x128xf32, #tpu.memory_space<hbm>>
    tpu.enqueue_indirect_dma source(%dma_start3A_79 : memref<3072x128xf32, #tpu.memory_space<hbm>>) target(%arg8 : memref<384x128xf32, #tpu.memory_space<vmem>>) offsets(%arg6 : memref<384xi32, #tpu.memory_space<vmem>>) semaphore(%arg9 : memref<!tpu.dma_semaphore, #tpu.memory_space<semaphore_mem>>)
    %add3A_80 = arith.constant 768 : i32
    %add3A_81 = arith.addi %mul3A_2, %add3A_80 : i32
    %dma_start3A_82 = arith.constant 0 : i32
    %dma_start3A_83 = arith.constant 0 : i32
    %dma_start3A_84 = tpu.memref_slice %arg7[%dma_start3A_82, %dma_start3A_83] : memref<384x128xf32, #tpu.memory_space<vmem>> -> memref<384x128xf32, #tpu.memory_space<vmem>>
    %dma_start3A_85 = arith.constant 0 : i32
    %dma_start3A_86 = tpu.memref_slice %arg4[%add3A_81, %dma_start3A_85] : memref<49152x128xf32, #tpu.memory_space<hbm>> -> memref<384x128xf32, #tpu.memory_space<hbm>>
    %dma_start3A_87 = arith.constant 0 : i32
    %dma_start3A_88 = tpu.memref_slice %arg4[%add3A_81, %dma_start3A_87] : memref<49152x128xf32, #tpu.memory_space<hbm>> -> memref<384x128xf32, #tpu.memory_space<hbm>>
    %dma_start3A_89 = arith.constant 0 : i32
    %dma_start3A_90 = arith.constant 0 : i32
    %dma_start3A_91 = tpu.memref_slice %arg7[%dma_start3A_89, %dma_start3A_90] : memref<384x128xf32, #tpu.memory_space<vmem>> -> memref<384x128xf32, #tpu.memory_space<vmem>>
    tpu.enqueue_dma source(%dma_start3A_91 : memref<384x128xf32, #tpu.memory_space<vmem>>) target(%dma_start3A_88 : memref<384x128xf32, #tpu.memory_space<hbm>>) target_semaphore(%arg10 : memref<!tpu.dma_semaphore, #tpu.memory_space<semaphore_mem>>)
    %dma_wait3A_92 = arith.constant 0 : i32
    %dma_wait3A_93 = arith.constant 0 : i32
    %dma_wait3A_94 = tpu.memref_slice %arg2[%dma_wait3A_92, %dma_wait3A_93] : memref<3072x128xf32, #tpu.memory_space<hbm>> -> memref<3072x128xf32, #tpu.memory_space<hbm>>
    tpu.wait_indirect_dma semaphore(%arg9 : memref<!tpu.dma_semaphore, #tpu.memory_space<semaphore_mem>>) src(%dma_wait3A_94 : memref<3072x128xf32, #tpu.memory_space<hbm>>) dst(%arg8 : memref<384x128xf32, #tpu.memory_space<vmem>>)
    %dma_wait3A_95 = arith.constant 0 : i32
    %dma_wait3A_96 = arith.constant 0 : i32
    %dma_wait3A_97 = tpu.memref_slice %arg7[%dma_wait3A_95, %dma_wait3A_96] : memref<384x128xf32, #tpu.memory_space<vmem>> -> memref<384x128xf32, #tpu.memory_space<vmem>>
    %dma_wait3A_98 = arith.constant 0 : i32
    %dma_wait3A_99 = tpu.memref_slice %arg4[%add3A_81, %dma_wait3A_98] : memref<49152x128xf32, #tpu.memory_space<hbm>> -> memref<384x128xf32, #tpu.memory_space<hbm>>
    %dma_wait3A_100 = arith.constant 0 : i32
    %dma_wait3A_101 = tpu.memref_slice %arg4[%add3A_81, %dma_wait3A_100] : memref<49152x128xf32, #tpu.memory_space<hbm>> -> memref<384x128xf32, #tpu.memory_space<hbm>>
    %dma_wait3A_102 = arith.constant 0 : i32
    %dma_wait3A_103 = arith.constant 0 : i32
    %dma_wait3A_104 = tpu.memref_slice %arg7[%dma_wait3A_102, %dma_wait3A_103] : memref<384x128xf32, #tpu.memory_space<vmem>> -> memref<384x128xf32, #tpu.memory_space<vmem>>
    tpu.wait_dma2 semaphore(%arg10 : memref<!tpu.dma_semaphore, #tpu.memory_space<semaphore_mem>>) src(%dma_wait3A_104 : memref<384x128xf32, #tpu.memory_space<vmem>>) dst(%dma_wait3A_101 : memref<384x128xf32, #tpu.memory_space<hbm>>)
    %add3A_105 = arith.constant 1152 : i32
    %add3A_106 = arith.addi %mul3A_2, %add3A_105 : i32
    %dma_start3A_107 = arith.constant 0 : i32
    %dma_start3A_108 = arith.constant 0 : i32
    %dma_start3A_109 = tpu.memref_slice %arg8[%dma_start3A_107, %dma_start3A_108] : memref<384x128xf32, #tpu.memory_space<vmem>> -> memref<384x128xf32, #tpu.memory_space<vmem>>
    %dma_start3A_110 = arith.constant 0 : i32
    %dma_start3A_111 = tpu.memref_slice %arg4[%add3A_106, %dma_start3A_110] : memref<49152x128xf32, #tpu.memory_space<hbm>> -> memref<384x128xf32, #tpu.memory_space<hbm>>
    %dma_start3A_112 = arith.constant 0 : i32
    %dma_start3A_113 = tpu.memref_slice %arg4[%add3A_106, %dma_start3A_112] : memref<49152x128xf32, #tpu.memory_space<hbm>> -> memref<384x128xf32, #tpu.memory_space<hbm>>
    %dma_start3A_114 = arith.constant 0 : i32
    %dma_start3A_115 = arith.constant 0 : i32
    %dma_start3A_116 = tpu.memref_slice %arg8[%dma_start3A_114, %dma_start3A_115] : memref<384x128xf32, #tpu.memory_space<vmem>> -> memref<384x128xf32, #tpu.memory_space<vmem>>
    tpu.enqueue_dma source(%dma_start3A_116 : memref<384x128xf32, #tpu.memory_space<vmem>>) target(%dma_start3A_113 : memref<384x128xf32, #tpu.memory_space<hbm>>) target_semaphore(%arg10 : memref<!tpu.dma_semaphore, #tpu.memory_space<semaphore_mem>>)
    %dma_wait3A_117 = arith.constant 0 : i32
    %dma_wait3A_118 = arith.constant 0 : i32
    %dma_wait3A_119 = tpu.memref_slice %arg8[%dma_wait3A_117, %dma_wait3A_118] : memref<384x128xf32, #tpu.memory_space<vmem>> -> memref<384x128xf32, #tpu.memory_space<vmem>>
    %dma_wait3A_120 = arith.constant 0 : i32
    %dma_wait3A_121 = tpu.memref_slice %arg4[%add3A_106, %dma_wait3A_120] : memref<49152x128xf32, #tpu.memory_space<hbm>> -> memref<384x128xf32, #tpu.memory_space<hbm>>
    %dma_wait3A_122 = arith.constant 0 : i32
    %dma_wait3A_123 = tpu.memref_slice %arg4[%add3A_106, %dma_wait3A_122] : memref<49152x128xf32, #tpu.memory_space<hbm>> -> memref<384x128xf32, #tpu.memory_space<hbm>>
    %dma_wait3A_124 = arith.constant 0 : i32
    %dma_wait3A_125 = arith.constant 0 : i32
    %dma_wait3A_126 = tpu.memref_slice %arg8[%dma_wait3A_124, %dma_wait3A_125] : memref<384x128xf32, #tpu.memory_space<vmem>> -> memref<384x128xf32, #tpu.memory_space<vmem>>
    tpu.wait_dma2 semaphore(%arg10 : memref<!tpu.dma_semaphore, #tpu.memory_space<semaphore_mem>>) src(%dma_wait3A_126 : memref<384x128xf32, #tpu.memory_space<vmem>>) dst(%dma_wait3A_123 : memref<384x128xf32, #tpu.memory_space<hbm>>)
    return
  }
}

#map = affine_map<(d0, d1) -> (0, 0)>
#map1 = affine_map<(d0, d1) -> (0)>
module attributes {stable_mosaic.version = 14 : i64} {
  func.func @gk(%arg0: i32, %arg1: i32, %arg2: memref<6144x128xf32, #tpu.memory_space<hbm>>, %arg3: memref<98304xi32, #tpu.memory_space<hbm>>, %arg4: memref<49152x128xf32, #tpu.memory_space<hbm>>, %arg5: memref<384xi32, #tpu.memory_space<vmem>>, %arg6: memref<384xi32, #tpu.memory_space<vmem>>, %arg7: memref<384x128xf32, #tpu.memory_space<vmem>>, %arg8: memref<384x128xf32, #tpu.memory_space<vmem>>, %arg9: memref<!tpu.dma_semaphore, #tpu.memory_space<semaphore_mem>>, %arg10: memref<!tpu.dma_semaphore, #tpu.memory_space<semaphore_mem>>) attributes {dimension_semantics = [#tpu.dimension_semantics<core_parallel>, #tpu.dimension_semantics<subcore_parallel>], iteration_bounds = array<i64: 2, 16>, scalar_prefetch = 0 : i64, scratch_operands = 6 : i64, tpu.core_type = #tpu.core_type<sc_vector_subcore>, window_params = [{transform_indices = #map}, {transform_indices = #map1}, {transform_indices = #map}]} {
    %mul3A = arith.constant 2 : i32
    %mul3A_0 = arith.muli %arg1, %mul3A : i32
    %add3A = arith.addi %mul3A_0, %arg0 : i32
    %mul3A_1 = arith.constant 1536 : i32
    %mul3A_2 = arith.muli %add3A, %mul3A_1 : i32
    %add3A_3 = arith.constant 49152 : i32
    %add3A_4 = arith.addi %add3A_3, %mul3A_2 : i32
    "tpu.region"() ({
      %run_scoped3A = tpu.sem_alloc : memref<!tpu.dma_semaphore, #tpu.memory_space<semaphore_mem>>
      %dma_start3A_127 = tpu.memref_slice %arg3[%add3A_4] : memref<98304xi32, #tpu.memory_space<hbm>> -> memref<384xi32, #tpu.memory_space<hbm>>
      %dma_start3A_128 = tpu.memref_slice %arg3[%add3A_4] : memref<98304xi32, #tpu.memory_space<hbm>> -> memref<384xi32, #tpu.memory_space<hbm>>
      tpu.enqueue_dma source(%dma_start3A_128 : memref<384xi32, #tpu.memory_space<hbm>>) target(%arg5 : memref<384xi32, #tpu.memory_space<vmem>>) target_semaphore(%run_scoped3A : memref<!tpu.dma_semaphore, #tpu.memory_space<semaphore_mem>>)
      %dma_wait3A_129 = tpu.memref_slice %arg3[%add3A_4] : memref<98304xi32, #tpu.memory_space<hbm>> -> memref<384xi32, #tpu.memory_space<hbm>>
      %dma_wait3A_130 = tpu.memref_slice %arg3[%add3A_4] : memref<98304xi32, #tpu.memory_space<hbm>> -> memref<384xi32, #tpu.memory_space<hbm>>
      tpu.wait_dma2 semaphore(%run_scoped3A : memref<!tpu.dma_semaphore, #tpu.memory_space<semaphore_mem>>) src(%dma_wait3A_130 : memref<384xi32, #tpu.memory_space<hbm>>) dst(%arg5 : memref<384xi32, #tpu.memory_space<vmem>>)
      tpu.yield
    }) : () -> ()
    %dma_start3A = arith.constant 0 : i32
    %dma_start3A_5 = arith.constant 0 : i32
    %dma_start3A_6 = tpu.memref_slice %arg2[%dma_start3A, %dma_start3A_5] : memref<6144x128xf32, #tpu.memory_space<hbm>> -> memref<6144x128xf32, #tpu.memory_space<hbm>>
    tpu.enqueue_indirect_dma source(%dma_start3A_6 : memref<6144x128xf32, #tpu.memory_space<hbm>>) target(%arg7 : memref<384x128xf32, #tpu.memory_space<vmem>>) offsets(%arg5 : memref<384xi32, #tpu.memory_space<vmem>>) semaphore(%arg9 : memref<!tpu.dma_semaphore, #tpu.memory_space<semaphore_mem>>)
    %add3A_7 = arith.constant 384 : i32
    %add3A_8 = arith.addi %mul3A_2, %add3A_7 : i32
    %add3A_9 = arith.constant 49152 : i32
    %add3A_10 = arith.addi %add3A_9, %add3A_8 : i32
    "tpu.region"() ({
      %run_scoped3A = tpu.sem_alloc : memref<!tpu.dma_semaphore, #tpu.memory_space<semaphore_mem>>
      %dma_start3A_127 = tpu.memref_slice %arg3[%add3A_10] : memref<98304xi32, #tpu.memory_space<hbm>> -> memref<384xi32, #tpu.memory_space<hbm>>
      %dma_start3A_128 = tpu.memref_slice %arg3[%add3A_10] : memref<98304xi32, #tpu.memory_space<hbm>> -> memref<384xi32, #tpu.memory_space<hbm>>
      tpu.enqueue_dma source(%dma_start3A_128 : memref<384xi32, #tpu.memory_space<hbm>>) target(%arg6 : memref<384xi32, #tpu.memory_space<vmem>>) target_semaphore(%run_scoped3A : memref<!tpu.dma_semaphore, #tpu.memory_space<semaphore_mem>>)
      %dma_wait3A_129 = tpu.memref_slice %arg3[%add3A_10] : memref<98304xi32, #tpu.memory_space<hbm>> -> memref<384xi32, #tpu.memory_space<hbm>>
      %dma_wait3A_130 = tpu.memref_slice %arg3[%add3A_10] : memref<98304xi32, #tpu.memory_space<hbm>> -> memref<384xi32, #tpu.memory_space<hbm>>
      tpu.wait_dma2 semaphore(%run_scoped3A : memref<!tpu.dma_semaphore, #tpu.memory_space<semaphore_mem>>) src(%dma_wait3A_130 : memref<384xi32, #tpu.memory_space<hbm>>) dst(%arg6 : memref<384xi32, #tpu.memory_space<vmem>>)
      tpu.yield
    }) : () -> ()
    %dma_wait3A = arith.constant 0 : i32
    %dma_wait3A_11 = arith.constant 0 : i32
    %dma_wait3A_12 = tpu.memref_slice %arg2[%dma_wait3A, %dma_wait3A_11] : memref<6144x128xf32, #tpu.memory_space<hbm>> -> memref<6144x128xf32, #tpu.memory_space<hbm>>
    tpu.wait_indirect_dma semaphore(%arg9 : memref<!tpu.dma_semaphore, #tpu.memory_space<semaphore_mem>>) src(%dma_wait3A_12 : memref<6144x128xf32, #tpu.memory_space<hbm>>) dst(%arg7 : memref<384x128xf32, #tpu.memory_space<vmem>>)
    %dma_start3A_13 = arith.constant 0 : i32
    %dma_start3A_14 = arith.constant 0 : i32
    %dma_start3A_15 = tpu.memref_slice %arg2[%dma_start3A_13, %dma_start3A_14] : memref<6144x128xf32, #tpu.memory_space<hbm>> -> memref<6144x128xf32, #tpu.memory_space<hbm>>
    tpu.enqueue_indirect_dma source(%dma_start3A_15 : memref<6144x128xf32, #tpu.memory_space<hbm>>) target(%arg8 : memref<384x128xf32, #tpu.memory_space<vmem>>) offsets(%arg6 : memref<384xi32, #tpu.memory_space<vmem>>) semaphore(%arg9 : memref<!tpu.dma_semaphore, #tpu.memory_space<semaphore_mem>>)
    %add3A_16 = arith.constant 0 : i32
    %add3A_17 = arith.addi %mul3A_2, %add3A_16 : i32
    %dma_start3A_18 = arith.constant 0 : i32
    %dma_start3A_19 = arith.constant 0 : i32
    %dma_start3A_20 = tpu.memref_slice %arg7[%dma_start3A_18, %dma_start3A_19] : memref<384x128xf32, #tpu.memory_space<vmem>> -> memref<384x128xf32, #tpu.memory_space<vmem>>
    %dma_start3A_21 = arith.constant 0 : i32
    %dma_start3A_22 = tpu.memref_slice %arg4[%add3A_17, %dma_start3A_21] : memref<49152x128xf32, #tpu.memory_space<hbm>> -> memref<384x128xf32, #tpu.memory_space<hbm>>
    %dma_start3A_23 = arith.constant 0 : i32
    %dma_start3A_24 = tpu.memref_slice %arg4[%add3A_17, %dma_start3A_23] : memref<49152x128xf32, #tpu.memory_space<hbm>> -> memref<384x128xf32, #tpu.memory_space<hbm>>
    %dma_start3A_25 = arith.constant 0 : i32
    %dma_start3A_26 = arith.constant 0 : i32
    %dma_start3A_27 = tpu.memref_slice %arg7[%dma_start3A_25, %dma_start3A_26] : memref<384x128xf32, #tpu.memory_space<vmem>> -> memref<384x128xf32, #tpu.memory_space<vmem>>
    tpu.enqueue_dma source(%dma_start3A_27 : memref<384x128xf32, #tpu.memory_space<vmem>>) target(%dma_start3A_24 : memref<384x128xf32, #tpu.memory_space<hbm>>) target_semaphore(%arg10 : memref<!tpu.dma_semaphore, #tpu.memory_space<semaphore_mem>>)
    %add3A_28 = arith.constant 768 : i32
    %add3A_29 = arith.addi %mul3A_2, %add3A_28 : i32
    %add3A_30 = arith.constant 49152 : i32
    %add3A_31 = arith.addi %add3A_30, %add3A_29 : i32
    "tpu.region"() ({
      %run_scoped3A = tpu.sem_alloc : memref<!tpu.dma_semaphore, #tpu.memory_space<semaphore_mem>>
      %dma_start3A_127 = tpu.memref_slice %arg3[%add3A_31] : memref<98304xi32, #tpu.memory_space<hbm>> -> memref<384xi32, #tpu.memory_space<hbm>>
      %dma_start3A_128 = tpu.memref_slice %arg3[%add3A_31] : memref<98304xi32, #tpu.memory_space<hbm>> -> memref<384xi32, #tpu.memory_space<hbm>>
      tpu.enqueue_dma source(%dma_start3A_128 : memref<384xi32, #tpu.memory_space<hbm>>) target(%arg5 : memref<384xi32, #tpu.memory_space<vmem>>) target_semaphore(%run_scoped3A : memref<!tpu.dma_semaphore, #tpu.memory_space<semaphore_mem>>)
      %dma_wait3A_129 = tpu.memref_slice %arg3[%add3A_31] : memref<98304xi32, #tpu.memory_space<hbm>> -> memref<384xi32, #tpu.memory_space<hbm>>
      %dma_wait3A_130 = tpu.memref_slice %arg3[%add3A_31] : memref<98304xi32, #tpu.memory_space<hbm>> -> memref<384xi32, #tpu.memory_space<hbm>>
      tpu.wait_dma2 semaphore(%run_scoped3A : memref<!tpu.dma_semaphore, #tpu.memory_space<semaphore_mem>>) src(%dma_wait3A_130 : memref<384xi32, #tpu.memory_space<hbm>>) dst(%arg5 : memref<384xi32, #tpu.memory_space<vmem>>)
      tpu.yield
    }) : () -> ()
    %dma_wait3A_32 = arith.constant 0 : i32
    %dma_wait3A_33 = arith.constant 0 : i32
    %dma_wait3A_34 = tpu.memref_slice %arg2[%dma_wait3A_32, %dma_wait3A_33] : memref<6144x128xf32, #tpu.memory_space<hbm>> -> memref<6144x128xf32, #tpu.memory_space<hbm>>
    tpu.wait_indirect_dma semaphore(%arg9 : memref<!tpu.dma_semaphore, #tpu.memory_space<semaphore_mem>>) src(%dma_wait3A_34 : memref<6144x128xf32, #tpu.memory_space<hbm>>) dst(%arg8 : memref<384x128xf32, #tpu.memory_space<vmem>>)
    %dma_wait3A_35 = arith.constant 0 : i32
    %dma_wait3A_36 = arith.constant 0 : i32
    %dma_wait3A_37 = tpu.memref_slice %arg7[%dma_wait3A_35, %dma_wait3A_36] : memref<384x128xf32, #tpu.memory_space<vmem>> -> memref<384x128xf32, #tpu.memory_space<vmem>>
    %dma_wait3A_38 = arith.constant 0 : i32
    %dma_wait3A_39 = tpu.memref_slice %arg4[%add3A_17, %dma_wait3A_38] : memref<49152x128xf32, #tpu.memory_space<hbm>> -> memref<384x128xf32, #tpu.memory_space<hbm>>
    %dma_wait3A_40 = arith.constant 0 : i32
    %dma_wait3A_41 = tpu.memref_slice %arg4[%add3A_17, %dma_wait3A_40] : memref<49152x128xf32, #tpu.memory_space<hbm>> -> memref<384x128xf32, #tpu.memory_space<hbm>>
    %dma_wait3A_42 = arith.constant 0 : i32
    %dma_wait3A_43 = arith.constant 0 : i32
    %dma_wait3A_44 = tpu.memref_slice %arg7[%dma_wait3A_42, %dma_wait3A_43] : memref<384x128xf32, #tpu.memory_space<vmem>> -> memref<384x128xf32, #tpu.memory_space<vmem>>
    tpu.wait_dma2 semaphore(%arg10 : memref<!tpu.dma_semaphore, #tpu.memory_space<semaphore_mem>>) src(%dma_wait3A_44 : memref<384x128xf32, #tpu.memory_space<vmem>>) dst(%dma_wait3A_41 : memref<384x128xf32, #tpu.memory_space<hbm>>)
    %dma_start3A_45 = arith.constant 0 : i32
    %dma_start3A_46 = arith.constant 0 : i32
    %dma_start3A_47 = tpu.memref_slice %arg2[%dma_start3A_45, %dma_start3A_46] : memref<6144x128xf32, #tpu.memory_space<hbm>> -> memref<6144x128xf32, #tpu.memory_space<hbm>>
    tpu.enqueue_indirect_dma source(%dma_start3A_47 : memref<6144x128xf32, #tpu.memory_space<hbm>>) target(%arg7 : memref<384x128xf32, #tpu.memory_space<vmem>>) offsets(%arg5 : memref<384xi32, #tpu.memory_space<vmem>>) semaphore(%arg9 : memref<!tpu.dma_semaphore, #tpu.memory_space<semaphore_mem>>)
    %add3A_48 = arith.constant 384 : i32
    %add3A_49 = arith.addi %mul3A_2, %add3A_48 : i32
    %dma_start3A_50 = arith.constant 0 : i32
    %dma_start3A_51 = arith.constant 0 : i32
    %dma_start3A_52 = tpu.memref_slice %arg8[%dma_start3A_50, %dma_start3A_51] : memref<384x128xf32, #tpu.memory_space<vmem>> -> memref<384x128xf32, #tpu.memory_space<vmem>>
    %dma_start3A_53 = arith.constant 0 : i32
    %dma_start3A_54 = tpu.memref_slice %arg4[%add3A_49, %dma_start3A_53] : memref<49152x128xf32, #tpu.memory_space<hbm>> -> memref<384x128xf32, #tpu.memory_space<hbm>>
    %dma_start3A_55 = arith.constant 0 : i32
    %dma_start3A_56 = tpu.memref_slice %arg4[%add3A_49, %dma_start3A_55] : memref<49152x128xf32, #tpu.memory_space<hbm>> -> memref<384x128xf32, #tpu.memory_space<hbm>>
    %dma_start3A_57 = arith.constant 0 : i32
    %dma_start3A_58 = arith.constant 0 : i32
    %dma_start3A_59 = tpu.memref_slice %arg8[%dma_start3A_57, %dma_start3A_58] : memref<384x128xf32, #tpu.memory_space<vmem>> -> memref<384x128xf32, #tpu.memory_space<vmem>>
    tpu.enqueue_dma source(%dma_start3A_59 : memref<384x128xf32, #tpu.memory_space<vmem>>) target(%dma_start3A_56 : memref<384x128xf32, #tpu.memory_space<hbm>>) target_semaphore(%arg10 : memref<!tpu.dma_semaphore, #tpu.memory_space<semaphore_mem>>)
    %add3A_60 = arith.constant 1152 : i32
    %add3A_61 = arith.addi %mul3A_2, %add3A_60 : i32
    %add3A_62 = arith.constant 49152 : i32
    %add3A_63 = arith.addi %add3A_62, %add3A_61 : i32
    "tpu.region"() ({
      %run_scoped3A = tpu.sem_alloc : memref<!tpu.dma_semaphore, #tpu.memory_space<semaphore_mem>>
      %dma_start3A_127 = tpu.memref_slice %arg3[%add3A_63] : memref<98304xi32, #tpu.memory_space<hbm>> -> memref<384xi32, #tpu.memory_space<hbm>>
      %dma_start3A_128 = tpu.memref_slice %arg3[%add3A_63] : memref<98304xi32, #tpu.memory_space<hbm>> -> memref<384xi32, #tpu.memory_space<hbm>>
      tpu.enqueue_dma source(%dma_start3A_128 : memref<384xi32, #tpu.memory_space<hbm>>) target(%arg6 : memref<384xi32, #tpu.memory_space<vmem>>) target_semaphore(%run_scoped3A : memref<!tpu.dma_semaphore, #tpu.memory_space<semaphore_mem>>)
      %dma_wait3A_129 = tpu.memref_slice %arg3[%add3A_63] : memref<98304xi32, #tpu.memory_space<hbm>> -> memref<384xi32, #tpu.memory_space<hbm>>
      %dma_wait3A_130 = tpu.memref_slice %arg3[%add3A_63] : memref<98304xi32, #tpu.memory_space<hbm>> -> memref<384xi32, #tpu.memory_space<hbm>>
      tpu.wait_dma2 semaphore(%run_scoped3A : memref<!tpu.dma_semaphore, #tpu.memory_space<semaphore_mem>>) src(%dma_wait3A_130 : memref<384xi32, #tpu.memory_space<hbm>>) dst(%arg6 : memref<384xi32, #tpu.memory_space<vmem>>)
      tpu.yield
    }) : () -> ()
    %dma_wait3A_64 = arith.constant 0 : i32
    %dma_wait3A_65 = arith.constant 0 : i32
    %dma_wait3A_66 = tpu.memref_slice %arg2[%dma_wait3A_64, %dma_wait3A_65] : memref<6144x128xf32, #tpu.memory_space<hbm>> -> memref<6144x128xf32, #tpu.memory_space<hbm>>
    tpu.wait_indirect_dma semaphore(%arg9 : memref<!tpu.dma_semaphore, #tpu.memory_space<semaphore_mem>>) src(%dma_wait3A_66 : memref<6144x128xf32, #tpu.memory_space<hbm>>) dst(%arg7 : memref<384x128xf32, #tpu.memory_space<vmem>>)
    %dma_wait3A_67 = arith.constant 0 : i32
    %dma_wait3A_68 = arith.constant 0 : i32
    %dma_wait3A_69 = tpu.memref_slice %arg8[%dma_wait3A_67, %dma_wait3A_68] : memref<384x128xf32, #tpu.memory_space<vmem>> -> memref<384x128xf32, #tpu.memory_space<vmem>>
    %dma_wait3A_70 = arith.constant 0 : i32
    %dma_wait3A_71 = tpu.memref_slice %arg4[%add3A_49, %dma_wait3A_70] : memref<49152x128xf32, #tpu.memory_space<hbm>> -> memref<384x128xf32, #tpu.memory_space<hbm>>
    %dma_wait3A_72 = arith.constant 0 : i32
    %dma_wait3A_73 = tpu.memref_slice %arg4[%add3A_49, %dma_wait3A_72] : memref<49152x128xf32, #tpu.memory_space<hbm>> -> memref<384x128xf32, #tpu.memory_space<hbm>>
    %dma_wait3A_74 = arith.constant 0 : i32
    %dma_wait3A_75 = arith.constant 0 : i32
    %dma_wait3A_76 = tpu.memref_slice %arg8[%dma_wait3A_74, %dma_wait3A_75] : memref<384x128xf32, #tpu.memory_space<vmem>> -> memref<384x128xf32, #tpu.memory_space<vmem>>
    tpu.wait_dma2 semaphore(%arg10 : memref<!tpu.dma_semaphore, #tpu.memory_space<semaphore_mem>>) src(%dma_wait3A_76 : memref<384x128xf32, #tpu.memory_space<vmem>>) dst(%dma_wait3A_73 : memref<384x128xf32, #tpu.memory_space<hbm>>)
    %dma_start3A_77 = arith.constant 0 : i32
    %dma_start3A_78 = arith.constant 0 : i32
    %dma_start3A_79 = tpu.memref_slice %arg2[%dma_start3A_77, %dma_start3A_78] : memref<6144x128xf32, #tpu.memory_space<hbm>> -> memref<6144x128xf32, #tpu.memory_space<hbm>>
    tpu.enqueue_indirect_dma source(%dma_start3A_79 : memref<6144x128xf32, #tpu.memory_space<hbm>>) target(%arg8 : memref<384x128xf32, #tpu.memory_space<vmem>>) offsets(%arg6 : memref<384xi32, #tpu.memory_space<vmem>>) semaphore(%arg9 : memref<!tpu.dma_semaphore, #tpu.memory_space<semaphore_mem>>)
    %add3A_80 = arith.constant 768 : i32
    %add3A_81 = arith.addi %mul3A_2, %add3A_80 : i32
    %dma_start3A_82 = arith.constant 0 : i32
    %dma_start3A_83 = arith.constant 0 : i32
    %dma_start3A_84 = tpu.memref_slice %arg7[%dma_start3A_82, %dma_start3A_83] : memref<384x128xf32, #tpu.memory_space<vmem>> -> memref<384x128xf32, #tpu.memory_space<vmem>>
    %dma_start3A_85 = arith.constant 0 : i32
    %dma_start3A_86 = tpu.memref_slice %arg4[%add3A_81, %dma_start3A_85] : memref<49152x128xf32, #tpu.memory_space<hbm>> -> memref<384x128xf32, #tpu.memory_space<hbm>>
    %dma_start3A_87 = arith.constant 0 : i32
    %dma_start3A_88 = tpu.memref_slice %arg4[%add3A_81, %dma_start3A_87] : memref<49152x128xf32, #tpu.memory_space<hbm>> -> memref<384x128xf32, #tpu.memory_space<hbm>>
    %dma_start3A_89 = arith.constant 0 : i32
    %dma_start3A_90 = arith.constant 0 : i32
    %dma_start3A_91 = tpu.memref_slice %arg7[%dma_start3A_89, %dma_start3A_90] : memref<384x128xf32, #tpu.memory_space<vmem>> -> memref<384x128xf32, #tpu.memory_space<vmem>>
    tpu.enqueue_dma source(%dma_start3A_91 : memref<384x128xf32, #tpu.memory_space<vmem>>) target(%dma_start3A_88 : memref<384x128xf32, #tpu.memory_space<hbm>>) target_semaphore(%arg10 : memref<!tpu.dma_semaphore, #tpu.memory_space<semaphore_mem>>)
    %dma_wait3A_92 = arith.constant 0 : i32
    %dma_wait3A_93 = arith.constant 0 : i32
    %dma_wait3A_94 = tpu.memref_slice %arg2[%dma_wait3A_92, %dma_wait3A_93] : memref<6144x128xf32, #tpu.memory_space<hbm>> -> memref<6144x128xf32, #tpu.memory_space<hbm>>
    tpu.wait_indirect_dma semaphore(%arg9 : memref<!tpu.dma_semaphore, #tpu.memory_space<semaphore_mem>>) src(%dma_wait3A_94 : memref<6144x128xf32, #tpu.memory_space<hbm>>) dst(%arg8 : memref<384x128xf32, #tpu.memory_space<vmem>>)
    %dma_wait3A_95 = arith.constant 0 : i32
    %dma_wait3A_96 = arith.constant 0 : i32
    %dma_wait3A_97 = tpu.memref_slice %arg7[%dma_wait3A_95, %dma_wait3A_96] : memref<384x128xf32, #tpu.memory_space<vmem>> -> memref<384x128xf32, #tpu.memory_space<vmem>>
    %dma_wait3A_98 = arith.constant 0 : i32
    %dma_wait3A_99 = tpu.memref_slice %arg4[%add3A_81, %dma_wait3A_98] : memref<49152x128xf32, #tpu.memory_space<hbm>> -> memref<384x128xf32, #tpu.memory_space<hbm>>
    %dma_wait3A_100 = arith.constant 0 : i32
    %dma_wait3A_101 = tpu.memref_slice %arg4[%add3A_81, %dma_wait3A_100] : memref<49152x128xf32, #tpu.memory_space<hbm>> -> memref<384x128xf32, #tpu.memory_space<hbm>>
    %dma_wait3A_102 = arith.constant 0 : i32
    %dma_wait3A_103 = arith.constant 0 : i32
    %dma_wait3A_104 = tpu.memref_slice %arg7[%dma_wait3A_102, %dma_wait3A_103] : memref<384x128xf32, #tpu.memory_space<vmem>> -> memref<384x128xf32, #tpu.memory_space<vmem>>
    tpu.wait_dma2 semaphore(%arg10 : memref<!tpu.dma_semaphore, #tpu.memory_space<semaphore_mem>>) src(%dma_wait3A_104 : memref<384x128xf32, #tpu.memory_space<vmem>>) dst(%dma_wait3A_101 : memref<384x128xf32, #tpu.memory_space<hbm>>)
    %add3A_105 = arith.constant 1152 : i32
    %add3A_106 = arith.addi %mul3A_2, %add3A_105 : i32
    %dma_start3A_107 = arith.constant 0 : i32
    %dma_start3A_108 = arith.constant 0 : i32
    %dma_start3A_109 = tpu.memref_slice %arg8[%dma_start3A_107, %dma_start3A_108] : memref<384x128xf32, #tpu.memory_space<vmem>> -> memref<384x128xf32, #tpu.memory_space<vmem>>
    %dma_start3A_110 = arith.constant 0 : i32
    %dma_start3A_111 = tpu.memref_slice %arg4[%add3A_106, %dma_start3A_110] : memref<49152x128xf32, #tpu.memory_space<hbm>> -> memref<384x128xf32, #tpu.memory_space<hbm>>
    %dma_start3A_112 = arith.constant 0 : i32
    %dma_start3A_113 = tpu.memref_slice %arg4[%add3A_106, %dma_start3A_112] : memref<49152x128xf32, #tpu.memory_space<hbm>> -> memref<384x128xf32, #tpu.memory_space<hbm>>
    %dma_start3A_114 = arith.constant 0 : i32
    %dma_start3A_115 = arith.constant 0 : i32
    %dma_start3A_116 = tpu.memref_slice %arg8[%dma_start3A_114, %dma_start3A_115] : memref<384x128xf32, #tpu.memory_space<vmem>> -> memref<384x128xf32, #tpu.memory_space<vmem>>
    tpu.enqueue_dma source(%dma_start3A_116 : memref<384x128xf32, #tpu.memory_space<vmem>>) target(%dma_start3A_113 : memref<384x128xf32, #tpu.memory_space<hbm>>) target_semaphore(%arg10 : memref<!tpu.dma_semaphore, #tpu.memory_space<semaphore_mem>>)
    %dma_wait3A_117 = arith.constant 0 : i32
    %dma_wait3A_118 = arith.constant 0 : i32
    %dma_wait3A_119 = tpu.memref_slice %arg8[%dma_wait3A_117, %dma_wait3A_118] : memref<384x128xf32, #tpu.memory_space<vmem>> -> memref<384x128xf32, #tpu.memory_space<vmem>>
    %dma_wait3A_120 = arith.constant 0 : i32
    %dma_wait3A_121 = tpu.memref_slice %arg4[%add3A_106, %dma_wait3A_120] : memref<49152x128xf32, #tpu.memory_space<hbm>> -> memref<384x128xf32, #tpu.memory_space<hbm>>
    %dma_wait3A_122 = arith.constant 0 : i32
    %dma_wait3A_123 = tpu.memref_slice %arg4[%add3A_106, %dma_wait3A_122] : memref<49152x128xf32, #tpu.memory_space<hbm>> -> memref<384x128xf32, #tpu.memory_space<hbm>>
    %dma_wait3A_124 = arith.constant 0 : i32
    %dma_wait3A_125 = arith.constant 0 : i32
    %dma_wait3A_126 = tpu.memref_slice %arg8[%dma_wait3A_124, %dma_wait3A_125] : memref<384x128xf32, #tpu.memory_space<vmem>> -> memref<384x128xf32, #tpu.memory_space<vmem>>
    tpu.wait_dma2 semaphore(%arg10 : memref<!tpu.dma_semaphore, #tpu.memory_space<semaphore_mem>>) src(%dma_wait3A_126 : memref<384x128xf32, #tpu.memory_space<vmem>>) dst(%dma_wait3A_123 : memref<384x128xf32, #tpu.memory_space<hbm>>)
    return
  }
}

#map = affine_map<(d0, d1) -> (0, 0)>
#map1 = affine_map<(d0, d1) -> (0)>
module attributes {stable_mosaic.version = 14 : i64} {
  func.func @gk(%arg0: i32, %arg1: i32, %arg2: memref<3072x128xf32, #tpu.memory_space<hbm>>, %arg3: memref<98304xi32, #tpu.memory_space<hbm>>, %arg4: memref<49152x128xf32, #tpu.memory_space<hbm>>, %arg5: memref<384xi32, #tpu.memory_space<vmem>>, %arg6: memref<384xi32, #tpu.memory_space<vmem>>, %arg7: memref<384x128xf32, #tpu.memory_space<vmem>>, %arg8: memref<384x128xf32, #tpu.memory_space<vmem>>, %arg9: memref<!tpu.dma_semaphore, #tpu.memory_space<semaphore_mem>>, %arg10: memref<!tpu.dma_semaphore, #tpu.memory_space<semaphore_mem>>) attributes {dimension_semantics = [#tpu.dimension_semantics<core_parallel>, #tpu.dimension_semantics<subcore_parallel>], iteration_bounds = array<i64: 2, 16>, scalar_prefetch = 0 : i64, scratch_operands = 6 : i64, tpu.core_type = #tpu.core_type<sc_vector_subcore>, window_params = [{transform_indices = #map}, {transform_indices = #map1}, {transform_indices = #map}]} {
    %mul3A = arith.constant 2 : i32
    %mul3A_0 = arith.muli %arg1, %mul3A : i32
    %add3A = arith.addi %mul3A_0, %arg0 : i32
    %mul3A_1 = arith.constant 1536 : i32
    %mul3A_2 = arith.muli %add3A, %mul3A_1 : i32
    %add3A_3 = arith.constant 49152 : i32
    %add3A_4 = arith.addi %add3A_3, %mul3A_2 : i32
    "tpu.region"() ({
      %run_scoped3A = tpu.sem_alloc : memref<!tpu.dma_semaphore, #tpu.memory_space<semaphore_mem>>
      %dma_start3A_1085 = tpu.memref_slice %arg3[%add3A_4] : memref<98304xi32, #tpu.memory_space<hbm>> -> memref<384xi32, #tpu.memory_space<hbm>>
      %dma_start3A_1086 = tpu.memref_slice %arg3[%add3A_4] : memref<98304xi32, #tpu.memory_space<hbm>> -> memref<384xi32, #tpu.memory_space<hbm>>
      tpu.enqueue_dma source(%dma_start3A_1086 : memref<384xi32, #tpu.memory_space<hbm>>) target(%arg5 : memref<384xi32, #tpu.memory_space<vmem>>) target_semaphore(%run_scoped3A : memref<!tpu.dma_semaphore, #tpu.memory_space<semaphore_mem>>)
      %dma_wait3A_1087 = tpu.memref_slice %arg3[%add3A_4] : memref<98304xi32, #tpu.memory_space<hbm>> -> memref<384xi32, #tpu.memory_space<hbm>>
      %dma_wait3A_1088 = tpu.memref_slice %arg3[%add3A_4] : memref<98304xi32, #tpu.memory_space<hbm>> -> memref<384xi32, #tpu.memory_space<hbm>>
      tpu.wait_dma2 semaphore(%run_scoped3A : memref<!tpu.dma_semaphore, #tpu.memory_space<semaphore_mem>>) src(%dma_wait3A_1088 : memref<384xi32, #tpu.memory_space<hbm>>) dst(%arg5 : memref<384xi32, #tpu.memory_space<vmem>>)
      tpu.yield
    }) : () -> ()
    %get3A = arith.constant 0 : index
    %get3A_5 = tpu.vector_load %arg5[%get3A] {strides = array<i32>} : memref<384xi32, #tpu.memory_space<vmem>>, vector<16xi32>,
    %get3A_6 = vector.shape_cast %get3A_5 : vector<16xi32> to vector<16xi32>
    %add3A_7 = arith.constant -3072 : i32
    %add3A_8 = vector.broadcast %add3A_7 : i32 to vector<16xi32>
    %add3A_9 = arith.addi %get3A_6, %add3A_8 : vector<16xi32>
    %swap3A = arith.constant 0 : index
    %swap3A_10 = tpu.vector_load %arg5[%swap3A] {strides = array<i32>} : memref<384xi32, #tpu.memory_space<vmem>>, vector<16xi32>,
    %swap3A_11 = vector.shape_cast %swap3A_10 : vector<16xi32> to vector<16xi32>
    %swap3A_12 = vector.shape_cast %add3A_9 : vector<16xi32> to vector<16xi32>
    tpu.vector_store %arg5[%swap3A], %swap3A_12 {strides = array<i32>} : memref<384xi32, #tpu.memory_space<vmem>>, vector<16xi32>,
    %get3A_13 = arith.constant 16 : index
    %get3A_14 = tpu.vector_load %arg5[%get3A_13] {strides = array<i32>} : memref<384xi32, #tpu.memory_space<vmem>>, vector<16xi32>,
    %get3A_15 = vector.shape_cast %get3A_14 : vector<16xi32> to vector<16xi32>
    %add3A_16 = arith.constant -3072 : i32
    %add3A_17 = vector.broadcast %add3A_16 : i32 to vector<16xi32>
    %add3A_18 = arith.addi %get3A_15, %add3A_17 : vector<16xi32>
    %swap3A_19 = arith.constant 16 : index
    %swap3A_20 = tpu.vector_load %arg5[%swap3A_19] {strides = array<i32>} : memref<384xi32, #tpu.memory_space<vmem>>, vector<16xi32>,
    %swap3A_21 = vector.shape_cast %swap3A_20 : vector<16xi32> to vector<16xi32>
    %swap3A_22 = vector.shape_cast %add3A_18 : vector<16xi32> to vector<16xi32>
    tpu.vector_store %arg5[%swap3A_19], %swap3A_22 {strides = array<i32>} : memref<384xi32, #tpu.memory_space<vmem>>, vector<16xi32>,
    %get3A_23 = arith.constant 32 : index
    %get3A_24 = tpu.vector_load %arg5[%get3A_23] {strides = array<i32>} : memref<384xi32, #tpu.memory_space<vmem>>, vector<16xi32>,
    %get3A_25 = vector.shape_cast %get3A_24 : vector<16xi32> to vector<16xi32>
    %add3A_26 = arith.constant -3072 : i32
    %add3A_27 = vector.broadcast %add3A_26 : i32 to vector<16xi32>
    %add3A_28 = arith.addi %get3A_25, %add3A_27 : vector<16xi32>
    %swap3A_29 = arith.constant 32 : index
    %swap3A_30 = tpu.vector_load %arg5[%swap3A_29] {strides = array<i32>} : memref<384xi32, #tpu.memory_space<vmem>>, vector<16xi32>,
    %swap3A_31 = vector.shape_cast %swap3A_30 : vector<16xi32> to vector<16xi32>
    %swap3A_32 = vector.shape_cast %add3A_28 : vector<16xi32> to vector<16xi32>
    tpu.vector_store %arg5[%swap3A_29], %swap3A_32 {strides = array<i32>} : memref<384xi32, #tpu.memory_space<vmem>>, vector<16xi32>,
    %get3A_33 = arith.constant 48 : index
    %get3A_34 = tpu.vector_load %arg5[%get3A_33] {strides = array<i32>} : memref<384xi32, #tpu.memory_space<vmem>>, vector<16xi32>,
    %get3A_35 = vector.shape_cast %get3A_34 : vector<16xi32> to vector<16xi32>
    %add3A_36 = arith.constant -3072 : i32
    %add3A_37 = vector.broadcast %add3A_36 : i32 to vector<16xi32>
    %add3A_38 = arith.addi %get3A_35, %add3A_37 : vector<16xi32>
    %swap3A_39 = arith.constant 48 : index
    %swap3A_40 = tpu.vector_load %arg5[%swap3A_39] {strides = array<i32>} : memref<384xi32, #tpu.memory_space<vmem>>, vector<16xi32>,
    %swap3A_41 = vector.shape_cast %swap3A_40 : vector<16xi32> to vector<16xi32>
    %swap3A_42 = vector.shape_cast %add3A_38 : vector<16xi32> to vector<16xi32>
    tpu.vector_store %arg5[%swap3A_39], %swap3A_42 {strides = array<i32>} : memref<384xi32, #tpu.memory_space<vmem>>, vector<16xi32>,
    %get3A_43 = arith.constant 64 : index
    %get3A_44 = tpu.vector_load %arg5[%get3A_43] {strides = array<i32>} : memref<384xi32, #tpu.memory_space<vmem>>, vector<16xi32>,
    %get3A_45 = vector.shape_cast %get3A_44 : vector<16xi32> to vector<16xi32>
    %add3A_46 = arith.constant -3072 : i32
    %add3A_47 = vector.broadcast %add3A_46 : i32 to vector<16xi32>
    %add3A_48 = arith.addi %get3A_45, %add3A_47 : vector<16xi32>
    %swap3A_49 = arith.constant 64 : index
    %swap3A_50 = tpu.vector_load %arg5[%swap3A_49] {strides = array<i32>} : memref<384xi32, #tpu.memory_space<vmem>>, vector<16xi32>,
    %swap3A_51 = vector.shape_cast %swap3A_50 : vector<16xi32> to vector<16xi32>
    %swap3A_52 = vector.shape_cast %add3A_48 : vector<16xi32> to vector<16xi32>
    tpu.vector_store %arg5[%swap3A_49], %swap3A_52 {strides = array<i32>} : memref<384xi32, #tpu.memory_space<vmem>>, vector<16xi32>,
    %get3A_53 = arith.constant 80 : index
    %get3A_54 = tpu.vector_load %arg5[%get3A_53] {strides = array<i32>} : memref<384xi32, #tpu.memory_space<vmem>>, vector<16xi32>,
    %get3A_55 = vector.shape_cast %get3A_54 : vector<16xi32> to vector<16xi32>
    %add3A_56 = arith.constant -3072 : i32
    %add3A_57 = vector.broadcast %add3A_56 : i32 to vector<16xi32>
    %add3A_58 = arith.addi %get3A_55, %add3A_57 : vector<16xi32>
    %swap3A_59 = arith.constant 80 : index
    %swap3A_60 = tpu.vector_load %arg5[%swap3A_59] {strides = array<i32>} : memref<384xi32, #tpu.memory_space<vmem>>, vector<16xi32>,
    %swap3A_61 = vector.shape_cast %swap3A_60 : vector<16xi32> to vector<16xi32>
    %swap3A_62 = vector.shape_cast %add3A_58 : vector<16xi32> to vector<16xi32>
    tpu.vector_store %arg5[%swap3A_59], %swap3A_62 {strides = array<i32>} : memref<384xi32, #tpu.memory_space<vmem>>, vector<16xi32>,
    %get3A_63 = arith.constant 96 : index
    %get3A_64 = tpu.vector_load %arg5[%get3A_63] {strides = array<i32>} : memref<384xi32, #tpu.memory_space<vmem>>, vector<16xi32>,
    %get3A_65 = vector.shape_cast %get3A_64 : vector<16xi32> to vector<16xi32>
    %add3A_66 = arith.constant -3072 : i32
    %add3A_67 = vector.broadcast %add3A_66 : i32 to vector<16xi32>
    %add3A_68 = arith.addi %get3A_65, %add3A_67 : vector<16xi32>
    %swap3A_69 = arith.constant 96 : index
    %swap3A_70 = tpu.vector_load %arg5[%swap3A_69] {strides = array<i32>} : memref<384xi32, #tpu.memory_space<vmem>>, vector<16xi32>,
    %swap3A_71 = vector.shape_cast %swap3A_70 : vector<16xi32> to vector<16xi32>
    %swap3A_72 = vector.shape_cast %add3A_68 : vector<16xi32> to vector<16xi32>
    tpu.vector_store %arg5[%swap3A_69], %swap3A_72 {strides = array<i32>} : memref<384xi32, #tpu.memory_space<vmem>>, vector<16xi32>,
    %get3A_73 = arith.constant 112 : index
    %get3A_74 = tpu.vector_load %arg5[%get3A_73] {strides = array<i32>} : memref<384xi32, #tpu.memory_space<vmem>>, vector<16xi32>,
    %get3A_75 = vector.shape_cast %get3A_74 : vector<16xi32> to vector<16xi32>
    %add3A_76 = arith.constant -3072 : i32
    %add3A_77 = vector.broadcast %add3A_76 : i32 to vector<16xi32>
    %add3A_78 = arith.addi %get3A_75, %add3A_77 : vector<16xi32>
    %swap3A_79 = arith.constant 112 : index
    %swap3A_80 = tpu.vector_load %arg5[%swap3A_79] {strides = array<i32>} : memref<384xi32, #tpu.memory_space<vmem>>, vector<16xi32>,
    %swap3A_81 = vector.shape_cast %swap3A_80 : vector<16xi32> to vector<16xi32>
    %swap3A_82 = vector.shape_cast %add3A_78 : vector<16xi32> to vector<16xi32>
    tpu.vector_store %arg5[%swap3A_79], %swap3A_82 {strides = array<i32>} : memref<384xi32, #tpu.memory_space<vmem>>, vector<16xi32>,
    %get3A_83 = arith.constant 128 : index
    %get3A_84 = tpu.vector_load %arg5[%get3A_83] {strides = array<i32>} : memref<384xi32, #tpu.memory_space<vmem>>, vector<16xi32>,
    %get3A_85 = vector.shape_cast %get3A_84 : vector<16xi32> to vector<16xi32>
    %add3A_86 = arith.constant -3072 : i32
    %add3A_87 = vector.broadcast %add3A_86 : i32 to vector<16xi32>
    %add3A_88 = arith.addi %get3A_85, %add3A_87 : vector<16xi32>
    %swap3A_89 = arith.constant 128 : index
    %swap3A_90 = tpu.vector_load %arg5[%swap3A_89] {strides = array<i32>} : memref<384xi32, #tpu.memory_space<vmem>>, vector<16xi32>,
    %swap3A_91 = vector.shape_cast %swap3A_90 : vector<16xi32> to vector<16xi32>
    %swap3A_92 = vector.shape_cast %add3A_88 : vector<16xi32> to vector<16xi32>
    tpu.vector_store %arg5[%swap3A_89], %swap3A_92 {strides = array<i32>} : memref<384xi32, #tpu.memory_space<vmem>>, vector<16xi32>,
    %get3A_93 = arith.constant 144 : index
    %get3A_94 = tpu.vector_load %arg5[%get3A_93] {strides = array<i32>} : memref<384xi32, #tpu.memory_space<vmem>>, vector<16xi32>,
    %get3A_95 = vector.shape_cast %get3A_94 : vector<16xi32> to vector<16xi32>
    %add3A_96 = arith.constant -3072 : i32
    %add3A_97 = vector.broadcast %add3A_96 : i32 to vector<16xi32>
    %add3A_98 = arith.addi %get3A_95, %add3A_97 : vector<16xi32>
    %swap3A_99 = arith.constant 144 : index
    %swap3A_100 = tpu.vector_load %arg5[%swap3A_99] {strides = array<i32>} : memref<384xi32, #tpu.memory_space<vmem>>, vector<16xi32>,
    %swap3A_101 = vector.shape_cast %swap3A_100 : vector<16xi32> to vector<16xi32>
    %swap3A_102 = vector.shape_cast %add3A_98 : vector<16xi32> to vector<16xi32>
    tpu.vector_store %arg5[%swap3A_99], %swap3A_102 {strides = array<i32>} : memref<384xi32, #tpu.memory_space<vmem>>, vector<16xi32>,
    %get3A_103 = arith.constant 160 : index
    %get3A_104 = tpu.vector_load %arg5[%get3A_103] {strides = array<i32>} : memref<384xi32, #tpu.memory_space<vmem>>, vector<16xi32>,
    %get3A_105 = vector.shape_cast %get3A_104 : vector<16xi32> to vector<16xi32>
    %add3A_106 = arith.constant -3072 : i32
    %add3A_107 = vector.broadcast %add3A_106 : i32 to vector<16xi32>
    %add3A_108 = arith.addi %get3A_105, %add3A_107 : vector<16xi32>
    %swap3A_109 = arith.constant 160 : index
    %swap3A_110 = tpu.vector_load %arg5[%swap3A_109] {strides = array<i32>} : memref<384xi32, #tpu.memory_space<vmem>>, vector<16xi32>,
    %swap3A_111 = vector.shape_cast %swap3A_110 : vector<16xi32> to vector<16xi32>
    %swap3A_112 = vector.shape_cast %add3A_108 : vector<16xi32> to vector<16xi32>
    tpu.vector_store %arg5[%swap3A_109], %swap3A_112 {strides = array<i32>} : memref<384xi32, #tpu.memory_space<vmem>>, vector<16xi32>,
    %get3A_113 = arith.constant 176 : index
    %get3A_114 = tpu.vector_load %arg5[%get3A_113] {strides = array<i32>} : memref<384xi32, #tpu.memory_space<vmem>>, vector<16xi32>,
    %get3A_115 = vector.shape_cast %get3A_114 : vector<16xi32> to vector<16xi32>
    %add3A_116 = arith.constant -3072 : i32
    %add3A_117 = vector.broadcast %add3A_116 : i32 to vector<16xi32>
    %add3A_118 = arith.addi %get3A_115, %add3A_117 : vector<16xi32>
    %swap3A_119 = arith.constant 176 : index
    %swap3A_120 = tpu.vector_load %arg5[%swap3A_119] {strides = array<i32>} : memref<384xi32, #tpu.memory_space<vmem>>, vector<16xi32>,
    %swap3A_121 = vector.shape_cast %swap3A_120 : vector<16xi32> to vector<16xi32>
    %swap3A_122 = vector.shape_cast %add3A_118 : vector<16xi32> to vector<16xi32>
    tpu.vector_store %arg5[%swap3A_119], %swap3A_122 {strides = array<i32>} : memref<384xi32, #tpu.memory_space<vmem>>, vector<16xi32>,
    %get3A_123 = arith.constant 192 : index
    %get3A_124 = tpu.vector_load %arg5[%get3A_123] {strides = array<i32>} : memref<384xi32, #tpu.memory_space<vmem>>, vector<16xi32>,
    %get3A_125 = vector.shape_cast %get3A_124 : vector<16xi32> to vector<16xi32>
    %add3A_126 = arith.constant -3072 : i32
    %add3A_127 = vector.broadcast %add3A_126 : i32 to vector<16xi32>
    %add3A_128 = arith.addi %get3A_125, %add3A_127 : vector<16xi32>
    %swap3A_129 = arith.constant 192 : index
    %swap3A_130 = tpu.vector_load %arg5[%swap3A_129] {strides = array<i32>} : memref<384xi32, #tpu.memory_space<vmem>>, vector<16xi32>,
    %swap3A_131 = vector.shape_cast %swap3A_130 : vector<16xi32> to vector<16xi32>
    %swap3A_132 = vector.shape_cast %add3A_128 : vector<16xi32> to vector<16xi32>
    tpu.vector_store %arg5[%swap3A_129], %swap3A_132 {strides = array<i32>} : memref<384xi32, #tpu.memory_space<vmem>>, vector<16xi32>,
    %get3A_133 = arith.constant 208 : index
    %get3A_134 = tpu.vector_load %arg5[%get3A_133] {strides = array<i32>} : memref<384xi32, #tpu.memory_space<vmem>>, vector<16xi32>,
    %get3A_135 = vector.shape_cast %get3A_134 : vector<16xi32> to vector<16xi32>
    %add3A_136 = arith.constant -3072 : i32
    %add3A_137 = vector.broadcast %add3A_136 : i32 to vector<16xi32>
    %add3A_138 = arith.addi %get3A_135, %add3A_137 : vector<16xi32>
    %swap3A_139 = arith.constant 208 : index
    %swap3A_140 = tpu.vector_load %arg5[%swap3A_139] {strides = array<i32>} : memref<384xi32, #tpu.memory_space<vmem>>, vector<16xi32>,
    %swap3A_141 = vector.shape_cast %swap3A_140 : vector<16xi32> to vector<16xi32>
    %swap3A_142 = vector.shape_cast %add3A_138 : vector<16xi32> to vector<16xi32>
    tpu.vector_store %arg5[%swap3A_139], %swap3A_142 {strides = array<i32>} : memref<384xi32, #tpu.memory_space<vmem>>, vector<16xi32>,
    %get3A_143 = arith.constant 224 : index
    %get3A_144 = tpu.vector_load %arg5[%get3A_143] {strides = array<i32>} : memref<384xi32, #tpu.memory_space<vmem>>, vector<16xi32>,
    %get3A_145 = vector.shape_cast %get3A_144 : vector<16xi32> to vector<16xi32>
    %add3A_146 = arith.constant -3072 : i32
    %add3A_147 = vector.broadcast %add3A_146 : i32 to vector<16xi32>
    %add3A_148 = arith.addi %get3A_145, %add3A_147 : vector<16xi32>
    %swap3A_149 = arith.constant 224 : index
    %swap3A_150 = tpu.vector_load %arg5[%swap3A_149] {strides = array<i32>} : memref<384xi32, #tpu.memory_space<vmem>>, vector<16xi32>,
    %swap3A_151 = vector.shape_cast %swap3A_150 : vector<16xi32> to vector<16xi32>
    %swap3A_152 = vector.shape_cast %add3A_148 : vector<16xi32> to vector<16xi32>
    tpu.vector_store %arg5[%swap3A_149], %swap3A_152 {strides = array<i32>} : memref<384xi32, #tpu.memory_space<vmem>>, vector<16xi32>,
    %get3A_153 = arith.constant 240 : index
    %get3A_154 = tpu.vector_load %arg5[%get3A_153] {strides = array<i32>} : memref<384xi32, #tpu.memory_space<vmem>>, vector<16xi32>,
    %get3A_155 = vector.shape_cast %get3A_154 : vector<16xi32> to vector<16xi32>
    %add3A_156 = arith.constant -3072 : i32
    %add3A_157 = vector.broadcast %add3A_156 : i32 to vector<16xi32>
    %add3A_158 = arith.addi %get3A_155, %add3A_157 : vector<16xi32>
    %swap3A_159 = arith.constant 240 : index
    %swap3A_160 = tpu.vector_load %arg5[%swap3A_159] {strides = array<i32>} : memref<384xi32, #tpu.memory_space<vmem>>, vector<16xi32>,
    %swap3A_161 = vector.shape_cast %swap3A_160 : vector<16xi32> to vector<16xi32>
    %swap3A_162 = vector.shape_cast %add3A_158 : vector<16xi32> to vector<16xi32>
    tpu.vector_store %arg5[%swap3A_159], %swap3A_162 {strides = array<i32>} : memref<384xi32, #tpu.memory_space<vmem>>, vector<16xi32>,
    %get3A_163 = arith.constant 256 : index
    %get3A_164 = tpu.vector_load %arg5[%get3A_163] {strides = array<i32>} : memref<384xi32, #tpu.memory_space<vmem>>, vector<16xi32>,
    %get3A_165 = vector.shape_cast %get3A_164 : vector<16xi32> to vector<16xi32>
    %add3A_166 = arith.constant -3072 : i32
    %add3A_167 = vector.broadcast %add3A_166 : i32 to vector<16xi32>
    %add3A_168 = arith.addi %get3A_165, %add3A_167 : vector<16xi32>
    %swap3A_169 = arith.constant 256 : index
    %swap3A_170 = tpu.vector_load %arg5[%swap3A_169] {strides = array<i32>} : memref<384xi32, #tpu.memory_space<vmem>>, vector<16xi32>,
    %swap3A_171 = vector.shape_cast %swap3A_170 : vector<16xi32> to vector<16xi32>
    %swap3A_172 = vector.shape_cast %add3A_168 : vector<16xi32> to vector<16xi32>
    tpu.vector_store %arg5[%swap3A_169], %swap3A_172 {strides = array<i32>} : memref<384xi32, #tpu.memory_space<vmem>>, vector<16xi32>,
    %get3A_173 = arith.constant 272 : index
    %get3A_174 = tpu.vector_load %arg5[%get3A_173] {strides = array<i32>} : memref<384xi32, #tpu.memory_space<vmem>>, vector<16xi32>,
    %get3A_175 = vector.shape_cast %get3A_174 : vector<16xi32> to vector<16xi32>
    %add3A_176 = arith.constant -3072 : i32
    %add3A_177 = vector.broadcast %add3A_176 : i32 to vector<16xi32>
    %add3A_178 = arith.addi %get3A_175, %add3A_177 : vector<16xi32>
    %swap3A_179 = arith.constant 272 : index
    %swap3A_180 = tpu.vector_load %arg5[%swap3A_179] {strides = array<i32>} : memref<384xi32, #tpu.memory_space<vmem>>, vector<16xi32>,
    %swap3A_181 = vector.shape_cast %swap3A_180 : vector<16xi32> to vector<16xi32>
    %swap3A_182 = vector.shape_cast %add3A_178 : vector<16xi32> to vector<16xi32>
    tpu.vector_store %arg5[%swap3A_179], %swap3A_182 {strides = array<i32>} : memref<384xi32, #tpu.memory_space<vmem>>, vector<16xi32>,
    %get3A_183 = arith.constant 288 : index
    %get3A_184 = tpu.vector_load %arg5[%get3A_183] {strides = array<i32>} : memref<384xi32, #tpu.memory_space<vmem>>, vector<16xi32>,
    %get3A_185 = vector.shape_cast %get3A_184 : vector<16xi32> to vector<16xi32>
    %add3A_186 = arith.constant -3072 : i32
    %add3A_187 = vector.broadcast %add3A_186 : i32 to vector<16xi32>
    %add3A_188 = arith.addi %get3A_185, %add3A_187 : vector<16xi32>
    %swap3A_189 = arith.constant 288 : index
    %swap3A_190 = tpu.vector_load %arg5[%swap3A_189] {strides = array<i32>} : memref<384xi32, #tpu.memory_space<vmem>>, vector<16xi32>,
    %swap3A_191 = vector.shape_cast %swap3A_190 : vector<16xi32> to vector<16xi32>
    %swap3A_192 = vector.shape_cast %add3A_188 : vector<16xi32> to vector<16xi32>
    tpu.vector_store %arg5[%swap3A_189], %swap3A_192 {strides = array<i32>} : memref<384xi32, #tpu.memory_space<vmem>>, vector<16xi32>,
    %get3A_193 = arith.constant 304 : index
    %get3A_194 = tpu.vector_load %arg5[%get3A_193] {strides = array<i32>} : memref<384xi32, #tpu.memory_space<vmem>>, vector<16xi32>,
    %get3A_195 = vector.shape_cast %get3A_194 : vector<16xi32> to vector<16xi32>
    %add3A_196 = arith.constant -3072 : i32
    %add3A_197 = vector.broadcast %add3A_196 : i32 to vector<16xi32>
    %add3A_198 = arith.addi %get3A_195, %add3A_197 : vector<16xi32>
    %swap3A_199 = arith.constant 304 : index
    %swap3A_200 = tpu.vector_load %arg5[%swap3A_199] {strides = array<i32>} : memref<384xi32, #tpu.memory_space<vmem>>, vector<16xi32>,
    %swap3A_201 = vector.shape_cast %swap3A_200 : vector<16xi32> to vector<16xi32>
    %swap3A_202 = vector.shape_cast %add3A_198 : vector<16xi32> to vector<16xi32>
    tpu.vector_store %arg5[%swap3A_199], %swap3A_202 {strides = array<i32>} : memref<384xi32, #tpu.memory_space<vmem>>, vector<16xi32>,
    %get3A_203 = arith.constant 320 : index
    %get3A_204 = tpu.vector_load %arg5[%get3A_203] {strides = array<i32>} : memref<384xi32, #tpu.memory_space<vmem>>, vector<16xi32>,
    %get3A_205 = vector.shape_cast %get3A_204 : vector<16xi32> to vector<16xi32>
    %add3A_206 = arith.constant -3072 : i32
    %add3A_207 = vector.broadcast %add3A_206 : i32 to vector<16xi32>
    %add3A_208 = arith.addi %get3A_205, %add3A_207 : vector<16xi32>
    %swap3A_209 = arith.constant 320 : index
    %swap3A_210 = tpu.vector_load %arg5[%swap3A_209] {strides = array<i32>} : memref<384xi32, #tpu.memory_space<vmem>>, vector<16xi32>,
    %swap3A_211 = vector.shape_cast %swap3A_210 : vector<16xi32> to vector<16xi32>
    %swap3A_212 = vector.shape_cast %add3A_208 : vector<16xi32> to vector<16xi32>
    tpu.vector_store %arg5[%swap3A_209], %swap3A_212 {strides = array<i32>} : memref<384xi32, #tpu.memory_space<vmem>>, vector<16xi32>,
    %get3A_213 = arith.constant 336 : index
    %get3A_214 = tpu.vector_load %arg5[%get3A_213] {strides = array<i32>} : memref<384xi32, #tpu.memory_space<vmem>>, vector<16xi32>,
    %get3A_215 = vector.shape_cast %get3A_214 : vector<16xi32> to vector<16xi32>
    %add3A_216 = arith.constant -3072 : i32
    %add3A_217 = vector.broadcast %add3A_216 : i32 to vector<16xi32>
    %add3A_218 = arith.addi %get3A_215, %add3A_217 : vector<16xi32>
    %swap3A_219 = arith.constant 336 : index
    %swap3A_220 = tpu.vector_load %arg5[%swap3A_219] {strides = array<i32>} : memref<384xi32, #tpu.memory_space<vmem>>, vector<16xi32>,
    %swap3A_221 = vector.shape_cast %swap3A_220 : vector<16xi32> to vector<16xi32>
    %swap3A_222 = vector.shape_cast %add3A_218 : vector<16xi32> to vector<16xi32>
    tpu.vector_store %arg5[%swap3A_219], %swap3A_222 {strides = array<i32>} : memref<384xi32, #tpu.memory_space<vmem>>, vector<16xi32>,
    %get3A_223 = arith.constant 352 : index
    %get3A_224 = tpu.vector_load %arg5[%get3A_223] {strides = array<i32>} : memref<384xi32, #tpu.memory_space<vmem>>, vector<16xi32>,
    %get3A_225 = vector.shape_cast %get3A_224 : vector<16xi32> to vector<16xi32>
    %add3A_226 = arith.constant -3072 : i32
    %add3A_227 = vector.broadcast %add3A_226 : i32 to vector<16xi32>
    %add3A_228 = arith.addi %get3A_225, %add3A_227 : vector<16xi32>
    %swap3A_229 = arith.constant 352 : index
    %swap3A_230 = tpu.vector_load %arg5[%swap3A_229] {strides = array<i32>} : memref<384xi32, #tpu.memory_space<vmem>>, vector<16xi32>,
    %swap3A_231 = vector.shape_cast %swap3A_230 : vector<16xi32> to vector<16xi32>
    %swap3A_232 = vector.shape_cast %add3A_228 : vector<16xi32> to vector<16xi32>
    tpu.vector_store %arg5[%swap3A_229], %swap3A_232 {strides = array<i32>} : memref<384xi32, #tpu.memory_space<vmem>>, vector<16xi32>,
    %get3A_233 = arith.constant 368 : index
    %get3A_234 = tpu.vector_load %arg5[%get3A_233] {strides = array<i32>} : memref<384xi32, #tpu.memory_space<vmem>>, vector<16xi32>,
    %get3A_235 = vector.shape_cast %get3A_234 : vector<16xi32> to vector<16xi32>
    %add3A_236 = arith.constant -3072 : i32
    %add3A_237 = vector.broadcast %add3A_236 : i32 to vector<16xi32>
    %add3A_238 = arith.addi %get3A_235, %add3A_237 : vector<16xi32>
    %swap3A_239 = arith.constant 368 : index
    %swap3A_240 = tpu.vector_load %arg5[%swap3A_239] {strides = array<i32>} : memref<384xi32, #tpu.memory_space<vmem>>, vector<16xi32>,
    %swap3A_241 = vector.shape_cast %swap3A_240 : vector<16xi32> to vector<16xi32>
    %swap3A_242 = vector.shape_cast %add3A_238 : vector<16xi32> to vector<16xi32>
    tpu.vector_store %arg5[%swap3A_239], %swap3A_242 {strides = array<i32>} : memref<384xi32, #tpu.memory_space<vmem>>, vector<16xi32>,
    %dma_start3A = arith.constant 0 : i32
    %dma_start3A_243 = arith.constant 0 : i32
    %dma_start3A_244 = tpu.memref_slice %arg2[%dma_start3A, %dma_start3A_243] : memref<3072x128xf32, #tpu.memory_space<hbm>> -> memref<3072x128xf32, #tpu.memory_space<hbm>>
    tpu.enqueue_indirect_dma source(%dma_start3A_244 : memref<3072x128xf32, #tpu.memory_space<hbm>>) target(%arg7 : memref<384x128xf32, #tpu.memory_space<vmem>>) offsets(%arg5 : memref<384xi32, #tpu.memory_space<vmem>>) semaphore(%arg9 : memref<!tpu.dma_semaphore, #tpu.memory_space<semaphore_mem>>)
    %add3A_245 = arith.constant 384 : i32
    %add3A_246 = arith.addi %mul3A_2, %add3A_245 : i32
    %add3A_247 = arith.constant 49152 : i32
    %add3A_248 = arith.addi %add3A_247, %add3A_246 : i32
    "tpu.region"() ({
      %run_scoped3A = tpu.sem_alloc : memref<!tpu.dma_semaphore, #tpu.memory_space<semaphore_mem>>
      %dma_start3A_1085 = tpu.memref_slice %arg3[%add3A_248] : memref<98304xi32, #tpu.memory_space<hbm>> -> memref<384xi32, #tpu.memory_space<hbm>>
      %dma_start3A_1086 = tpu.memref_slice %arg3[%add3A_248] : memref<98304xi32, #tpu.memory_space<hbm>> -> memref<384xi32, #tpu.memory_space<hbm>>
      tpu.enqueue_dma source(%dma_start3A_1086 : memref<384xi32, #tpu.memory_space<hbm>>) target(%arg6 : memref<384xi32, #tpu.memory_space<vmem>>) target_semaphore(%run_scoped3A : memref<!tpu.dma_semaphore, #tpu.memory_space<semaphore_mem>>)
      %dma_wait3A_1087 = tpu.memref_slice %arg3[%add3A_248] : memref<98304xi32, #tpu.memory_space<hbm>> -> memref<384xi32, #tpu.memory_space<hbm>>
      %dma_wait3A_1088 = tpu.memref_slice %arg3[%add3A_248] : memref<98304xi32, #tpu.memory_space<hbm>> -> memref<384xi32, #tpu.memory_space<hbm>>
      tpu.wait_dma2 semaphore(%run_scoped3A : memref<!tpu.dma_semaphore, #tpu.memory_space<semaphore_mem>>) src(%dma_wait3A_1088 : memref<384xi32, #tpu.memory_space<hbm>>) dst(%arg6 : memref<384xi32, #tpu.memory_space<vmem>>)
      tpu.yield
    }) : () -> ()
    %get3A_249 = arith.constant 0 : index
    %get3A_250 = tpu.vector_load %arg6[%get3A_249] {strides = array<i32>} : memref<384xi32, #tpu.memory_space<vmem>>, vector<16xi32>,
    %get3A_251 = vector.shape_cast %get3A_250 : vector<16xi32> to vector<16xi32>
    %add3A_252 = arith.constant -3072 : i32
    %add3A_253 = vector.broadcast %add3A_252 : i32 to vector<16xi32>
    %add3A_254 = arith.addi %get3A_251, %add3A_253 : vector<16xi32>
    %swap3A_255 = arith.constant 0 : index
    %swap3A_256 = tpu.vector_load %arg6[%swap3A_255] {strides = array<i32>} : memref<384xi32, #tpu.memory_space<vmem>>, vector<16xi32>,
    %swap3A_257 = vector.shape_cast %swap3A_256 : vector<16xi32> to vector<16xi32>
    %swap3A_258 = vector.shape_cast %add3A_254 : vector<16xi32> to vector<16xi32>
    tpu.vector_store %arg6[%swap3A_255], %swap3A_258 {strides = array<i32>} : memref<384xi32, #tpu.memory_space<vmem>>, vector<16xi32>,
    %get3A_259 = arith.constant 16 : index
    %get3A_260 = tpu.vector_load %arg6[%get3A_259] {strides = array<i32>} : memref<384xi32, #tpu.memory_space<vmem>>, vector<16xi32>,
    %get3A_261 = vector.shape_cast %get3A_260 : vector<16xi32> to vector<16xi32>
    %add3A_262 = arith.constant -3072 : i32
    %add3A_263 = vector.broadcast %add3A_262 : i32 to vector<16xi32>
    %add3A_264 = arith.addi %get3A_261, %add3A_263 : vector<16xi32>
    %swap3A_265 = arith.constant 16 : index
    %swap3A_266 = tpu.vector_load %arg6[%swap3A_265] {strides = array<i32>} : memref<384xi32, #tpu.memory_space<vmem>>, vector<16xi32>,
    %swap3A_267 = vector.shape_cast %swap3A_266 : vector<16xi32> to vector<16xi32>
    %swap3A_268 = vector.shape_cast %add3A_264 : vector<16xi32> to vector<16xi32>
    tpu.vector_store %arg6[%swap3A_265], %swap3A_268 {strides = array<i32>} : memref<384xi32, #tpu.memory_space<vmem>>, vector<16xi32>,
    %get3A_269 = arith.constant 32 : index
    %get3A_270 = tpu.vector_load %arg6[%get3A_269] {strides = array<i32>} : memref<384xi32, #tpu.memory_space<vmem>>, vector<16xi32>,
    %get3A_271 = vector.shape_cast %get3A_270 : vector<16xi32> to vector<16xi32>
    %add3A_272 = arith.constant -3072 : i32
    %add3A_273 = vector.broadcast %add3A_272 : i32 to vector<16xi32>
    %add3A_274 = arith.addi %get3A_271, %add3A_273 : vector<16xi32>
    %swap3A_275 = arith.constant 32 : index
    %swap3A_276 = tpu.vector_load %arg6[%swap3A_275] {strides = array<i32>} : memref<384xi32, #tpu.memory_space<vmem>>, vector<16xi32>,
    %swap3A_277 = vector.shape_cast %swap3A_276 : vector<16xi32> to vector<16xi32>
    %swap3A_278 = vector.shape_cast %add3A_274 : vector<16xi32> to vector<16xi32>
    tpu.vector_store %arg6[%swap3A_275], %swap3A_278 {strides = array<i32>} : memref<384xi32, #tpu.memory_space<vmem>>, vector<16xi32>,
    %get3A_279 = arith.constant 48 : index
    %get3A_280 = tpu.vector_load %arg6[%get3A_279] {strides = array<i32>} : memref<384xi32, #tpu.memory_space<vmem>>, vector<16xi32>,
    %get3A_281 = vector.shape_cast %get3A_280 : vector<16xi32> to vector<16xi32>
    %add3A_282 = arith.constant -3072 : i32
    %add3A_283 = vector.broadcast %add3A_282 : i32 to vector<16xi32>
    %add3A_284 = arith.addi %get3A_281, %add3A_283 : vector<16xi32>
    %swap3A_285 = arith.constant 48 : index
    %swap3A_286 = tpu.vector_load %arg6[%swap3A_285] {strides = array<i32>} : memref<384xi32, #tpu.memory_space<vmem>>, vector<16xi32>,
    %swap3A_287 = vector.shape_cast %swap3A_286 : vector<16xi32> to vector<16xi32>
    %swap3A_288 = vector.shape_cast %add3A_284 : vector<16xi32> to vector<16xi32>
    tpu.vector_store %arg6[%swap3A_285], %swap3A_288 {strides = array<i32>} : memref<384xi32, #tpu.memory_space<vmem>>, vector<16xi32>,
    %get3A_289 = arith.constant 64 : index
    %get3A_290 = tpu.vector_load %arg6[%get3A_289] {strides = array<i32>} : memref<384xi32, #tpu.memory_space<vmem>>, vector<16xi32>,
    %get3A_291 = vector.shape_cast %get3A_290 : vector<16xi32> to vector<16xi32>
    %add3A_292 = arith.constant -3072 : i32
    %add3A_293 = vector.broadcast %add3A_292 : i32 to vector<16xi32>
    %add3A_294 = arith.addi %get3A_291, %add3A_293 : vector<16xi32>
    %swap3A_295 = arith.constant 64 : index
    %swap3A_296 = tpu.vector_load %arg6[%swap3A_295] {strides = array<i32>} : memref<384xi32, #tpu.memory_space<vmem>>, vector<16xi32>,
    %swap3A_297 = vector.shape_cast %swap3A_296 : vector<16xi32> to vector<16xi32>
    %swap3A_298 = vector.shape_cast %add3A_294 : vector<16xi32> to vector<16xi32>
    tpu.vector_store %arg6[%swap3A_295], %swap3A_298 {strides = array<i32>} : memref<384xi32, #tpu.memory_space<vmem>>, vector<16xi32>,
    %get3A_299 = arith.constant 80 : index
    %get3A_300 = tpu.vector_load %arg6[%get3A_299] {strides = array<i32>} : memref<384xi32, #tpu.memory_space<vmem>>, vector<16xi32>,
    %get3A_301 = vector.shape_cast %get3A_300 : vector<16xi32> to vector<16xi32>
    %add3A_302 = arith.constant -3072 : i32
    %add3A_303 = vector.broadcast %add3A_302 : i32 to vector<16xi32>
    %add3A_304 = arith.addi %get3A_301, %add3A_303 : vector<16xi32>
    %swap3A_305 = arith.constant 80 : index
    %swap3A_306 = tpu.vector_load %arg6[%swap3A_305] {strides = array<i32>} : memref<384xi32, #tpu.memory_space<vmem>>, vector<16xi32>,
    %swap3A_307 = vector.shape_cast %swap3A_306 : vector<16xi32> to vector<16xi32>
    %swap3A_308 = vector.shape_cast %add3A_304 : vector<16xi32> to vector<16xi32>
    tpu.vector_store %arg6[%swap3A_305], %swap3A_308 {strides = array<i32>} : memref<384xi32, #tpu.memory_space<vmem>>, vector<16xi32>,
    %get3A_309 = arith.constant 96 : index
    %get3A_310 = tpu.vector_load %arg6[%get3A_309] {strides = array<i32>} : memref<384xi32, #tpu.memory_space<vmem>>, vector<16xi32>,
    %get3A_311 = vector.shape_cast %get3A_310 : vector<16xi32> to vector<16xi32>
    %add3A_312 = arith.constant -3072 : i32
    %add3A_313 = vector.broadcast %add3A_312 : i32 to vector<16xi32>
    %add3A_314 = arith.addi %get3A_311, %add3A_313 : vector<16xi32>
    %swap3A_315 = arith.constant 96 : index
    %swap3A_316 = tpu.vector_load %arg6[%swap3A_315] {strides = array<i32>} : memref<384xi32, #tpu.memory_space<vmem>>, vector<16xi32>,
    %swap3A_317 = vector.shape_cast %swap3A_316 : vector<16xi32> to vector<16xi32>
    %swap3A_318 = vector.shape_cast %add3A_314 : vector<16xi32> to vector<16xi32>
    tpu.vector_store %arg6[%swap3A_315], %swap3A_318 {strides = array<i32>} : memref<384xi32, #tpu.memory_space<vmem>>, vector<16xi32>,
    %get3A_319 = arith.constant 112 : index
    %get3A_320 = tpu.vector_load %arg6[%get3A_319] {strides = array<i32>} : memref<384xi32, #tpu.memory_space<vmem>>, vector<16xi32>,
    %get3A_321 = vector.shape_cast %get3A_320 : vector<16xi32> to vector<16xi32>
    %add3A_322 = arith.constant -3072 : i32
    %add3A_323 = vector.broadcast %add3A_322 : i32 to vector<16xi32>
    %add3A_324 = arith.addi %get3A_321, %add3A_323 : vector<16xi32>
    %swap3A_325 = arith.constant 112 : index
    %swap3A_326 = tpu.vector_load %arg6[%swap3A_325] {strides = array<i32>} : memref<384xi32, #tpu.memory_space<vmem>>, vector<16xi32>,
    %swap3A_327 = vector.shape_cast %swap3A_326 : vector<16xi32> to vector<16xi32>
    %swap3A_328 = vector.shape_cast %add3A_324 : vector<16xi32> to vector<16xi32>
    tpu.vector_store %arg6[%swap3A_325], %swap3A_328 {strides = array<i32>} : memref<384xi32, #tpu.memory_space<vmem>>, vector<16xi32>,
    %get3A_329 = arith.constant 128 : index
    %get3A_330 = tpu.vector_load %arg6[%get3A_329] {strides = array<i32>} : memref<384xi32, #tpu.memory_space<vmem>>, vector<16xi32>,
    %get3A_331 = vector.shape_cast %get3A_330 : vector<16xi32> to vector<16xi32>
    %add3A_332 = arith.constant -3072 : i32
    %add3A_333 = vector.broadcast %add3A_332 : i32 to vector<16xi32>
    %add3A_334 = arith.addi %get3A_331, %add3A_333 : vector<16xi32>
    %swap3A_335 = arith.constant 128 : index
    %swap3A_336 = tpu.vector_load %arg6[%swap3A_335] {strides = array<i32>} : memref<384xi32, #tpu.memory_space<vmem>>, vector<16xi32>,
    %swap3A_337 = vector.shape_cast %swap3A_336 : vector<16xi32> to vector<16xi32>
    %swap3A_338 = vector.shape_cast %add3A_334 : vector<16xi32> to vector<16xi32>
    tpu.vector_store %arg6[%swap3A_335], %swap3A_338 {strides = array<i32>} : memref<384xi32, #tpu.memory_space<vmem>>, vector<16xi32>,
    %get3A_339 = arith.constant 144 : index
    %get3A_340 = tpu.vector_load %arg6[%get3A_339] {strides = array<i32>} : memref<384xi32, #tpu.memory_space<vmem>>, vector<16xi32>,
    %get3A_341 = vector.shape_cast %get3A_340 : vector<16xi32> to vector<16xi32>
    %add3A_342 = arith.constant -3072 : i32
    %add3A_343 = vector.broadcast %add3A_342 : i32 to vector<16xi32>
    %add3A_344 = arith.addi %get3A_341, %add3A_343 : vector<16xi32>
    %swap3A_345 = arith.constant 144 : index
    %swap3A_346 = tpu.vector_load %arg6[%swap3A_345] {strides = array<i32>} : memref<384xi32, #tpu.memory_space<vmem>>, vector<16xi32>,
    %swap3A_347 = vector.shape_cast %swap3A_346 : vector<16xi32> to vector<16xi32>
    %swap3A_348 = vector.shape_cast %add3A_344 : vector<16xi32> to vector<16xi32>
    tpu.vector_store %arg6[%swap3A_345], %swap3A_348 {strides = array<i32>} : memref<384xi32, #tpu.memory_space<vmem>>, vector<16xi32>,
    %get3A_349 = arith.constant 160 : index
    %get3A_350 = tpu.vector_load %arg6[%get3A_349] {strides = array<i32>} : memref<384xi32, #tpu.memory_space<vmem>>, vector<16xi32>,
    %get3A_351 = vector.shape_cast %get3A_350 : vector<16xi32> to vector<16xi32>
    %add3A_352 = arith.constant -3072 : i32
    %add3A_353 = vector.broadcast %add3A_352 : i32 to vector<16xi32>
    %add3A_354 = arith.addi %get3A_351, %add3A_353 : vector<16xi32>
    %swap3A_355 = arith.constant 160 : index
    %swap3A_356 = tpu.vector_load %arg6[%swap3A_355] {strides = array<i32>} : memref<384xi32, #tpu.memory_space<vmem>>, vector<16xi32>,
    %swap3A_357 = vector.shape_cast %swap3A_356 : vector<16xi32> to vector<16xi32>
    %swap3A_358 = vector.shape_cast %add3A_354 : vector<16xi32> to vector<16xi32>
    tpu.vector_store %arg6[%swap3A_355], %swap3A_358 {strides = array<i32>} : memref<384xi32, #tpu.memory_space<vmem>>, vector<16xi32>,
    %get3A_359 = arith.constant 176 : index
    %get3A_360 = tpu.vector_load %arg6[%get3A_359] {strides = array<i32>} : memref<384xi32, #tpu.memory_space<vmem>>, vector<16xi32>,
    %get3A_361 = vector.shape_cast %get3A_360 : vector<16xi32> to vector<16xi32>
    %add3A_362 = arith.constant -3072 : i32
    %add3A_363 = vector.broadcast %add3A_362 : i32 to vector<16xi32>
    %add3A_364 = arith.addi %get3A_361, %add3A_363 : vector<16xi32>
    %swap3A_365 = arith.constant 176 : index
    %swap3A_366 = tpu.vector_load %arg6[%swap3A_365] {strides = array<i32>} : memref<384xi32, #tpu.memory_space<vmem>>, vector<16xi32>,
    %swap3A_367 = vector.shape_cast %swap3A_366 : vector<16xi32> to vector<16xi32>
    %swap3A_368 = vector.shape_cast %add3A_364 : vector<16xi32> to vector<16xi32>
    tpu.vector_store %arg6[%swap3A_365], %swap3A_368 {strides = array<i32>} : memref<384xi32, #tpu.memory_space<vmem>>, vector<16xi32>,
    %get3A_369 = arith.constant 192 : index
    %get3A_370 = tpu.vector_load %arg6[%get3A_369] {strides = array<i32>} : memref<384xi32, #tpu.memory_space<vmem>>, vector<16xi32>,
    %get3A_371 = vector.shape_cast %get3A_370 : vector<16xi32> to vector<16xi32>
    %add3A_372 = arith.constant -3072 : i32
    %add3A_373 = vector.broadcast %add3A_372 : i32 to vector<16xi32>
    %add3A_374 = arith.addi %get3A_371, %add3A_373 : vector<16xi32>
    %swap3A_375 = arith.constant 192 : index
    %swap3A_376 = tpu.vector_load %arg6[%swap3A_375] {strides = array<i32>} : memref<384xi32, #tpu.memory_space<vmem>>, vector<16xi32>,
    %swap3A_377 = vector.shape_cast %swap3A_376 : vector<16xi32> to vector<16xi32>
    %swap3A_378 = vector.shape_cast %add3A_374 : vector<16xi32> to vector<16xi32>
    tpu.vector_store %arg6[%swap3A_375], %swap3A_378 {strides = array<i32>} : memref<384xi32, #tpu.memory_space<vmem>>, vector<16xi32>,
    %get3A_379 = arith.constant 208 : index
    %get3A_380 = tpu.vector_load %arg6[%get3A_379] {strides = array<i32>} : memref<384xi32, #tpu.memory_space<vmem>>, vector<16xi32>,
    %get3A_381 = vector.shape_cast %get3A_380 : vector<16xi32> to vector<16xi32>
    %add3A_382 = arith.constant -3072 : i32
    %add3A_383 = vector.broadcast %add3A_382 : i32 to vector<16xi32>
    %add3A_384 = arith.addi %get3A_381, %add3A_383 : vector<16xi32>
    %swap3A_385 = arith.constant 208 : index
    %swap3A_386 = tpu.vector_load %arg6[%swap3A_385] {strides = array<i32>} : memref<384xi32, #tpu.memory_space<vmem>>, vector<16xi32>,
    %swap3A_387 = vector.shape_cast %swap3A_386 : vector<16xi32> to vector<16xi32>
    %swap3A_388 = vector.shape_cast %add3A_384 : vector<16xi32> to vector<16xi32>
    tpu.vector_store %arg6[%swap3A_385], %swap3A_388 {strides = array<i32>} : memref<384xi32, #tpu.memory_space<vmem>>, vector<16xi32>,
    %get3A_389 = arith.constant 224 : index
    %get3A_390 = tpu.vector_load %arg6[%get3A_389] {strides = array<i32>} : memref<384xi32, #tpu.memory_space<vmem>>, vector<16xi32>,
    %get3A_391 = vector.shape_cast %get3A_390 : vector<16xi32> to vector<16xi32>
    %add3A_392 = arith.constant -3072 : i32
    %add3A_393 = vector.broadcast %add3A_392 : i32 to vector<16xi32>
    %add3A_394 = arith.addi %get3A_391, %add3A_393 : vector<16xi32>
    %swap3A_395 = arith.constant 224 : index
    %swap3A_396 = tpu.vector_load %arg6[%swap3A_395] {strides = array<i32>} : memref<384xi32, #tpu.memory_space<vmem>>, vector<16xi32>,
    %swap3A_397 = vector.shape_cast %swap3A_396 : vector<16xi32> to vector<16xi32>
    %swap3A_398 = vector.shape_cast %add3A_394 : vector<16xi32> to vector<16xi32>
    tpu.vector_store %arg6[%swap3A_395], %swap3A_398 {strides = array<i32>} : memref<384xi32, #tpu.memory_space<vmem>>, vector<16xi32>,
    %get3A_399 = arith.constant 240 : index
    %get3A_400 = tpu.vector_load %arg6[%get3A_399] {strides = array<i32>} : memref<384xi32, #tpu.memory_space<vmem>>, vector<16xi32>,
    %get3A_401 = vector.shape_cast %get3A_400 : vector<16xi32> to vector<16xi32>
    %add3A_402 = arith.constant -3072 : i32
    %add3A_403 = vector.broadcast %add3A_402 : i32 to vector<16xi32>
    %add3A_404 = arith.addi %get3A_401, %add3A_403 : vector<16xi32>
    %swap3A_405 = arith.constant 240 : index
    %swap3A_406 = tpu.vector_load %arg6[%swap3A_405] {strides = array<i32>} : memref<384xi32, #tpu.memory_space<vmem>>, vector<16xi32>,
    %swap3A_407 = vector.shape_cast %swap3A_406 : vector<16xi32> to vector<16xi32>
    %swap3A_408 = vector.shape_cast %add3A_404 : vector<16xi32> to vector<16xi32>
    tpu.vector_store %arg6[%swap3A_405], %swap3A_408 {strides = array<i32>} : memref<384xi32, #tpu.memory_space<vmem>>, vector<16xi32>,
    %get3A_409 = arith.constant 256 : index
    %get3A_410 = tpu.vector_load %arg6[%get3A_409] {strides = array<i32>} : memref<384xi32, #tpu.memory_space<vmem>>, vector<16xi32>,
    %get3A_411 = vector.shape_cast %get3A_410 : vector<16xi32> to vector<16xi32>
    %add3A_412 = arith.constant -3072 : i32
    %add3A_413 = vector.broadcast %add3A_412 : i32 to vector<16xi32>
    %add3A_414 = arith.addi %get3A_411, %add3A_413 : vector<16xi32>
    %swap3A_415 = arith.constant 256 : index
    %swap3A_416 = tpu.vector_load %arg6[%swap3A_415] {strides = array<i32>} : memref<384xi32, #tpu.memory_space<vmem>>, vector<16xi32>,
    %swap3A_417 = vector.shape_cast %swap3A_416 : vector<16xi32> to vector<16xi32>
    %swap3A_418 = vector.shape_cast %add3A_414 : vector<16xi32> to vector<16xi32>
    tpu.vector_store %arg6[%swap3A_415], %swap3A_418 {strides = array<i32>} : memref<384xi32, #tpu.memory_space<vmem>>, vector<16xi32>,
    %get3A_419 = arith.constant 272 : index
    %get3A_420 = tpu.vector_load %arg6[%get3A_419] {strides = array<i32>} : memref<384xi32, #tpu.memory_space<vmem>>, vector<16xi32>,
    %get3A_421 = vector.shape_cast %get3A_420 : vector<16xi32> to vector<16xi32>
    %add3A_422 = arith.constant -3072 : i32
    %add3A_423 = vector.broadcast %add3A_422 : i32 to vector<16xi32>
    %add3A_424 = arith.addi %get3A_421, %add3A_423 : vector<16xi32>
    %swap3A_425 = arith.constant 272 : index
    %swap3A_426 = tpu.vector_load %arg6[%swap3A_425] {strides = array<i32>} : memref<384xi32, #tpu.memory_space<vmem>>, vector<16xi32>,
    %swap3A_427 = vector.shape_cast %swap3A_426 : vector<16xi32> to vector<16xi32>
    %swap3A_428 = vector.shape_cast %add3A_424 : vector<16xi32> to vector<16xi32>
    tpu.vector_store %arg6[%swap3A_425], %swap3A_428 {strides = array<i32>} : memref<384xi32, #tpu.memory_space<vmem>>, vector<16xi32>,
    %get3A_429 = arith.constant 288 : index
    %get3A_430 = tpu.vector_load %arg6[%get3A_429] {strides = array<i32>} : memref<384xi32, #tpu.memory_space<vmem>>, vector<16xi32>,
    %get3A_431 = vector.shape_cast %get3A_430 : vector<16xi32> to vector<16xi32>
    %add3A_432 = arith.constant -3072 : i32
    %add3A_433 = vector.broadcast %add3A_432 : i32 to vector<16xi32>
    %add3A_434 = arith.addi %get3A_431, %add3A_433 : vector<16xi32>
    %swap3A_435 = arith.constant 288 : index
    %swap3A_436 = tpu.vector_load %arg6[%swap3A_435] {strides = array<i32>} : memref<384xi32, #tpu.memory_space<vmem>>, vector<16xi32>,
    %swap3A_437 = vector.shape_cast %swap3A_436 : vector<16xi32> to vector<16xi32>
    %swap3A_438 = vector.shape_cast %add3A_434 : vector<16xi32> to vector<16xi32>
    tpu.vector_store %arg6[%swap3A_435], %swap3A_438 {strides = array<i32>} : memref<384xi32, #tpu.memory_space<vmem>>, vector<16xi32>,
    %get3A_439 = arith.constant 304 : index
    %get3A_440 = tpu.vector_load %arg6[%get3A_439] {strides = array<i32>} : memref<384xi32, #tpu.memory_space<vmem>>, vector<16xi32>,
    %get3A_441 = vector.shape_cast %get3A_440 : vector<16xi32> to vector<16xi32>
    %add3A_442 = arith.constant -3072 : i32
    %add3A_443 = vector.broadcast %add3A_442 : i32 to vector<16xi32>
    %add3A_444 = arith.addi %get3A_441, %add3A_443 : vector<16xi32>
    %swap3A_445 = arith.constant 304 : index
    %swap3A_446 = tpu.vector_load %arg6[%swap3A_445] {strides = array<i32>} : memref<384xi32, #tpu.memory_space<vmem>>, vector<16xi32>,
    %swap3A_447 = vector.shape_cast %swap3A_446 : vector<16xi32> to vector<16xi32>
    %swap3A_448 = vector.shape_cast %add3A_444 : vector<16xi32> to vector<16xi32>
    tpu.vector_store %arg6[%swap3A_445], %swap3A_448 {strides = array<i32>} : memref<384xi32, #tpu.memory_space<vmem>>, vector<16xi32>,
    %get3A_449 = arith.constant 320 : index
    %get3A_450 = tpu.vector_load %arg6[%get3A_449] {strides = array<i32>} : memref<384xi32, #tpu.memory_space<vmem>>, vector<16xi32>,
    %get3A_451 = vector.shape_cast %get3A_450 : vector<16xi32> to vector<16xi32>
    %add3A_452 = arith.constant -3072 : i32
    %add3A_453 = vector.broadcast %add3A_452 : i32 to vector<16xi32>
    %add3A_454 = arith.addi %get3A_451, %add3A_453 : vector<16xi32>
    %swap3A_455 = arith.constant 320 : index
    %swap3A_456 = tpu.vector_load %arg6[%swap3A_455] {strides = array<i32>} : memref<384xi32, #tpu.memory_space<vmem>>, vector<16xi32>,
    %swap3A_457 = vector.shape_cast %swap3A_456 : vector<16xi32> to vector<16xi32>
    %swap3A_458 = vector.shape_cast %add3A_454 : vector<16xi32> to vector<16xi32>
    tpu.vector_store %arg6[%swap3A_455], %swap3A_458 {strides = array<i32>} : memref<384xi32, #tpu.memory_space<vmem>>, vector<16xi32>,
    %get3A_459 = arith.constant 336 : index
    %get3A_460 = tpu.vector_load %arg6[%get3A_459] {strides = array<i32>} : memref<384xi32, #tpu.memory_space<vmem>>, vector<16xi32>,
    %get3A_461 = vector.shape_cast %get3A_460 : vector<16xi32> to vector<16xi32>
    %add3A_462 = arith.constant -3072 : i32
    %add3A_463 = vector.broadcast %add3A_462 : i32 to vector<16xi32>
    %add3A_464 = arith.addi %get3A_461, %add3A_463 : vector<16xi32>
    %swap3A_465 = arith.constant 336 : index
    %swap3A_466 = tpu.vector_load %arg6[%swap3A_465] {strides = array<i32>} : memref<384xi32, #tpu.memory_space<vmem>>, vector<16xi32>,
    %swap3A_467 = vector.shape_cast %swap3A_466 : vector<16xi32> to vector<16xi32>
    %swap3A_468 = vector.shape_cast %add3A_464 : vector<16xi32> to vector<16xi32>
    tpu.vector_store %arg6[%swap3A_465], %swap3A_468 {strides = array<i32>} : memref<384xi32, #tpu.memory_space<vmem>>, vector<16xi32>,
    %get3A_469 = arith.constant 352 : index
    %get3A_470 = tpu.vector_load %arg6[%get3A_469] {strides = array<i32>} : memref<384xi32, #tpu.memory_space<vmem>>, vector<16xi32>,
    %get3A_471 = vector.shape_cast %get3A_470 : vector<16xi32> to vector<16xi32>
    %add3A_472 = arith.constant -3072 : i32
    %add3A_473 = vector.broadcast %add3A_472 : i32 to vector<16xi32>
    %add3A_474 = arith.addi %get3A_471, %add3A_473 : vector<16xi32>
    %swap3A_475 = arith.constant 352 : index
    %swap3A_476 = tpu.vector_load %arg6[%swap3A_475] {strides = array<i32>} : memref<384xi32, #tpu.memory_space<vmem>>, vector<16xi32>,
    %swap3A_477 = vector.shape_cast %swap3A_476 : vector<16xi32> to vector<16xi32>
    %swap3A_478 = vector.shape_cast %add3A_474 : vector<16xi32> to vector<16xi32>
    tpu.vector_store %arg6[%swap3A_475], %swap3A_478 {strides = array<i32>} : memref<384xi32, #tpu.memory_space<vmem>>, vector<16xi32>,
    %get3A_479 = arith.constant 368 : index
    %get3A_480 = tpu.vector_load %arg6[%get3A_479] {strides = array<i32>} : memref<384xi32, #tpu.memory_space<vmem>>, vector<16xi32>,
    %get3A_481 = vector.shape_cast %get3A_480 : vector<16xi32> to vector<16xi32>
    %add3A_482 = arith.constant -3072 : i32
    %add3A_483 = vector.broadcast %add3A_482 : i32 to vector<16xi32>
    %add3A_484 = arith.addi %get3A_481, %add3A_483 : vector<16xi32>
    %swap3A_485 = arith.constant 368 : index
    %swap3A_486 = tpu.vector_load %arg6[%swap3A_485] {strides = array<i32>} : memref<384xi32, #tpu.memory_space<vmem>>, vector<16xi32>,
    %swap3A_487 = vector.shape_cast %swap3A_486 : vector<16xi32> to vector<16xi32>
    %swap3A_488 = vector.shape_cast %add3A_484 : vector<16xi32> to vector<16xi32>
    tpu.vector_store %arg6[%swap3A_485], %swap3A_488 {strides = array<i32>} : memref<384xi32, #tpu.memory_space<vmem>>, vector<16xi32>,
    %dma_wait3A = arith.constant 0 : i32
    %dma_wait3A_489 = arith.constant 0 : i32
    %dma_wait3A_490 = tpu.memref_slice %arg2[%dma_wait3A, %dma_wait3A_489] : memref<3072x128xf32, #tpu.memory_space<hbm>> -> memref<3072x128xf32, #tpu.memory_space<hbm>>
    tpu.wait_indirect_dma semaphore(%arg9 : memref<!tpu.dma_semaphore, #tpu.memory_space<semaphore_mem>>) src(%dma_wait3A_490 : memref<3072x128xf32, #tpu.memory_space<hbm>>) dst(%arg7 : memref<384x128xf32, #tpu.memory_space<vmem>>)
    %dma_start3A_491 = arith.constant 0 : i32
    %dma_start3A_492 = arith.constant 0 : i32
    %dma_start3A_493 = tpu.memref_slice %arg2[%dma_start3A_491, %dma_start3A_492] : memref<3072x128xf32, #tpu.memory_space<hbm>> -> memref<3072x128xf32, #tpu.memory_space<hbm>>
    tpu.enqueue_indirect_dma source(%dma_start3A_493 : memref<3072x128xf32, #tpu.memory_space<hbm>>) target(%arg8 : memref<384x128xf32, #tpu.memory_space<vmem>>) offsets(%arg6 : memref<384xi32, #tpu.memory_space<vmem>>) semaphore(%arg9 : memref<!tpu.dma_semaphore, #tpu.memory_space<semaphore_mem>>)
    %add3A_494 = arith.constant 0 : i32
    %add3A_495 = arith.addi %mul3A_2, %add3A_494 : i32
    %dma_start3A_496 = arith.constant 0 : i32
    %dma_start3A_497 = arith.constant 0 : i32
    %dma_start3A_498 = tpu.memref_slice %arg7[%dma_start3A_496, %dma_start3A_497] : memref<384x128xf32, #tpu.memory_space<vmem>> -> memref<384x128xf32, #tpu.memory_space<vmem>>
    %dma_start3A_499 = arith.constant 0 : i32
    %dma_start3A_500 = tpu.memref_slice %arg4[%add3A_495, %dma_start3A_499] : memref<49152x128xf32, #tpu.memory_space<hbm>> -> memref<384x128xf32, #tpu.memory_space<hbm>>
    %dma_start3A_501 = arith.constant 0 : i32
    %dma_start3A_502 = tpu.memref_slice %arg4[%add3A_495, %dma_start3A_501] : memref<49152x128xf32, #tpu.memory_space<hbm>> -> memref<384x128xf32, #tpu.memory_space<hbm>>
    %dma_start3A_503 = arith.constant 0 : i32
    %dma_start3A_504 = arith.constant 0 : i32
    %dma_start3A_505 = tpu.memref_slice %arg7[%dma_start3A_503, %dma_start3A_504] : memref<384x128xf32, #tpu.memory_space<vmem>> -> memref<384x128xf32, #tpu.memory_space<vmem>>
    tpu.enqueue_dma source(%dma_start3A_505 : memref<384x128xf32, #tpu.memory_space<vmem>>) target(%dma_start3A_502 : memref<384x128xf32, #tpu.memory_space<hbm>>) target_semaphore(%arg10 : memref<!tpu.dma_semaphore, #tpu.memory_space<semaphore_mem>>)
    %add3A_506 = arith.constant 768 : i32
    %add3A_507 = arith.addi %mul3A_2, %add3A_506 : i32
    %add3A_508 = arith.constant 49152 : i32
    %add3A_509 = arith.addi %add3A_508, %add3A_507 : i32
    "tpu.region"() ({
      %run_scoped3A = tpu.sem_alloc : memref<!tpu.dma_semaphore, #tpu.memory_space<semaphore_mem>>
      %dma_start3A_1085 = tpu.memref_slice %arg3[%add3A_509] : memref<98304xi32, #tpu.memory_space<hbm>> -> memref<384xi32, #tpu.memory_space<hbm>>
      %dma_start3A_1086 = tpu.memref_slice %arg3[%add3A_509] : memref<98304xi32, #tpu.memory_space<hbm>> -> memref<384xi32, #tpu.memory_space<hbm>>
      tpu.enqueue_dma source(%dma_start3A_1086 : memref<384xi32, #tpu.memory_space<hbm>>) target(%arg5 : memref<384xi32, #tpu.memory_space<vmem>>) target_semaphore(%run_scoped3A : memref<!tpu.dma_semaphore, #tpu.memory_space<semaphore_mem>>)
      %dma_wait3A_1087 = tpu.memref_slice %arg3[%add3A_509] : memref<98304xi32, #tpu.memory_space<hbm>> -> memref<384xi32, #tpu.memory_space<hbm>>
      %dma_wait3A_1088 = tpu.memref_slice %arg3[%add3A_509] : memref<98304xi32, #tpu.memory_space<hbm>> -> memref<384xi32, #tpu.memory_space<hbm>>
      tpu.wait_dma2 semaphore(%run_scoped3A : memref<!tpu.dma_semaphore, #tpu.memory_space<semaphore_mem>>) src(%dma_wait3A_1088 : memref<384xi32, #tpu.memory_space<hbm>>) dst(%arg5 : memref<384xi32, #tpu.memory_space<vmem>>)
      tpu.yield
    }) : () -> ()
    %get3A_510 = arith.constant 0 : index
    %get3A_511 = tpu.vector_load %arg5[%get3A_510] {strides = array<i32>} : memref<384xi32, #tpu.memory_space<vmem>>, vector<16xi32>,
    %get3A_512 = vector.shape_cast %get3A_511 : vector<16xi32> to vector<16xi32>
    %add3A_513 = arith.constant -3072 : i32
    %add3A_514 = vector.broadcast %add3A_513 : i32 to vector<16xi32>
    %add3A_515 = arith.addi %get3A_512, %add3A_514 : vector<16xi32>
    %swap3A_516 = arith.constant 0 : index
    %swap3A_517 = tpu.vector_load %arg5[%swap3A_516] {strides = array<i32>} : memref<384xi32, #tpu.memory_space<vmem>>, vector<16xi32>,
    %swap3A_518 = vector.shape_cast %swap3A_517 : vector<16xi32> to vector<16xi32>
    %swap3A_519 = vector.shape_cast %add3A_515 : vector<16xi32> to vector<16xi32>
    tpu.vector_store %arg5[%swap3A_516], %swap3A_519 {strides = array<i32>} : memref<384xi32, #tpu.memory_space<vmem>>, vector<16xi32>,
    %get3A_520 = arith.constant 16 : index
    %get3A_521 = tpu.vector_load %arg5[%get3A_520] {strides = array<i32>} : memref<384xi32, #tpu.memory_space<vmem>>, vector<16xi32>,
    %get3A_522 = vector.shape_cast %get3A_521 : vector<16xi32> to vector<16xi32>
    %add3A_523 = arith.constant -3072 : i32
    %add3A_524 = vector.broadcast %add3A_523 : i32 to vector<16xi32>
    %add3A_525 = arith.addi %get3A_522, %add3A_524 : vector<16xi32>
    %swap3A_526 = arith.constant 16 : index
    %swap3A_527 = tpu.vector_load %arg5[%swap3A_526] {strides = array<i32>} : memref<384xi32, #tpu.memory_space<vmem>>, vector<16xi32>,
    %swap3A_528 = vector.shape_cast %swap3A_527 : vector<16xi32> to vector<16xi32>
    %swap3A_529 = vector.shape_cast %add3A_525 : vector<16xi32> to vector<16xi32>
    tpu.vector_store %arg5[%swap3A_526], %swap3A_529 {strides = array<i32>} : memref<384xi32, #tpu.memory_space<vmem>>, vector<16xi32>,
    %get3A_530 = arith.constant 32 : index
    %get3A_531 = tpu.vector_load %arg5[%get3A_530] {strides = array<i32>} : memref<384xi32, #tpu.memory_space<vmem>>, vector<16xi32>,
    %get3A_532 = vector.shape_cast %get3A_531 : vector<16xi32> to vector<16xi32>
    %add3A_533 = arith.constant -3072 : i32
    %add3A_534 = vector.broadcast %add3A_533 : i32 to vector<16xi32>
    %add3A_535 = arith.addi %get3A_532, %add3A_534 : vector<16xi32>
    %swap3A_536 = arith.constant 32 : index
    %swap3A_537 = tpu.vector_load %arg5[%swap3A_536] {strides = array<i32>} : memref<384xi32, #tpu.memory_space<vmem>>, vector<16xi32>,
    %swap3A_538 = vector.shape_cast %swap3A_537 : vector<16xi32> to vector<16xi32>
    %swap3A_539 = vector.shape_cast %add3A_535 : vector<16xi32> to vector<16xi32>
    tpu.vector_store %arg5[%swap3A_536], %swap3A_539 {strides = array<i32>} : memref<384xi32, #tpu.memory_space<vmem>>, vector<16xi32>,
    %get3A_540 = arith.constant 48 : index
    %get3A_541 = tpu.vector_load %arg5[%get3A_540] {strides = array<i32>} : memref<384xi32, #tpu.memory_space<vmem>>, vector<16xi32>,
    %get3A_542 = vector.shape_cast %get3A_541 : vector<16xi32> to vector<16xi32>
    %add3A_543 = arith.constant -3072 : i32
    %add3A_544 = vector.broadcast %add3A_543 : i32 to vector<16xi32>
    %add3A_545 = arith.addi %get3A_542, %add3A_544 : vector<16xi32>
    %swap3A_546 = arith.constant 48 : index
    %swap3A_547 = tpu.vector_load %arg5[%swap3A_546] {strides = array<i32>} : memref<384xi32, #tpu.memory_space<vmem>>, vector<16xi32>,
    %swap3A_548 = vector.shape_cast %swap3A_547 : vector<16xi32> to vector<16xi32>
    %swap3A_549 = vector.shape_cast %add3A_545 : vector<16xi32> to vector<16xi32>
    tpu.vector_store %arg5[%swap3A_546], %swap3A_549 {strides = array<i32>} : memref<384xi32, #tpu.memory_space<vmem>>, vector<16xi32>,
    %get3A_550 = arith.constant 64 : index
    %get3A_551 = tpu.vector_load %arg5[%get3A_550] {strides = array<i32>} : memref<384xi32, #tpu.memory_space<vmem>>, vector<16xi32>,
    %get3A_552 = vector.shape_cast %get3A_551 : vector<16xi32> to vector<16xi32>
    %add3A_553 = arith.constant -3072 : i32
    %add3A_554 = vector.broadcast %add3A_553 : i32 to vector<16xi32>
    %add3A_555 = arith.addi %get3A_552, %add3A_554 : vector<16xi32>
    %swap3A_556 = arith.constant 64 : index
    %swap3A_557 = tpu.vector_load %arg5[%swap3A_556] {strides = array<i32>} : memref<384xi32, #tpu.memory_space<vmem>>, vector<16xi32>,
    %swap3A_558 = vector.shape_cast %swap3A_557 : vector<16xi32> to vector<16xi32>
    %swap3A_559 = vector.shape_cast %add3A_555 : vector<16xi32> to vector<16xi32>
    tpu.vector_store %arg5[%swap3A_556], %swap3A_559 {strides = array<i32>} : memref<384xi32, #tpu.memory_space<vmem>>, vector<16xi32>,
    %get3A_560 = arith.constant 80 : index
    %get3A_561 = tpu.vector_load %arg5[%get3A_560] {strides = array<i32>} : memref<384xi32, #tpu.memory_space<vmem>>, vector<16xi32>,
    %get3A_562 = vector.shape_cast %get3A_561 : vector<16xi32> to vector<16xi32>
    %add3A_563 = arith.constant -3072 : i32
    %add3A_564 = vector.broadcast %add3A_563 : i32 to vector<16xi32>
    %add3A_565 = arith.addi %get3A_562, %add3A_564 : vector<16xi32>
    %swap3A_566 = arith.constant 80 : index
    %swap3A_567 = tpu.vector_load %arg5[%swap3A_566] {strides = array<i32>} : memref<384xi32, #tpu.memory_space<vmem>>, vector<16xi32>,
    %swap3A_568 = vector.shape_cast %swap3A_567 : vector<16xi32> to vector<16xi32>
    %swap3A_569 = vector.shape_cast %add3A_565 : vector<16xi32> to vector<16xi32>
    tpu.vector_store %arg5[%swap3A_566], %swap3A_569 {strides = array<i32>} : memref<384xi32, #tpu.memory_space<vmem>>, vector<16xi32>,
    %get3A_570 = arith.constant 96 : index
    %get3A_571 = tpu.vector_load %arg5[%get3A_570] {strides = array<i32>} : memref<384xi32, #tpu.memory_space<vmem>>, vector<16xi32>,
    %get3A_572 = vector.shape_cast %get3A_571 : vector<16xi32> to vector<16xi32>
    %add3A_573 = arith.constant -3072 : i32
    %add3A_574 = vector.broadcast %add3A_573 : i32 to vector<16xi32>
    %add3A_575 = arith.addi %get3A_572, %add3A_574 : vector<16xi32>
    %swap3A_576 = arith.constant 96 : index
    %swap3A_577 = tpu.vector_load %arg5[%swap3A_576] {strides = array<i32>} : memref<384xi32, #tpu.memory_space<vmem>>, vector<16xi32>,
    %swap3A_578 = vector.shape_cast %swap3A_577 : vector<16xi32> to vector<16xi32>
    %swap3A_579 = vector.shape_cast %add3A_575 : vector<16xi32> to vector<16xi32>
    tpu.vector_store %arg5[%swap3A_576], %swap3A_579 {strides = array<i32>} : memref<384xi32, #tpu.memory_space<vmem>>, vector<16xi32>,
    %get3A_580 = arith.constant 112 : index
    %get3A_581 = tpu.vector_load %arg5[%get3A_580] {strides = array<i32>} : memref<384xi32, #tpu.memory_space<vmem>>, vector<16xi32>,
    %get3A_582 = vector.shape_cast %get3A_581 : vector<16xi32> to vector<16xi32>
    %add3A_583 = arith.constant -3072 : i32
    %add3A_584 = vector.broadcast %add3A_583 : i32 to vector<16xi32>
    %add3A_585 = arith.addi %get3A_582, %add3A_584 : vector<16xi32>
    %swap3A_586 = arith.constant 112 : index
    %swap3A_587 = tpu.vector_load %arg5[%swap3A_586] {strides = array<i32>} : memref<384xi32, #tpu.memory_space<vmem>>, vector<16xi32>,
    %swap3A_588 = vector.shape_cast %swap3A_587 : vector<16xi32> to vector<16xi32>
    %swap3A_589 = vector.shape_cast %add3A_585 : vector<16xi32> to vector<16xi32>
    tpu.vector_store %arg5[%swap3A_586], %swap3A_589 {strides = array<i32>} : memref<384xi32, #tpu.memory_space<vmem>>, vector<16xi32>,
    %get3A_590 = arith.constant 128 : index
    %get3A_591 = tpu.vector_load %arg5[%get3A_590] {strides = array<i32>} : memref<384xi32, #tpu.memory_space<vmem>>, vector<16xi32>,
    %get3A_592 = vector.shape_cast %get3A_591 : vector<16xi32> to vector<16xi32>
    %add3A_593 = arith.constant -3072 : i32
    %add3A_594 = vector.broadcast %add3A_593 : i32 to vector<16xi32>
    %add3A_595 = arith.addi %get3A_592, %add3A_594 : vector<16xi32>
    %swap3A_596 = arith.constant 128 : index
    %swap3A_597 = tpu.vector_load %arg5[%swap3A_596] {strides = array<i32>} : memref<384xi32, #tpu.memory_space<vmem>>, vector<16xi32>,
    %swap3A_598 = vector.shape_cast %swap3A_597 : vector<16xi32> to vector<16xi32>
    %swap3A_599 = vector.shape_cast %add3A_595 : vector<16xi32> to vector<16xi32>
    tpu.vector_store %arg5[%swap3A_596], %swap3A_599 {strides = array<i32>} : memref<384xi32, #tpu.memory_space<vmem>>, vector<16xi32>,
    %get3A_600 = arith.constant 144 : index
    %get3A_601 = tpu.vector_load %arg5[%get3A_600] {strides = array<i32>} : memref<384xi32, #tpu.memory_space<vmem>>, vector<16xi32>,
    %get3A_602 = vector.shape_cast %get3A_601 : vector<16xi32> to vector<16xi32>
    %add3A_603 = arith.constant -3072 : i32
    %add3A_604 = vector.broadcast %add3A_603 : i32 to vector<16xi32>
    %add3A_605 = arith.addi %get3A_602, %add3A_604 : vector<16xi32>
    %swap3A_606 = arith.constant 144 : index
    %swap3A_607 = tpu.vector_load %arg5[%swap3A_606] {strides = array<i32>} : memref<384xi32, #tpu.memory_space<vmem>>, vector<16xi32>,
    %swap3A_608 = vector.shape_cast %swap3A_607 : vector<16xi32> to vector<16xi32>
    %swap3A_609 = vector.shape_cast %add3A_605 : vector<16xi32> to vector<16xi32>
    tpu.vector_store %arg5[%swap3A_606], %swap3A_609 {strides = array<i32>} : memref<384xi32, #tpu.memory_space<vmem>>, vector<16xi32>,
    %get3A_610 = arith.constant 160 : index
    %get3A_611 = tpu.vector_load %arg5[%get3A_610] {strides = array<i32>} : memref<384xi32, #tpu.memory_space<vmem>>, vector<16xi32>,
    %get3A_612 = vector.shape_cast %get3A_611 : vector<16xi32> to vector<16xi32>
    %add3A_613 = arith.constant -3072 : i32
    %add3A_614 = vector.broadcast %add3A_613 : i32 to vector<16xi32>
    %add3A_615 = arith.addi %get3A_612, %add3A_614 : vector<16xi32>
    %swap3A_616 = arith.constant 160 : index
    %swap3A_617 = tpu.vector_load %arg5[%swap3A_616] {strides = array<i32>} : memref<384xi32, #tpu.memory_space<vmem>>, vector<16xi32>,
    %swap3A_618 = vector.shape_cast %swap3A_617 : vector<16xi32> to vector<16xi32>
    %swap3A_619 = vector.shape_cast %add3A_615 : vector<16xi32> to vector<16xi32>
    tpu.vector_store %arg5[%swap3A_616], %swap3A_619 {strides = array<i32>} : memref<384xi32, #tpu.memory_space<vmem>>, vector<16xi32>,
    %get3A_620 = arith.constant 176 : index
    %get3A_621 = tpu.vector_load %arg5[%get3A_620] {strides = array<i32>} : memref<384xi32, #tpu.memory_space<vmem>>, vector<16xi32>,
    %get3A_622 = vector.shape_cast %get3A_621 : vector<16xi32> to vector<16xi32>
    %add3A_623 = arith.constant -3072 : i32
    %add3A_624 = vector.broadcast %add3A_623 : i32 to vector<16xi32>
    %add3A_625 = arith.addi %get3A_622, %add3A_624 : vector<16xi32>
    %swap3A_626 = arith.constant 176 : index
    %swap3A_627 = tpu.vector_load %arg5[%swap3A_626] {strides = array<i32>} : memref<384xi32, #tpu.memory_space<vmem>>, vector<16xi32>,
    %swap3A_628 = vector.shape_cast %swap3A_627 : vector<16xi32> to vector<16xi32>
    %swap3A_629 = vector.shape_cast %add3A_625 : vector<16xi32> to vector<16xi32>
    tpu.vector_store %arg5[%swap3A_626], %swap3A_629 {strides = array<i32>} : memref<384xi32, #tpu.memory_space<vmem>>, vector<16xi32>,
    %get3A_630 = arith.constant 192 : index
    %get3A_631 = tpu.vector_load %arg5[%get3A_630] {strides = array<i32>} : memref<384xi32, #tpu.memory_space<vmem>>, vector<16xi32>,
    %get3A_632 = vector.shape_cast %get3A_631 : vector<16xi32> to vector<16xi32>
    %add3A_633 = arith.constant -3072 : i32
    %add3A_634 = vector.broadcast %add3A_633 : i32 to vector<16xi32>
    %add3A_635 = arith.addi %get3A_632, %add3A_634 : vector<16xi32>
    %swap3A_636 = arith.constant 192 : index
    %swap3A_637 = tpu.vector_load %arg5[%swap3A_636] {strides = array<i32>} : memref<384xi32, #tpu.memory_space<vmem>>, vector<16xi32>,
    %swap3A_638 = vector.shape_cast %swap3A_637 : vector<16xi32> to vector<16xi32>
    %swap3A_639 = vector.shape_cast %add3A_635 : vector<16xi32> to vector<16xi32>
    tpu.vector_store %arg5[%swap3A_636], %swap3A_639 {strides = array<i32>} : memref<384xi32, #tpu.memory_space<vmem>>, vector<16xi32>,
    %get3A_640 = arith.constant 208 : index
    %get3A_641 = tpu.vector_load %arg5[%get3A_640] {strides = array<i32>} : memref<384xi32, #tpu.memory_space<vmem>>, vector<16xi32>,
    %get3A_642 = vector.shape_cast %get3A_641 : vector<16xi32> to vector<16xi32>
    %add3A_643 = arith.constant -3072 : i32
    %add3A_644 = vector.broadcast %add3A_643 : i32 to vector<16xi32>
    %add3A_645 = arith.addi %get3A_642, %add3A_644 : vector<16xi32>
    %swap3A_646 = arith.constant 208 : index
    %swap3A_647 = tpu.vector_load %arg5[%swap3A_646] {strides = array<i32>} : memref<384xi32, #tpu.memory_space<vmem>>, vector<16xi32>,
    %swap3A_648 = vector.shape_cast %swap3A_647 : vector<16xi32> to vector<16xi32>
    %swap3A_649 = vector.shape_cast %add3A_645 : vector<16xi32> to vector<16xi32>
    tpu.vector_store %arg5[%swap3A_646], %swap3A_649 {strides = array<i32>} : memref<384xi32, #tpu.memory_space<vmem>>, vector<16xi32>,
    %get3A_650 = arith.constant 224 : index
    %get3A_651 = tpu.vector_load %arg5[%get3A_650] {strides = array<i32>} : memref<384xi32, #tpu.memory_space<vmem>>, vector<16xi32>,
    %get3A_652 = vector.shape_cast %get3A_651 : vector<16xi32> to vector<16xi32>
    %add3A_653 = arith.constant -3072 : i32
    %add3A_654 = vector.broadcast %add3A_653 : i32 to vector<16xi32>
    %add3A_655 = arith.addi %get3A_652, %add3A_654 : vector<16xi32>
    %swap3A_656 = arith.constant 224 : index
    %swap3A_657 = tpu.vector_load %arg5[%swap3A_656] {strides = array<i32>} : memref<384xi32, #tpu.memory_space<vmem>>, vector<16xi32>,
    %swap3A_658 = vector.shape_cast %swap3A_657 : vector<16xi32> to vector<16xi32>
    %swap3A_659 = vector.shape_cast %add3A_655 : vector<16xi32> to vector<16xi32>
    tpu.vector_store %arg5[%swap3A_656], %swap3A_659 {strides = array<i32>} : memref<384xi32, #tpu.memory_space<vmem>>, vector<16xi32>,
    %get3A_660 = arith.constant 240 : index
    %get3A_661 = tpu.vector_load %arg5[%get3A_660] {strides = array<i32>} : memref<384xi32, #tpu.memory_space<vmem>>, vector<16xi32>,
    %get3A_662 = vector.shape_cast %get3A_661 : vector<16xi32> to vector<16xi32>
    %add3A_663 = arith.constant -3072 : i32
    %add3A_664 = vector.broadcast %add3A_663 : i32 to vector<16xi32>
    %add3A_665 = arith.addi %get3A_662, %add3A_664 : vector<16xi32>
    %swap3A_666 = arith.constant 240 : index
    %swap3A_667 = tpu.vector_load %arg5[%swap3A_666] {strides = array<i32>} : memref<384xi32, #tpu.memory_space<vmem>>, vector<16xi32>,
    %swap3A_668 = vector.shape_cast %swap3A_667 : vector<16xi32> to vector<16xi32>
    %swap3A_669 = vector.shape_cast %add3A_665 : vector<16xi32> to vector<16xi32>
    tpu.vector_store %arg5[%swap3A_666], %swap3A_669 {strides = array<i32>} : memref<384xi32, #tpu.memory_space<vmem>>, vector<16xi32>,
    %get3A_670 = arith.constant 256 : index
    %get3A_671 = tpu.vector_load %arg5[%get3A_670] {strides = array<i32>} : memref<384xi32, #tpu.memory_space<vmem>>, vector<16xi32>,
    %get3A_672 = vector.shape_cast %get3A_671 : vector<16xi32> to vector<16xi32>
    %add3A_673 = arith.constant -3072 : i32
    %add3A_674 = vector.broadcast %add3A_673 : i32 to vector<16xi32>
    %add3A_675 = arith.addi %get3A_672, %add3A_674 : vector<16xi32>
    %swap3A_676 = arith.constant 256 : index
    %swap3A_677 = tpu.vector_load %arg5[%swap3A_676] {strides = array<i32>} : memref<384xi32, #tpu.memory_space<vmem>>, vector<16xi32>,
    %swap3A_678 = vector.shape_cast %swap3A_677 : vector<16xi32> to vector<16xi32>
    %swap3A_679 = vector.shape_cast %add3A_675 : vector<16xi32> to vector<16xi32>
    tpu.vector_store %arg5[%swap3A_676], %swap3A_679 {strides = array<i32>} : memref<384xi32, #tpu.memory_space<vmem>>, vector<16xi32>,
    %get3A_680 = arith.constant 272 : index
    %get3A_681 = tpu.vector_load %arg5[%get3A_680] {strides = array<i32>} : memref<384xi32, #tpu.memory_space<vmem>>, vector<16xi32>,
    %get3A_682 = vector.shape_cast %get3A_681 : vector<16xi32> to vector<16xi32>
    %add3A_683 = arith.constant -3072 : i32
    %add3A_684 = vector.broadcast %add3A_683 : i32 to vector<16xi32>
    %add3A_685 = arith.addi %get3A_682, %add3A_684 : vector<16xi32>
    %swap3A_686 = arith.constant 272 : index
    %swap3A_687 = tpu.vector_load %arg5[%swap3A_686] {strides = array<i32>} : memref<384xi32, #tpu.memory_space<vmem>>, vector<16xi32>,
    %swap3A_688 = vector.shape_cast %swap3A_687 : vector<16xi32> to vector<16xi32>
    %swap3A_689 = vector.shape_cast %add3A_685 : vector<16xi32> to vector<16xi32>
    tpu.vector_store %arg5[%swap3A_686], %swap3A_689 {strides = array<i32>} : memref<384xi32, #tpu.memory_space<vmem>>, vector<16xi32>,
    %get3A_690 = arith.constant 288 : index
    %get3A_691 = tpu.vector_load %arg5[%get3A_690] {strides = array<i32>} : memref<384xi32, #tpu.memory_space<vmem>>, vector<16xi32>,
    %get3A_692 = vector.shape_cast %get3A_691 : vector<16xi32> to vector<16xi32>
    %add3A_693 = arith.constant -3072 : i32
    %add3A_694 = vector.broadcast %add3A_693 : i32 to vector<16xi32>
    %add3A_695 = arith.addi %get3A_692, %add3A_694 : vector<16xi32>
    %swap3A_696 = arith.constant 288 : index
    %swap3A_697 = tpu.vector_load %arg5[%swap3A_696] {strides = array<i32>} : memref<384xi32, #tpu.memory_space<vmem>>, vector<16xi32>,
    %swap3A_698 = vector.shape_cast %swap3A_697 : vector<16xi32> to vector<16xi32>
    %swap3A_699 = vector.shape_cast %add3A_695 : vector<16xi32> to vector<16xi32>
    tpu.vector_store %arg5[%swap3A_696], %swap3A_699 {strides = array<i32>} : memref<384xi32, #tpu.memory_space<vmem>>, vector<16xi32>,
    %get3A_700 = arith.constant 304 : index
    %get3A_701 = tpu.vector_load %arg5[%get3A_700] {strides = array<i32>} : memref<384xi32, #tpu.memory_space<vmem>>, vector<16xi32>,
    %get3A_702 = vector.shape_cast %get3A_701 : vector<16xi32> to vector<16xi32>
    %add3A_703 = arith.constant -3072 : i32
    %add3A_704 = vector.broadcast %add3A_703 : i32 to vector<16xi32>
    %add3A_705 = arith.addi %get3A_702, %add3A_704 : vector<16xi32>
    %swap3A_706 = arith.constant 304 : index
    %swap3A_707 = tpu.vector_load %arg5[%swap3A_706] {strides = array<i32>} : memref<384xi32, #tpu.memory_space<vmem>>, vector<16xi32>,
    %swap3A_708 = vector.shape_cast %swap3A_707 : vector<16xi32> to vector<16xi32>
    %swap3A_709 = vector.shape_cast %add3A_705 : vector<16xi32> to vector<16xi32>
    tpu.vector_store %arg5[%swap3A_706], %swap3A_709 {strides = array<i32>} : memref<384xi32, #tpu.memory_space<vmem>>, vector<16xi32>,
    %get3A_710 = arith.constant 320 : index
    %get3A_711 = tpu.vector_load %arg5[%get3A_710] {strides = array<i32>} : memref<384xi32, #tpu.memory_space<vmem>>, vector<16xi32>,
    %get3A_712 = vector.shape_cast %get3A_711 : vector<16xi32> to vector<16xi32>
    %add3A_713 = arith.constant -3072 : i32
    %add3A_714 = vector.broadcast %add3A_713 : i32 to vector<16xi32>
    %add3A_715 = arith.addi %get3A_712, %add3A_714 : vector<16xi32>
    %swap3A_716 = arith.constant 320 : index
    %swap3A_717 = tpu.vector_load %arg5[%swap3A_716] {strides = array<i32>} : memref<384xi32, #tpu.memory_space<vmem>>, vector<16xi32>,
    %swap3A_718 = vector.shape_cast %swap3A_717 : vector<16xi32> to vector<16xi32>
    %swap3A_719 = vector.shape_cast %add3A_715 : vector<16xi32> to vector<16xi32>
    tpu.vector_store %arg5[%swap3A_716], %swap3A_719 {strides = array<i32>} : memref<384xi32, #tpu.memory_space<vmem>>, vector<16xi32>,
    %get3A_720 = arith.constant 336 : index
    %get3A_721 = tpu.vector_load %arg5[%get3A_720] {strides = array<i32>} : memref<384xi32, #tpu.memory_space<vmem>>, vector<16xi32>,
    %get3A_722 = vector.shape_cast %get3A_721 : vector<16xi32> to vector<16xi32>
    %add3A_723 = arith.constant -3072 : i32
    %add3A_724 = vector.broadcast %add3A_723 : i32 to vector<16xi32>
    %add3A_725 = arith.addi %get3A_722, %add3A_724 : vector<16xi32>
    %swap3A_726 = arith.constant 336 : index
    %swap3A_727 = tpu.vector_load %arg5[%swap3A_726] {strides = array<i32>} : memref<384xi32, #tpu.memory_space<vmem>>, vector<16xi32>,
    %swap3A_728 = vector.shape_cast %swap3A_727 : vector<16xi32> to vector<16xi32>
    %swap3A_729 = vector.shape_cast %add3A_725 : vector<16xi32> to vector<16xi32>
    tpu.vector_store %arg5[%swap3A_726], %swap3A_729 {strides = array<i32>} : memref<384xi32, #tpu.memory_space<vmem>>, vector<16xi32>,
    %get3A_730 = arith.constant 352 : index
    %get3A_731 = tpu.vector_load %arg5[%get3A_730] {strides = array<i32>} : memref<384xi32, #tpu.memory_space<vmem>>, vector<16xi32>,
    %get3A_732 = vector.shape_cast %get3A_731 : vector<16xi32> to vector<16xi32>
    %add3A_733 = arith.constant -3072 : i32
    %add3A_734 = vector.broadcast %add3A_733 : i32 to vector<16xi32>
    %add3A_735 = arith.addi %get3A_732, %add3A_734 : vector<16xi32>
    %swap3A_736 = arith.constant 352 : index
    %swap3A_737 = tpu.vector_load %arg5[%swap3A_736] {strides = array<i32>} : memref<384xi32, #tpu.memory_space<vmem>>, vector<16xi32>,
    %swap3A_738 = vector.shape_cast %swap3A_737 : vector<16xi32> to vector<16xi32>
    %swap3A_739 = vector.shape_cast %add3A_735 : vector<16xi32> to vector<16xi32>
    tpu.vector_store %arg5[%swap3A_736], %swap3A_739 {strides = array<i32>} : memref<384xi32, #tpu.memory_space<vmem>>, vector<16xi32>,
    %get3A_740 = arith.constant 368 : index
    %get3A_741 = tpu.vector_load %arg5[%get3A_740] {strides = array<i32>} : memref<384xi32, #tpu.memory_space<vmem>>, vector<16xi32>,
    %get3A_742 = vector.shape_cast %get3A_741 : vector<16xi32> to vector<16xi32>
    %add3A_743 = arith.constant -3072 : i32
    %add3A_744 = vector.broadcast %add3A_743 : i32 to vector<16xi32>
    %add3A_745 = arith.addi %get3A_742, %add3A_744 : vector<16xi32>
    %swap3A_746 = arith.constant 368 : index
    %swap3A_747 = tpu.vector_load %arg5[%swap3A_746] {strides = array<i32>} : memref<384xi32, #tpu.memory_space<vmem>>, vector<16xi32>,
    %swap3A_748 = vector.shape_cast %swap3A_747 : vector<16xi32> to vector<16xi32>
    %swap3A_749 = vector.shape_cast %add3A_745 : vector<16xi32> to vector<16xi32>
    tpu.vector_store %arg5[%swap3A_746], %swap3A_749 {strides = array<i32>} : memref<384xi32, #tpu.memory_space<vmem>>, vector<16xi32>,
    %dma_wait3A_750 = arith.constant 0 : i32
    %dma_wait3A_751 = arith.constant 0 : i32
    %dma_wait3A_752 = tpu.memref_slice %arg2[%dma_wait3A_750, %dma_wait3A_751] : memref<3072x128xf32, #tpu.memory_space<hbm>> -> memref<3072x128xf32, #tpu.memory_space<hbm>>
    tpu.wait_indirect_dma semaphore(%arg9 : memref<!tpu.dma_semaphore, #tpu.memory_space<semaphore_mem>>) src(%dma_wait3A_752 : memref<3072x128xf32, #tpu.memory_space<hbm>>) dst(%arg8 : memref<384x128xf32, #tpu.memory_space<vmem>>)
    %dma_wait3A_753 = arith.constant 0 : i32
    %dma_wait3A_754 = arith.constant 0 : i32
    %dma_wait3A_755 = tpu.memref_slice %arg7[%dma_wait3A_753, %dma_wait3A_754] : memref<384x128xf32, #tpu.memory_space<vmem>> -> memref<384x128xf32, #tpu.memory_space<vmem>>
    %dma_wait3A_756 = arith.constant 0 : i32
    %dma_wait3A_757 = tpu.memref_slice %arg4[%add3A_495, %dma_wait3A_756] : memref<49152x128xf32, #tpu.memory_space<hbm>> -> memref<384x128xf32, #tpu.memory_space<hbm>>
    %dma_wait3A_758 = arith.constant 0 : i32
    %dma_wait3A_759 = tpu.memref_slice %arg4[%add3A_495, %dma_wait3A_758] : memref<49152x128xf32, #tpu.memory_space<hbm>> -> memref<384x128xf32, #tpu.memory_space<hbm>>
    %dma_wait3A_760 = arith.constant 0 : i32
    %dma_wait3A_761 = arith.constant 0 : i32
    %dma_wait3A_762 = tpu.memref_slice %arg7[%dma_wait3A_760, %dma_wait3A_761] : memref<384x128xf32, #tpu.memory_space<vmem>> -> memref<384x128xf32, #tpu.memory_space<vmem>>
    tpu.wait_dma2 semaphore(%arg10 : memref<!tpu.dma_semaphore, #tpu.memory_space<semaphore_mem>>) src(%dma_wait3A_762 : memref<384x128xf32, #tpu.memory_space<vmem>>) dst(%dma_wait3A_759 : memref<384x128xf32, #tpu.memory_space<hbm>>)
    %dma_start3A_763 = arith.constant 0 : i32
    %dma_start3A_764 = arith.constant 0 : i32
    %dma_start3A_765 = tpu.memref_slice %arg2[%dma_start3A_763, %dma_start3A_764] : memref<3072x128xf32, #tpu.memory_space<hbm>> -> memref<3072x128xf32, #tpu.memory_space<hbm>>
    tpu.enqueue_indirect_dma source(%dma_start3A_765 : memref<3072x128xf32, #tpu.memory_space<hbm>>) target(%arg7 : memref<384x128xf32, #tpu.memory_space<vmem>>) offsets(%arg5 : memref<384xi32, #tpu.memory_space<vmem>>) semaphore(%arg9 : memref<!tpu.dma_semaphore, #tpu.memory_space<semaphore_mem>>)
    %add3A_766 = arith.constant 384 : i32
    %add3A_767 = arith.addi %mul3A_2, %add3A_766 : i32
    %dma_start3A_768 = arith.constant 0 : i32
    %dma_start3A_769 = arith.constant 0 : i32
    %dma_start3A_770 = tpu.memref_slice %arg8[%dma_start3A_768, %dma_start3A_769] : memref<384x128xf32, #tpu.memory_space<vmem>> -> memref<384x128xf32, #tpu.memory_space<vmem>>
    %dma_start3A_771 = arith.constant 0 : i32
    %dma_start3A_772 = tpu.memref_slice %arg4[%add3A_767, %dma_start3A_771] : memref<49152x128xf32, #tpu.memory_space<hbm>> -> memref<384x128xf32, #tpu.memory_space<hbm>>
    %dma_start3A_773 = arith.constant 0 : i32
    %dma_start3A_774 = tpu.memref_slice %arg4[%add3A_767, %dma_start3A_773] : memref<49152x128xf32, #tpu.memory_space<hbm>> -> memref<384x128xf32, #tpu.memory_space<hbm>>
    %dma_start3A_775 = arith.constant 0 : i32
    %dma_start3A_776 = arith.constant 0 : i32
    %dma_start3A_777 = tpu.memref_slice %arg8[%dma_start3A_775, %dma_start3A_776] : memref<384x128xf32, #tpu.memory_space<vmem>> -> memref<384x128xf32, #tpu.memory_space<vmem>>
    tpu.enqueue_dma source(%dma_start3A_777 : memref<384x128xf32, #tpu.memory_space<vmem>>) target(%dma_start3A_774 : memref<384x128xf32, #tpu.memory_space<hbm>>) target_semaphore(%arg10 : memref<!tpu.dma_semaphore, #tpu.memory_space<semaphore_mem>>)
    %add3A_778 = arith.constant 1152 : i32
    %add3A_779 = arith.addi %mul3A_2, %add3A_778 : i32
    %add3A_780 = arith.constant 49152 : i32
    %add3A_781 = arith.addi %add3A_780, %add3A_779 : i32
    "tpu.region"() ({
      %run_scoped3A = tpu.sem_alloc : memref<!tpu.dma_semaphore, #tpu.memory_space<semaphore_mem>>
      %dma_start3A_1085 = tpu.memref_slice %arg3[%add3A_781] : memref<98304xi32, #tpu.memory_space<hbm>> -> memref<384xi32, #tpu.memory_space<hbm>>
      %dma_start3A_1086 = tpu.memref_slice %arg3[%add3A_781] : memref<98304xi32, #tpu.memory_space<hbm>> -> memref<384xi32, #tpu.memory_space<hbm>>
      tpu.enqueue_dma source(%dma_start3A_1086 : memref<384xi32, #tpu.memory_space<hbm>>) target(%arg6 : memref<384xi32, #tpu.memory_space<vmem>>) target_semaphore(%run_scoped3A : memref<!tpu.dma_semaphore, #tpu.memory_space<semaphore_mem>>)
      %dma_wait3A_1087 = tpu.memref_slice %arg3[%add3A_781] : memref<98304xi32, #tpu.memory_space<hbm>> -> memref<384xi32, #tpu.memory_space<hbm>>
      %dma_wait3A_1088 = tpu.memref_slice %arg3[%add3A_781] : memref<98304xi32, #tpu.memory_space<hbm>> -> memref<384xi32, #tpu.memory_space<hbm>>
      tpu.wait_dma2 semaphore(%run_scoped3A : memref<!tpu.dma_semaphore, #tpu.memory_space<semaphore_mem>>) src(%dma_wait3A_1088 : memref<384xi32, #tpu.memory_space<hbm>>) dst(%arg6 : memref<384xi32, #tpu.memory_space<vmem>>)
      tpu.yield
    }) : () -> ()
    %get3A_782 = arith.constant 0 : index
    %get3A_783 = tpu.vector_load %arg6[%get3A_782] {strides = array<i32>} : memref<384xi32, #tpu.memory_space<vmem>>, vector<16xi32>,
    %get3A_784 = vector.shape_cast %get3A_783 : vector<16xi32> to vector<16xi32>
    %add3A_785 = arith.constant -3072 : i32
    %add3A_786 = vector.broadcast %add3A_785 : i32 to vector<16xi32>
    %add3A_787 = arith.addi %get3A_784, %add3A_786 : vector<16xi32>
    %swap3A_788 = arith.constant 0 : index
    %swap3A_789 = tpu.vector_load %arg6[%swap3A_788] {strides = array<i32>} : memref<384xi32, #tpu.memory_space<vmem>>, vector<16xi32>,
    %swap3A_790 = vector.shape_cast %swap3A_789 : vector<16xi32> to vector<16xi32>
    %swap3A_791 = vector.shape_cast %add3A_787 : vector<16xi32> to vector<16xi32>
    tpu.vector_store %arg6[%swap3A_788], %swap3A_791 {strides = array<i32>} : memref<384xi32, #tpu.memory_space<vmem>>, vector<16xi32>,
    %get3A_792 = arith.constant 16 : index
    %get3A_793 = tpu.vector_load %arg6[%get3A_792] {strides = array<i32>} : memref<384xi32, #tpu.memory_space<vmem>>, vector<16xi32>,
    %get3A_794 = vector.shape_cast %get3A_793 : vector<16xi32> to vector<16xi32>
    %add3A_795 = arith.constant -3072 : i32
    %add3A_796 = vector.broadcast %add3A_795 : i32 to vector<16xi32>
    %add3A_797 = arith.addi %get3A_794, %add3A_796 : vector<16xi32>
    %swap3A_798 = arith.constant 16 : index
    %swap3A_799 = tpu.vector_load %arg6[%swap3A_798] {strides = array<i32>} : memref<384xi32, #tpu.memory_space<vmem>>, vector<16xi32>,
    %swap3A_800 = vector.shape_cast %swap3A_799 : vector<16xi32> to vector<16xi32>
    %swap3A_801 = vector.shape_cast %add3A_797 : vector<16xi32> to vector<16xi32>
    tpu.vector_store %arg6[%swap3A_798], %swap3A_801 {strides = array<i32>} : memref<384xi32, #tpu.memory_space<vmem>>, vector<16xi32>,
    %get3A_802 = arith.constant 32 : index
    %get3A_803 = tpu.vector_load %arg6[%get3A_802] {strides = array<i32>} : memref<384xi32, #tpu.memory_space<vmem>>, vector<16xi32>,
    %get3A_804 = vector.shape_cast %get3A_803 : vector<16xi32> to vector<16xi32>
    %add3A_805 = arith.constant -3072 : i32
    %add3A_806 = vector.broadcast %add3A_805 : i32 to vector<16xi32>
    %add3A_807 = arith.addi %get3A_804, %add3A_806 : vector<16xi32>
    %swap3A_808 = arith.constant 32 : index
    %swap3A_809 = tpu.vector_load %arg6[%swap3A_808] {strides = array<i32>} : memref<384xi32, #tpu.memory_space<vmem>>, vector<16xi32>,
    %swap3A_810 = vector.shape_cast %swap3A_809 : vector<16xi32> to vector<16xi32>
    %swap3A_811 = vector.shape_cast %add3A_807 : vector<16xi32> to vector<16xi32>
    tpu.vector_store %arg6[%swap3A_808], %swap3A_811 {strides = array<i32>} : memref<384xi32, #tpu.memory_space<vmem>>, vector<16xi32>,
    %get3A_812 = arith.constant 48 : index
    %get3A_813 = tpu.vector_load %arg6[%get3A_812] {strides = array<i32>} : memref<384xi32, #tpu.memory_space<vmem>>, vector<16xi32>,
    %get3A_814 = vector.shape_cast %get3A_813 : vector<16xi32> to vector<16xi32>
    %add3A_815 = arith.constant -3072 : i32
    %add3A_816 = vector.broadcast %add3A_815 : i32 to vector<16xi32>
    %add3A_817 = arith.addi %get3A_814, %add3A_816 : vector<16xi32>
    %swap3A_818 = arith.constant 48 : index
    %swap3A_819 = tpu.vector_load %arg6[%swap3A_818] {strides = array<i32>} : memref<384xi32, #tpu.memory_space<vmem>>, vector<16xi32>,
    %swap3A_820 = vector.shape_cast %swap3A_819 : vector<16xi32> to vector<16xi32>
    %swap3A_821 = vector.shape_cast %add3A_817 : vector<16xi32> to vector<16xi32>
    tpu.vector_store %arg6[%swap3A_818], %swap3A_821 {strides = array<i32>} : memref<384xi32, #tpu.memory_space<vmem>>, vector<16xi32>,
    %get3A_822 = arith.constant 64 : index
    %get3A_823 = tpu.vector_load %arg6[%get3A_822] {strides = array<i32>} : memref<384xi32, #tpu.memory_space<vmem>>, vector<16xi32>,
    %get3A_824 = vector.shape_cast %get3A_823 : vector<16xi32> to vector<16xi32>
    %add3A_825 = arith.constant -3072 : i32
    %add3A_826 = vector.broadcast %add3A_825 : i32 to vector<16xi32>
    %add3A_827 = arith.addi %get3A_824, %add3A_826 : vector<16xi32>
    %swap3A_828 = arith.constant 64 : index
    %swap3A_829 = tpu.vector_load %arg6[%swap3A_828] {strides = array<i32>} : memref<384xi32, #tpu.memory_space<vmem>>, vector<16xi32>,
    %swap3A_830 = vector.shape_cast %swap3A_829 : vector<16xi32> to vector<16xi32>
    %swap3A_831 = vector.shape_cast %add3A_827 : vector<16xi32> to vector<16xi32>
    tpu.vector_store %arg6[%swap3A_828], %swap3A_831 {strides = array<i32>} : memref<384xi32, #tpu.memory_space<vmem>>, vector<16xi32>,
    %get3A_832 = arith.constant 80 : index
    %get3A_833 = tpu.vector_load %arg6[%get3A_832] {strides = array<i32>} : memref<384xi32, #tpu.memory_space<vmem>>, vector<16xi32>,
    %get3A_834 = vector.shape_cast %get3A_833 : vector<16xi32> to vector<16xi32>
    %add3A_835 = arith.constant -3072 : i32
    %add3A_836 = vector.broadcast %add3A_835 : i32 to vector<16xi32>
    %add3A_837 = arith.addi %get3A_834, %add3A_836 : vector<16xi32>
    %swap3A_838 = arith.constant 80 : index
    %swap3A_839 = tpu.vector_load %arg6[%swap3A_838] {strides = array<i32>} : memref<384xi32, #tpu.memory_space<vmem>>, vector<16xi32>,
    %swap3A_840 = vector.shape_cast %swap3A_839 : vector<16xi32> to vector<16xi32>
    %swap3A_841 = vector.shape_cast %add3A_837 : vector<16xi32> to vector<16xi32>
    tpu.vector_store %arg6[%swap3A_838], %swap3A_841 {strides = array<i32>} : memref<384xi32, #tpu.memory_space<vmem>>, vector<16xi32>,
    %get3A_842 = arith.constant 96 : index
    %get3A_843 = tpu.vector_load %arg6[%get3A_842] {strides = array<i32>} : memref<384xi32, #tpu.memory_space<vmem>>, vector<16xi32>,
    %get3A_844 = vector.shape_cast %get3A_843 : vector<16xi32> to vector<16xi32>
    %add3A_845 = arith.constant -3072 : i32
    %add3A_846 = vector.broadcast %add3A_845 : i32 to vector<16xi32>
    %add3A_847 = arith.addi %get3A_844, %add3A_846 : vector<16xi32>
    %swap3A_848 = arith.constant 96 : index
    %swap3A_849 = tpu.vector_load %arg6[%swap3A_848] {strides = array<i32>} : memref<384xi32, #tpu.memory_space<vmem>>, vector<16xi32>,
    %swap3A_850 = vector.shape_cast %swap3A_849 : vector<16xi32> to vector<16xi32>
    %swap3A_851 = vector.shape_cast %add3A_847 : vector<16xi32> to vector<16xi32>
    tpu.vector_store %arg6[%swap3A_848], %swap3A_851 {strides = array<i32>} : memref<384xi32, #tpu.memory_space<vmem>>, vector<16xi32>,
    %get3A_852 = arith.constant 112 : index
    %get3A_853 = tpu.vector_load %arg6[%get3A_852] {strides = array<i32>} : memref<384xi32, #tpu.memory_space<vmem>>, vector<16xi32>,
    %get3A_854 = vector.shape_cast %get3A_853 : vector<16xi32> to vector<16xi32>
    %add3A_855 = arith.constant -3072 : i32
    %add3A_856 = vector.broadcast %add3A_855 : i32 to vector<16xi32>
    %add3A_857 = arith.addi %get3A_854, %add3A_856 : vector<16xi32>
    %swap3A_858 = arith.constant 112 : index
    %swap3A_859 = tpu.vector_load %arg6[%swap3A_858] {strides = array<i32>} : memref<384xi32, #tpu.memory_space<vmem>>, vector<16xi32>,
    %swap3A_860 = vector.shape_cast %swap3A_859 : vector<16xi32> to vector<16xi32>
    %swap3A_861 = vector.shape_cast %add3A_857 : vector<16xi32> to vector<16xi32>
    tpu.vector_store %arg6[%swap3A_858], %swap3A_861 {strides = array<i32>} : memref<384xi32, #tpu.memory_space<vmem>>, vector<16xi32>,
    %get3A_862 = arith.constant 128 : index
    %get3A_863 = tpu.vector_load %arg6[%get3A_862] {strides = array<i32>} : memref<384xi32, #tpu.memory_space<vmem>>, vector<16xi32>,
    %get3A_864 = vector.shape_cast %get3A_863 : vector<16xi32> to vector<16xi32>
    %add3A_865 = arith.constant -3072 : i32
    %add3A_866 = vector.broadcast %add3A_865 : i32 to vector<16xi32>
    %add3A_867 = arith.addi %get3A_864, %add3A_866 : vector<16xi32>
    %swap3A_868 = arith.constant 128 : index
    %swap3A_869 = tpu.vector_load %arg6[%swap3A_868] {strides = array<i32>} : memref<384xi32, #tpu.memory_space<vmem>>, vector<16xi32>,
    %swap3A_870 = vector.shape_cast %swap3A_869 : vector<16xi32> to vector<16xi32>
    %swap3A_871 = vector.shape_cast %add3A_867 : vector<16xi32> to vector<16xi32>
    tpu.vector_store %arg6[%swap3A_868], %swap3A_871 {strides = array<i32>} : memref<384xi32, #tpu.memory_space<vmem>>, vector<16xi32>,
    %get3A_872 = arith.constant 144 : index
    %get3A_873 = tpu.vector_load %arg6[%get3A_872] {strides = array<i32>} : memref<384xi32, #tpu.memory_space<vmem>>, vector<16xi32>,
    %get3A_874 = vector.shape_cast %get3A_873 : vector<16xi32> to vector<16xi32>
    %add3A_875 = arith.constant -3072 : i32
    %add3A_876 = vector.broadcast %add3A_875 : i32 to vector<16xi32>
    %add3A_877 = arith.addi %get3A_874, %add3A_876 : vector<16xi32>
    %swap3A_878 = arith.constant 144 : index
    %swap3A_879 = tpu.vector_load %arg6[%swap3A_878] {strides = array<i32>} : memref<384xi32, #tpu.memory_space<vmem>>, vector<16xi32>,
    %swap3A_880 = vector.shape_cast %swap3A_879 : vector<16xi32> to vector<16xi32>
    %swap3A_881 = vector.shape_cast %add3A_877 : vector<16xi32> to vector<16xi32>
    tpu.vector_store %arg6[%swap3A_878], %swap3A_881 {strides = array<i32>} : memref<384xi32, #tpu.memory_space<vmem>>, vector<16xi32>,
    %get3A_882 = arith.constant 160 : index
    %get3A_883 = tpu.vector_load %arg6[%get3A_882] {strides = array<i32>} : memref<384xi32, #tpu.memory_space<vmem>>, vector<16xi32>,
    %get3A_884 = vector.shape_cast %get3A_883 : vector<16xi32> to vector<16xi32>
    %add3A_885 = arith.constant -3072 : i32
    %add3A_886 = vector.broadcast %add3A_885 : i32 to vector<16xi32>
    %add3A_887 = arith.addi %get3A_884, %add3A_886 : vector<16xi32>
    %swap3A_888 = arith.constant 160 : index
    %swap3A_889 = tpu.vector_load %arg6[%swap3A_888] {strides = array<i32>} : memref<384xi32, #tpu.memory_space<vmem>>, vector<16xi32>,
    %swap3A_890 = vector.shape_cast %swap3A_889 : vector<16xi32> to vector<16xi32>
    %swap3A_891 = vector.shape_cast %add3A_887 : vector<16xi32> to vector<16xi32>
    tpu.vector_store %arg6[%swap3A_888], %swap3A_891 {strides = array<i32>} : memref<384xi32, #tpu.memory_space<vmem>>, vector<16xi32>,
    %get3A_892 = arith.constant 176 : index
    %get3A_893 = tpu.vector_load %arg6[%get3A_892] {strides = array<i32>} : memref<384xi32, #tpu.memory_space<vmem>>, vector<16xi32>,
    %get3A_894 = vector.shape_cast %get3A_893 : vector<16xi32> to vector<16xi32>
    %add3A_895 = arith.constant -3072 : i32
    %add3A_896 = vector.broadcast %add3A_895 : i32 to vector<16xi32>
    %add3A_897 = arith.addi %get3A_894, %add3A_896 : vector<16xi32>
    %swap3A_898 = arith.constant 176 : index
    %swap3A_899 = tpu.vector_load %arg6[%swap3A_898] {strides = array<i32>} : memref<384xi32, #tpu.memory_space<vmem>>, vector<16xi32>,
    %swap3A_900 = vector.shape_cast %swap3A_899 : vector<16xi32> to vector<16xi32>
    %swap3A_901 = vector.shape_cast %add3A_897 : vector<16xi32> to vector<16xi32>
    tpu.vector_store %arg6[%swap3A_898], %swap3A_901 {strides = array<i32>} : memref<384xi32, #tpu.memory_space<vmem>>, vector<16xi32>,
    %get3A_902 = arith.constant 192 : index
    %get3A_903 = tpu.vector_load %arg6[%get3A_902] {strides = array<i32>} : memref<384xi32, #tpu.memory_space<vmem>>, vector<16xi32>,
    %get3A_904 = vector.shape_cast %get3A_903 : vector<16xi32> to vector<16xi32>
    %add3A_905 = arith.constant -3072 : i32
    %add3A_906 = vector.broadcast %add3A_905 : i32 to vector<16xi32>
    %add3A_907 = arith.addi %get3A_904, %add3A_906 : vector<16xi32>
    %swap3A_908 = arith.constant 192 : index
    %swap3A_909 = tpu.vector_load %arg6[%swap3A_908] {strides = array<i32>} : memref<384xi32, #tpu.memory_space<vmem>>, vector<16xi32>,
    %swap3A_910 = vector.shape_cast %swap3A_909 : vector<16xi32> to vector<16xi32>
    %swap3A_911 = vector.shape_cast %add3A_907 : vector<16xi32> to vector<16xi32>
    tpu.vector_store %arg6[%swap3A_908], %swap3A_911 {strides = array<i32>} : memref<384xi32, #tpu.memory_space<vmem>>, vector<16xi32>,
    %get3A_912 = arith.constant 208 : index
    %get3A_913 = tpu.vector_load %arg6[%get3A_912] {strides = array<i32>} : memref<384xi32, #tpu.memory_space<vmem>>, vector<16xi32>,
    %get3A_914 = vector.shape_cast %get3A_913 : vector<16xi32> to vector<16xi32>
    %add3A_915 = arith.constant -3072 : i32
    %add3A_916 = vector.broadcast %add3A_915 : i32 to vector<16xi32>
    %add3A_917 = arith.addi %get3A_914, %add3A_916 : vector<16xi32>
    %swap3A_918 = arith.constant 208 : index
    %swap3A_919 = tpu.vector_load %arg6[%swap3A_918] {strides = array<i32>} : memref<384xi32, #tpu.memory_space<vmem>>, vector<16xi32>,
    %swap3A_920 = vector.shape_cast %swap3A_919 : vector<16xi32> to vector<16xi32>
    %swap3A_921 = vector.shape_cast %add3A_917 : vector<16xi32> to vector<16xi32>
    tpu.vector_store %arg6[%swap3A_918], %swap3A_921 {strides = array<i32>} : memref<384xi32, #tpu.memory_space<vmem>>, vector<16xi32>,
    %get3A_922 = arith.constant 224 : index
    %get3A_923 = tpu.vector_load %arg6[%get3A_922] {strides = array<i32>} : memref<384xi32, #tpu.memory_space<vmem>>, vector<16xi32>,
    %get3A_924 = vector.shape_cast %get3A_923 : vector<16xi32> to vector<16xi32>
    %add3A_925 = arith.constant -3072 : i32
    %add3A_926 = vector.broadcast %add3A_925 : i32 to vector<16xi32>
    %add3A_927 = arith.addi %get3A_924, %add3A_926 : vector<16xi32>
    %swap3A_928 = arith.constant 224 : index
    %swap3A_929 = tpu.vector_load %arg6[%swap3A_928] {strides = array<i32>} : memref<384xi32, #tpu.memory_space<vmem>>, vector<16xi32>,
    %swap3A_930 = vector.shape_cast %swap3A_929 : vector<16xi32> to vector<16xi32>
    %swap3A_931 = vector.shape_cast %add3A_927 : vector<16xi32> to vector<16xi32>
    tpu.vector_store %arg6[%swap3A_928], %swap3A_931 {strides = array<i32>} : memref<384xi32, #tpu.memory_space<vmem>>, vector<16xi32>,
    %get3A_932 = arith.constant 240 : index
    %get3A_933 = tpu.vector_load %arg6[%get3A_932] {strides = array<i32>} : memref<384xi32, #tpu.memory_space<vmem>>, vector<16xi32>,
    %get3A_934 = vector.shape_cast %get3A_933 : vector<16xi32> to vector<16xi32>
    %add3A_935 = arith.constant -3072 : i32
    %add3A_936 = vector.broadcast %add3A_935 : i32 to vector<16xi32>
    %add3A_937 = arith.addi %get3A_934, %add3A_936 : vector<16xi32>
    %swap3A_938 = arith.constant 240 : index
    %swap3A_939 = tpu.vector_load %arg6[%swap3A_938] {strides = array<i32>} : memref<384xi32, #tpu.memory_space<vmem>>, vector<16xi32>,
    %swap3A_940 = vector.shape_cast %swap3A_939 : vector<16xi32> to vector<16xi32>
    %swap3A_941 = vector.shape_cast %add3A_937 : vector<16xi32> to vector<16xi32>
    tpu.vector_store %arg6[%swap3A_938], %swap3A_941 {strides = array<i32>} : memref<384xi32, #tpu.memory_space<vmem>>, vector<16xi32>,
    %get3A_942 = arith.constant 256 : index
    %get3A_943 = tpu.vector_load %arg6[%get3A_942] {strides = array<i32>} : memref<384xi32, #tpu.memory_space<vmem>>, vector<16xi32>,
    %get3A_944 = vector.shape_cast %get3A_943 : vector<16xi32> to vector<16xi32>
    %add3A_945 = arith.constant -3072 : i32
    %add3A_946 = vector.broadcast %add3A_945 : i32 to vector<16xi32>
    %add3A_947 = arith.addi %get3A_944, %add3A_946 : vector<16xi32>
    %swap3A_948 = arith.constant 256 : index
    %swap3A_949 = tpu.vector_load %arg6[%swap3A_948] {strides = array<i32>} : memref<384xi32, #tpu.memory_space<vmem>>, vector<16xi32>,
    %swap3A_950 = vector.shape_cast %swap3A_949 : vector<16xi32> to vector<16xi32>
    %swap3A_951 = vector.shape_cast %add3A_947 : vector<16xi32> to vector<16xi32>
    tpu.vector_store %arg6[%swap3A_948], %swap3A_951 {strides = array<i32>} : memref<384xi32, #tpu.memory_space<vmem>>, vector<16xi32>,
    %get3A_952 = arith.constant 272 : index
    %get3A_953 = tpu.vector_load %arg6[%get3A_952] {strides = array<i32>} : memref<384xi32, #tpu.memory_space<vmem>>, vector<16xi32>,
    %get3A_954 = vector.shape_cast %get3A_953 : vector<16xi32> to vector<16xi32>
    %add3A_955 = arith.constant -3072 : i32
    %add3A_956 = vector.broadcast %add3A_955 : i32 to vector<16xi32>
    %add3A_957 = arith.addi %get3A_954, %add3A_956 : vector<16xi32>
    %swap3A_958 = arith.constant 272 : index
    %swap3A_959 = tpu.vector_load %arg6[%swap3A_958] {strides = array<i32>} : memref<384xi32, #tpu.memory_space<vmem>>, vector<16xi32>,
    %swap3A_960 = vector.shape_cast %swap3A_959 : vector<16xi32> to vector<16xi32>
    %swap3A_961 = vector.shape_cast %add3A_957 : vector<16xi32> to vector<16xi32>
    tpu.vector_store %arg6[%swap3A_958], %swap3A_961 {strides = array<i32>} : memref<384xi32, #tpu.memory_space<vmem>>, vector<16xi32>,
    %get3A_962 = arith.constant 288 : index
    %get3A_963 = tpu.vector_load %arg6[%get3A_962] {strides = array<i32>} : memref<384xi32, #tpu.memory_space<vmem>>, vector<16xi32>,
    %get3A_964 = vector.shape_cast %get3A_963 : vector<16xi32> to vector<16xi32>
    %add3A_965 = arith.constant -3072 : i32
    %add3A_966 = vector.broadcast %add3A_965 : i32 to vector<16xi32>
    %add3A_967 = arith.addi %get3A_964, %add3A_966 : vector<16xi32>
    %swap3A_968 = arith.constant 288 : index
    %swap3A_969 = tpu.vector_load %arg6[%swap3A_968] {strides = array<i32>} : memref<384xi32, #tpu.memory_space<vmem>>, vector<16xi32>,
    %swap3A_970 = vector.shape_cast %swap3A_969 : vector<16xi32> to vector<16xi32>
    %swap3A_971 = vector.shape_cast %add3A_967 : vector<16xi32> to vector<16xi32>
    tpu.vector_store %arg6[%swap3A_968], %swap3A_971 {strides = array<i32>} : memref<384xi32, #tpu.memory_space<vmem>>, vector<16xi32>,
    %get3A_972 = arith.constant 304 : index
    %get3A_973 = tpu.vector_load %arg6[%get3A_972] {strides = array<i32>} : memref<384xi32, #tpu.memory_space<vmem>>, vector<16xi32>,
    %get3A_974 = vector.shape_cast %get3A_973 : vector<16xi32> to vector<16xi32>
    %add3A_975 = arith.constant -3072 : i32
    %add3A_976 = vector.broadcast %add3A_975 : i32 to vector<16xi32>
    %add3A_977 = arith.addi %get3A_974, %add3A_976 : vector<16xi32>
    %swap3A_978 = arith.constant 304 : index
    %swap3A_979 = tpu.vector_load %arg6[%swap3A_978] {strides = array<i32>} : memref<384xi32, #tpu.memory_space<vmem>>, vector<16xi32>,
    %swap3A_980 = vector.shape_cast %swap3A_979 : vector<16xi32> to vector<16xi32>
    %swap3A_981 = vector.shape_cast %add3A_977 : vector<16xi32> to vector<16xi32>
    tpu.vector_store %arg6[%swap3A_978], %swap3A_981 {strides = array<i32>} : memref<384xi32, #tpu.memory_space<vmem>>, vector<16xi32>,
    %get3A_982 = arith.constant 320 : index
    %get3A_983 = tpu.vector_load %arg6[%get3A_982] {strides = array<i32>} : memref<384xi32, #tpu.memory_space<vmem>>, vector<16xi32>,
    %get3A_984 = vector.shape_cast %get3A_983 : vector<16xi32> to vector<16xi32>
    %add3A_985 = arith.constant -3072 : i32
    %add3A_986 = vector.broadcast %add3A_985 : i32 to vector<16xi32>
    %add3A_987 = arith.addi %get3A_984, %add3A_986 : vector<16xi32>
    %swap3A_988 = arith.constant 320 : index
    %swap3A_989 = tpu.vector_load %arg6[%swap3A_988] {strides = array<i32>} : memref<384xi32, #tpu.memory_space<vmem>>, vector<16xi32>,
    %swap3A_990 = vector.shape_cast %swap3A_989 : vector<16xi32> to vector<16xi32>
    %swap3A_991 = vector.shape_cast %add3A_987 : vector<16xi32> to vector<16xi32>
    tpu.vector_store %arg6[%swap3A_988], %swap3A_991 {strides = array<i32>} : memref<384xi32, #tpu.memory_space<vmem>>, vector<16xi32>,
    %get3A_992 = arith.constant 336 : index
    %get3A_993 = tpu.vector_load %arg6[%get3A_992] {strides = array<i32>} : memref<384xi32, #tpu.memory_space<vmem>>, vector<16xi32>,
    %get3A_994 = vector.shape_cast %get3A_993 : vector<16xi32> to vector<16xi32>
    %add3A_995 = arith.constant -3072 : i32
    %add3A_996 = vector.broadcast %add3A_995 : i32 to vector<16xi32>
    %add3A_997 = arith.addi %get3A_994, %add3A_996 : vector<16xi32>
    %swap3A_998 = arith.constant 336 : index
    %swap3A_999 = tpu.vector_load %arg6[%swap3A_998] {strides = array<i32>} : memref<384xi32, #tpu.memory_space<vmem>>, vector<16xi32>,
    %swap3A_1000 = vector.shape_cast %swap3A_999 : vector<16xi32> to vector<16xi32>
    %swap3A_1001 = vector.shape_cast %add3A_997 : vector<16xi32> to vector<16xi32>
    tpu.vector_store %arg6[%swap3A_998], %swap3A_1001 {strides = array<i32>} : memref<384xi32, #tpu.memory_space<vmem>>, vector<16xi32>,
    %get3A_1002 = arith.constant 352 : index
    %get3A_1003 = tpu.vector_load %arg6[%get3A_1002] {strides = array<i32>} : memref<384xi32, #tpu.memory_space<vmem>>, vector<16xi32>,
    %get3A_1004 = vector.shape_cast %get3A_1003 : vector<16xi32> to vector<16xi32>
    %add3A_1005 = arith.constant -3072 : i32
    %add3A_1006 = vector.broadcast %add3A_1005 : i32 to vector<16xi32>
    %add3A_1007 = arith.addi %get3A_1004, %add3A_1006 : vector<16xi32>
    %swap3A_1008 = arith.constant 352 : index
    %swap3A_1009 = tpu.vector_load %arg6[%swap3A_1008] {strides = array<i32>} : memref<384xi32, #tpu.memory_space<vmem>>, vector<16xi32>,
    %swap3A_1010 = vector.shape_cast %swap3A_1009 : vector<16xi32> to vector<16xi32>
    %swap3A_1011 = vector.shape_cast %add3A_1007 : vector<16xi32> to vector<16xi32>
    tpu.vector_store %arg6[%swap3A_1008], %swap3A_1011 {strides = array<i32>} : memref<384xi32, #tpu.memory_space<vmem>>, vector<16xi32>,
    %get3A_1012 = arith.constant 368 : index
    %get3A_1013 = tpu.vector_load %arg6[%get3A_1012] {strides = array<i32>} : memref<384xi32, #tpu.memory_space<vmem>>, vector<16xi32>,
    %get3A_1014 = vector.shape_cast %get3A_1013 : vector<16xi32> to vector<16xi32>
    %add3A_1015 = arith.constant -3072 : i32
    %add3A_1016 = vector.broadcast %add3A_1015 : i32 to vector<16xi32>
    %add3A_1017 = arith.addi %get3A_1014, %add3A_1016 : vector<16xi32>
    %swap3A_1018 = arith.constant 368 : index
    %swap3A_1019 = tpu.vector_load %arg6[%swap3A_1018] {strides = array<i32>} : memref<384xi32, #tpu.memory_space<vmem>>, vector<16xi32>,
    %swap3A_1020 = vector.shape_cast %swap3A_1019 : vector<16xi32> to vector<16xi32>
    %swap3A_1021 = vector.shape_cast %add3A_1017 : vector<16xi32> to vector<16xi32>
    tpu.vector_store %arg6[%swap3A_1018], %swap3A_1021 {strides = array<i32>} : memref<384xi32, #tpu.memory_space<vmem>>, vector<16xi32>,
    %dma_wait3A_1022 = arith.constant 0 : i32
    %dma_wait3A_1023 = arith.constant 0 : i32
    %dma_wait3A_1024 = tpu.memref_slice %arg2[%dma_wait3A_1022, %dma_wait3A_1023] : memref<3072x128xf32, #tpu.memory_space<hbm>> -> memref<3072x128xf32, #tpu.memory_space<hbm>>
    tpu.wait_indirect_dma semaphore(%arg9 : memref<!tpu.dma_semaphore, #tpu.memory_space<semaphore_mem>>) src(%dma_wait3A_1024 : memref<3072x128xf32, #tpu.memory_space<hbm>>) dst(%arg7 : memref<384x128xf32, #tpu.memory_space<vmem>>)
    %dma_wait3A_1025 = arith.constant 0 : i32
    %dma_wait3A_1026 = arith.constant 0 : i32
    %dma_wait3A_1027 = tpu.memref_slice %arg8[%dma_wait3A_1025, %dma_wait3A_1026] : memref<384x128xf32, #tpu.memory_space<vmem>> -> memref<384x128xf32, #tpu.memory_space<vmem>>
    %dma_wait3A_1028 = arith.constant 0 : i32
    %dma_wait3A_1029 = tpu.memref_slice %arg4[%add3A_767, %dma_wait3A_1028] : memref<49152x128xf32, #tpu.memory_space<hbm>> -> memref<384x128xf32, #tpu.memory_space<hbm>>
    %dma_wait3A_1030 = arith.constant 0 : i32
    %dma_wait3A_1031 = tpu.memref_slice %arg4[%add3A_767, %dma_wait3A_1030] : memref<49152x128xf32, #tpu.memory_space<hbm>> -> memref<384x128xf32, #tpu.memory_space<hbm>>
    %dma_wait3A_1032 = arith.constant 0 : i32
    %dma_wait3A_1033 = arith.constant 0 : i32
    %dma_wait3A_1034 = tpu.memref_slice %arg8[%dma_wait3A_1032, %dma_wait3A_1033] : memref<384x128xf32, #tpu.memory_space<vmem>> -> memref<384x128xf32, #tpu.memory_space<vmem>>
    tpu.wait_dma2 semaphore(%arg10 : memref<!tpu.dma_semaphore, #tpu.memory_space<semaphore_mem>>) src(%dma_wait3A_1034 : memref<384x128xf32, #tpu.memory_space<vmem>>) dst(%dma_wait3A_1031 : memref<384x128xf32, #tpu.memory_space<hbm>>)
    %dma_start3A_1035 = arith.constant 0 : i32
    %dma_start3A_1036 = arith.constant 0 : i32
    %dma_start3A_1037 = tpu.memref_slice %arg2[%dma_start3A_1035, %dma_start3A_1036] : memref<3072x128xf32, #tpu.memory_space<hbm>> -> memref<3072x128xf32, #tpu.memory_space<hbm>>
    tpu.enqueue_indirect_dma source(%dma_start3A_1037 : memref<3072x128xf32, #tpu.memory_space<hbm>>) target(%arg8 : memref<384x128xf32, #tpu.memory_space<vmem>>) offsets(%arg6 : memref<384xi32, #tpu.memory_space<vmem>>) semaphore(%arg9 : memref<!tpu.dma_semaphore, #tpu.memory_space<semaphore_mem>>)
    %add3A_1038 = arith.constant 768 : i32
    %add3A_1039 = arith.addi %mul3A_2, %add3A_1038 : i32
    %dma_start3A_1040 = arith.constant 0 : i32
    %dma_start3A_1041 = arith.constant 0 : i32
    %dma_start3A_1042 = tpu.memref_slice %arg7[%dma_start3A_1040, %dma_start3A_1041] : memref<384x128xf32, #tpu.memory_space<vmem>> -> memref<384x128xf32, #tpu.memory_space<vmem>>
    %dma_start3A_1043 = arith.constant 0 : i32
    %dma_start3A_1044 = tpu.memref_slice %arg4[%add3A_1039, %dma_start3A_1043] : memref<49152x128xf32, #tpu.memory_space<hbm>> -> memref<384x128xf32, #tpu.memory_space<hbm>>
    %dma_start3A_1045 = arith.constant 0 : i32
    %dma_start3A_1046 = tpu.memref_slice %arg4[%add3A_1039, %dma_start3A_1045] : memref<49152x128xf32, #tpu.memory_space<hbm>> -> memref<384x128xf32, #tpu.memory_space<hbm>>
    %dma_start3A_1047 = arith.constant 0 : i32
    %dma_start3A_1048 = arith.constant 0 : i32
    %dma_start3A_1049 = tpu.memref_slice %arg7[%dma_start3A_1047, %dma_start3A_1048] : memref<384x128xf32, #tpu.memory_space<vmem>> -> memref<384x128xf32, #tpu.memory_space<vmem>>
    tpu.enqueue_dma source(%dma_start3A_1049 : memref<384x128xf32, #tpu.memory_space<vmem>>) target(%dma_start3A_1046 : memref<384x128xf32, #tpu.memory_space<hbm>>) target_semaphore(%arg10 : memref<!tpu.dma_semaphore, #tpu.memory_space<semaphore_mem>>)
    %dma_wait3A_1050 = arith.constant 0 : i32
    %dma_wait3A_1051 = arith.constant 0 : i32
    %dma_wait3A_1052 = tpu.memref_slice %arg2[%dma_wait3A_1050, %dma_wait3A_1051] : memref<3072x128xf32, #tpu.memory_space<hbm>> -> memref<3072x128xf32, #tpu.memory_space<hbm>>
    tpu.wait_indirect_dma semaphore(%arg9 : memref<!tpu.dma_semaphore, #tpu.memory_space<semaphore_mem>>) src(%dma_wait3A_1052 : memref<3072x128xf32, #tpu.memory_space<hbm>>) dst(%arg8 : memref<384x128xf32, #tpu.memory_space<vmem>>)
    %dma_wait3A_1053 = arith.constant 0 : i32
    %dma_wait3A_1054 = arith.constant 0 : i32
    %dma_wait3A_1055 = tpu.memref_slice %arg7[%dma_wait3A_1053, %dma_wait3A_1054] : memref<384x128xf32, #tpu.memory_space<vmem>> -> memref<384x128xf32, #tpu.memory_space<vmem>>
    %dma_wait3A_1056 = arith.constant 0 : i32
    %dma_wait3A_1057 = tpu.memref_slice %arg4[%add3A_1039, %dma_wait3A_1056] : memref<49152x128xf32, #tpu.memory_space<hbm>> -> memref<384x128xf32, #tpu.memory_space<hbm>>
    %dma_wait3A_1058 = arith.constant 0 : i32
    %dma_wait3A_1059 = tpu.memref_slice %arg4[%add3A_1039, %dma_wait3A_1058] : memref<49152x128xf32, #tpu.memory_space<hbm>> -> memref<384x128xf32, #tpu.memory_space<hbm>>
    %dma_wait3A_1060 = arith.constant 0 : i32
    %dma_wait3A_1061 = arith.constant 0 : i32
    %dma_wait3A_1062 = tpu.memref_slice %arg7[%dma_wait3A_1060, %dma_wait3A_1061] : memref<384x128xf32, #tpu.memory_space<vmem>> -> memref<384x128xf32, #tpu.memory_space<vmem>>
    tpu.wait_dma2 semaphore(%arg10 : memref<!tpu.dma_semaphore, #tpu.memory_space<semaphore_mem>>) src(%dma_wait3A_1062 : memref<384x128xf32, #tpu.memory_space<vmem>>) dst(%dma_wait3A_1059 : memref<384x128xf32, #tpu.memory_space<hbm>>)
    %add3A_1063 = arith.constant 1152 : i32
    %add3A_1064 = arith.addi %mul3A_2, %add3A_1063 : i32
    %dma_start3A_1065 = arith.constant 0 : i32
    %dma_start3A_1066 = arith.constant 0 : i32
    %dma_start3A_1067 = tpu.memref_slice %arg8[%dma_start3A_1065, %dma_start3A_1066] : memref<384x128xf32, #tpu.memory_space<vmem>> -> memref<384x128xf32, #tpu.memory_space<vmem>>
    %dma_start3A_1068 = arith.constant 0 : i32
    %dma_start3A_1069 = tpu.memref_slice %arg4[%add3A_1064, %dma_start3A_1068] : memref<49152x128xf32, #tpu.memory_space<hbm>> -> memref<384x128xf32, #tpu.memory_space<hbm>>
    %dma_start3A_1070 = arith.constant 0 : i32
    %dma_start3A_1071 = tpu.memref_slice %arg4[%add3A_1064, %dma_start3A_1070] : memref<49152x128xf32, #tpu.memory_space<hbm>> -> memref<384x128xf32, #tpu.memory_space<hbm>>
    %dma_start3A_1072 = arith.constant 0 : i32
    %dma_start3A_1073 = arith.constant 0 : i32
    %dma_start3A_1074 = tpu.memref_slice %arg8[%dma_start3A_1072, %dma_start3A_1073] : memref<384x128xf32, #tpu.memory_space<vmem>> -> memref<384x128xf32, #tpu.memory_space<vmem>>
    tpu.enqueue_dma source(%dma_start3A_1074 : memref<384x128xf32, #tpu.memory_space<vmem>>) target(%dma_start3A_1071 : memref<384x128xf32, #tpu.memory_space<hbm>>) target_semaphore(%arg10 : memref<!tpu.dma_semaphore, #tpu.memory_space<semaphore_mem>>)
    %dma_wait3A_1075 = arith.constant 0 : i32
    %dma_wait3A_1076 = arith.constant 0 : i32
    %dma_wait3A_1077 = tpu.memref_slice %arg8[%dma_wait3A_1075, %dma_wait3A_1076] : memref<384x128xf32, #tpu.memory_space<vmem>> -> memref<384x128xf32, #tpu.memory_space<vmem>>
    %dma_wait3A_1078 = arith.constant 0 : i32
    %dma_wait3A_1079 = tpu.memref_slice %arg4[%add3A_1064, %dma_wait3A_1078] : memref<49152x128xf32, #tpu.memory_space<hbm>> -> memref<384x128xf32, #tpu.memory_space<hbm>>
    %dma_wait3A_1080 = arith.constant 0 : i32
    %dma_wait3A_1081 = tpu.memref_slice %arg4[%add3A_1064, %dma_wait3A_1080] : memref<49152x128xf32, #tpu.memory_space<hbm>> -> memref<384x128xf32, #tpu.memory_space<hbm>>
    %dma_wait3A_1082 = arith.constant 0 : i32
    %dma_wait3A_1083 = arith.constant 0 : i32
    %dma_wait3A_1084 = tpu.memref_slice %arg8[%dma_wait3A_1082, %dma_wait3A_1083] : memref<384x128xf32, #tpu.memory_space<vmem>> -> memref<384x128xf32, #tpu.memory_space<vmem>>
    tpu.wait_dma2 semaphore(%arg10 : memref<!tpu.dma_semaphore, #tpu.memory_space<semaphore_mem>>) src(%dma_wait3A_1084 : memref<384x128xf32, #tpu.memory_space<vmem>>) dst(%dma_wait3A_1081 : memref<384x128xf32, #tpu.memory_space<hbm>>)
    return
  }
}

module attributes {stable_mosaic.version = 14 : i64} {
  func.func @_knn_body(%arg0: i32, %arg1: i32, %arg2: memref<128x3xf32, #tpu.memory_space<vmem>>, %arg3: memref<1x3x3072xf32, #tpu.memory_space<vmem>>, %arg4: memref<128x16xi32, #tpu.memory_space<vmem>>, %arg5: memref<128x16xf32, #tpu.memory_space<vmem>>) attributes {dimension_semantics = [#tpu.dimension_semantics<arbitrary>, #tpu.dimension_semantics<arbitrary>], iteration_bounds = array<i64: 2, 24>, scalar_prefetch = 0 : i64, scratch_operands = 0 : i64, tpu.core_type = #tpu.core_type<tc>, window_params = [{transform_indices = @transform_0, window_bounds = array<i64: 128, 3>}, {transform_indices = @transform_1, window_bounds = array<i64: 1, 3, 3072>}, {transform_indices = @transform_2, window_bounds = array<i64: 128, 16>}, {transform_indices = @transform_3, window_bounds = array<i64: 128, 16>}]} {
    %get3A = arith.constant 0 : index
    %get3A_0 = arith.constant 0 : index
    %get3A_1 = vector.load %arg2[%get3A, %get3A_0] : memref<128x3xf32, #tpu.memory_space<vmem>>, vector<128x3xf32>
    %get3A_2 = arith.constant 0 : index
    %get3A_3 = arith.constant 0 : index
    %get3A_4 = arith.constant 0 : index
    %get3A_5 = vector.load %arg3[%get3A_2, %get3A_3, %get3A_4] : memref<1x3x3072xf32, #tpu.memory_space<vmem>>, vector<1x3x3072xf32>
    %get3A_6 = vector.shape_cast %get3A_5 : vector<1x3x3072xf32> to vector<3x3072xf32>
    %dot_general3A = arith.constant dense<0.000000e+00> : vector<128x3072xf32>
    %dot_general3A_7 = tpu.matmul %get3A_1, %get3A_6, %dot_general3A {dimension_numbers = #tpu.dot_dimension_numbers<[1], [0], [0], [1], [0, 0, 1, 1], [], []>, transpose_lhs_hint = false} : vector<128x3xf32>, vector<3x3072xf32>, vector<128x3072xf32> -> vector<128x3072xf32>
    %mul3A = arith.mulf %get3A_1, %get3A_1 : vector<128x3xf32>
    %reduce_sum3A = arith.constant dense<0.000000e+00> : vector<128xf32>
    %reduce_sum3A_8 = vector.multi_reduction <add>, %mul3A, %reduce_sum3A [1] : vector<128x3xf32> to vector<128xf32>
    %broadcast_in_dim3A = vector.shape_cast %reduce_sum3A_8 : vector<128xf32> to vector<128x1xf32>
    %mul3A_9 = arith.mulf %get3A_6, %get3A_6 : vector<3x3072xf32>
    %reduce_sum3A_10 = arith.constant dense<0.000000e+00> : vector<3072xf32>
    %reduce_sum3A_11 = vector.multi_reduction <add>, %mul3A_9, %reduce_sum3A_10 [0] : vector<3x3072xf32> to vector<3072xf32>
    %broadcast_in_dim3A_12 = vector.shape_cast %reduce_sum3A_11 : vector<3072xf32> to vector<1x3072xf32>
    %add3A = vector.broadcast %broadcast_in_dim3A : vector<128x1xf32> to vector<128x3072xf32>
    %add3A_13 = vector.broadcast %broadcast_in_dim3A_12 : vector<1x3072xf32> to vector<128x3072xf32>
    %add3A_14 = arith.addf %add3A, %add3A_13 : vector<128x3072xf32>
    %mul3A_15 = arith.constant 2.000000e+00 : f32
    %mul3A_16 = vector.broadcast %mul3A_15 : f32 to vector<128x3072xf32>
    %mul3A_17 = arith.mulf %mul3A_16, %dot_general3A_7 : vector<128x3072xf32>
    %sub3A = arith.subf %add3A_14, %mul3A_17 : vector<128x3072xf32>
    %iota3A = tpu.iota {dimensions = array<i32: 1>} : vector<128x1536xi32>
    %convert_element_type3A = arith.sitofp %iota3A : vector<128x1536xi32> to vector<128x1536xf32>
    %slice3A = vector.extract_strided_slice %sub3A {offsets = [0, 0], sizes = [128, 1536], strides = [1, 1]} : vector<128x3072xf32> to vector<128x1536xf32>
    %slice3A_18 = vector.extract_strided_slice %sub3A {offsets = [0, 1536], sizes = [128, 1536], strides = [1, 1]} : vector<128x3072xf32> to vector<128x1536xf32>
    %lt3A = arith.cmpf olt, %slice3A_18, %slice3A : vector<128x1536xf32>
    %min3A = arith.minimumf %slice3A, %slice3A_18 : vector<128x1536xf32>
    %max3A = arith.maximumf %slice3A, %slice3A_18 : vector<128x1536xf32>
    %add3A_19 = arith.constant 1.536000e+03 : f32
    %add3A_20 = vector.broadcast %add3A_19 : f32 to vector<128x1536xf32>
    %add3A_21 = arith.addf %convert_element_type3A, %add3A_20 : vector<128x1536xf32>
    %select_n3A = arith.select %lt3A, %add3A_21, %convert_element_type3A : vector<128x1536xi1>, vector<128x1536xf32>
    %add3A_22 = arith.constant 1.536000e+03 : f32
    %add3A_23 = vector.broadcast %add3A_22 : f32 to vector<128x1536xf32>
    %add3A_24 = arith.addf %convert_element_type3A, %add3A_23 : vector<128x1536xf32>
    %select_n3A_25 = arith.select %lt3A, %convert_element_type3A, %add3A_24 : vector<128x1536xi1>, vector<128x1536xf32>
    %slice3A_26 = vector.extract_strided_slice %min3A {offsets = [0, 0], sizes = [128, 128], strides = [1, 1]} : vector<128x1536xf32> to vector<128x128xf32>
    %slice3A_27 = vector.extract_strided_slice %select_n3A {offsets = [0, 0], sizes = [128, 128], strides = [1, 1]} : vector<128x1536xf32> to vector<128x128xf32>
    %slice3A_28 = vector.extract_strided_slice %min3A {offsets = [0, 128], sizes = [128, 128], strides = [1, 1]} : vector<128x1536xf32> to vector<128x128xf32>
    %lt3A_29 = arith.cmpf olt, %slice3A_28, %slice3A_26 : vector<128x128xf32>
    %slice3A_30 = vector.extract_strided_slice %select_n3A {offsets = [0, 128], sizes = [128, 128], strides = [1, 1]} : vector<128x1536xf32> to vector<128x128xf32>
    %select_n3A_31 = arith.select %lt3A_29, %slice3A_30, %slice3A_27 : vector<128x128xi1>, vector<128x128xf32>
    %min3A_32 = arith.minimumf %slice3A_26, %slice3A_28 : vector<128x128xf32>
    %slice3A_33 = vector.extract_strided_slice %min3A {offsets = [0, 256], sizes = [128, 128], strides = [1, 1]} : vector<128x1536xf32> to vector<128x128xf32>
    %lt3A_34 = arith.cmpf olt, %slice3A_33, %min3A_32 : vector<128x128xf32>
    %slice3A_35 = vector.extract_strided_slice %select_n3A {offsets = [0, 256], sizes = [128, 128], strides = [1, 1]} : vector<128x1536xf32> to vector<128x128xf32>
    %select_n3A_36 = arith.select %lt3A_34, %slice3A_35, %select_n3A_31 : vector<128x128xi1>, vector<128x128xf32>
    %min3A_37 = arith.minimumf %min3A_32, %slice3A_33 : vector<128x128xf32>
    %slice3A_38 = vector.extract_strided_slice %min3A {offsets = [0, 384], sizes = [128, 128], strides = [1, 1]} : vector<128x1536xf32> to vector<128x128xf32>
    %lt3A_39 = arith.cmpf olt, %slice3A_38, %min3A_37 : vector<128x128xf32>
    %slice3A_40 = vector.extract_strided_slice %select_n3A {offsets = [0, 384], sizes = [128, 128], strides = [1, 1]} : vector<128x1536xf32> to vector<128x128xf32>
    %select_n3A_41 = arith.select %lt3A_39, %slice3A_40, %select_n3A_36 : vector<128x128xi1>, vector<128x128xf32>
    %min3A_42 = arith.minimumf %min3A_37, %slice3A_38 : vector<128x128xf32>
    %slice3A_43 = vector.extract_strided_slice %min3A {offsets = [0, 512], sizes = [128, 128], strides = [1, 1]} : vector<128x1536xf32> to vector<128x128xf32>
    %lt3A_44 = arith.cmpf olt, %slice3A_43, %min3A_42 : vector<128x128xf32>
    %slice3A_45 = vector.extract_strided_slice %select_n3A {offsets = [0, 512], sizes = [128, 128], strides = [1, 1]} : vector<128x1536xf32> to vector<128x128xf32>
    %select_n3A_46 = arith.select %lt3A_44, %slice3A_45, %select_n3A_41 : vector<128x128xi1>, vector<128x128xf32>
    %min3A_47 = arith.minimumf %min3A_42, %slice3A_43 : vector<128x128xf32>
    %slice3A_48 = vector.extract_strided_slice %min3A {offsets = [0, 640], sizes = [128, 128], strides = [1, 1]} : vector<128x1536xf32> to vector<128x128xf32>
    %lt3A_49 = arith.cmpf olt, %slice3A_48, %min3A_47 : vector<128x128xf32>
    %slice3A_50 = vector.extract_strided_slice %select_n3A {offsets = [0, 640], sizes = [128, 128], strides = [1, 1]} : vector<128x1536xf32> to vector<128x128xf32>
    %select_n3A_51 = arith.select %lt3A_49, %slice3A_50, %select_n3A_46 : vector<128x128xi1>, vector<128x128xf32>
    %min3A_52 = arith.minimumf %min3A_47, %slice3A_48 : vector<128x128xf32>
    %slice3A_53 = vector.extract_strided_slice %min3A {offsets = [0, 768], sizes = [128, 128], strides = [1, 1]} : vector<128x1536xf32> to vector<128x128xf32>
    %lt3A_54 = arith.cmpf olt, %slice3A_53, %min3A_52 : vector<128x128xf32>
    %slice3A_55 = vector.extract_strided_slice %select_n3A {offsets = [0, 768], sizes = [128, 128], strides = [1, 1]} : vector<128x1536xf32> to vector<128x128xf32>
    %select_n3A_56 = arith.select %lt3A_54, %slice3A_55, %select_n3A_51 : vector<128x128xi1>, vector<128x128xf32>
    %min3A_57 = arith.minimumf %min3A_52, %slice3A_53 : vector<128x128xf32>
    %slice3A_58 = vector.extract_strided_slice %min3A {offsets = [0, 896], sizes = [128, 128], strides = [1, 1]} : vector<128x1536xf32> to vector<128x128xf32>
    %lt3A_59 = arith.cmpf olt, %slice3A_58, %min3A_57 : vector<128x128xf32>
    %slice3A_60 = vector.extract_strided_slice %select_n3A {offsets = [0, 896], sizes = [128, 128], strides = [1, 1]} : vector<128x1536xf32> to vector<128x128xf32>
    %select_n3A_61 = arith.select %lt3A_59, %slice3A_60, %select_n3A_56 : vector<128x128xi1>, vector<128x128xf32>
    %min3A_62 = arith.minimumf %min3A_57, %slice3A_58 : vector<128x128xf32>
    %slice3A_63 = vector.extract_strided_slice %min3A {offsets = [0, 1024], sizes = [128, 128], strides = [1, 1]} : vector<128x1536xf32> to vector<128x128xf32>
    %lt3A_64 = arith.cmpf olt, %slice3A_63, %min3A_62 : vector<128x128xf32>
    %slice3A_65 = vector.extract_strided_slice %select_n3A {offsets = [0, 1024], sizes = [128, 128], strides = [1, 1]} : vector<128x1536xf32> to vector<128x128xf32>
    %select_n3A_66 = arith.select %lt3A_64, %slice3A_65, %select_n3A_61 : vector<128x128xi1>, vector<128x128xf32>
    %min3A_67 = arith.minimumf %min3A_62, %slice3A_63 : vector<128x128xf32>
    %slice3A_68 = vector.extract_strided_slice %min3A {offsets = [0, 1152], sizes = [128, 128], strides = [1, 1]} : vector<128x1536xf32> to vector<128x128xf32>
    %lt3A_69 = arith.cmpf olt, %slice3A_68, %min3A_67 : vector<128x128xf32>
    %slice3A_70 = vector.extract_strided_slice %select_n3A {offsets = [0, 1152], sizes = [128, 128], strides = [1, 1]} : vector<128x1536xf32> to vector<128x128xf32>
    %select_n3A_71 = arith.select %lt3A_69, %slice3A_70, %select_n3A_66 : vector<128x128xi1>, vector<128x128xf32>
    %min3A_72 = arith.minimumf %min3A_67, %slice3A_68 : vector<128x128xf32>
    %slice3A_73 = vector.extract_strided_slice %min3A {offsets = [0, 1280], sizes = [128, 128], strides = [1, 1]} : vector<128x1536xf32> to vector<128x128xf32>
    %lt3A_74 = arith.cmpf olt, %slice3A_73, %min3A_72 : vector<128x128xf32>
    %slice3A_75 = vector.extract_strided_slice %select_n3A {offsets = [0, 1280], sizes = [128, 128], strides = [1, 1]} : vector<128x1536xf32> to vector<128x128xf32>
    %select_n3A_76 = arith.select %lt3A_74, %slice3A_75, %select_n3A_71 : vector<128x128xi1>, vector<128x128xf32>
    %min3A_77 = arith.minimumf %min3A_72, %slice3A_73 : vector<128x128xf32>
    %slice3A_78 = vector.extract_strided_slice %min3A {offsets = [0, 1408], sizes = [128, 128], strides = [1, 1]} : vector<128x1536xf32> to vector<128x128xf32>
    %lt3A_79 = arith.cmpf olt, %slice3A_78, %min3A_77 : vector<128x128xf32>
    %slice3A_80 = vector.extract_strided_slice %select_n3A {offsets = [0, 1408], sizes = [128, 128], strides = [1, 1]} : vector<128x1536xf32> to vector<128x128xf32>
    %select_n3A_81 = arith.select %lt3A_79, %slice3A_80, %select_n3A_76 : vector<128x128xi1>, vector<128x128xf32>
    %min3A_82 = arith.minimumf %min3A_77, %slice3A_78 : vector<128x128xf32>
    %reduce_min3A = arith.constant dense<0x7F800000> : vector<128xf32>
    %reduce_min3A_83 = vector.multi_reduction <minimumf>, %min3A_82, %reduce_min3A [1] : vector<128x128xf32> to vector<128xf32>
    %broadcast_in_dim3A_84 = vector.shape_cast %reduce_min3A_83 : vector<128xf32> to vector<128x1xf32>
    %eq3A = vector.broadcast %broadcast_in_dim3A_84 : vector<128x1xf32> to vector<128x128xf32>
    %eq3A_85 = arith.cmpf oeq, %min3A_82, %eq3A : vector<128x128xf32>
    %jit3A = arith.constant 0x4B7FFFFF : f32
    %broadcast_in_dim3A_86 = vector.broadcast %jit3A : f32 to vector<128x128xf32>
    %select_n3A_87 = arith.select %eq3A_85, %select_n3A_81, %broadcast_in_dim3A_86 : vector<128x128xi1>, vector<128x128xf32>
    %reduce_min3A_88 = arith.constant dense<0x7F800000> : vector<128xf32>
    %reduce_min3A_89 = vector.multi_reduction <minimumf>, %select_n3A_87, %reduce_min3A_88 [1] : vector<128x128xf32> to vector<128xf32>
    %broadcast_in_dim3A_90 = vector.shape_cast %reduce_min3A_89 : vector<128xf32> to vector<128x1xf32>
    %lt3A_91 = arith.constant 1.000000e+04 : f32
    %lt3A_92 = vector.broadcast %lt3A_91 : f32 to vector<128x1xf32>
    %lt3A_93 = arith.cmpf olt, %broadcast_in_dim3A_84, %lt3A_92 : vector<128x1xf32>
    %convert_element_type3A_94 = arith.extui %lt3A_93 : vector<128x1xi1> to vector<128x1xi32>
    %convert_element_type3A_95 = arith.sitofp %convert_element_type3A_94 : vector<128x1xi32> to vector<128x1xf32>
    %ge3A = arith.constant 1.536000e+03 : f32
    %ge3A_96 = vector.broadcast %ge3A : f32 to vector<128x1xf32>
    %ge3A_97 = arith.cmpf oge, %broadcast_in_dim3A_90, %ge3A_96 : vector<128x1xf32>
    %jit3A_98 = arith.constant 1.536000e+03 : f32
    %jit3A_99 = arith.constant 0.000000e+00 : f32
    %broadcast_in_dim3A_100 = vector.broadcast %jit3A_98 : f32 to vector<128x1xf32>
    %broadcast_in_dim3A_101 = vector.broadcast %jit3A_99 : f32 to vector<128x1xf32>
    %select_n3A_102 = arith.select %ge3A_97, %broadcast_in_dim3A_100, %broadcast_in_dim3A_101 : vector<128x1xi1>, vector<128x1xf32>
    %sub3A_103 = arith.subf %broadcast_in_dim3A_90, %select_n3A_102 : vector<128x1xf32>
    %broadcast_in_dim3A_104 = arith.constant false
    %broadcast_in_dim3A_105 = vector.broadcast %broadcast_in_dim3A_104 : i1 to vector<128x1xi1>
    %eq3A_106 = vector.broadcast %sub3A_103 : vector<128x1xf32> to vector<128x1536xf32>
    %eq3A_107 = arith.cmpf oeq, %convert_element_type3A, %eq3A_106 : vector<128x1536xf32>
    %jit3A_108 = arith.constant 0x7F800000 : f32
    %broadcast_in_dim3A_109 = vector.shape_cast %broadcast_in_dim3A_105 : vector<128x1xi1> to vector<128x1xi1>
    %broadcast_in_dim3A_110 = vector.broadcast %broadcast_in_dim3A_109 : vector<128x1xi1> to vector<128x1536xi1>
    %broadcast_in_dim3A_111 = vector.broadcast %jit3A_108 : f32 to vector<128x1536xf32>
    %select_n3A_112 = arith.select %broadcast_in_dim3A_110, %broadcast_in_dim3A_111, %max3A : vector<128x1536xi1>, vector<128x1536xf32>
    %select_n3A_113 = arith.select %eq3A_107, %select_n3A_112, %min3A : vector<128x1536xi1>, vector<128x1536xf32>
    %select_n3A_114 = arith.select %eq3A_107, %select_n3A_25, %select_n3A : vector<128x1536xi1>, vector<128x1536xf32>
    %slice3A_115 = vector.extract_strided_slice %select_n3A_113 {offsets = [0, 0], sizes = [128, 128], strides = [1, 1]} : vector<128x1536xf32> to vector<128x128xf32>
    %slice3A_116 = vector.extract_strided_slice %select_n3A_114 {offsets = [0, 0], sizes = [128, 128], strides = [1, 1]} : vector<128x1536xf32> to vector<128x128xf32>
    %slice3A_117 = vector.extract_strided_slice %select_n3A_113 {offsets = [0, 128], sizes = [128, 128], strides = [1, 1]} : vector<128x1536xf32> to vector<128x128xf32>
    %lt3A_118 = arith.cmpf olt, %slice3A_117, %slice3A_115 : vector<128x128xf32>
    %slice3A_119 = vector.extract_strided_slice %select_n3A_114 {offsets = [0, 128], sizes = [128, 128], strides = [1, 1]} : vector<128x1536xf32> to vector<128x128xf32>
    %select_n3A_120 = arith.select %lt3A_118, %slice3A_119, %slice3A_116 : vector<128x128xi1>, vector<128x128xf32>
    %min3A_121 = arith.minimumf %slice3A_115, %slice3A_117 : vector<128x128xf32>
    %slice3A_122 = vector.extract_strided_slice %select_n3A_113 {offsets = [0, 256], sizes = [128, 128], strides = [1, 1]} : vector<128x1536xf32> to vector<128x128xf32>
    %lt3A_123 = arith.cmpf olt, %slice3A_122, %min3A_121 : vector<128x128xf32>
    %slice3A_124 = vector.extract_strided_slice %select_n3A_114 {offsets = [0, 256], sizes = [128, 128], strides = [1, 1]} : vector<128x1536xf32> to vector<128x128xf32>
    %select_n3A_125 = arith.select %lt3A_123, %slice3A_124, %select_n3A_120 : vector<128x128xi1>, vector<128x128xf32>
    %min3A_126 = arith.minimumf %min3A_121, %slice3A_122 : vector<128x128xf32>
    %slice3A_127 = vector.extract_strided_slice %select_n3A_113 {offsets = [0, 384], sizes = [128, 128], strides = [1, 1]} : vector<128x1536xf32> to vector<128x128xf32>
    %lt3A_128 = arith.cmpf olt, %slice3A_127, %min3A_126 : vector<128x128xf32>
    %slice3A_129 = vector.extract_strided_slice %select_n3A_114 {offsets = [0, 384], sizes = [128, 128], strides = [1, 1]} : vector<128x1536xf32> to vector<128x128xf32>
    %select_n3A_130 = arith.select %lt3A_128, %slice3A_129, %select_n3A_125 : vector<128x128xi1>, vector<128x128xf32>
    %min3A_131 = arith.minimumf %min3A_126, %slice3A_127 : vector<128x128xf32>
    %slice3A_132 = vector.extract_strided_slice %select_n3A_113 {offsets = [0, 512], sizes = [128, 128], strides = [1, 1]} : vector<128x1536xf32> to vector<128x128xf32>
    %lt3A_133 = arith.cmpf olt, %slice3A_132, %min3A_131 : vector<128x128xf32>
    %slice3A_134 = vector.extract_strided_slice %select_n3A_114 {offsets = [0, 512], sizes = [128, 128], strides = [1, 1]} : vector<128x1536xf32> to vector<128x128xf32>
    %select_n3A_135 = arith.select %lt3A_133, %slice3A_134, %select_n3A_130 : vector<128x128xi1>, vector<128x128xf32>
    %min3A_136 = arith.minimumf %min3A_131, %slice3A_132 : vector<128x128xf32>
    %slice3A_137 = vector.extract_strided_slice %select_n3A_113 {offsets = [0, 640], sizes = [128, 128], strides = [1, 1]} : vector<128x1536xf32> to vector<128x128xf32>
    %lt3A_138 = arith.cmpf olt, %slice3A_137, %min3A_136 : vector<128x128xf32>
    %slice3A_139 = vector.extract_strided_slice %select_n3A_114 {offsets = [0, 640], sizes = [128, 128], strides = [1, 1]} : vector<128x1536xf32> to vector<128x128xf32>
    %select_n3A_140 = arith.select %lt3A_138, %slice3A_139, %select_n3A_135 : vector<128x128xi1>, vector<128x128xf32>
    %min3A_141 = arith.minimumf %min3A_136, %slice3A_137 : vector<128x128xf32>
    %slice3A_142 = vector.extract_strided_slice %select_n3A_113 {offsets = [0, 768], sizes = [128, 128], strides = [1, 1]} : vector<128x1536xf32> to vector<128x128xf32>
    %lt3A_143 = arith.cmpf olt, %slice3A_142, %min3A_141 : vector<128x128xf32>
    %slice3A_144 = vector.extract_strided_slice %select_n3A_114 {offsets = [0, 768], sizes = [128, 128], strides = [1, 1]} : vector<128x1536xf32> to vector<128x128xf32>
    %select_n3A_145 = arith.select %lt3A_143, %slice3A_144, %select_n3A_140 : vector<128x128xi1>, vector<128x128xf32>
    %min3A_146 = arith.minimumf %min3A_141, %slice3A_142 : vector<128x128xf32>
    %slice3A_147 = vector.extract_strided_slice %select_n3A_113 {offsets = [0, 896], sizes = [128, 128], strides = [1, 1]} : vector<128x1536xf32> to vector<128x128xf32>
    %lt3A_148 = arith.cmpf olt, %slice3A_147, %min3A_146 : vector<128x128xf32>
    %slice3A_149 = vector.extract_strided_slice %select_n3A_114 {offsets = [0, 896], sizes = [128, 128], strides = [1, 1]} : vector<128x1536xf32> to vector<128x128xf32>
    %select_n3A_150 = arith.select %lt3A_148, %slice3A_149, %select_n3A_145 : vector<128x128xi1>, vector<128x128xf32>
    %min3A_151 = arith.minimumf %min3A_146, %slice3A_147 : vector<128x128xf32>
    %slice3A_152 = vector.extract_strided_slice %select_n3A_113 {offsets = [0, 1024], sizes = [128, 128], strides = [1, 1]} : vector<128x1536xf32> to vector<128x128xf32>
    %lt3A_153 = arith.cmpf olt, %slice3A_152, %min3A_151 : vector<128x128xf32>
    %slice3A_154 = vector.extract_strided_slice %select_n3A_114 {offsets = [0, 1024], sizes = [128, 128], strides = [1, 1]} : vector<128x1536xf32> to vector<128x128xf32>
    %select_n3A_155 = arith.select %lt3A_153, %slice3A_154, %select_n3A_150 : vector<128x128xi1>, vector<128x128xf32>
    %min3A_156 = arith.minimumf %min3A_151, %slice3A_152 : vector<128x128xf32>
    %slice3A_157 = vector.extract_strided_slice %select_n3A_113 {offsets = [0, 1152], sizes = [128, 128], strides = [1, 1]} : vector<128x1536xf32> to vector<128x128xf32>
    %lt3A_158 = arith.cmpf olt, %slice3A_157, %min3A_156 : vector<128x128xf32>
    %slice3A_159 = vector.extract_strided_slice %select_n3A_114 {offsets = [0, 1152], sizes = [128, 128], strides = [1, 1]} : vector<128x1536xf32> to vector<128x128xf32>
    %select_n3A_160 = arith.select %lt3A_158, %slice3A_159, %select_n3A_155 : vector<128x128xi1>, vector<128x128xf32>
    %min3A_161 = arith.minimumf %min3A_156, %slice3A_157 : vector<128x128xf32>
    %slice3A_162 = vector.extract_strided_slice %select_n3A_113 {offsets = [0, 1280], sizes = [128, 128], strides = [1, 1]} : vector<128x1536xf32> to vector<128x128xf32>
    %lt3A_163 = arith.cmpf olt, %slice3A_162, %min3A_161 : vector<128x128xf32>
    %slice3A_164 = vector.extract_strided_slice %select_n3A_114 {offsets = [0, 1280], sizes = [128, 128], strides = [1, 1]} : vector<128x1536xf32> to vector<128x128xf32>
    %select_n3A_165 = arith.select %lt3A_163, %slice3A_164, %select_n3A_160 : vector<128x128xi1>, vector<128x128xf32>
    %min3A_166 = arith.minimumf %min3A_161, %slice3A_162 : vector<128x128xf32>
    %slice3A_167 = vector.extract_strided_slice %select_n3A_113 {offsets = [0, 1408], sizes = [128, 128], strides = [1, 1]} : vector<128x1536xf32> to vector<128x128xf32>
    %lt3A_168 = arith.cmpf olt, %slice3A_167, %min3A_166 : vector<128x128xf32>
    %slice3A_169 = vector.extract_strided_slice %select_n3A_114 {offsets = [0, 1408], sizes = [128, 128], strides = [1, 1]} : vector<128x1536xf32> to vector<128x128xf32>
    %select_n3A_170 = arith.select %lt3A_168, %slice3A_169, %select_n3A_165 : vector<128x128xi1>, vector<128x128xf32>
    %min3A_171 = arith.minimumf %min3A_166, %slice3A_167 : vector<128x128xf32>
    %reduce_min3A_172 = arith.constant dense<0x7F800000> : vector<128xf32>
    %reduce_min3A_173 = vector.multi_reduction <minimumf>, %min3A_171, %reduce_min3A_172 [1] : vector<128x128xf32> to vector<128xf32>
    %broadcast_in_dim3A_174 = vector.shape_cast %reduce_min3A_173 : vector<128xf32> to vector<128x1xf32>
    %eq3A_175 = vector.broadcast %broadcast_in_dim3A_174 : vector<128x1xf32> to vector<128x128xf32>
    %eq3A_176 = arith.cmpf oeq, %min3A_171, %eq3A_175 : vector<128x128xf32>
    %jit3A_177 = arith.constant 0x4B7FFFFF : f32
    %broadcast_in_dim3A_178 = vector.broadcast %jit3A_177 : f32 to vector<128x128xf32>
    %select_n3A_179 = arith.select %eq3A_176, %select_n3A_170, %broadcast_in_dim3A_178 : vector<128x128xi1>, vector<128x128xf32>
    %reduce_min3A_180 = arith.constant dense<0x7F800000> : vector<128xf32>
    %reduce_min3A_181 = vector.multi_reduction <minimumf>, %select_n3A_179, %reduce_min3A_180 [1] : vector<128x128xf32> to vector<128xf32>
    %broadcast_in_dim3A_182 = vector.shape_cast %reduce_min3A_181 : vector<128xf32> to vector<128x1xf32>
    %lt3A_183 = arith.constant 1.000000e+04 : f32
    %lt3A_184 = vector.broadcast %lt3A_183 : f32 to vector<128x1xf32>
    %lt3A_185 = arith.cmpf olt, %broadcast_in_dim3A_174, %lt3A_184 : vector<128x1xf32>
    %convert_element_type3A_186 = arith.extui %lt3A_185 : vector<128x1xi1> to vector<128x1xi32>
    %convert_element_type3A_187 = arith.sitofp %convert_element_type3A_186 : vector<128x1xi32> to vector<128x1xf32>
    %ge3A_188 = arith.constant 1.536000e+03 : f32
    %ge3A_189 = vector.broadcast %ge3A_188 : f32 to vector<128x1xf32>
    %ge3A_190 = arith.cmpf oge, %broadcast_in_dim3A_182, %ge3A_189 : vector<128x1xf32>
    %jit3A_191 = arith.constant 1.536000e+03 : f32
    %jit3A_192 = arith.constant 0.000000e+00 : f32
    %broadcast_in_dim3A_193 = vector.broadcast %jit3A_191 : f32 to vector<128x1xf32>
    %broadcast_in_dim3A_194 = vector.broadcast %jit3A_192 : f32 to vector<128x1xf32>
    %select_n3A_195 = arith.select %ge3A_190, %broadcast_in_dim3A_193, %broadcast_in_dim3A_194 : vector<128x1xi1>, vector<128x1xf32>
    %sub3A_196 = arith.subf %broadcast_in_dim3A_182, %select_n3A_195 : vector<128x1xf32>
    %eq3A_197 = arith.cmpf oeq, %sub3A_103, %sub3A_196 : vector<128x1xf32>
    %eq3A_198 = vector.broadcast %sub3A_196 : vector<128x1xf32> to vector<128x1536xf32>
    %eq3A_199 = arith.cmpf oeq, %convert_element_type3A, %eq3A_198 : vector<128x1536xf32>
    %jit3A_200 = arith.constant 0x7F800000 : f32
    %broadcast_in_dim3A_201 = vector.shape_cast %eq3A_197 : vector<128x1xi1> to vector<128x1xi1>
    %broadcast_in_dim3A_202 = vector.broadcast %broadcast_in_dim3A_201 : vector<128x1xi1> to vector<128x1536xi1>
    %broadcast_in_dim3A_203 = vector.broadcast %jit3A_200 : f32 to vector<128x1536xf32>
    %select_n3A_204 = arith.select %broadcast_in_dim3A_202, %broadcast_in_dim3A_203, %max3A : vector<128x1536xi1>, vector<128x1536xf32>
    %select_n3A_205 = arith.select %eq3A_199, %select_n3A_204, %select_n3A_113 : vector<128x1536xi1>, vector<128x1536xf32>
    %select_n3A_206 = arith.select %eq3A_199, %select_n3A_25, %select_n3A_114 : vector<128x1536xi1>, vector<128x1536xf32>
    %slice3A_207 = vector.extract_strided_slice %select_n3A_205 {offsets = [0, 0], sizes = [128, 128], strides = [1, 1]} : vector<128x1536xf32> to vector<128x128xf32>
    %slice3A_208 = vector.extract_strided_slice %select_n3A_206 {offsets = [0, 0], sizes = [128, 128], strides = [1, 1]} : vector<128x1536xf32> to vector<128x128xf32>
    %slice3A_209 = vector.extract_strided_slice %select_n3A_205 {offsets = [0, 128], sizes = [128, 128], strides = [1, 1]} : vector<128x1536xf32> to vector<128x128xf32>
    %lt3A_210 = arith.cmpf olt, %slice3A_209, %slice3A_207 : vector<128x128xf32>
    %slice3A_211 = vector.extract_strided_slice %select_n3A_206 {offsets = [0, 128], sizes = [128, 128], strides = [1, 1]} : vector<128x1536xf32> to vector<128x128xf32>
    %select_n3A_212 = arith.select %lt3A_210, %slice3A_211, %slice3A_208 : vector<128x128xi1>, vector<128x128xf32>
    %min3A_213 = arith.minimumf %slice3A_207, %slice3A_209 : vector<128x128xf32>
    %slice3A_214 = vector.extract_strided_slice %select_n3A_205 {offsets = [0, 256], sizes = [128, 128], strides = [1, 1]} : vector<128x1536xf32> to vector<128x128xf32>
    %lt3A_215 = arith.cmpf olt, %slice3A_214, %min3A_213 : vector<128x128xf32>
    %slice3A_216 = vector.extract_strided_slice %select_n3A_206 {offsets = [0, 256], sizes = [128, 128], strides = [1, 1]} : vector<128x1536xf32> to vector<128x128xf32>
    %select_n3A_217 = arith.select %lt3A_215, %slice3A_216, %select_n3A_212 : vector<128x128xi1>, vector<128x128xf32>
    %min3A_218 = arith.minimumf %min3A_213, %slice3A_214 : vector<128x128xf32>
    %slice3A_219 = vector.extract_strided_slice %select_n3A_205 {offsets = [0, 384], sizes = [128, 128], strides = [1, 1]} : vector<128x1536xf32> to vector<128x128xf32>
    %lt3A_220 = arith.cmpf olt, %slice3A_219, %min3A_218 : vector<128x128xf32>
    %slice3A_221 = vector.extract_strided_slice %select_n3A_206 {offsets = [0, 384], sizes = [128, 128], strides = [1, 1]} : vector<128x1536xf32> to vector<128x128xf32>
    %select_n3A_222 = arith.select %lt3A_220, %slice3A_221, %select_n3A_217 : vector<128x128xi1>, vector<128x128xf32>
    %min3A_223 = arith.minimumf %min3A_218, %slice3A_219 : vector<128x128xf32>
    %slice3A_224 = vector.extract_strided_slice %select_n3A_205 {offsets = [0, 512], sizes = [128, 128], strides = [1, 1]} : vector<128x1536xf32> to vector<128x128xf32>
    %lt3A_225 = arith.cmpf olt, %slice3A_224, %min3A_223 : vector<128x128xf32>
    %slice3A_226 = vector.extract_strided_slice %select_n3A_206 {offsets = [0, 512], sizes = [128, 128], strides = [1, 1]} : vector<128x1536xf32> to vector<128x128xf32>
    %select_n3A_227 = arith.select %lt3A_225, %slice3A_226, %select_n3A_222 : vector<128x128xi1>, vector<128x128xf32>
    %min3A_228 = arith.minimumf %min3A_223, %slice3A_224 : vector<128x128xf32>
    %slice3A_229 = vector.extract_strided_slice %select_n3A_205 {offsets = [0, 640], sizes = [128, 128], strides = [1, 1]} : vector<128x1536xf32> to vector<128x128xf32>
    %lt3A_230 = arith.cmpf olt, %slice3A_229, %min3A_228 : vector<128x128xf32>
    %slice3A_231 = vector.extract_strided_slice %select_n3A_206 {offsets = [0, 640], sizes = [128, 128], strides = [1, 1]} : vector<128x1536xf32> to vector<128x128xf32>
    %select_n3A_232 = arith.select %lt3A_230, %slice3A_231, %select_n3A_227 : vector<128x128xi1>, vector<128x128xf32>
    %min3A_233 = arith.minimumf %min3A_228, %slice3A_229 : vector<128x128xf32>
    %slice3A_234 = vector.extract_strided_slice %select_n3A_205 {offsets = [0, 768], sizes = [128, 128], strides = [1, 1]} : vector<128x1536xf32> to vector<128x128xf32>
    %lt3A_235 = arith.cmpf olt, %slice3A_234, %min3A_233 : vector<128x128xf32>
    %slice3A_236 = vector.extract_strided_slice %select_n3A_206 {offsets = [0, 768], sizes = [128, 128], strides = [1, 1]} : vector<128x1536xf32> to vector<128x128xf32>
    %select_n3A_237 = arith.select %lt3A_235, %slice3A_236, %select_n3A_232 : vector<128x128xi1>, vector<128x128xf32>
    %min3A_238 = arith.minimumf %min3A_233, %slice3A_234 : vector<128x128xf32>
    %slice3A_239 = vector.extract_strided_slice %select_n3A_205 {offsets = [0, 896], sizes = [128, 128], strides = [1, 1]} : vector<128x1536xf32> to vector<128x128xf32>
    %lt3A_240 = arith.cmpf olt, %slice3A_239, %min3A_238 : vector<128x128xf32>
    %slice3A_241 = vector.extract_strided_slice %select_n3A_206 {offsets = [0, 896], sizes = [128, 128], strides = [1, 1]} : vector<128x1536xf32> to vector<128x128xf32>
    %select_n3A_242 = arith.select %lt3A_240, %slice3A_241, %select_n3A_237 : vector<128x128xi1>, vector<128x128xf32>
    %min3A_243 = arith.minimumf %min3A_238, %slice3A_239 : vector<128x128xf32>
    %slice3A_244 = vector.extract_strided_slice %select_n3A_205 {offsets = [0, 1024], sizes = [128, 128], strides = [1, 1]} : vector<128x1536xf32> to vector<128x128xf32>
    %lt3A_245 = arith.cmpf olt, %slice3A_244, %min3A_243 : vector<128x128xf32>
    %slice3A_246 = vector.extract_strided_slice %select_n3A_206 {offsets = [0, 1024], sizes = [128, 128], strides = [1, 1]} : vector<128x1536xf32> to vector<128x128xf32>
    %select_n3A_247 = arith.select %lt3A_245, %slice3A_246, %select_n3A_242 : vector<128x128xi1>, vector<128x128xf32>
    %min3A_248 = arith.minimumf %min3A_243, %slice3A_244 : vector<128x128xf32>
    %slice3A_249 = vector.extract_strided_slice %select_n3A_205 {offsets = [0, 1152], sizes = [128, 128], strides = [1, 1]} : vector<128x1536xf32> to vector<128x128xf32>
    %lt3A_250 = arith.cmpf olt, %slice3A_249, %min3A_248 : vector<128x128xf32>
    %slice3A_251 = vector.extract_strided_slice %select_n3A_206 {offsets = [0, 1152], sizes = [128, 128], strides = [1, 1]} : vector<128x1536xf32> to vector<128x128xf32>
    %select_n3A_252 = arith.select %lt3A_250, %slice3A_251, %select_n3A_247 : vector<128x128xi1>, vector<128x128xf32>
    %min3A_253 = arith.minimumf %min3A_248, %slice3A_249 : vector<128x128xf32>
    %slice3A_254 = vector.extract_strided_slice %select_n3A_205 {offsets = [0, 1280], sizes = [128, 128], strides = [1, 1]} : vector<128x1536xf32> to vector<128x128xf32>
    %lt3A_255 = arith.cmpf olt, %slice3A_254, %min3A_253 : vector<128x128xf32>
    %slice3A_256 = vector.extract_strided_slice %select_n3A_206 {offsets = [0, 1280], sizes = [128, 128], strides = [1, 1]} : vector<128x1536xf32> to vector<128x128xf32>
    %select_n3A_257 = arith.select %lt3A_255, %slice3A_256, %select_n3A_252 : vector<128x128xi1>, vector<128x128xf32>
    %min3A_258 = arith.minimumf %min3A_253, %slice3A_254 : vector<128x128xf32>
    %slice3A_259 = vector.extract_strided_slice %select_n3A_205 {offsets = [0, 1408], sizes = [128, 128], strides = [1, 1]} : vector<128x1536xf32> to vector<128x128xf32>
    %lt3A_260 = arith.cmpf olt, %slice3A_259, %min3A_258 : vector<128x128xf32>
    %slice3A_261 = vector.extract_strided_slice %select_n3A_206 {offsets = [0, 1408], sizes = [128, 128], strides = [1, 1]} : vector<128x1536xf32> to vector<128x128xf32>
    %select_n3A_262 = arith.select %lt3A_260, %slice3A_261, %select_n3A_257 : vector<128x128xi1>, vector<128x128xf32>
    %min3A_263 = arith.minimumf %min3A_258, %slice3A_259 : vector<128x128xf32>
    %reduce_min3A_264 = arith.constant dense<0x7F800000> : vector<128xf32>
    %reduce_min3A_265 = vector.multi_reduction <minimumf>, %min3A_263, %reduce_min3A_264 [1] : vector<128x128xf32> to vector<128xf32>
    %broadcast_in_dim3A_266 = vector.shape_cast %reduce_min3A_265 : vector<128xf32> to vector<128x1xf32>
    %eq3A_267 = vector.broadcast %broadcast_in_dim3A_266 : vector<128x1xf32> to vector<128x128xf32>
    %eq3A_268 = arith.cmpf oeq, %min3A_263, %eq3A_267 : vector<128x128xf32>
    %jit3A_269 = arith.constant 0x4B7FFFFF : f32
    %broadcast_in_dim3A_270 = vector.broadcast %jit3A_269 : f32 to vector<128x128xf32>
    %select_n3A_271 = arith.select %eq3A_268, %select_n3A_262, %broadcast_in_dim3A_270 : vector<128x128xi1>, vector<128x128xf32>
    %reduce_min3A_272 = arith.constant dense<0x7F800000> : vector<128xf32>
    %reduce_min3A_273 = vector.multi_reduction <minimumf>, %select_n3A_271, %reduce_min3A_272 [1] : vector<128x128xf32> to vector<128xf32>
    %broadcast_in_dim3A_274 = vector.shape_cast %reduce_min3A_273 : vector<128xf32> to vector<128x1xf32>
    %lt3A_275 = arith.constant 1.000000e+04 : f32
    %lt3A_276 = vector.broadcast %lt3A_275 : f32 to vector<128x1xf32>
    %lt3A_277 = arith.cmpf olt, %broadcast_in_dim3A_266, %lt3A_276 : vector<128x1xf32>
    %convert_element_type3A_278 = arith.extui %lt3A_277 : vector<128x1xi1> to vector<128x1xi32>
    %convert_element_type3A_279 = arith.sitofp %convert_element_type3A_278 : vector<128x1xi32> to vector<128x1xf32>
    %ge3A_280 = arith.constant 1.536000e+03 : f32
    %ge3A_281 = vector.broadcast %ge3A_280 : f32 to vector<128x1xf32>
    %ge3A_282 = arith.cmpf oge, %broadcast_in_dim3A_274, %ge3A_281 : vector<128x1xf32>
    %jit3A_283 = arith.constant 1.536000e+03 : f32
    %jit3A_284 = arith.constant 0.000000e+00 : f32
    %broadcast_in_dim3A_285 = vector.broadcast %jit3A_283 : f32 to vector<128x1xf32>
    %broadcast_in_dim3A_286 = vector.broadcast %jit3A_284 : f32 to vector<128x1xf32>
    %select_n3A_287 = arith.select %ge3A_282, %broadcast_in_dim3A_285, %broadcast_in_dim3A_286 : vector<128x1xi1>, vector<128x1xf32>
    %sub3A_288 = arith.subf %broadcast_in_dim3A_274, %select_n3A_287 : vector<128x1xf32>
    %eq3A_289 = arith.cmpf oeq, %sub3A_103, %sub3A_288 : vector<128x1xf32>
    %eq3A_290 = arith.cmpf oeq, %sub3A_196, %sub3A_288 : vector<128x1xf32>
    %or3A = arith.ori %eq3A_289, %eq3A_290 : vector<128x1xi1>
    %eq3A_291 = vector.broadcast %sub3A_288 : vector<128x1xf32> to vector<128x1536xf32>
    %eq3A_292 = arith.cmpf oeq, %convert_element_type3A, %eq3A_291 : vector<128x1536xf32>
    %jit3A_293 = arith.constant 0x7F800000 : f32
    %broadcast_in_dim3A_294 = vector.shape_cast %or3A : vector<128x1xi1> to vector<128x1xi1>
    %broadcast_in_dim3A_295 = vector.broadcast %broadcast_in_dim3A_294 : vector<128x1xi1> to vector<128x1536xi1>
    %broadcast_in_dim3A_296 = vector.broadcast %jit3A_293 : f32 to vector<128x1536xf32>
    %select_n3A_297 = arith.select %broadcast_in_dim3A_295, %broadcast_in_dim3A_296, %max3A : vector<128x1536xi1>, vector<128x1536xf32>
    %select_n3A_298 = arith.select %eq3A_292, %select_n3A_297, %select_n3A_205 : vector<128x1536xi1>, vector<128x1536xf32>
    %select_n3A_299 = arith.select %eq3A_292, %select_n3A_25, %select_n3A_206 : vector<128x1536xi1>, vector<128x1536xf32>
    %slice3A_300 = vector.extract_strided_slice %select_n3A_298 {offsets = [0, 0], sizes = [128, 128], strides = [1, 1]} : vector<128x1536xf32> to vector<128x128xf32>
    %slice3A_301 = vector.extract_strided_slice %select_n3A_299 {offsets = [0, 0], sizes = [128, 128], strides = [1, 1]} : vector<128x1536xf32> to vector<128x128xf32>
    %slice3A_302 = vector.extract_strided_slice %select_n3A_298 {offsets = [0, 128], sizes = [128, 128], strides = [1, 1]} : vector<128x1536xf32> to vector<128x128xf32>
    %lt3A_303 = arith.cmpf olt, %slice3A_302, %slice3A_300 : vector<128x128xf32>
    %slice3A_304 = vector.extract_strided_slice %select_n3A_299 {offsets = [0, 128], sizes = [128, 128], strides = [1, 1]} : vector<128x1536xf32> to vector<128x128xf32>
    %select_n3A_305 = arith.select %lt3A_303, %slice3A_304, %slice3A_301 : vector<128x128xi1>, vector<128x128xf32>
    %min3A_306 = arith.minimumf %slice3A_300, %slice3A_302 : vector<128x128xf32>
    %slice3A_307 = vector.extract_strided_slice %select_n3A_298 {offsets = [0, 256], sizes = [128, 128], strides = [1, 1]} : vector<128x1536xf32> to vector<128x128xf32>
    %lt3A_308 = arith.cmpf olt, %slice3A_307, %min3A_306 : vector<128x128xf32>
    %slice3A_309 = vector.extract_strided_slice %select_n3A_299 {offsets = [0, 256], sizes = [128, 128], strides = [1, 1]} : vector<128x1536xf32> to vector<128x128xf32>
    %select_n3A_310 = arith.select %lt3A_308, %slice3A_309, %select_n3A_305 : vector<128x128xi1>, vector<128x128xf32>
    %min3A_311 = arith.minimumf %min3A_306, %slice3A_307 : vector<128x128xf32>
    %slice3A_312 = vector.extract_strided_slice %select_n3A_298 {offsets = [0, 384], sizes = [128, 128], strides = [1, 1]} : vector<128x1536xf32> to vector<128x128xf32>
    %lt3A_313 = arith.cmpf olt, %slice3A_312, %min3A_311 : vector<128x128xf32>
    %slice3A_314 = vector.extract_strided_slice %select_n3A_299 {offsets = [0, 384], sizes = [128, 128], strides = [1, 1]} : vector<128x1536xf32> to vector<128x128xf32>
    %select_n3A_315 = arith.select %lt3A_313, %slice3A_314, %select_n3A_310 : vector<128x128xi1>, vector<128x128xf32>
    %min3A_316 = arith.minimumf %min3A_311, %slice3A_312 : vector<128x128xf32>
    %slice3A_317 = vector.extract_strided_slice %select_n3A_298 {offsets = [0, 512], sizes = [128, 128], strides = [1, 1]} : vector<128x1536xf32> to vector<128x128xf32>
    %lt3A_318 = arith.cmpf olt, %slice3A_317, %min3A_316 : vector<128x128xf32>
    %slice3A_319 = vector.extract_strided_slice %select_n3A_299 {offsets = [0, 512], sizes = [128, 128], strides = [1, 1]} : vector<128x1536xf32> to vector<128x128xf32>
    %select_n3A_320 = arith.select %lt3A_318, %slice3A_319, %select_n3A_315 : vector<128x128xi1>, vector<128x128xf32>
    %min3A_321 = arith.minimumf %min3A_316, %slice3A_317 : vector<128x128xf32>
    %slice3A_322 = vector.extract_strided_slice %select_n3A_298 {offsets = [0, 640], sizes = [128, 128], strides = [1, 1]} : vector<128x1536xf32> to vector<128x128xf32>
    %lt3A_323 = arith.cmpf olt, %slice3A_322, %min3A_321 : vector<128x128xf32>
    %slice3A_324 = vector.extract_strided_slice %select_n3A_299 {offsets = [0, 640], sizes = [128, 128], strides = [1, 1]} : vector<128x1536xf32> to vector<128x128xf32>
    %select_n3A_325 = arith.select %lt3A_323, %slice3A_324, %select_n3A_320 : vector<128x128xi1>, vector<128x128xf32>
    %min3A_326 = arith.minimumf %min3A_321, %slice3A_322 : vector<128x128xf32>
    %slice3A_327 = vector.extract_strided_slice %select_n3A_298 {offsets = [0, 768], sizes = [128, 128], strides = [1, 1]} : vector<128x1536xf32> to vector<128x128xf32>
    %lt3A_328 = arith.cmpf olt, %slice3A_327, %min3A_326 : vector<128x128xf32>
    %slice3A_329 = vector.extract_strided_slice %select_n3A_299 {offsets = [0, 768], sizes = [128, 128], strides = [1, 1]} : vector<128x1536xf32> to vector<128x128xf32>
    %select_n3A_330 = arith.select %lt3A_328, %slice3A_329, %select_n3A_325 : vector<128x128xi1>, vector<128x128xf32>
    %min3A_331 = arith.minimumf %min3A_326, %slice3A_327 : vector<128x128xf32>
    %slice3A_332 = vector.extract_strided_slice %select_n3A_298 {offsets = [0, 896], sizes = [128, 128], strides = [1, 1]} : vector<128x1536xf32> to vector<128x128xf32>
    %lt3A_333 = arith.cmpf olt, %slice3A_332, %min3A_331 : vector<128x128xf32>
    %slice3A_334 = vector.extract_strided_slice %select_n3A_299 {offsets = [0, 896], sizes = [128, 128], strides = [1, 1]} : vector<128x1536xf32> to vector<128x128xf32>
    %select_n3A_335 = arith.select %lt3A_333, %slice3A_334, %select_n3A_330 : vector<128x128xi1>, vector<128x128xf32>
    %min3A_336 = arith.minimumf %min3A_331, %slice3A_332 : vector<128x128xf32>
    %slice3A_337 = vector.extract_strided_slice %select_n3A_298 {offsets = [0, 1024], sizes = [128, 128], strides = [1, 1]} : vector<128x1536xf32> to vector<128x128xf32>
    %lt3A_338 = arith.cmpf olt, %slice3A_337, %min3A_336 : vector<128x128xf32>
    %slice3A_339 = vector.extract_strided_slice %select_n3A_299 {offsets = [0, 1024], sizes = [128, 128], strides = [1, 1]} : vector<128x1536xf32> to vector<128x128xf32>
    %select_n3A_340 = arith.select %lt3A_338, %slice3A_339, %select_n3A_335 : vector<128x128xi1>, vector<128x128xf32>
    %min3A_341 = arith.minimumf %min3A_336, %slice3A_337 : vector<128x128xf32>
    %slice3A_342 = vector.extract_strided_slice %select_n3A_298 {offsets = [0, 1152], sizes = [128, 128], strides = [1, 1]} : vector<128x1536xf32> to vector<128x128xf32>
    %lt3A_343 = arith.cmpf olt, %slice3A_342, %min3A_341 : vector<128x128xf32>
    %slice3A_344 = vector.extract_strided_slice %select_n3A_299 {offsets = [0, 1152], sizes = [128, 128], strides = [1, 1]} : vector<128x1536xf32> to vector<128x128xf32>
    %select_n3A_345 = arith.select %lt3A_343, %slice3A_344, %select_n3A_340 : vector<128x128xi1>, vector<128x128xf32>
    %min3A_346 = arith.minimumf %min3A_341, %slice3A_342 : vector<128x128xf32>
    %slice3A_347 = vector.extract_strided_slice %select_n3A_298 {offsets = [0, 1280], sizes = [128, 128], strides = [1, 1]} : vector<128x1536xf32> to vector<128x128xf32>
    %lt3A_348 = arith.cmpf olt, %slice3A_347, %min3A_346 : vector<128x128xf32>
    %slice3A_349 = vector.extract_strided_slice %select_n3A_299 {offsets = [0, 1280], sizes = [128, 128], strides = [1, 1]} : vector<128x1536xf32> to vector<128x128xf32>
    %select_n3A_350 = arith.select %lt3A_348, %slice3A_349, %select_n3A_345 : vector<128x128xi1>, vector<128x128xf32>
    %min3A_351 = arith.minimumf %min3A_346, %slice3A_347 : vector<128x128xf32>
    %slice3A_352 = vector.extract_strided_slice %select_n3A_298 {offsets = [0, 1408], sizes = [128, 128], strides = [1, 1]} : vector<128x1536xf32> to vector<128x128xf32>
    %lt3A_353 = arith.cmpf olt, %slice3A_352, %min3A_351 : vector<128x128xf32>
    %slice3A_354 = vector.extract_strided_slice %select_n3A_299 {offsets = [0, 1408], sizes = [128, 128], strides = [1, 1]} : vector<128x1536xf32> to vector<128x128xf32>
    %select_n3A_355 = arith.select %lt3A_353, %slice3A_354, %select_n3A_350 : vector<128x128xi1>, vector<128x128xf32>
    %min3A_356 = arith.minimumf %min3A_351, %slice3A_352 : vector<128x128xf32>
    %reduce_min3A_357 = arith.constant dense<0x7F800000> : vector<128xf32>
    %reduce_min3A_358 = vector.multi_reduction <minimumf>, %min3A_356, %reduce_min3A_357 [1] : vector<128x128xf32> to vector<128xf32>
    %broadcast_in_dim3A_359 = vector.shape_cast %reduce_min3A_358 : vector<128xf32> to vector<128x1xf32>
    %eq3A_360 = vector.broadcast %broadcast_in_dim3A_359 : vector<128x1xf32> to vector<128x128xf32>
    %eq3A_361 = arith.cmpf oeq, %min3A_356, %eq3A_360 : vector<128x128xf32>
    %jit3A_362 = arith.constant 0x4B7FFFFF : f32
    %broadcast_in_dim3A_363 = vector.broadcast %jit3A_362 : f32 to vector<128x128xf32>
    %select_n3A_364 = arith.select %eq3A_361, %select_n3A_355, %broadcast_in_dim3A_363 : vector<128x128xi1>, vector<128x128xf32>
    %reduce_min3A_365 = arith.constant dense<0x7F800000> : vector<128xf32>
    %reduce_min3A_366 = vector.multi_reduction <minimumf>, %select_n3A_364, %reduce_min3A_365 [1] : vector<128x128xf32> to vector<128xf32>
    %broadcast_in_dim3A_367 = vector.shape_cast %reduce_min3A_366 : vector<128xf32> to vector<128x1xf32>
    %lt3A_368 = arith.constant 1.000000e+04 : f32
    %lt3A_369 = vector.broadcast %lt3A_368 : f32 to vector<128x1xf32>
    %lt3A_370 = arith.cmpf olt, %broadcast_in_dim3A_359, %lt3A_369 : vector<128x1xf32>
    %convert_element_type3A_371 = arith.extui %lt3A_370 : vector<128x1xi1> to vector<128x1xi32>
    %convert_element_type3A_372 = arith.sitofp %convert_element_type3A_371 : vector<128x1xi32> to vector<128x1xf32>
    %ge3A_373 = arith.constant 1.536000e+03 : f32
    %ge3A_374 = vector.broadcast %ge3A_373 : f32 to vector<128x1xf32>
    %ge3A_375 = arith.cmpf oge, %broadcast_in_dim3A_367, %ge3A_374 : vector<128x1xf32>
    %jit3A_376 = arith.constant 1.536000e+03 : f32
    %jit3A_377 = arith.constant 0.000000e+00 : f32
    %broadcast_in_dim3A_378 = vector.broadcast %jit3A_376 : f32 to vector<128x1xf32>
    %broadcast_in_dim3A_379 = vector.broadcast %jit3A_377 : f32 to vector<128x1xf32>
    %select_n3A_380 = arith.select %ge3A_375, %broadcast_in_dim3A_378, %broadcast_in_dim3A_379 : vector<128x1xi1>, vector<128x1xf32>
    %sub3A_381 = arith.subf %broadcast_in_dim3A_367, %select_n3A_380 : vector<128x1xf32>
    %eq3A_382 = arith.cmpf oeq, %sub3A_103, %sub3A_381 : vector<128x1xf32>
    %eq3A_383 = arith.cmpf oeq, %sub3A_196, %sub3A_381 : vector<128x1xf32>
    %or3A_384 = arith.ori %eq3A_382, %eq3A_383 : vector<128x1xi1>
    %eq3A_385 = arith.cmpf oeq, %sub3A_288, %sub3A_381 : vector<128x1xf32>
    %or3A_386 = arith.ori %or3A_384, %eq3A_385 : vector<128x1xi1>
    %eq3A_387 = vector.broadcast %sub3A_381 : vector<128x1xf32> to vector<128x1536xf32>
    %eq3A_388 = arith.cmpf oeq, %convert_element_type3A, %eq3A_387 : vector<128x1536xf32>
    %jit3A_389 = arith.constant 0x7F800000 : f32
    %broadcast_in_dim3A_390 = vector.shape_cast %or3A_386 : vector<128x1xi1> to vector<128x1xi1>
    %broadcast_in_dim3A_391 = vector.broadcast %broadcast_in_dim3A_390 : vector<128x1xi1> to vector<128x1536xi1>
    %broadcast_in_dim3A_392 = vector.broadcast %jit3A_389 : f32 to vector<128x1536xf32>
    %select_n3A_393 = arith.select %broadcast_in_dim3A_391, %broadcast_in_dim3A_392, %max3A : vector<128x1536xi1>, vector<128x1536xf32>
    %select_n3A_394 = arith.select %eq3A_388, %select_n3A_393, %select_n3A_298 : vector<128x1536xi1>, vector<128x1536xf32>
    %select_n3A_395 = arith.select %eq3A_388, %select_n3A_25, %select_n3A_299 : vector<128x1536xi1>, vector<128x1536xf32>
    %slice3A_396 = vector.extract_strided_slice %select_n3A_394 {offsets = [0, 0], sizes = [128, 128], strides = [1, 1]} : vector<128x1536xf32> to vector<128x128xf32>
    %slice3A_397 = vector.extract_strided_slice %select_n3A_395 {offsets = [0, 0], sizes = [128, 128], strides = [1, 1]} : vector<128x1536xf32> to vector<128x128xf32>
    %slice3A_398 = vector.extract_strided_slice %select_n3A_394 {offsets = [0, 128], sizes = [128, 128], strides = [1, 1]} : vector<128x1536xf32> to vector<128x128xf32>
    %lt3A_399 = arith.cmpf olt, %slice3A_398, %slice3A_396 : vector<128x128xf32>
    %slice3A_400 = vector.extract_strided_slice %select_n3A_395 {offsets = [0, 128], sizes = [128, 128], strides = [1, 1]} : vector<128x1536xf32> to vector<128x128xf32>
    %select_n3A_401 = arith.select %lt3A_399, %slice3A_400, %slice3A_397 : vector<128x128xi1>, vector<128x128xf32>
    %min3A_402 = arith.minimumf %slice3A_396, %slice3A_398 : vector<128x128xf32>
    %slice3A_403 = vector.extract_strided_slice %select_n3A_394 {offsets = [0, 256], sizes = [128, 128], strides = [1, 1]} : vector<128x1536xf32> to vector<128x128xf32>
    %lt3A_404 = arith.cmpf olt, %slice3A_403, %min3A_402 : vector<128x128xf32>
    %slice3A_405 = vector.extract_strided_slice %select_n3A_395 {offsets = [0, 256], sizes = [128, 128], strides = [1, 1]} : vector<128x1536xf32> to vector<128x128xf32>
    %select_n3A_406 = arith.select %lt3A_404, %slice3A_405, %select_n3A_401 : vector<128x128xi1>, vector<128x128xf32>
    %min3A_407 = arith.minimumf %min3A_402, %slice3A_403 : vector<128x128xf32>
    %slice3A_408 = vector.extract_strided_slice %select_n3A_394 {offsets = [0, 384], sizes = [128, 128], strides = [1, 1]} : vector<128x1536xf32> to vector<128x128xf32>
    %lt3A_409 = arith.cmpf olt, %slice3A_408, %min3A_407 : vector<128x128xf32>
    %slice3A_410 = vector.extract_strided_slice %select_n3A_395 {offsets = [0, 384], sizes = [128, 128], strides = [1, 1]} : vector<128x1536xf32> to vector<128x128xf32>
    %select_n3A_411 = arith.select %lt3A_409, %slice3A_410, %select_n3A_406 : vector<128x128xi1>, vector<128x128xf32>
    %min3A_412 = arith.minimumf %min3A_407, %slice3A_408 : vector<128x128xf32>
    %slice3A_413 = vector.extract_strided_slice %select_n3A_394 {offsets = [0, 512], sizes = [128, 128], strides = [1, 1]} : vector<128x1536xf32> to vector<128x128xf32>
    %lt3A_414 = arith.cmpf olt, %slice3A_413, %min3A_412 : vector<128x128xf32>
    %slice3A_415 = vector.extract_strided_slice %select_n3A_395 {offsets = [0, 512], sizes = [128, 128], strides = [1, 1]} : vector<128x1536xf32> to vector<128x128xf32>
    %select_n3A_416 = arith.select %lt3A_414, %slice3A_415, %select_n3A_411 : vector<128x128xi1>, vector<128x128xf32>
    %min3A_417 = arith.minimumf %min3A_412, %slice3A_413 : vector<128x128xf32>
    %slice3A_418 = vector.extract_strided_slice %select_n3A_394 {offsets = [0, 640], sizes = [128, 128], strides = [1, 1]} : vector<128x1536xf32> to vector<128x128xf32>
    %lt3A_419 = arith.cmpf olt, %slice3A_418, %min3A_417 : vector<128x128xf32>
    %slice3A_420 = vector.extract_strided_slice %select_n3A_395 {offsets = [0, 640], sizes = [128, 128], strides = [1, 1]} : vector<128x1536xf32> to vector<128x128xf32>
    %select_n3A_421 = arith.select %lt3A_419, %slice3A_420, %select_n3A_416 : vector<128x128xi1>, vector<128x128xf32>
    %min3A_422 = arith.minimumf %min3A_417, %slice3A_418 : vector<128x128xf32>
    %slice3A_423 = vector.extract_strided_slice %select_n3A_394 {offsets = [0, 768], sizes = [128, 128], strides = [1, 1]} : vector<128x1536xf32> to vector<128x128xf32>
    %lt3A_424 = arith.cmpf olt, %slice3A_423, %min3A_422 : vector<128x128xf32>
    %slice3A_425 = vector.extract_strided_slice %select_n3A_395 {offsets = [0, 768], sizes = [128, 128], strides = [1, 1]} : vector<128x1536xf32> to vector<128x128xf32>
    %select_n3A_426 = arith.select %lt3A_424, %slice3A_425, %select_n3A_421 : vector<128x128xi1>, vector<128x128xf32>
    %min3A_427 = arith.minimumf %min3A_422, %slice3A_423 : vector<128x128xf32>
    %slice3A_428 = vector.extract_strided_slice %select_n3A_394 {offsets = [0, 896], sizes = [128, 128], strides = [1, 1]} : vector<128x1536xf32> to vector<128x128xf32>
    %lt3A_429 = arith.cmpf olt, %slice3A_428, %min3A_427 : vector<128x128xf32>
    %slice3A_430 = vector.extract_strided_slice %select_n3A_395 {offsets = [0, 896], sizes = [128, 128], strides = [1, 1]} : vector<128x1536xf32> to vector<128x128xf32>
    %select_n3A_431 = arith.select %lt3A_429, %slice3A_430, %select_n3A_426 : vector<128x128xi1>, vector<128x128xf32>
    %min3A_432 = arith.minimumf %min3A_427, %slice3A_428 : vector<128x128xf32>
    %slice3A_433 = vector.extract_strided_slice %select_n3A_394 {offsets = [0, 1024], sizes = [128, 128], strides = [1, 1]} : vector<128x1536xf32> to vector<128x128xf32>
    %lt3A_434 = arith.cmpf olt, %slice3A_433, %min3A_432 : vector<128x128xf32>
    %slice3A_435 = vector.extract_strided_slice %select_n3A_395 {offsets = [0, 1024], sizes = [128, 128], strides = [1, 1]} : vector<128x1536xf32> to vector<128x128xf32>
    %select_n3A_436 = arith.select %lt3A_434, %slice3A_435, %select_n3A_431 : vector<128x128xi1>, vector<128x128xf32>
    %min3A_437 = arith.minimumf %min3A_432, %slice3A_433 : vector<128x128xf32>
    %slice3A_438 = vector.extract_strided_slice %select_n3A_394 {offsets = [0, 1152], sizes = [128, 128], strides = [1, 1]} : vector<128x1536xf32> to vector<128x128xf32>
    %lt3A_439 = arith.cmpf olt, %slice3A_438, %min3A_437 : vector<128x128xf32>
    %slice3A_440 = vector.extract_strided_slice %select_n3A_395 {offsets = [0, 1152], sizes = [128, 128], strides = [1, 1]} : vector<128x1536xf32> to vector<128x128xf32>
    %select_n3A_441 = arith.select %lt3A_439, %slice3A_440, %select_n3A_436 : vector<128x128xi1>, vector<128x128xf32>
    %min3A_442 = arith.minimumf %min3A_437, %slice3A_438 : vector<128x128xf32>
    %slice3A_443 = vector.extract_strided_slice %select_n3A_394 {offsets = [0, 1280], sizes = [128, 128], strides = [1, 1]} : vector<128x1536xf32> to vector<128x128xf32>
    %lt3A_444 = arith.cmpf olt, %slice3A_443, %min3A_442 : vector<128x128xf32>
    %slice3A_445 = vector.extract_strided_slice %select_n3A_395 {offsets = [0, 1280], sizes = [128, 128], strides = [1, 1]} : vector<128x1536xf32> to vector<128x128xf32>
    %select_n3A_446 = arith.select %lt3A_444, %slice3A_445, %select_n3A_441 : vector<128x128xi1>, vector<128x128xf32>
    %min3A_447 = arith.minimumf %min3A_442, %slice3A_443 : vector<128x128xf32>
    %slice3A_448 = vector.extract_strided_slice %select_n3A_394 {offsets = [0, 1408], sizes = [128, 128], strides = [1, 1]} : vector<128x1536xf32> to vector<128x128xf32>
    %lt3A_449 = arith.cmpf olt, %slice3A_448, %min3A_447 : vector<128x128xf32>
    %slice3A_450 = vector.extract_strided_slice %select_n3A_395 {offsets = [0, 1408], sizes = [128, 128], strides = [1, 1]} : vector<128x1536xf32> to vector<128x128xf32>
    %select_n3A_451 = arith.select %lt3A_449, %slice3A_450, %select_n3A_446 : vector<128x128xi1>, vector<128x128xf32>
    %min3A_452 = arith.minimumf %min3A_447, %slice3A_448 : vector<128x128xf32>
    %reduce_min3A_453 = arith.constant dense<0x7F800000> : vector<128xf32>
    %reduce_min3A_454 = vector.multi_reduction <minimumf>, %min3A_452, %reduce_min3A_453 [1] : vector<128x128xf32> to vector<128xf32>
    %broadcast_in_dim3A_455 = vector.shape_cast %reduce_min3A_454 : vector<128xf32> to vector<128x1xf32>
    %eq3A_456 = vector.broadcast %broadcast_in_dim3A_455 : vector<128x1xf32> to vector<128x128xf32>
    %eq3A_457 = arith.cmpf oeq, %min3A_452, %eq3A_456 : vector<128x128xf32>
    %jit3A_458 = arith.constant 0x4B7FFFFF : f32
    %broadcast_in_dim3A_459 = vector.broadcast %jit3A_458 : f32 to vector<128x128xf32>
    %select_n3A_460 = arith.select %eq3A_457, %select_n3A_451, %broadcast_in_dim3A_459 : vector<128x128xi1>, vector<128x128xf32>
    %reduce_min3A_461 = arith.constant dense<0x7F800000> : vector<128xf32>
    %reduce_min3A_462 = vector.multi_reduction <minimumf>, %select_n3A_460, %reduce_min3A_461 [1] : vector<128x128xf32> to vector<128xf32>
    %broadcast_in_dim3A_463 = vector.shape_cast %reduce_min3A_462 : vector<128xf32> to vector<128x1xf32>
    %lt3A_464 = arith.constant 1.000000e+04 : f32
    %lt3A_465 = vector.broadcast %lt3A_464 : f32 to vector<128x1xf32>
    %lt3A_466 = arith.cmpf olt, %broadcast_in_dim3A_455, %lt3A_465 : vector<128x1xf32>
    %convert_element_type3A_467 = arith.extui %lt3A_466 : vector<128x1xi1> to vector<128x1xi32>
    %convert_element_type3A_468 = arith.sitofp %convert_element_type3A_467 : vector<128x1xi32> to vector<128x1xf32>
    %ge3A_469 = arith.constant 1.536000e+03 : f32
    %ge3A_470 = vector.broadcast %ge3A_469 : f32 to vector<128x1xf32>
    %ge3A_471 = arith.cmpf oge, %broadcast_in_dim3A_463, %ge3A_470 : vector<128x1xf32>
    %jit3A_472 = arith.constant 1.536000e+03 : f32
    %jit3A_473 = arith.constant 0.000000e+00 : f32
    %broadcast_in_dim3A_474 = vector.broadcast %jit3A_472 : f32 to vector<128x1xf32>
    %broadcast_in_dim3A_475 = vector.broadcast %jit3A_473 : f32 to vector<128x1xf32>
    %select_n3A_476 = arith.select %ge3A_471, %broadcast_in_dim3A_474, %broadcast_in_dim3A_475 : vector<128x1xi1>, vector<128x1xf32>
    %sub3A_477 = arith.subf %broadcast_in_dim3A_463, %select_n3A_476 : vector<128x1xf32>
    %eq3A_478 = arith.cmpf oeq, %sub3A_103, %sub3A_477 : vector<128x1xf32>
    %eq3A_479 = arith.cmpf oeq, %sub3A_196, %sub3A_477 : vector<128x1xf32>
    %or3A_480 = arith.ori %eq3A_478, %eq3A_479 : vector<128x1xi1>
    %eq3A_481 = arith.cmpf oeq, %sub3A_288, %sub3A_477 : vector<128x1xf32>
    %or3A_482 = arith.ori %or3A_480, %eq3A_481 : vector<128x1xi1>
    %eq3A_483 = arith.cmpf oeq, %sub3A_381, %sub3A_477 : vector<128x1xf32>
    %or3A_484 = arith.ori %or3A_482, %eq3A_483 : vector<128x1xi1>
    %eq3A_485 = vector.broadcast %sub3A_477 : vector<128x1xf32> to vector<128x1536xf32>
    %eq3A_486 = arith.cmpf oeq, %convert_element_type3A, %eq3A_485 : vector<128x1536xf32>
    %jit3A_487 = arith.constant 0x7F800000 : f32
    %broadcast_in_dim3A_488 = vector.shape_cast %or3A_484 : vector<128x1xi1> to vector<128x1xi1>
    %broadcast_in_dim3A_489 = vector.broadcast %broadcast_in_dim3A_488 : vector<128x1xi1> to vector<128x1536xi1>
    %broadcast_in_dim3A_490 = vector.broadcast %jit3A_487 : f32 to vector<128x1536xf32>
    %select_n3A_491 = arith.select %broadcast_in_dim3A_489, %broadcast_in_dim3A_490, %max3A : vector<128x1536xi1>, vector<128x1536xf32>
    %select_n3A_492 = arith.select %eq3A_486, %select_n3A_491, %select_n3A_394 : vector<128x1536xi1>, vector<128x1536xf32>
    %select_n3A_493 = arith.select %eq3A_486, %select_n3A_25, %select_n3A_395 : vector<128x1536xi1>, vector<128x1536xf32>
    %slice3A_494 = vector.extract_strided_slice %select_n3A_492 {offsets = [0, 0], sizes = [128, 128], strides = [1, 1]} : vector<128x1536xf32> to vector<128x128xf32>
    %slice3A_495 = vector.extract_strided_slice %select_n3A_493 {offsets = [0, 0], sizes = [128, 128], strides = [1, 1]} : vector<128x1536xf32> to vector<128x128xf32>
    %slice3A_496 = vector.extract_strided_slice %select_n3A_492 {offsets = [0, 128], sizes = [128, 128], strides = [1, 1]} : vector<128x1536xf32> to vector<128x128xf32>
    %lt3A_497 = arith.cmpf olt, %slice3A_496, %slice3A_494 : vector<128x128xf32>
    %slice3A_498 = vector.extract_strided_slice %select_n3A_493 {offsets = [0, 128], sizes = [128, 128], strides = [1, 1]} : vector<128x1536xf32> to vector<128x128xf32>
    %select_n3A_499 = arith.select %lt3A_497, %slice3A_498, %slice3A_495 : vector<128x128xi1>, vector<128x128xf32>
    %min3A_500 = arith.minimumf %slice3A_494, %slice3A_496 : vector<128x128xf32>
    %slice3A_501 = vector.extract_strided_slice %select_n3A_492 {offsets = [0, 256], sizes = [128, 128], strides = [1, 1]} : vector<128x1536xf32> to vector<128x128xf32>
    %lt3A_502 = arith.cmpf olt, %slice3A_501, %min3A_500 : vector<128x128xf32>
    %slice3A_503 = vector.extract_strided_slice %select_n3A_493 {offsets = [0, 256], sizes = [128, 128], strides = [1, 1]} : vector<128x1536xf32> to vector<128x128xf32>
    %select_n3A_504 = arith.select %lt3A_502, %slice3A_503, %select_n3A_499 : vector<128x128xi1>, vector<128x128xf32>
    %min3A_505 = arith.minimumf %min3A_500, %slice3A_501 : vector<128x128xf32>
    %slice3A_506 = vector.extract_strided_slice %select_n3A_492 {offsets = [0, 384], sizes = [128, 128], strides = [1, 1]} : vector<128x1536xf32> to vector<128x128xf32>
    %lt3A_507 = arith.cmpf olt, %slice3A_506, %min3A_505 : vector<128x128xf32>
    %slice3A_508 = vector.extract_strided_slice %select_n3A_493 {offsets = [0, 384], sizes = [128, 128], strides = [1, 1]} : vector<128x1536xf32> to vector<128x128xf32>
    %select_n3A_509 = arith.select %lt3A_507, %slice3A_508, %select_n3A_504 : vector<128x128xi1>, vector<128x128xf32>
    %min3A_510 = arith.minimumf %min3A_505, %slice3A_506 : vector<128x128xf32>
    %slice3A_511 = vector.extract_strided_slice %select_n3A_492 {offsets = [0, 512], sizes = [128, 128], strides = [1, 1]} : vector<128x1536xf32> to vector<128x128xf32>
    %lt3A_512 = arith.cmpf olt, %slice3A_511, %min3A_510 : vector<128x128xf32>
    %slice3A_513 = vector.extract_strided_slice %select_n3A_493 {offsets = [0, 512], sizes = [128, 128], strides = [1, 1]} : vector<128x1536xf32> to vector<128x128xf32>
    %select_n3A_514 = arith.select %lt3A_512, %slice3A_513, %select_n3A_509 : vector<128x128xi1>, vector<128x128xf32>
    %min3A_515 = arith.minimumf %min3A_510, %slice3A_511 : vector<128x128xf32>
    %slice3A_516 = vector.extract_strided_slice %select_n3A_492 {offsets = [0, 640], sizes = [128, 128], strides = [1, 1]} : vector<128x1536xf32> to vector<128x128xf32>
    %lt3A_517 = arith.cmpf olt, %slice3A_516, %min3A_515 : vector<128x128xf32>
    %slice3A_518 = vector.extract_strided_slice %select_n3A_493 {offsets = [0, 640], sizes = [128, 128], strides = [1, 1]} : vector<128x1536xf32> to vector<128x128xf32>
    %select_n3A_519 = arith.select %lt3A_517, %slice3A_518, %select_n3A_514 : vector<128x128xi1>, vector<128x128xf32>
    %min3A_520 = arith.minimumf %min3A_515, %slice3A_516 : vector<128x128xf32>
    %slice3A_521 = vector.extract_strided_slice %select_n3A_492 {offsets = [0, 768], sizes = [128, 128], strides = [1, 1]} : vector<128x1536xf32> to vector<128x128xf32>
    %lt3A_522 = arith.cmpf olt, %slice3A_521, %min3A_520 : vector<128x128xf32>
    %slice3A_523 = vector.extract_strided_slice %select_n3A_493 {offsets = [0, 768], sizes = [128, 128], strides = [1, 1]} : vector<128x1536xf32> to vector<128x128xf32>
    %select_n3A_524 = arith.select %lt3A_522, %slice3A_523, %select_n3A_519 : vector<128x128xi1>, vector<128x128xf32>
    %min3A_525 = arith.minimumf %min3A_520, %slice3A_521 : vector<128x128xf32>
    %slice3A_526 = vector.extract_strided_slice %select_n3A_492 {offsets = [0, 896], sizes = [128, 128], strides = [1, 1]} : vector<128x1536xf32> to vector<128x128xf32>
    %lt3A_527 = arith.cmpf olt, %slice3A_526, %min3A_525 : vector<128x128xf32>
    %slice3A_528 = vector.extract_strided_slice %select_n3A_493 {offsets = [0, 896], sizes = [128, 128], strides = [1, 1]} : vector<128x1536xf32> to vector<128x128xf32>
    %select_n3A_529 = arith.select %lt3A_527, %slice3A_528, %select_n3A_524 : vector<128x128xi1>, vector<128x128xf32>
    %min3A_530 = arith.minimumf %min3A_525, %slice3A_526 : vector<128x128xf32>
    %slice3A_531 = vector.extract_strided_slice %select_n3A_492 {offsets = [0, 1024], sizes = [128, 128], strides = [1, 1]} : vector<128x1536xf32> to vector<128x128xf32>
    %lt3A_532 = arith.cmpf olt, %slice3A_531, %min3A_530 : vector<128x128xf32>
    %slice3A_533 = vector.extract_strided_slice %select_n3A_493 {offsets = [0, 1024], sizes = [128, 128], strides = [1, 1]} : vector<128x1536xf32> to vector<128x128xf32>
    %select_n3A_534 = arith.select %lt3A_532, %slice3A_533, %select_n3A_529 : vector<128x128xi1>, vector<128x128xf32>
    %min3A_535 = arith.minimumf %min3A_530, %slice3A_531 : vector<128x128xf32>
    %slice3A_536 = vector.extract_strided_slice %select_n3A_492 {offsets = [0, 1152], sizes = [128, 128], strides = [1, 1]} : vector<128x1536xf32> to vector<128x128xf32>
    %lt3A_537 = arith.cmpf olt, %slice3A_536, %min3A_535 : vector<128x128xf32>
    %slice3A_538 = vector.extract_strided_slice %select_n3A_493 {offsets = [0, 1152], sizes = [128, 128], strides = [1, 1]} : vector<128x1536xf32> to vector<128x128xf32>
    %select_n3A_539 = arith.select %lt3A_537, %slice3A_538, %select_n3A_534 : vector<128x128xi1>, vector<128x128xf32>
    %min3A_540 = arith.minimumf %min3A_535, %slice3A_536 : vector<128x128xf32>
    %slice3A_541 = vector.extract_strided_slice %select_n3A_492 {offsets = [0, 1280], sizes = [128, 128], strides = [1, 1]} : vector<128x1536xf32> to vector<128x128xf32>
    %lt3A_542 = arith.cmpf olt, %slice3A_541, %min3A_540 : vector<128x128xf32>
    %slice3A_543 = vector.extract_strided_slice %select_n3A_493 {offsets = [0, 1280], sizes = [128, 128], strides = [1, 1]} : vector<128x1536xf32> to vector<128x128xf32>
    %select_n3A_544 = arith.select %lt3A_542, %slice3A_543, %select_n3A_539 : vector<128x128xi1>, vector<128x128xf32>
    %min3A_545 = arith.minimumf %min3A_540, %slice3A_541 : vector<128x128xf32>
    %slice3A_546 = vector.extract_strided_slice %select_n3A_492 {offsets = [0, 1408], sizes = [128, 128], strides = [1, 1]} : vector<128x1536xf32> to vector<128x128xf32>
    %lt3A_547 = arith.cmpf olt, %slice3A_546, %min3A_545 : vector<128x128xf32>
    %slice3A_548 = vector.extract_strided_slice %select_n3A_493 {offsets = [0, 1408], sizes = [128, 128], strides = [1, 1]} : vector<128x1536xf32> to vector<128x128xf32>
    %select_n3A_549 = arith.select %lt3A_547, %slice3A_548, %select_n3A_544 : vector<128x128xi1>, vector<128x128xf32>
    %min3A_550 = arith.minimumf %min3A_545, %slice3A_546 : vector<128x128xf32>
    %reduce_min3A_551 = arith.constant dense<0x7F800000> : vector<128xf32>
    %reduce_min3A_552 = vector.multi_reduction <minimumf>, %min3A_550, %reduce_min3A_551 [1] : vector<128x128xf32> to vector<128xf32>
    %broadcast_in_dim3A_553 = vector.shape_cast %reduce_min3A_552 : vector<128xf32> to vector<128x1xf32>
    %eq3A_554 = vector.broadcast %broadcast_in_dim3A_553 : vector<128x1xf32> to vector<128x128xf32>
    %eq3A_555 = arith.cmpf oeq, %min3A_550, %eq3A_554 : vector<128x128xf32>
    %jit3A_556 = arith.constant 0x4B7FFFFF : f32
    %broadcast_in_dim3A_557 = vector.broadcast %jit3A_556 : f32 to vector<128x128xf32>
    %select_n3A_558 = arith.select %eq3A_555, %select_n3A_549, %broadcast_in_dim3A_557 : vector<128x128xi1>, vector<128x128xf32>
    %reduce_min3A_559 = arith.constant dense<0x7F800000> : vector<128xf32>
    %reduce_min3A_560 = vector.multi_reduction <minimumf>, %select_n3A_558, %reduce_min3A_559 [1] : vector<128x128xf32> to vector<128xf32>
    %broadcast_in_dim3A_561 = vector.shape_cast %reduce_min3A_560 : vector<128xf32> to vector<128x1xf32>
    %lt3A_562 = arith.constant 1.000000e+04 : f32
    %lt3A_563 = vector.broadcast %lt3A_562 : f32 to vector<128x1xf32>
    %lt3A_564 = arith.cmpf olt, %broadcast_in_dim3A_553, %lt3A_563 : vector<128x1xf32>
    %convert_element_type3A_565 = arith.extui %lt3A_564 : vector<128x1xi1> to vector<128x1xi32>
    %convert_element_type3A_566 = arith.sitofp %convert_element_type3A_565 : vector<128x1xi32> to vector<128x1xf32>
    %ge3A_567 = arith.constant 1.536000e+03 : f32
    %ge3A_568 = vector.broadcast %ge3A_567 : f32 to vector<128x1xf32>
    %ge3A_569 = arith.cmpf oge, %broadcast_in_dim3A_561, %ge3A_568 : vector<128x1xf32>
    %jit3A_570 = arith.constant 1.536000e+03 : f32
    %jit3A_571 = arith.constant 0.000000e+00 : f32
    %broadcast_in_dim3A_572 = vector.broadcast %jit3A_570 : f32 to vector<128x1xf32>
    %broadcast_in_dim3A_573 = vector.broadcast %jit3A_571 : f32 to vector<128x1xf32>
    %select_n3A_574 = arith.select %ge3A_569, %broadcast_in_dim3A_572, %broadcast_in_dim3A_573 : vector<128x1xi1>, vector<128x1xf32>
    %sub3A_575 = arith.subf %broadcast_in_dim3A_561, %select_n3A_574 : vector<128x1xf32>
    %eq3A_576 = arith.cmpf oeq, %sub3A_103, %sub3A_575 : vector<128x1xf32>
    %eq3A_577 = arith.cmpf oeq, %sub3A_196, %sub3A_575 : vector<128x1xf32>
    %or3A_578 = arith.ori %eq3A_576, %eq3A_577 : vector<128x1xi1>
    %eq3A_579 = arith.cmpf oeq, %sub3A_288, %sub3A_575 : vector<128x1xf32>
    %or3A_580 = arith.ori %or3A_578, %eq3A_579 : vector<128x1xi1>
    %eq3A_581 = arith.cmpf oeq, %sub3A_381, %sub3A_575 : vector<128x1xf32>
    %or3A_582 = arith.ori %or3A_580, %eq3A_581 : vector<128x1xi1>
    %eq3A_583 = arith.cmpf oeq, %sub3A_477, %sub3A_575 : vector<128x1xf32>
    %or3A_584 = arith.ori %or3A_582, %eq3A_583 : vector<128x1xi1>
    %eq3A_585 = vector.broadcast %sub3A_575 : vector<128x1xf32> to vector<128x1536xf32>
    %eq3A_586 = arith.cmpf oeq, %convert_element_type3A, %eq3A_585 : vector<128x1536xf32>
    %jit3A_587 = arith.constant 0x7F800000 : f32
    %broadcast_in_dim3A_588 = vector.shape_cast %or3A_584 : vector<128x1xi1> to vector<128x1xi1>
    %broadcast_in_dim3A_589 = vector.broadcast %broadcast_in_dim3A_588 : vector<128x1xi1> to vector<128x1536xi1>
    %broadcast_in_dim3A_590 = vector.broadcast %jit3A_587 : f32 to vector<128x1536xf32>
    %select_n3A_591 = arith.select %broadcast_in_dim3A_589, %broadcast_in_dim3A_590, %max3A : vector<128x1536xi1>, vector<128x1536xf32>
    %select_n3A_592 = arith.select %eq3A_586, %select_n3A_591, %select_n3A_492 : vector<128x1536xi1>, vector<128x1536xf32>
    %select_n3A_593 = arith.select %eq3A_586, %select_n3A_25, %select_n3A_493 : vector<128x1536xi1>, vector<128x1536xf32>
    %slice3A_594 = vector.extract_strided_slice %select_n3A_592 {offsets = [0, 0], sizes = [128, 128], strides = [1, 1]} : vector<128x1536xf32> to vector<128x128xf32>
    %slice3A_595 = vector.extract_strided_slice %select_n3A_593 {offsets = [0, 0], sizes = [128, 128], strides = [1, 1]} : vector<128x1536xf32> to vector<128x128xf32>
    %slice3A_596 = vector.extract_strided_slice %select_n3A_592 {offsets = [0, 128], sizes = [128, 128], strides = [1, 1]} : vector<128x1536xf32> to vector<128x128xf32>
    %lt3A_597 = arith.cmpf olt, %slice3A_596, %slice3A_594 : vector<128x128xf32>
    %slice3A_598 = vector.extract_strided_slice %select_n3A_593 {offsets = [0, 128], sizes = [128, 128], strides = [1, 1]} : vector<128x1536xf32> to vector<128x128xf32>
    %select_n3A_599 = arith.select %lt3A_597, %slice3A_598, %slice3A_595 : vector<128x128xi1>, vector<128x128xf32>
    %min3A_600 = arith.minimumf %slice3A_594, %slice3A_596 : vector<128x128xf32>
    %slice3A_601 = vector.extract_strided_slice %select_n3A_592 {offsets = [0, 256], sizes = [128, 128], strides = [1, 1]} : vector<128x1536xf32> to vector<128x128xf32>
    %lt3A_602 = arith.cmpf olt, %slice3A_601, %min3A_600 : vector<128x128xf32>
    %slice3A_603 = vector.extract_strided_slice %select_n3A_593 {offsets = [0, 256], sizes = [128, 128], strides = [1, 1]} : vector<128x1536xf32> to vector<128x128xf32>
    %select_n3A_604 = arith.select %lt3A_602, %slice3A_603, %select_n3A_599 : vector<128x128xi1>, vector<128x128xf32>
    %min3A_605 = arith.minimumf %min3A_600, %slice3A_601 : vector<128x128xf32>
    %slice3A_606 = vector.extract_strided_slice %select_n3A_592 {offsets = [0, 384], sizes = [128, 128], strides = [1, 1]} : vector<128x1536xf32> to vector<128x128xf32>
    %lt3A_607 = arith.cmpf olt, %slice3A_606, %min3A_605 : vector<128x128xf32>
    %slice3A_608 = vector.extract_strided_slice %select_n3A_593 {offsets = [0, 384], sizes = [128, 128], strides = [1, 1]} : vector<128x1536xf32> to vector<128x128xf32>
    %select_n3A_609 = arith.select %lt3A_607, %slice3A_608, %select_n3A_604 : vector<128x128xi1>, vector<128x128xf32>
    %min3A_610 = arith.minimumf %min3A_605, %slice3A_606 : vector<128x128xf32>
    %slice3A_611 = vector.extract_strided_slice %select_n3A_592 {offsets = [0, 512], sizes = [128, 128], strides = [1, 1]} : vector<128x1536xf32> to vector<128x128xf32>
    %lt3A_612 = arith.cmpf olt, %slice3A_611, %min3A_610 : vector<128x128xf32>
    %slice3A_613 = vector.extract_strided_slice %select_n3A_593 {offsets = [0, 512], sizes = [128, 128], strides = [1, 1]} : vector<128x1536xf32> to vector<128x128xf32>
    %select_n3A_614 = arith.select %lt3A_612, %slice3A_613, %select_n3A_609 : vector<128x128xi1>, vector<128x128xf32>
    %min3A_615 = arith.minimumf %min3A_610, %slice3A_611 : vector<128x128xf32>
    %slice3A_616 = vector.extract_strided_slice %select_n3A_592 {offsets = [0, 640], sizes = [128, 128], strides = [1, 1]} : vector<128x1536xf32> to vector<128x128xf32>
    %lt3A_617 = arith.cmpf olt, %slice3A_616, %min3A_615 : vector<128x128xf32>
    %slice3A_618 = vector.extract_strided_slice %select_n3A_593 {offsets = [0, 640], sizes = [128, 128], strides = [1, 1]} : vector<128x1536xf32> to vector<128x128xf32>
    %select_n3A_619 = arith.select %lt3A_617, %slice3A_618, %select_n3A_614 : vector<128x128xi1>, vector<128x128xf32>
    %min3A_620 = arith.minimumf %min3A_615, %slice3A_616 : vector<128x128xf32>
    %slice3A_621 = vector.extract_strided_slice %select_n3A_592 {offsets = [0, 768], sizes = [128, 128], strides = [1, 1]} : vector<128x1536xf32> to vector<128x128xf32>
    %lt3A_622 = arith.cmpf olt, %slice3A_621, %min3A_620 : vector<128x128xf32>
    %slice3A_623 = vector.extract_strided_slice %select_n3A_593 {offsets = [0, 768], sizes = [128, 128], strides = [1, 1]} : vector<128x1536xf32> to vector<128x128xf32>
    %select_n3A_624 = arith.select %lt3A_622, %slice3A_623, %select_n3A_619 : vector<128x128xi1>, vector<128x128xf32>
    %min3A_625 = arith.minimumf %min3A_620, %slice3A_621 : vector<128x128xf32>
    %slice3A_626 = vector.extract_strided_slice %select_n3A_592 {offsets = [0, 896], sizes = [128, 128], strides = [1, 1]} : vector<128x1536xf32> to vector<128x128xf32>
    %lt3A_627 = arith.cmpf olt, %slice3A_626, %min3A_625 : vector<128x128xf32>
    %slice3A_628 = vector.extract_strided_slice %select_n3A_593 {offsets = [0, 896], sizes = [128, 128], strides = [1, 1]} : vector<128x1536xf32> to vector<128x128xf32>
    %select_n3A_629 = arith.select %lt3A_627, %slice3A_628, %select_n3A_624 : vector<128x128xi1>, vector<128x128xf32>
    %min3A_630 = arith.minimumf %min3A_625, %slice3A_626 : vector<128x128xf32>
    %slice3A_631 = vector.extract_strided_slice %select_n3A_592 {offsets = [0, 1024], sizes = [128, 128], strides = [1, 1]} : vector<128x1536xf32> to vector<128x128xf32>
    %lt3A_632 = arith.cmpf olt, %slice3A_631, %min3A_630 : vector<128x128xf32>
    %slice3A_633 = vector.extract_strided_slice %select_n3A_593 {offsets = [0, 1024], sizes = [128, 128], strides = [1, 1]} : vector<128x1536xf32> to vector<128x128xf32>
    %select_n3A_634 = arith.select %lt3A_632, %slice3A_633, %select_n3A_629 : vector<128x128xi1>, vector<128x128xf32>
    %min3A_635 = arith.minimumf %min3A_630, %slice3A_631 : vector<128x128xf32>
    %slice3A_636 = vector.extract_strided_slice %select_n3A_592 {offsets = [0, 1152], sizes = [128, 128], strides = [1, 1]} : vector<128x1536xf32> to vector<128x128xf32>
    %lt3A_637 = arith.cmpf olt, %slice3A_636, %min3A_635 : vector<128x128xf32>
    %slice3A_638 = vector.extract_strided_slice %select_n3A_593 {offsets = [0, 1152], sizes = [128, 128], strides = [1, 1]} : vector<128x1536xf32> to vector<128x128xf32>
    %select_n3A_639 = arith.select %lt3A_637, %slice3A_638, %select_n3A_634 : vector<128x128xi1>, vector<128x128xf32>
    %min3A_640 = arith.minimumf %min3A_635, %slice3A_636 : vector<128x128xf32>
    %slice3A_641 = vector.extract_strided_slice %select_n3A_592 {offsets = [0, 1280], sizes = [128, 128], strides = [1, 1]} : vector<128x1536xf32> to vector<128x128xf32>
    %lt3A_642 = arith.cmpf olt, %slice3A_641, %min3A_640 : vector<128x128xf32>
    %slice3A_643 = vector.extract_strided_slice %select_n3A_593 {offsets = [0, 1280], sizes = [128, 128], strides = [1, 1]} : vector<128x1536xf32> to vector<128x128xf32>
    %select_n3A_644 = arith.select %lt3A_642, %slice3A_643, %select_n3A_639 : vector<128x128xi1>, vector<128x128xf32>
    %min3A_645 = arith.minimumf %min3A_640, %slice3A_641 : vector<128x128xf32>
    %slice3A_646 = vector.extract_strided_slice %select_n3A_592 {offsets = [0, 1408], sizes = [128, 128], strides = [1, 1]} : vector<128x1536xf32> to vector<128x128xf32>
    %lt3A_647 = arith.cmpf olt, %slice3A_646, %min3A_645 : vector<128x128xf32>
    %slice3A_648 = vector.extract_strided_slice %select_n3A_593 {offsets = [0, 1408], sizes = [128, 128], strides = [1, 1]} : vector<128x1536xf32> to vector<128x128xf32>
    %select_n3A_649 = arith.select %lt3A_647, %slice3A_648, %select_n3A_644 : vector<128x128xi1>, vector<128x128xf32>
    %min3A_650 = arith.minimumf %min3A_645, %slice3A_646 : vector<128x128xf32>
    %reduce_min3A_651 = arith.constant dense<0x7F800000> : vector<128xf32>
    %reduce_min3A_652 = vector.multi_reduction <minimumf>, %min3A_650, %reduce_min3A_651 [1] : vector<128x128xf32> to vector<128xf32>
    %broadcast_in_dim3A_653 = vector.shape_cast %reduce_min3A_652 : vector<128xf32> to vector<128x1xf32>
    %eq3A_654 = vector.broadcast %broadcast_in_dim3A_653 : vector<128x1xf32> to vector<128x128xf32>
    %eq3A_655 = arith.cmpf oeq, %min3A_650, %eq3A_654 : vector<128x128xf32>
    %jit3A_656 = arith.constant 0x4B7FFFFF : f32
    %broadcast_in_dim3A_657 = vector.broadcast %jit3A_656 : f32 to vector<128x128xf32>
    %select_n3A_658 = arith.select %eq3A_655, %select_n3A_649, %broadcast_in_dim3A_657 : vector<128x128xi1>, vector<128x128xf32>
    %reduce_min3A_659 = arith.constant dense<0x7F800000> : vector<128xf32>
    %reduce_min3A_660 = vector.multi_reduction <minimumf>, %select_n3A_658, %reduce_min3A_659 [1] : vector<128x128xf32> to vector<128xf32>
    %broadcast_in_dim3A_661 = vector.shape_cast %reduce_min3A_660 : vector<128xf32> to vector<128x1xf32>
    %lt3A_662 = arith.constant 1.000000e+04 : f32
    %lt3A_663 = vector.broadcast %lt3A_662 : f32 to vector<128x1xf32>
    %lt3A_664 = arith.cmpf olt, %broadcast_in_dim3A_653, %lt3A_663 : vector<128x1xf32>
    %convert_element_type3A_665 = arith.extui %lt3A_664 : vector<128x1xi1> to vector<128x1xi32>
    %convert_element_type3A_666 = arith.sitofp %convert_element_type3A_665 : vector<128x1xi32> to vector<128x1xf32>
    %ge3A_667 = arith.constant 1.536000e+03 : f32
    %ge3A_668 = vector.broadcast %ge3A_667 : f32 to vector<128x1xf32>
    %ge3A_669 = arith.cmpf oge, %broadcast_in_dim3A_661, %ge3A_668 : vector<128x1xf32>
    %jit3A_670 = arith.constant 1.536000e+03 : f32
    %jit3A_671 = arith.constant 0.000000e+00 : f32
    %broadcast_in_dim3A_672 = vector.broadcast %jit3A_670 : f32 to vector<128x1xf32>
    %broadcast_in_dim3A_673 = vector.broadcast %jit3A_671 : f32 to vector<128x1xf32>
    %select_n3A_674 = arith.select %ge3A_669, %broadcast_in_dim3A_672, %broadcast_in_dim3A_673 : vector<128x1xi1>, vector<128x1xf32>
    %sub3A_675 = arith.subf %broadcast_in_dim3A_661, %select_n3A_674 : vector<128x1xf32>
    %eq3A_676 = arith.cmpf oeq, %sub3A_103, %sub3A_675 : vector<128x1xf32>
    %eq3A_677 = arith.cmpf oeq, %sub3A_196, %sub3A_675 : vector<128x1xf32>
    %or3A_678 = arith.ori %eq3A_676, %eq3A_677 : vector<128x1xi1>
    %eq3A_679 = arith.cmpf oeq, %sub3A_288, %sub3A_675 : vector<128x1xf32>
    %or3A_680 = arith.ori %or3A_678, %eq3A_679 : vector<128x1xi1>
    %eq3A_681 = arith.cmpf oeq, %sub3A_381, %sub3A_675 : vector<128x1xf32>
    %or3A_682 = arith.ori %or3A_680, %eq3A_681 : vector<128x1xi1>
    %eq3A_683 = arith.cmpf oeq, %sub3A_477, %sub3A_675 : vector<128x1xf32>
    %or3A_684 = arith.ori %or3A_682, %eq3A_683 : vector<128x1xi1>
    %eq3A_685 = arith.cmpf oeq, %sub3A_575, %sub3A_675 : vector<128x1xf32>
    %or3A_686 = arith.ori %or3A_684, %eq3A_685 : vector<128x1xi1>
    %eq3A_687 = vector.broadcast %sub3A_675 : vector<128x1xf32> to vector<128x1536xf32>
    %eq3A_688 = arith.cmpf oeq, %convert_element_type3A, %eq3A_687 : vector<128x1536xf32>
    %jit3A_689 = arith.constant 0x7F800000 : f32
    %broadcast_in_dim3A_690 = vector.shape_cast %or3A_686 : vector<128x1xi1> to vector<128x1xi1>
    %broadcast_in_dim3A_691 = vector.broadcast %broadcast_in_dim3A_690 : vector<128x1xi1> to vector<128x1536xi1>
    %broadcast_in_dim3A_692 = vector.broadcast %jit3A_689 : f32 to vector<128x1536xf32>
    %select_n3A_693 = arith.select %broadcast_in_dim3A_691, %broadcast_in_dim3A_692, %max3A : vector<128x1536xi1>, vector<128x1536xf32>
    %select_n3A_694 = arith.select %eq3A_688, %select_n3A_693, %select_n3A_592 : vector<128x1536xi1>, vector<128x1536xf32>
    %select_n3A_695 = arith.select %eq3A_688, %select_n3A_25, %select_n3A_593 : vector<128x1536xi1>, vector<128x1536xf32>
    %slice3A_696 = vector.extract_strided_slice %select_n3A_694 {offsets = [0, 0], sizes = [128, 128], strides = [1, 1]} : vector<128x1536xf32> to vector<128x128xf32>
    %slice3A_697 = vector.extract_strided_slice %select_n3A_695 {offsets = [0, 0], sizes = [128, 128], strides = [1, 1]} : vector<128x1536xf32> to vector<128x128xf32>
    %slice3A_698 = vector.extract_strided_slice %select_n3A_694 {offsets = [0, 128], sizes = [128, 128], strides = [1, 1]} : vector<128x1536xf32> to vector<128x128xf32>
    %lt3A_699 = arith.cmpf olt, %slice3A_698, %slice3A_696 : vector<128x128xf32>
    %slice3A_700 = vector.extract_strided_slice %select_n3A_695 {offsets = [0, 128], sizes = [128, 128], strides = [1, 1]} : vector<128x1536xf32> to vector<128x128xf32>
    %select_n3A_701 = arith.select %lt3A_699, %slice3A_700, %slice3A_697 : vector<128x128xi1>, vector<128x128xf32>
    %min3A_702 = arith.minimumf %slice3A_696, %slice3A_698 : vector<128x128xf32>
    %slice3A_703 = vector.extract_strided_slice %select_n3A_694 {offsets = [0, 256], sizes = [128, 128], strides = [1, 1]} : vector<128x1536xf32> to vector<128x128xf32>
    %lt3A_704 = arith.cmpf olt, %slice3A_703, %min3A_702 : vector<128x128xf32>
    %slice3A_705 = vector.extract_strided_slice %select_n3A_695 {offsets = [0, 256], sizes = [128, 128], strides = [1, 1]} : vector<128x1536xf32> to vector<128x128xf32>
    %select_n3A_706 = arith.select %lt3A_704, %slice3A_705, %select_n3A_701 : vector<128x128xi1>, vector<128x128xf32>
    %min3A_707 = arith.minimumf %min3A_702, %slice3A_703 : vector<128x128xf32>
    %slice3A_708 = vector.extract_strided_slice %select_n3A_694 {offsets = [0, 384], sizes = [128, 128], strides = [1, 1]} : vector<128x1536xf32> to vector<128x128xf32>
    %lt3A_709 = arith.cmpf olt, %slice3A_708, %min3A_707 : vector<128x128xf32>
    %slice3A_710 = vector.extract_strided_slice %select_n3A_695 {offsets = [0, 384], sizes = [128, 128], strides = [1, 1]} : vector<128x1536xf32> to vector<128x128xf32>
    %select_n3A_711 = arith.select %lt3A_709, %slice3A_710, %select_n3A_706 : vector<128x128xi1>, vector<128x128xf32>
    %min3A_712 = arith.minimumf %min3A_707, %slice3A_708 : vector<128x128xf32>
    %slice3A_713 = vector.extract_strided_slice %select_n3A_694 {offsets = [0, 512], sizes = [128, 128], strides = [1, 1]} : vector<128x1536xf32> to vector<128x128xf32>
    %lt3A_714 = arith.cmpf olt, %slice3A_713, %min3A_712 : vector<128x128xf32>
    %slice3A_715 = vector.extract_strided_slice %select_n3A_695 {offsets = [0, 512], sizes = [128, 128], strides = [1, 1]} : vector<128x1536xf32> to vector<128x128xf32>
    %select_n3A_716 = arith.select %lt3A_714, %slice3A_715, %select_n3A_711 : vector<128x128xi1>, vector<128x128xf32>
    %min3A_717 = arith.minimumf %min3A_712, %slice3A_713 : vector<128x128xf32>
    %slice3A_718 = vector.extract_strided_slice %select_n3A_694 {offsets = [0, 640], sizes = [128, 128], strides = [1, 1]} : vector<128x1536xf32> to vector<128x128xf32>
    %lt3A_719 = arith.cmpf olt, %slice3A_718, %min3A_717 : vector<128x128xf32>
    %slice3A_720 = vector.extract_strided_slice %select_n3A_695 {offsets = [0, 640], sizes = [128, 128], strides = [1, 1]} : vector<128x1536xf32> to vector<128x128xf32>
    %select_n3A_721 = arith.select %lt3A_719, %slice3A_720, %select_n3A_716 : vector<128x128xi1>, vector<128x128xf32>
    %min3A_722 = arith.minimumf %min3A_717, %slice3A_718 : vector<128x128xf32>
    %slice3A_723 = vector.extract_strided_slice %select_n3A_694 {offsets = [0, 768], sizes = [128, 128], strides = [1, 1]} : vector<128x1536xf32> to vector<128x128xf32>
    %lt3A_724 = arith.cmpf olt, %slice3A_723, %min3A_722 : vector<128x128xf32>
    %slice3A_725 = vector.extract_strided_slice %select_n3A_695 {offsets = [0, 768], sizes = [128, 128], strides = [1, 1]} : vector<128x1536xf32> to vector<128x128xf32>
    %select_n3A_726 = arith.select %lt3A_724, %slice3A_725, %select_n3A_721 : vector<128x128xi1>, vector<128x128xf32>
    %min3A_727 = arith.minimumf %min3A_722, %slice3A_723 : vector<128x128xf32>
    %slice3A_728 = vector.extract_strided_slice %select_n3A_694 {offsets = [0, 896], sizes = [128, 128], strides = [1, 1]} : vector<128x1536xf32> to vector<128x128xf32>
    %lt3A_729 = arith.cmpf olt, %slice3A_728, %min3A_727 : vector<128x128xf32>
    %slice3A_730 = vector.extract_strided_slice %select_n3A_695 {offsets = [0, 896], sizes = [128, 128], strides = [1, 1]} : vector<128x1536xf32> to vector<128x128xf32>
    %select_n3A_731 = arith.select %lt3A_729, %slice3A_730, %select_n3A_726 : vector<128x128xi1>, vector<128x128xf32>
    %min3A_732 = arith.minimumf %min3A_727, %slice3A_728 : vector<128x128xf32>
    %slice3A_733 = vector.extract_strided_slice %select_n3A_694 {offsets = [0, 1024], sizes = [128, 128], strides = [1, 1]} : vector<128x1536xf32> to vector<128x128xf32>
    %lt3A_734 = arith.cmpf olt, %slice3A_733, %min3A_732 : vector<128x128xf32>
    %slice3A_735 = vector.extract_strided_slice %select_n3A_695 {offsets = [0, 1024], sizes = [128, 128], strides = [1, 1]} : vector<128x1536xf32> to vector<128x128xf32>
    %select_n3A_736 = arith.select %lt3A_734, %slice3A_735, %select_n3A_731 : vector<128x128xi1>, vector<128x128xf32>
    %min3A_737 = arith.minimumf %min3A_732, %slice3A_733 : vector<128x128xf32>
    %slice3A_738 = vector.extract_strided_slice %select_n3A_694 {offsets = [0, 1152], sizes = [128, 128], strides = [1, 1]} : vector<128x1536xf32> to vector<128x128xf32>
    %lt3A_739 = arith.cmpf olt, %slice3A_738, %min3A_737 : vector<128x128xf32>
    %slice3A_740 = vector.extract_strided_slice %select_n3A_695 {offsets = [0, 1152], sizes = [128, 128], strides = [1, 1]} : vector<128x1536xf32> to vector<128x128xf32>
    %select_n3A_741 = arith.select %lt3A_739, %slice3A_740, %select_n3A_736 : vector<128x128xi1>, vector<128x128xf32>
    %min3A_742 = arith.minimumf %min3A_737, %slice3A_738 : vector<128x128xf32>
    %slice3A_743 = vector.extract_strided_slice %select_n3A_694 {offsets = [0, 1280], sizes = [128, 128], strides = [1, 1]} : vector<128x1536xf32> to vector<128x128xf32>
    %lt3A_744 = arith.cmpf olt, %slice3A_743, %min3A_742 : vector<128x128xf32>
    %slice3A_745 = vector.extract_strided_slice %select_n3A_695 {offsets = [0, 1280], sizes = [128, 128], strides = [1, 1]} : vector<128x1536xf32> to vector<128x128xf32>
    %select_n3A_746 = arith.select %lt3A_744, %slice3A_745, %select_n3A_741 : vector<128x128xi1>, vector<128x128xf32>
    %min3A_747 = arith.minimumf %min3A_742, %slice3A_743 : vector<128x128xf32>
    %slice3A_748 = vector.extract_strided_slice %select_n3A_694 {offsets = [0, 1408], sizes = [128, 128], strides = [1, 1]} : vector<128x1536xf32> to vector<128x128xf32>
    %lt3A_749 = arith.cmpf olt, %slice3A_748, %min3A_747 : vector<128x128xf32>
    %slice3A_750 = vector.extract_strided_slice %select_n3A_695 {offsets = [0, 1408], sizes = [128, 128], strides = [1, 1]} : vector<128x1536xf32> to vector<128x128xf32>
    %select_n3A_751 = arith.select %lt3A_749, %slice3A_750, %select_n3A_746 : vector<128x128xi1>, vector<128x128xf32>
    %min3A_752 = arith.minimumf %min3A_747, %slice3A_748 : vector<128x128xf32>
    %reduce_min3A_753 = arith.constant dense<0x7F800000> : vector<128xf32>
    %reduce_min3A_754 = vector.multi_reduction <minimumf>, %min3A_752, %reduce_min3A_753 [1] : vector<128x128xf32> to vector<128xf32>
    %broadcast_in_dim3A_755 = vector.shape_cast %reduce_min3A_754 : vector<128xf32> to vector<128x1xf32>
    %eq3A_756 = vector.broadcast %broadcast_in_dim3A_755 : vector<128x1xf32> to vector<128x128xf32>
    %eq3A_757 = arith.cmpf oeq, %min3A_752, %eq3A_756 : vector<128x128xf32>
    %jit3A_758 = arith.constant 0x4B7FFFFF : f32
    %broadcast_in_dim3A_759 = vector.broadcast %jit3A_758 : f32 to vector<128x128xf32>
    %select_n3A_760 = arith.select %eq3A_757, %select_n3A_751, %broadcast_in_dim3A_759 : vector<128x128xi1>, vector<128x128xf32>
    %reduce_min3A_761 = arith.constant dense<0x7F800000> : vector<128xf32>
    %reduce_min3A_762 = vector.multi_reduction <minimumf>, %select_n3A_760, %reduce_min3A_761 [1] : vector<128x128xf32> to vector<128xf32>
    %broadcast_in_dim3A_763 = vector.shape_cast %reduce_min3A_762 : vector<128xf32> to vector<128x1xf32>
    %lt3A_764 = arith.constant 1.000000e+04 : f32
    %lt3A_765 = vector.broadcast %lt3A_764 : f32 to vector<128x1xf32>
    %lt3A_766 = arith.cmpf olt, %broadcast_in_dim3A_755, %lt3A_765 : vector<128x1xf32>
    %convert_element_type3A_767 = arith.extui %lt3A_766 : vector<128x1xi1> to vector<128x1xi32>
    %convert_element_type3A_768 = arith.sitofp %convert_element_type3A_767 : vector<128x1xi32> to vector<128x1xf32>
    %ge3A_769 = arith.constant 1.536000e+03 : f32
    %ge3A_770 = vector.broadcast %ge3A_769 : f32 to vector<128x1xf32>
    %ge3A_771 = arith.cmpf oge, %broadcast_in_dim3A_763, %ge3A_770 : vector<128x1xf32>
    %jit3A_772 = arith.constant 1.536000e+03 : f32
    %jit3A_773 = arith.constant 0.000000e+00 : f32
    %broadcast_in_dim3A_774 = vector.broadcast %jit3A_772 : f32 to vector<128x1xf32>
    %broadcast_in_dim3A_775 = vector.broadcast %jit3A_773 : f32 to vector<128x1xf32>
    %select_n3A_776 = arith.select %ge3A_771, %broadcast_in_dim3A_774, %broadcast_in_dim3A_775 : vector<128x1xi1>, vector<128x1xf32>
    %sub3A_777 = arith.subf %broadcast_in_dim3A_763, %select_n3A_776 : vector<128x1xf32>
    %eq3A_778 = arith.cmpf oeq, %sub3A_103, %sub3A_777 : vector<128x1xf32>
    %eq3A_779 = arith.cmpf oeq, %sub3A_196, %sub3A_777 : vector<128x1xf32>
    %or3A_780 = arith.ori %eq3A_778, %eq3A_779 : vector<128x1xi1>
    %eq3A_781 = arith.cmpf oeq, %sub3A_288, %sub3A_777 : vector<128x1xf32>
    %or3A_782 = arith.ori %or3A_780, %eq3A_781 : vector<128x1xi1>
    %eq3A_783 = arith.cmpf oeq, %sub3A_381, %sub3A_777 : vector<128x1xf32>
    %or3A_784 = arith.ori %or3A_782, %eq3A_783 : vector<128x1xi1>
    %eq3A_785 = arith.cmpf oeq, %sub3A_477, %sub3A_777 : vector<128x1xf32>
    %or3A_786 = arith.ori %or3A_784, %eq3A_785 : vector<128x1xi1>
    %eq3A_787 = arith.cmpf oeq, %sub3A_575, %sub3A_777 : vector<128x1xf32>
    %or3A_788 = arith.ori %or3A_786, %eq3A_787 : vector<128x1xi1>
    %eq3A_789 = arith.cmpf oeq, %sub3A_675, %sub3A_777 : vector<128x1xf32>
    %or3A_790 = arith.ori %or3A_788, %eq3A_789 : vector<128x1xi1>
    %eq3A_791 = vector.broadcast %sub3A_777 : vector<128x1xf32> to vector<128x1536xf32>
    %eq3A_792 = arith.cmpf oeq, %convert_element_type3A, %eq3A_791 : vector<128x1536xf32>
    %jit3A_793 = arith.constant 0x7F800000 : f32
    %broadcast_in_dim3A_794 = vector.shape_cast %or3A_790 : vector<128x1xi1> to vector<128x1xi1>
    %broadcast_in_dim3A_795 = vector.broadcast %broadcast_in_dim3A_794 : vector<128x1xi1> to vector<128x1536xi1>
    %broadcast_in_dim3A_796 = vector.broadcast %jit3A_793 : f32 to vector<128x1536xf32>
    %select_n3A_797 = arith.select %broadcast_in_dim3A_795, %broadcast_in_dim3A_796, %max3A : vector<128x1536xi1>, vector<128x1536xf32>
    %select_n3A_798 = arith.select %eq3A_792, %select_n3A_797, %select_n3A_694 : vector<128x1536xi1>, vector<128x1536xf32>
    %select_n3A_799 = arith.select %eq3A_792, %select_n3A_25, %select_n3A_695 : vector<128x1536xi1>, vector<128x1536xf32>
    %slice3A_800 = vector.extract_strided_slice %select_n3A_798 {offsets = [0, 0], sizes = [128, 128], strides = [1, 1]} : vector<128x1536xf32> to vector<128x128xf32>
    %slice3A_801 = vector.extract_strided_slice %select_n3A_799 {offsets = [0, 0], sizes = [128, 128], strides = [1, 1]} : vector<128x1536xf32> to vector<128x128xf32>
    %slice3A_802 = vector.extract_strided_slice %select_n3A_798 {offsets = [0, 128], sizes = [128, 128], strides = [1, 1]} : vector<128x1536xf32> to vector<128x128xf32>
    %lt3A_803 = arith.cmpf olt, %slice3A_802, %slice3A_800 : vector<128x128xf32>
    %slice3A_804 = vector.extract_strided_slice %select_n3A_799 {offsets = [0, 128], sizes = [128, 128], strides = [1, 1]} : vector<128x1536xf32> to vector<128x128xf32>
    %select_n3A_805 = arith.select %lt3A_803, %slice3A_804, %slice3A_801 : vector<128x128xi1>, vector<128x128xf32>
    %min3A_806 = arith.minimumf %slice3A_800, %slice3A_802 : vector<128x128xf32>
    %slice3A_807 = vector.extract_strided_slice %select_n3A_798 {offsets = [0, 256], sizes = [128, 128], strides = [1, 1]} : vector<128x1536xf32> to vector<128x128xf32>
    %lt3A_808 = arith.cmpf olt, %slice3A_807, %min3A_806 : vector<128x128xf32>
    %slice3A_809 = vector.extract_strided_slice %select_n3A_799 {offsets = [0, 256], sizes = [128, 128], strides = [1, 1]} : vector<128x1536xf32> to vector<128x128xf32>
    %select_n3A_810 = arith.select %lt3A_808, %slice3A_809, %select_n3A_805 : vector<128x128xi1>, vector<128x128xf32>
    %min3A_811 = arith.minimumf %min3A_806, %slice3A_807 : vector<128x128xf32>
    %slice3A_812 = vector.extract_strided_slice %select_n3A_798 {offsets = [0, 384], sizes = [128, 128], strides = [1, 1]} : vector<128x1536xf32> to vector<128x128xf32>
    %lt3A_813 = arith.cmpf olt, %slice3A_812, %min3A_811 : vector<128x128xf32>
    %slice3A_814 = vector.extract_strided_slice %select_n3A_799 {offsets = [0, 384], sizes = [128, 128], strides = [1, 1]} : vector<128x1536xf32> to vector<128x128xf32>
    %select_n3A_815 = arith.select %lt3A_813, %slice3A_814, %select_n3A_810 : vector<128x128xi1>, vector<128x128xf32>
    %min3A_816 = arith.minimumf %min3A_811, %slice3A_812 : vector<128x128xf32>
    %slice3A_817 = vector.extract_strided_slice %select_n3A_798 {offsets = [0, 512], sizes = [128, 128], strides = [1, 1]} : vector<128x1536xf32> to vector<128x128xf32>
    %lt3A_818 = arith.cmpf olt, %slice3A_817, %min3A_816 : vector<128x128xf32>
    %slice3A_819 = vector.extract_strided_slice %select_n3A_799 {offsets = [0, 512], sizes = [128, 128], strides = [1, 1]} : vector<128x1536xf32> to vector<128x128xf32>
    %select_n3A_820 = arith.select %lt3A_818, %slice3A_819, %select_n3A_815 : vector<128x128xi1>, vector<128x128xf32>
    %min3A_821 = arith.minimumf %min3A_816, %slice3A_817 : vector<128x128xf32>
    %slice3A_822 = vector.extract_strided_slice %select_n3A_798 {offsets = [0, 640], sizes = [128, 128], strides = [1, 1]} : vector<128x1536xf32> to vector<128x128xf32>
    %lt3A_823 = arith.cmpf olt, %slice3A_822, %min3A_821 : vector<128x128xf32>
    %slice3A_824 = vector.extract_strided_slice %select_n3A_799 {offsets = [0, 640], sizes = [128, 128], strides = [1, 1]} : vector<128x1536xf32> to vector<128x128xf32>
    %select_n3A_825 = arith.select %lt3A_823, %slice3A_824, %select_n3A_820 : vector<128x128xi1>, vector<128x128xf32>
    %min3A_826 = arith.minimumf %min3A_821, %slice3A_822 : vector<128x128xf32>
    %slice3A_827 = vector.extract_strided_slice %select_n3A_798 {offsets = [0, 768], sizes = [128, 128], strides = [1, 1]} : vector<128x1536xf32> to vector<128x128xf32>
    %lt3A_828 = arith.cmpf olt, %slice3A_827, %min3A_826 : vector<128x128xf32>
    %slice3A_829 = vector.extract_strided_slice %select_n3A_799 {offsets = [0, 768], sizes = [128, 128], strides = [1, 1]} : vector<128x1536xf32> to vector<128x128xf32>
    %select_n3A_830 = arith.select %lt3A_828, %slice3A_829, %select_n3A_825 : vector<128x128xi1>, vector<128x128xf32>
    %min3A_831 = arith.minimumf %min3A_826, %slice3A_827 : vector<128x128xf32>
    %slice3A_832 = vector.extract_strided_slice %select_n3A_798 {offsets = [0, 896], sizes = [128, 128], strides = [1, 1]} : vector<128x1536xf32> to vector<128x128xf32>
    %lt3A_833 = arith.cmpf olt, %slice3A_832, %min3A_831 : vector<128x128xf32>
    %slice3A_834 = vector.extract_strided_slice %select_n3A_799 {offsets = [0, 896], sizes = [128, 128], strides = [1, 1]} : vector<128x1536xf32> to vector<128x128xf32>
    %select_n3A_835 = arith.select %lt3A_833, %slice3A_834, %select_n3A_830 : vector<128x128xi1>, vector<128x128xf32>
    %min3A_836 = arith.minimumf %min3A_831, %slice3A_832 : vector<128x128xf32>
    %slice3A_837 = vector.extract_strided_slice %select_n3A_798 {offsets = [0, 1024], sizes = [128, 128], strides = [1, 1]} : vector<128x1536xf32> to vector<128x128xf32>
    %lt3A_838 = arith.cmpf olt, %slice3A_837, %min3A_836 : vector<128x128xf32>
    %slice3A_839 = vector.extract_strided_slice %select_n3A_799 {offsets = [0, 1024], sizes = [128, 128], strides = [1, 1]} : vector<128x1536xf32> to vector<128x128xf32>
    %select_n3A_840 = arith.select %lt3A_838, %slice3A_839, %select_n3A_835 : vector<128x128xi1>, vector<128x128xf32>
    %min3A_841 = arith.minimumf %min3A_836, %slice3A_837 : vector<128x128xf32>
    %slice3A_842 = vector.extract_strided_slice %select_n3A_798 {offsets = [0, 1152], sizes = [128, 128], strides = [1, 1]} : vector<128x1536xf32> to vector<128x128xf32>
    %lt3A_843 = arith.cmpf olt, %slice3A_842, %min3A_841 : vector<128x128xf32>
    %slice3A_844 = vector.extract_strided_slice %select_n3A_799 {offsets = [0, 1152], sizes = [128, 128], strides = [1, 1]} : vector<128x1536xf32> to vector<128x128xf32>
    %select_n3A_845 = arith.select %lt3A_843, %slice3A_844, %select_n3A_840 : vector<128x128xi1>, vector<128x128xf32>
    %min3A_846 = arith.minimumf %min3A_841, %slice3A_842 : vector<128x128xf32>
    %slice3A_847 = vector.extract_strided_slice %select_n3A_798 {offsets = [0, 1280], sizes = [128, 128], strides = [1, 1]} : vector<128x1536xf32> to vector<128x128xf32>
    %lt3A_848 = arith.cmpf olt, %slice3A_847, %min3A_846 : vector<128x128xf32>
    %slice3A_849 = vector.extract_strided_slice %select_n3A_799 {offsets = [0, 1280], sizes = [128, 128], strides = [1, 1]} : vector<128x1536xf32> to vector<128x128xf32>
    %select_n3A_850 = arith.select %lt3A_848, %slice3A_849, %select_n3A_845 : vector<128x128xi1>, vector<128x128xf32>
    %min3A_851 = arith.minimumf %min3A_846, %slice3A_847 : vector<128x128xf32>
    %slice3A_852 = vector.extract_strided_slice %select_n3A_798 {offsets = [0, 1408], sizes = [128, 128], strides = [1, 1]} : vector<128x1536xf32> to vector<128x128xf32>
    %lt3A_853 = arith.cmpf olt, %slice3A_852, %min3A_851 : vector<128x128xf32>
    %slice3A_854 = vector.extract_strided_slice %select_n3A_799 {offsets = [0, 1408], sizes = [128, 128], strides = [1, 1]} : vector<128x1536xf32> to vector<128x128xf32>
    %select_n3A_855 = arith.select %lt3A_853, %slice3A_854, %select_n3A_850 : vector<128x128xi1>, vector<128x128xf32>
    %min3A_856 = arith.minimumf %min3A_851, %slice3A_852 : vector<128x128xf32>
    %reduce_min3A_857 = arith.constant dense<0x7F800000> : vector<128xf32>
    %reduce_min3A_858 = vector.multi_reduction <minimumf>, %min3A_856, %reduce_min3A_857 [1] : vector<128x128xf32> to vector<128xf32>
    %broadcast_in_dim3A_859 = vector.shape_cast %reduce_min3A_858 : vector<128xf32> to vector<128x1xf32>
    %eq3A_860 = vector.broadcast %broadcast_in_dim3A_859 : vector<128x1xf32> to vector<128x128xf32>
    %eq3A_861 = arith.cmpf oeq, %min3A_856, %eq3A_860 : vector<128x128xf32>
    %jit3A_862 = arith.constant 0x4B7FFFFF : f32
    %broadcast_in_dim3A_863 = vector.broadcast %jit3A_862 : f32 to vector<128x128xf32>
    %select_n3A_864 = arith.select %eq3A_861, %select_n3A_855, %broadcast_in_dim3A_863 : vector<128x128xi1>, vector<128x128xf32>
    %reduce_min3A_865 = arith.constant dense<0x7F800000> : vector<128xf32>
    %reduce_min3A_866 = vector.multi_reduction <minimumf>, %select_n3A_864, %reduce_min3A_865 [1] : vector<128x128xf32> to vector<128xf32>
    %broadcast_in_dim3A_867 = vector.shape_cast %reduce_min3A_866 : vector<128xf32> to vector<128x1xf32>
    %lt3A_868 = arith.constant 1.000000e+04 : f32
    %lt3A_869 = vector.broadcast %lt3A_868 : f32 to vector<128x1xf32>
    %lt3A_870 = arith.cmpf olt, %broadcast_in_dim3A_859, %lt3A_869 : vector<128x1xf32>
    %convert_element_type3A_871 = arith.extui %lt3A_870 : vector<128x1xi1> to vector<128x1xi32>
    %convert_element_type3A_872 = arith.sitofp %convert_element_type3A_871 : vector<128x1xi32> to vector<128x1xf32>
    %ge3A_873 = arith.constant 1.536000e+03 : f32
    %ge3A_874 = vector.broadcast %ge3A_873 : f32 to vector<128x1xf32>
    %ge3A_875 = arith.cmpf oge, %broadcast_in_dim3A_867, %ge3A_874 : vector<128x1xf32>
    %jit3A_876 = arith.constant 1.536000e+03 : f32
    %jit3A_877 = arith.constant 0.000000e+00 : f32
    %broadcast_in_dim3A_878 = vector.broadcast %jit3A_876 : f32 to vector<128x1xf32>
    %broadcast_in_dim3A_879 = vector.broadcast %jit3A_877 : f32 to vector<128x1xf32>
    %select_n3A_880 = arith.select %ge3A_875, %broadcast_in_dim3A_878, %broadcast_in_dim3A_879 : vector<128x1xi1>, vector<128x1xf32>
    %sub3A_881 = arith.subf %broadcast_in_dim3A_867, %select_n3A_880 : vector<128x1xf32>
    %eq3A_882 = arith.cmpf oeq, %sub3A_103, %sub3A_881 : vector<128x1xf32>
    %eq3A_883 = arith.cmpf oeq, %sub3A_196, %sub3A_881 : vector<128x1xf32>
    %or3A_884 = arith.ori %eq3A_882, %eq3A_883 : vector<128x1xi1>
    %eq3A_885 = arith.cmpf oeq, %sub3A_288, %sub3A_881 : vector<128x1xf32>
    %or3A_886 = arith.ori %or3A_884, %eq3A_885 : vector<128x1xi1>
    %eq3A_887 = arith.cmpf oeq, %sub3A_381, %sub3A_881 : vector<128x1xf32>
    %or3A_888 = arith.ori %or3A_886, %eq3A_887 : vector<128x1xi1>
    %eq3A_889 = arith.cmpf oeq, %sub3A_477, %sub3A_881 : vector<128x1xf32>
    %or3A_890 = arith.ori %or3A_888, %eq3A_889 : vector<128x1xi1>
    %eq3A_891 = arith.cmpf oeq, %sub3A_575, %sub3A_881 : vector<128x1xf32>
    %or3A_892 = arith.ori %or3A_890, %eq3A_891 : vector<128x1xi1>
    %eq3A_893 = arith.cmpf oeq, %sub3A_675, %sub3A_881 : vector<128x1xf32>
    %or3A_894 = arith.ori %or3A_892, %eq3A_893 : vector<128x1xi1>
    %eq3A_895 = arith.cmpf oeq, %sub3A_777, %sub3A_881 : vector<128x1xf32>
    %or3A_896 = arith.ori %or3A_894, %eq3A_895 : vector<128x1xi1>
    %eq3A_897 = vector.broadcast %sub3A_881 : vector<128x1xf32> to vector<128x1536xf32>
    %eq3A_898 = arith.cmpf oeq, %convert_element_type3A, %eq3A_897 : vector<128x1536xf32>
    %jit3A_899 = arith.constant 0x7F800000 : f32
    %broadcast_in_dim3A_900 = vector.shape_cast %or3A_896 : vector<128x1xi1> to vector<128x1xi1>
    %broadcast_in_dim3A_901 = vector.broadcast %broadcast_in_dim3A_900 : vector<128x1xi1> to vector<128x1536xi1>
    %broadcast_in_dim3A_902 = vector.broadcast %jit3A_899 : f32 to vector<128x1536xf32>
    %select_n3A_903 = arith.select %broadcast_in_dim3A_901, %broadcast_in_dim3A_902, %max3A : vector<128x1536xi1>, vector<128x1536xf32>
    %select_n3A_904 = arith.select %eq3A_898, %select_n3A_903, %select_n3A_798 : vector<128x1536xi1>, vector<128x1536xf32>
    %select_n3A_905 = arith.select %eq3A_898, %select_n3A_25, %select_n3A_799 : vector<128x1536xi1>, vector<128x1536xf32>
    %slice3A_906 = vector.extract_strided_slice %select_n3A_904 {offsets = [0, 0], sizes = [128, 128], strides = [1, 1]} : vector<128x1536xf32> to vector<128x128xf32>
    %slice3A_907 = vector.extract_strided_slice %select_n3A_905 {offsets = [0, 0], sizes = [128, 128], strides = [1, 1]} : vector<128x1536xf32> to vector<128x128xf32>
    %slice3A_908 = vector.extract_strided_slice %select_n3A_904 {offsets = [0, 128], sizes = [128, 128], strides = [1, 1]} : vector<128x1536xf32> to vector<128x128xf32>
    %lt3A_909 = arith.cmpf olt, %slice3A_908, %slice3A_906 : vector<128x128xf32>
    %slice3A_910 = vector.extract_strided_slice %select_n3A_905 {offsets = [0, 128], sizes = [128, 128], strides = [1, 1]} : vector<128x1536xf32> to vector<128x128xf32>
    %select_n3A_911 = arith.select %lt3A_909, %slice3A_910, %slice3A_907 : vector<128x128xi1>, vector<128x128xf32>
    %min3A_912 = arith.minimumf %slice3A_906, %slice3A_908 : vector<128x128xf32>
    %slice3A_913 = vector.extract_strided_slice %select_n3A_904 {offsets = [0, 256], sizes = [128, 128], strides = [1, 1]} : vector<128x1536xf32> to vector<128x128xf32>
    %lt3A_914 = arith.cmpf olt, %slice3A_913, %min3A_912 : vector<128x128xf32>
    %slice3A_915 = vector.extract_strided_slice %select_n3A_905 {offsets = [0, 256], sizes = [128, 128], strides = [1, 1]} : vector<128x1536xf32> to vector<128x128xf32>
    %select_n3A_916 = arith.select %lt3A_914, %slice3A_915, %select_n3A_911 : vector<128x128xi1>, vector<128x128xf32>
    %min3A_917 = arith.minimumf %min3A_912, %slice3A_913 : vector<128x128xf32>
    %slice3A_918 = vector.extract_strided_slice %select_n3A_904 {offsets = [0, 384], sizes = [128, 128], strides = [1, 1]} : vector<128x1536xf32> to vector<128x128xf32>
    %lt3A_919 = arith.cmpf olt, %slice3A_918, %min3A_917 : vector<128x128xf32>
    %slice3A_920 = vector.extract_strided_slice %select_n3A_905 {offsets = [0, 384], sizes = [128, 128], strides = [1, 1]} : vector<128x1536xf32> to vector<128x128xf32>
    %select_n3A_921 = arith.select %lt3A_919, %slice3A_920, %select_n3A_916 : vector<128x128xi1>, vector<128x128xf32>
    %min3A_922 = arith.minimumf %min3A_917, %slice3A_918 : vector<128x128xf32>
    %slice3A_923 = vector.extract_strided_slice %select_n3A_904 {offsets = [0, 512], sizes = [128, 128], strides = [1, 1]} : vector<128x1536xf32> to vector<128x128xf32>
    %lt3A_924 = arith.cmpf olt, %slice3A_923, %min3A_922 : vector<128x128xf32>
    %slice3A_925 = vector.extract_strided_slice %select_n3A_905 {offsets = [0, 512], sizes = [128, 128], strides = [1, 1]} : vector<128x1536xf32> to vector<128x128xf32>
    %select_n3A_926 = arith.select %lt3A_924, %slice3A_925, %select_n3A_921 : vector<128x128xi1>, vector<128x128xf32>
    %min3A_927 = arith.minimumf %min3A_922, %slice3A_923 : vector<128x128xf32>
    %slice3A_928 = vector.extract_strided_slice %select_n3A_904 {offsets = [0, 640], sizes = [128, 128], strides = [1, 1]} : vector<128x1536xf32> to vector<128x128xf32>
    %lt3A_929 = arith.cmpf olt, %slice3A_928, %min3A_927 : vector<128x128xf32>
    %slice3A_930 = vector.extract_strided_slice %select_n3A_905 {offsets = [0, 640], sizes = [128, 128], strides = [1, 1]} : vector<128x1536xf32> to vector<128x128xf32>
    %select_n3A_931 = arith.select %lt3A_929, %slice3A_930, %select_n3A_926 : vector<128x128xi1>, vector<128x128xf32>
    %min3A_932 = arith.minimumf %min3A_927, %slice3A_928 : vector<128x128xf32>
    %slice3A_933 = vector.extract_strided_slice %select_n3A_904 {offsets = [0, 768], sizes = [128, 128], strides = [1, 1]} : vector<128x1536xf32> to vector<128x128xf32>
    %lt3A_934 = arith.cmpf olt, %slice3A_933, %min3A_932 : vector<128x128xf32>
    %slice3A_935 = vector.extract_strided_slice %select_n3A_905 {offsets = [0, 768], sizes = [128, 128], strides = [1, 1]} : vector<128x1536xf32> to vector<128x128xf32>
    %select_n3A_936 = arith.select %lt3A_934, %slice3A_935, %select_n3A_931 : vector<128x128xi1>, vector<128x128xf32>
    %min3A_937 = arith.minimumf %min3A_932, %slice3A_933 : vector<128x128xf32>
    %slice3A_938 = vector.extract_strided_slice %select_n3A_904 {offsets = [0, 896], sizes = [128, 128], strides = [1, 1]} : vector<128x1536xf32> to vector<128x128xf32>
    %lt3A_939 = arith.cmpf olt, %slice3A_938, %min3A_937 : vector<128x128xf32>
    %slice3A_940 = vector.extract_strided_slice %select_n3A_905 {offsets = [0, 896], sizes = [128, 128], strides = [1, 1]} : vector<128x1536xf32> to vector<128x128xf32>
    %select_n3A_941 = arith.select %lt3A_939, %slice3A_940, %select_n3A_936 : vector<128x128xi1>, vector<128x128xf32>
    %min3A_942 = arith.minimumf %min3A_937, %slice3A_938 : vector<128x128xf32>
    %slice3A_943 = vector.extract_strided_slice %select_n3A_904 {offsets = [0, 1024], sizes = [128, 128], strides = [1, 1]} : vector<128x1536xf32> to vector<128x128xf32>
    %lt3A_944 = arith.cmpf olt, %slice3A_943, %min3A_942 : vector<128x128xf32>
    %slice3A_945 = vector.extract_strided_slice %select_n3A_905 {offsets = [0, 1024], sizes = [128, 128], strides = [1, 1]} : vector<128x1536xf32> to vector<128x128xf32>
    %select_n3A_946 = arith.select %lt3A_944, %slice3A_945, %select_n3A_941 : vector<128x128xi1>, vector<128x128xf32>
    %min3A_947 = arith.minimumf %min3A_942, %slice3A_943 : vector<128x128xf32>
    %slice3A_948 = vector.extract_strided_slice %select_n3A_904 {offsets = [0, 1152], sizes = [128, 128], strides = [1, 1]} : vector<128x1536xf32> to vector<128x128xf32>
    %lt3A_949 = arith.cmpf olt, %slice3A_948, %min3A_947 : vector<128x128xf32>
    %slice3A_950 = vector.extract_strided_slice %select_n3A_905 {offsets = [0, 1152], sizes = [128, 128], strides = [1, 1]} : vector<128x1536xf32> to vector<128x128xf32>
    %select_n3A_951 = arith.select %lt3A_949, %slice3A_950, %select_n3A_946 : vector<128x128xi1>, vector<128x128xf32>
    %min3A_952 = arith.minimumf %min3A_947, %slice3A_948 : vector<128x128xf32>
    %slice3A_953 = vector.extract_strided_slice %select_n3A_904 {offsets = [0, 1280], sizes = [128, 128], strides = [1, 1]} : vector<128x1536xf32> to vector<128x128xf32>
    %lt3A_954 = arith.cmpf olt, %slice3A_953, %min3A_952 : vector<128x128xf32>
    %slice3A_955 = vector.extract_strided_slice %select_n3A_905 {offsets = [0, 1280], sizes = [128, 128], strides = [1, 1]} : vector<128x1536xf32> to vector<128x128xf32>
    %select_n3A_956 = arith.select %lt3A_954, %slice3A_955, %select_n3A_951 : vector<128x128xi1>, vector<128x128xf32>
    %min3A_957 = arith.minimumf %min3A_952, %slice3A_953 : vector<128x128xf32>
    %slice3A_958 = vector.extract_strided_slice %select_n3A_904 {offsets = [0, 1408], sizes = [128, 128], strides = [1, 1]} : vector<128x1536xf32> to vector<128x128xf32>
    %lt3A_959 = arith.cmpf olt, %slice3A_958, %min3A_957 : vector<128x128xf32>
    %slice3A_960 = vector.extract_strided_slice %select_n3A_905 {offsets = [0, 1408], sizes = [128, 128], strides = [1, 1]} : vector<128x1536xf32> to vector<128x128xf32>
    %select_n3A_961 = arith.select %lt3A_959, %slice3A_960, %select_n3A_956 : vector<128x128xi1>, vector<128x128xf32>
    %min3A_962 = arith.minimumf %min3A_957, %slice3A_958 : vector<128x128xf32>
    %reduce_min3A_963 = arith.constant dense<0x7F800000> : vector<128xf32>
    %reduce_min3A_964 = vector.multi_reduction <minimumf>, %min3A_962, %reduce_min3A_963 [1] : vector<128x128xf32> to vector<128xf32>
    %broadcast_in_dim3A_965 = vector.shape_cast %reduce_min3A_964 : vector<128xf32> to vector<128x1xf32>
    %eq3A_966 = vector.broadcast %broadcast_in_dim3A_965 : vector<128x1xf32> to vector<128x128xf32>
    %eq3A_967 = arith.cmpf oeq, %min3A_962, %eq3A_966 : vector<128x128xf32>
    %jit3A_968 = arith.constant 0x4B7FFFFF : f32
    %broadcast_in_dim3A_969 = vector.broadcast %jit3A_968 : f32 to vector<128x128xf32>
    %select_n3A_970 = arith.select %eq3A_967, %select_n3A_961, %broadcast_in_dim3A_969 : vector<128x128xi1>, vector<128x128xf32>
    %reduce_min3A_971 = arith.constant dense<0x7F800000> : vector<128xf32>
    %reduce_min3A_972 = vector.multi_reduction <minimumf>, %select_n3A_970, %reduce_min3A_971 [1] : vector<128x128xf32> to vector<128xf32>
    %broadcast_in_dim3A_973 = vector.shape_cast %reduce_min3A_972 : vector<128xf32> to vector<128x1xf32>
    %lt3A_974 = arith.constant 1.000000e+04 : f32
    %lt3A_975 = vector.broadcast %lt3A_974 : f32 to vector<128x1xf32>
    %lt3A_976 = arith.cmpf olt, %broadcast_in_dim3A_965, %lt3A_975 : vector<128x1xf32>
    %convert_element_type3A_977 = arith.extui %lt3A_976 : vector<128x1xi1> to vector<128x1xi32>
    %convert_element_type3A_978 = arith.sitofp %convert_element_type3A_977 : vector<128x1xi32> to vector<128x1xf32>
    %ge3A_979 = arith.constant 1.536000e+03 : f32
    %ge3A_980 = vector.broadcast %ge3A_979 : f32 to vector<128x1xf32>
    %ge3A_981 = arith.cmpf oge, %broadcast_in_dim3A_973, %ge3A_980 : vector<128x1xf32>
    %jit3A_982 = arith.constant 1.536000e+03 : f32
    %jit3A_983 = arith.constant 0.000000e+00 : f32
    %broadcast_in_dim3A_984 = vector.broadcast %jit3A_982 : f32 to vector<128x1xf32>
    %broadcast_in_dim3A_985 = vector.broadcast %jit3A_983 : f32 to vector<128x1xf32>
    %select_n3A_986 = arith.select %ge3A_981, %broadcast_in_dim3A_984, %broadcast_in_dim3A_985 : vector<128x1xi1>, vector<128x1xf32>
    %sub3A_987 = arith.subf %broadcast_in_dim3A_973, %select_n3A_986 : vector<128x1xf32>
    %eq3A_988 = arith.cmpf oeq, %sub3A_103, %sub3A_987 : vector<128x1xf32>
    %eq3A_989 = arith.cmpf oeq, %sub3A_196, %sub3A_987 : vector<128x1xf32>
    %or3A_990 = arith.ori %eq3A_988, %eq3A_989 : vector<128x1xi1>
    %eq3A_991 = arith.cmpf oeq, %sub3A_288, %sub3A_987 : vector<128x1xf32>
    %or3A_992 = arith.ori %or3A_990, %eq3A_991 : vector<128x1xi1>
    %eq3A_993 = arith.cmpf oeq, %sub3A_381, %sub3A_987 : vector<128x1xf32>
    %or3A_994 = arith.ori %or3A_992, %eq3A_993 : vector<128x1xi1>
    %eq3A_995 = arith.cmpf oeq, %sub3A_477, %sub3A_987 : vector<128x1xf32>
    %or3A_996 = arith.ori %or3A_994, %eq3A_995 : vector<128x1xi1>
    %eq3A_997 = arith.cmpf oeq, %sub3A_575, %sub3A_987 : vector<128x1xf32>
    %or3A_998 = arith.ori %or3A_996, %eq3A_997 : vector<128x1xi1>
    %eq3A_999 = arith.cmpf oeq, %sub3A_675, %sub3A_987 : vector<128x1xf32>
    %or3A_1000 = arith.ori %or3A_998, %eq3A_999 : vector<128x1xi1>
    %eq3A_1001 = arith.cmpf oeq, %sub3A_777, %sub3A_987 : vector<128x1xf32>
    %or3A_1002 = arith.ori %or3A_1000, %eq3A_1001 : vector<128x1xi1>
    %eq3A_1003 = arith.cmpf oeq, %sub3A_881, %sub3A_987 : vector<128x1xf32>
    %or3A_1004 = arith.ori %or3A_1002, %eq3A_1003 : vector<128x1xi1>
    %eq3A_1005 = vector.broadcast %sub3A_987 : vector<128x1xf32> to vector<128x1536xf32>
    %eq3A_1006 = arith.cmpf oeq, %convert_element_type3A, %eq3A_1005 : vector<128x1536xf32>
    %jit3A_1007 = arith.constant 0x7F800000 : f32
    %broadcast_in_dim3A_1008 = vector.shape_cast %or3A_1004 : vector<128x1xi1> to vector<128x1xi1>
    %broadcast_in_dim3A_1009 = vector.broadcast %broadcast_in_dim3A_1008 : vector<128x1xi1> to vector<128x1536xi1>
    %broadcast_in_dim3A_1010 = vector.broadcast %jit3A_1007 : f32 to vector<128x1536xf32>
    %select_n3A_1011 = arith.select %broadcast_in_dim3A_1009, %broadcast_in_dim3A_1010, %max3A : vector<128x1536xi1>, vector<128x1536xf32>
    %select_n3A_1012 = arith.select %eq3A_1006, %select_n3A_1011, %select_n3A_904 : vector<128x1536xi1>, vector<128x1536xf32>
    %select_n3A_1013 = arith.select %eq3A_1006, %select_n3A_25, %select_n3A_905 : vector<128x1536xi1>, vector<128x1536xf32>
    %slice3A_1014 = vector.extract_strided_slice %select_n3A_1012 {offsets = [0, 0], sizes = [128, 128], strides = [1, 1]} : vector<128x1536xf32> to vector<128x128xf32>
    %slice3A_1015 = vector.extract_strided_slice %select_n3A_1013 {offsets = [0, 0], sizes = [128, 128], strides = [1, 1]} : vector<128x1536xf32> to vector<128x128xf32>
    %slice3A_1016 = vector.extract_strided_slice %select_n3A_1012 {offsets = [0, 128], sizes = [128, 128], strides = [1, 1]} : vector<128x1536xf32> to vector<128x128xf32>
    %lt3A_1017 = arith.cmpf olt, %slice3A_1016, %slice3A_1014 : vector<128x128xf32>
    %slice3A_1018 = vector.extract_strided_slice %select_n3A_1013 {offsets = [0, 128], sizes = [128, 128], strides = [1, 1]} : vector<128x1536xf32> to vector<128x128xf32>
    %select_n3A_1019 = arith.select %lt3A_1017, %slice3A_1018, %slice3A_1015 : vector<128x128xi1>, vector<128x128xf32>
    %min3A_1020 = arith.minimumf %slice3A_1014, %slice3A_1016 : vector<128x128xf32>
    %slice3A_1021 = vector.extract_strided_slice %select_n3A_1012 {offsets = [0, 256], sizes = [128, 128], strides = [1, 1]} : vector<128x1536xf32> to vector<128x128xf32>
    %lt3A_1022 = arith.cmpf olt, %slice3A_1021, %min3A_1020 : vector<128x128xf32>
    %slice3A_1023 = vector.extract_strided_slice %select_n3A_1013 {offsets = [0, 256], sizes = [128, 128], strides = [1, 1]} : vector<128x1536xf32> to vector<128x128xf32>
    %select_n3A_1024 = arith.select %lt3A_1022, %slice3A_1023, %select_n3A_1019 : vector<128x128xi1>, vector<128x128xf32>
    %min3A_1025 = arith.minimumf %min3A_1020, %slice3A_1021 : vector<128x128xf32>
    %slice3A_1026 = vector.extract_strided_slice %select_n3A_1012 {offsets = [0, 384], sizes = [128, 128], strides = [1, 1]} : vector<128x1536xf32> to vector<128x128xf32>
    %lt3A_1027 = arith.cmpf olt, %slice3A_1026, %min3A_1025 : vector<128x128xf32>
    %slice3A_1028 = vector.extract_strided_slice %select_n3A_1013 {offsets = [0, 384], sizes = [128, 128], strides = [1, 1]} : vector<128x1536xf32> to vector<128x128xf32>
    %select_n3A_1029 = arith.select %lt3A_1027, %slice3A_1028, %select_n3A_1024 : vector<128x128xi1>, vector<128x128xf32>
    %min3A_1030 = arith.minimumf %min3A_1025, %slice3A_1026 : vector<128x128xf32>
    %slice3A_1031 = vector.extract_strided_slice %select_n3A_1012 {offsets = [0, 512], sizes = [128, 128], strides = [1, 1]} : vector<128x1536xf32> to vector<128x128xf32>
    %lt3A_1032 = arith.cmpf olt, %slice3A_1031, %min3A_1030 : vector<128x128xf32>
    %slice3A_1033 = vector.extract_strided_slice %select_n3A_1013 {offsets = [0, 512], sizes = [128, 128], strides = [1, 1]} : vector<128x1536xf32> to vector<128x128xf32>
    %select_n3A_1034 = arith.select %lt3A_1032, %slice3A_1033, %select_n3A_1029 : vector<128x128xi1>, vector<128x128xf32>
    %min3A_1035 = arith.minimumf %min3A_1030, %slice3A_1031 : vector<128x128xf32>
    %slice3A_1036 = vector.extract_strided_slice %select_n3A_1012 {offsets = [0, 640], sizes = [128, 128], strides = [1, 1]} : vector<128x1536xf32> to vector<128x128xf32>
    %lt3A_1037 = arith.cmpf olt, %slice3A_1036, %min3A_1035 : vector<128x128xf32>
    %slice3A_1038 = vector.extract_strided_slice %select_n3A_1013 {offsets = [0, 640], sizes = [128, 128], strides = [1, 1]} : vector<128x1536xf32> to vector<128x128xf32>
    %select_n3A_1039 = arith.select %lt3A_1037, %slice3A_1038, %select_n3A_1034 : vector<128x128xi1>, vector<128x128xf32>
    %min3A_1040 = arith.minimumf %min3A_1035, %slice3A_1036 : vector<128x128xf32>
    %slice3A_1041 = vector.extract_strided_slice %select_n3A_1012 {offsets = [0, 768], sizes = [128, 128], strides = [1, 1]} : vector<128x1536xf32> to vector<128x128xf32>
    %lt3A_1042 = arith.cmpf olt, %slice3A_1041, %min3A_1040 : vector<128x128xf32>
    %slice3A_1043 = vector.extract_strided_slice %select_n3A_1013 {offsets = [0, 768], sizes = [128, 128], strides = [1, 1]} : vector<128x1536xf32> to vector<128x128xf32>
    %select_n3A_1044 = arith.select %lt3A_1042, %slice3A_1043, %select_n3A_1039 : vector<128x128xi1>, vector<128x128xf32>
    %min3A_1045 = arith.minimumf %min3A_1040, %slice3A_1041 : vector<128x128xf32>
    %slice3A_1046 = vector.extract_strided_slice %select_n3A_1012 {offsets = [0, 896], sizes = [128, 128], strides = [1, 1]} : vector<128x1536xf32> to vector<128x128xf32>
    %lt3A_1047 = arith.cmpf olt, %slice3A_1046, %min3A_1045 : vector<128x128xf32>
    %slice3A_1048 = vector.extract_strided_slice %select_n3A_1013 {offsets = [0, 896], sizes = [128, 128], strides = [1, 1]} : vector<128x1536xf32> to vector<128x128xf32>
    %select_n3A_1049 = arith.select %lt3A_1047, %slice3A_1048, %select_n3A_1044 : vector<128x128xi1>, vector<128x128xf32>
    %min3A_1050 = arith.minimumf %min3A_1045, %slice3A_1046 : vector<128x128xf32>
    %slice3A_1051 = vector.extract_strided_slice %select_n3A_1012 {offsets = [0, 1024], sizes = [128, 128], strides = [1, 1]} : vector<128x1536xf32> to vector<128x128xf32>
    %lt3A_1052 = arith.cmpf olt, %slice3A_1051, %min3A_1050 : vector<128x128xf32>
    %slice3A_1053 = vector.extract_strided_slice %select_n3A_1013 {offsets = [0, 1024], sizes = [128, 128], strides = [1, 1]} : vector<128x1536xf32> to vector<128x128xf32>
    %select_n3A_1054 = arith.select %lt3A_1052, %slice3A_1053, %select_n3A_1049 : vector<128x128xi1>, vector<128x128xf32>
    %min3A_1055 = arith.minimumf %min3A_1050, %slice3A_1051 : vector<128x128xf32>
    %slice3A_1056 = vector.extract_strided_slice %select_n3A_1012 {offsets = [0, 1152], sizes = [128, 128], strides = [1, 1]} : vector<128x1536xf32> to vector<128x128xf32>
    %lt3A_1057 = arith.cmpf olt, %slice3A_1056, %min3A_1055 : vector<128x128xf32>
    %slice3A_1058 = vector.extract_strided_slice %select_n3A_1013 {offsets = [0, 1152], sizes = [128, 128], strides = [1, 1]} : vector<128x1536xf32> to vector<128x128xf32>
    %select_n3A_1059 = arith.select %lt3A_1057, %slice3A_1058, %select_n3A_1054 : vector<128x128xi1>, vector<128x128xf32>
    %min3A_1060 = arith.minimumf %min3A_1055, %slice3A_1056 : vector<128x128xf32>
    %slice3A_1061 = vector.extract_strided_slice %select_n3A_1012 {offsets = [0, 1280], sizes = [128, 128], strides = [1, 1]} : vector<128x1536xf32> to vector<128x128xf32>
    %lt3A_1062 = arith.cmpf olt, %slice3A_1061, %min3A_1060 : vector<128x128xf32>
    %slice3A_1063 = vector.extract_strided_slice %select_n3A_1013 {offsets = [0, 1280], sizes = [128, 128], strides = [1, 1]} : vector<128x1536xf32> to vector<128x128xf32>
    %select_n3A_1064 = arith.select %lt3A_1062, %slice3A_1063, %select_n3A_1059 : vector<128x128xi1>, vector<128x128xf32>
    %min3A_1065 = arith.minimumf %min3A_1060, %slice3A_1061 : vector<128x128xf32>
    %slice3A_1066 = vector.extract_strided_slice %select_n3A_1012 {offsets = [0, 1408], sizes = [128, 128], strides = [1, 1]} : vector<128x1536xf32> to vector<128x128xf32>
    %lt3A_1067 = arith.cmpf olt, %slice3A_1066, %min3A_1065 : vector<128x128xf32>
    %slice3A_1068 = vector.extract_strided_slice %select_n3A_1013 {offsets = [0, 1408], sizes = [128, 128], strides = [1, 1]} : vector<128x1536xf32> to vector<128x128xf32>
    %select_n3A_1069 = arith.select %lt3A_1067, %slice3A_1068, %select_n3A_1064 : vector<128x128xi1>, vector<128x128xf32>
    %min3A_1070 = arith.minimumf %min3A_1065, %slice3A_1066 : vector<128x128xf32>
    %reduce_min3A_1071 = arith.constant dense<0x7F800000> : vector<128xf32>
    %reduce_min3A_1072 = vector.multi_reduction <minimumf>, %min3A_1070, %reduce_min3A_1071 [1] : vector<128x128xf32> to vector<128xf32>
    %broadcast_in_dim3A_1073 = vector.shape_cast %reduce_min3A_1072 : vector<128xf32> to vector<128x1xf32>
    %eq3A_1074 = vector.broadcast %broadcast_in_dim3A_1073 : vector<128x1xf32> to vector<128x128xf32>
    %eq3A_1075 = arith.cmpf oeq, %min3A_1070, %eq3A_1074 : vector<128x128xf32>
    %jit3A_1076 = arith.constant 0x4B7FFFFF : f32
    %broadcast_in_dim3A_1077 = vector.broadcast %jit3A_1076 : f32 to vector<128x128xf32>
    %select_n3A_1078 = arith.select %eq3A_1075, %select_n3A_1069, %broadcast_in_dim3A_1077 : vector<128x128xi1>, vector<128x128xf32>
    %reduce_min3A_1079 = arith.constant dense<0x7F800000> : vector<128xf32>
    %reduce_min3A_1080 = vector.multi_reduction <minimumf>, %select_n3A_1078, %reduce_min3A_1079 [1] : vector<128x128xf32> to vector<128xf32>
    %broadcast_in_dim3A_1081 = vector.shape_cast %reduce_min3A_1080 : vector<128xf32> to vector<128x1xf32>
    %lt3A_1082 = arith.constant 1.000000e+04 : f32
    %lt3A_1083 = vector.broadcast %lt3A_1082 : f32 to vector<128x1xf32>
    %lt3A_1084 = arith.cmpf olt, %broadcast_in_dim3A_1073, %lt3A_1083 : vector<128x1xf32>
    %convert_element_type3A_1085 = arith.extui %lt3A_1084 : vector<128x1xi1> to vector<128x1xi32>
    %convert_element_type3A_1086 = arith.sitofp %convert_element_type3A_1085 : vector<128x1xi32> to vector<128x1xf32>
    %ge3A_1087 = arith.constant 1.536000e+03 : f32
    %ge3A_1088 = vector.broadcast %ge3A_1087 : f32 to vector<128x1xf32>
    %ge3A_1089 = arith.cmpf oge, %broadcast_in_dim3A_1081, %ge3A_1088 : vector<128x1xf32>
    %jit3A_1090 = arith.constant 1.536000e+03 : f32
    %jit3A_1091 = arith.constant 0.000000e+00 : f32
    %broadcast_in_dim3A_1092 = vector.broadcast %jit3A_1090 : f32 to vector<128x1xf32>
    %broadcast_in_dim3A_1093 = vector.broadcast %jit3A_1091 : f32 to vector<128x1xf32>
    %select_n3A_1094 = arith.select %ge3A_1089, %broadcast_in_dim3A_1092, %broadcast_in_dim3A_1093 : vector<128x1xi1>, vector<128x1xf32>
    %sub3A_1095 = arith.subf %broadcast_in_dim3A_1081, %select_n3A_1094 : vector<128x1xf32>
    %eq3A_1096 = arith.cmpf oeq, %sub3A_103, %sub3A_1095 : vector<128x1xf32>
    %eq3A_1097 = arith.cmpf oeq, %sub3A_196, %sub3A_1095 : vector<128x1xf32>
    %or3A_1098 = arith.ori %eq3A_1096, %eq3A_1097 : vector<128x1xi1>
    %eq3A_1099 = arith.cmpf oeq, %sub3A_288, %sub3A_1095 : vector<128x1xf32>
    %or3A_1100 = arith.ori %or3A_1098, %eq3A_1099 : vector<128x1xi1>
    %eq3A_1101 = arith.cmpf oeq, %sub3A_381, %sub3A_1095 : vector<128x1xf32>
    %or3A_1102 = arith.ori %or3A_1100, %eq3A_1101 : vector<128x1xi1>
    %eq3A_1103 = arith.cmpf oeq, %sub3A_477, %sub3A_1095 : vector<128x1xf32>
    %or3A_1104 = arith.ori %or3A_1102, %eq3A_1103 : vector<128x1xi1>
    %eq3A_1105 = arith.cmpf oeq, %sub3A_575, %sub3A_1095 : vector<128x1xf32>
    %or3A_1106 = arith.ori %or3A_1104, %eq3A_1105 : vector<128x1xi1>
    %eq3A_1107 = arith.cmpf oeq, %sub3A_675, %sub3A_1095 : vector<128x1xf32>
    %or3A_1108 = arith.ori %or3A_1106, %eq3A_1107 : vector<128x1xi1>
    %eq3A_1109 = arith.cmpf oeq, %sub3A_777, %sub3A_1095 : vector<128x1xf32>
    %or3A_1110 = arith.ori %or3A_1108, %eq3A_1109 : vector<128x1xi1>
    %eq3A_1111 = arith.cmpf oeq, %sub3A_881, %sub3A_1095 : vector<128x1xf32>
    %or3A_1112 = arith.ori %or3A_1110, %eq3A_1111 : vector<128x1xi1>
    %eq3A_1113 = arith.cmpf oeq, %sub3A_987, %sub3A_1095 : vector<128x1xf32>
    %or3A_1114 = arith.ori %or3A_1112, %eq3A_1113 : vector<128x1xi1>
    %eq3A_1115 = vector.broadcast %sub3A_1095 : vector<128x1xf32> to vector<128x1536xf32>
    %eq3A_1116 = arith.cmpf oeq, %convert_element_type3A, %eq3A_1115 : vector<128x1536xf32>
    %jit3A_1117 = arith.constant 0x7F800000 : f32
    %broadcast_in_dim3A_1118 = vector.shape_cast %or3A_1114 : vector<128x1xi1> to vector<128x1xi1>
    %broadcast_in_dim3A_1119 = vector.broadcast %broadcast_in_dim3A_1118 : vector<128x1xi1> to vector<128x1536xi1>
    %broadcast_in_dim3A_1120 = vector.broadcast %jit3A_1117 : f32 to vector<128x1536xf32>
    %select_n3A_1121 = arith.select %broadcast_in_dim3A_1119, %broadcast_in_dim3A_1120, %max3A : vector<128x1536xi1>, vector<128x1536xf32>
    %select_n3A_1122 = arith.select %eq3A_1116, %select_n3A_1121, %select_n3A_1012 : vector<128x1536xi1>, vector<128x1536xf32>
    %select_n3A_1123 = arith.select %eq3A_1116, %select_n3A_25, %select_n3A_1013 : vector<128x1536xi1>, vector<128x1536xf32>
    %slice3A_1124 = vector.extract_strided_slice %select_n3A_1122 {offsets = [0, 0], sizes = [128, 128], strides = [1, 1]} : vector<128x1536xf32> to vector<128x128xf32>
    %slice3A_1125 = vector.extract_strided_slice %select_n3A_1123 {offsets = [0, 0], sizes = [128, 128], strides = [1, 1]} : vector<128x1536xf32> to vector<128x128xf32>
    %slice3A_1126 = vector.extract_strided_slice %select_n3A_1122 {offsets = [0, 128], sizes = [128, 128], strides = [1, 1]} : vector<128x1536xf32> to vector<128x128xf32>
    %lt3A_1127 = arith.cmpf olt, %slice3A_1126, %slice3A_1124 : vector<128x128xf32>
    %slice3A_1128 = vector.extract_strided_slice %select_n3A_1123 {offsets = [0, 128], sizes = [128, 128], strides = [1, 1]} : vector<128x1536xf32> to vector<128x128xf32>
    %select_n3A_1129 = arith.select %lt3A_1127, %slice3A_1128, %slice3A_1125 : vector<128x128xi1>, vector<128x128xf32>
    %min3A_1130 = arith.minimumf %slice3A_1124, %slice3A_1126 : vector<128x128xf32>
    %slice3A_1131 = vector.extract_strided_slice %select_n3A_1122 {offsets = [0, 256], sizes = [128, 128], strides = [1, 1]} : vector<128x1536xf32> to vector<128x128xf32>
    %lt3A_1132 = arith.cmpf olt, %slice3A_1131, %min3A_1130 : vector<128x128xf32>
    %slice3A_1133 = vector.extract_strided_slice %select_n3A_1123 {offsets = [0, 256], sizes = [128, 128], strides = [1, 1]} : vector<128x1536xf32> to vector<128x128xf32>
    %select_n3A_1134 = arith.select %lt3A_1132, %slice3A_1133, %select_n3A_1129 : vector<128x128xi1>, vector<128x128xf32>
    %min3A_1135 = arith.minimumf %min3A_1130, %slice3A_1131 : vector<128x128xf32>
    %slice3A_1136 = vector.extract_strided_slice %select_n3A_1122 {offsets = [0, 384], sizes = [128, 128], strides = [1, 1]} : vector<128x1536xf32> to vector<128x128xf32>
    %lt3A_1137 = arith.cmpf olt, %slice3A_1136, %min3A_1135 : vector<128x128xf32>
    %slice3A_1138 = vector.extract_strided_slice %select_n3A_1123 {offsets = [0, 384], sizes = [128, 128], strides = [1, 1]} : vector<128x1536xf32> to vector<128x128xf32>
    %select_n3A_1139 = arith.select %lt3A_1137, %slice3A_1138, %select_n3A_1134 : vector<128x128xi1>, vector<128x128xf32>
    %min3A_1140 = arith.minimumf %min3A_1135, %slice3A_1136 : vector<128x128xf32>
    %slice3A_1141 = vector.extract_strided_slice %select_n3A_1122 {offsets = [0, 512], sizes = [128, 128], strides = [1, 1]} : vector<128x1536xf32> to vector<128x128xf32>
    %lt3A_1142 = arith.cmpf olt, %slice3A_1141, %min3A_1140 : vector<128x128xf32>
    %slice3A_1143 = vector.extract_strided_slice %select_n3A_1123 {offsets = [0, 512], sizes = [128, 128], strides = [1, 1]} : vector<128x1536xf32> to vector<128x128xf32>
    %select_n3A_1144 = arith.select %lt3A_1142, %slice3A_1143, %select_n3A_1139 : vector<128x128xi1>, vector<128x128xf32>
    %min3A_1145 = arith.minimumf %min3A_1140, %slice3A_1141 : vector<128x128xf32>
    %slice3A_1146 = vector.extract_strided_slice %select_n3A_1122 {offsets = [0, 640], sizes = [128, 128], strides = [1, 1]} : vector<128x1536xf32> to vector<128x128xf32>
    %lt3A_1147 = arith.cmpf olt, %slice3A_1146, %min3A_1145 : vector<128x128xf32>
    %slice3A_1148 = vector.extract_strided_slice %select_n3A_1123 {offsets = [0, 640], sizes = [128, 128], strides = [1, 1]} : vector<128x1536xf32> to vector<128x128xf32>
    %select_n3A_1149 = arith.select %lt3A_1147, %slice3A_1148, %select_n3A_1144 : vector<128x128xi1>, vector<128x128xf32>
    %min3A_1150 = arith.minimumf %min3A_1145, %slice3A_1146 : vector<128x128xf32>
    %slice3A_1151 = vector.extract_strided_slice %select_n3A_1122 {offsets = [0, 768], sizes = [128, 128], strides = [1, 1]} : vector<128x1536xf32> to vector<128x128xf32>
    %lt3A_1152 = arith.cmpf olt, %slice3A_1151, %min3A_1150 : vector<128x128xf32>
    %slice3A_1153 = vector.extract_strided_slice %select_n3A_1123 {offsets = [0, 768], sizes = [128, 128], strides = [1, 1]} : vector<128x1536xf32> to vector<128x128xf32>
    %select_n3A_1154 = arith.select %lt3A_1152, %slice3A_1153, %select_n3A_1149 : vector<128x128xi1>, vector<128x128xf32>
    %min3A_1155 = arith.minimumf %min3A_1150, %slice3A_1151 : vector<128x128xf32>
    %slice3A_1156 = vector.extract_strided_slice %select_n3A_1122 {offsets = [0, 896], sizes = [128, 128], strides = [1, 1]} : vector<128x1536xf32> to vector<128x128xf32>
    %lt3A_1157 = arith.cmpf olt, %slice3A_1156, %min3A_1155 : vector<128x128xf32>
    %slice3A_1158 = vector.extract_strided_slice %select_n3A_1123 {offsets = [0, 896], sizes = [128, 128], strides = [1, 1]} : vector<128x1536xf32> to vector<128x128xf32>
    %select_n3A_1159 = arith.select %lt3A_1157, %slice3A_1158, %select_n3A_1154 : vector<128x128xi1>, vector<128x128xf32>
    %min3A_1160 = arith.minimumf %min3A_1155, %slice3A_1156 : vector<128x128xf32>
    %slice3A_1161 = vector.extract_strided_slice %select_n3A_1122 {offsets = [0, 1024], sizes = [128, 128], strides = [1, 1]} : vector<128x1536xf32> to vector<128x128xf32>
    %lt3A_1162 = arith.cmpf olt, %slice3A_1161, %min3A_1160 : vector<128x128xf32>
    %slice3A_1163 = vector.extract_strided_slice %select_n3A_1123 {offsets = [0, 1024], sizes = [128, 128], strides = [1, 1]} : vector<128x1536xf32> to vector<128x128xf32>
    %select_n3A_1164 = arith.select %lt3A_1162, %slice3A_1163, %select_n3A_1159 : vector<128x128xi1>, vector<128x128xf32>
    %min3A_1165 = arith.minimumf %min3A_1160, %slice3A_1161 : vector<128x128xf32>
    %slice3A_1166 = vector.extract_strided_slice %select_n3A_1122 {offsets = [0, 1152], sizes = [128, 128], strides = [1, 1]} : vector<128x1536xf32> to vector<128x128xf32>
    %lt3A_1167 = arith.cmpf olt, %slice3A_1166, %min3A_1165 : vector<128x128xf32>
    %slice3A_1168 = vector.extract_strided_slice %select_n3A_1123 {offsets = [0, 1152], sizes = [128, 128], strides = [1, 1]} : vector<128x1536xf32> to vector<128x128xf32>
    %select_n3A_1169 = arith.select %lt3A_1167, %slice3A_1168, %select_n3A_1164 : vector<128x128xi1>, vector<128x128xf32>
    %min3A_1170 = arith.minimumf %min3A_1165, %slice3A_1166 : vector<128x128xf32>
    %slice3A_1171 = vector.extract_strided_slice %select_n3A_1122 {offsets = [0, 1280], sizes = [128, 128], strides = [1, 1]} : vector<128x1536xf32> to vector<128x128xf32>
    %lt3A_1172 = arith.cmpf olt, %slice3A_1171, %min3A_1170 : vector<128x128xf32>
    %slice3A_1173 = vector.extract_strided_slice %select_n3A_1123 {offsets = [0, 1280], sizes = [128, 128], strides = [1, 1]} : vector<128x1536xf32> to vector<128x128xf32>
    %select_n3A_1174 = arith.select %lt3A_1172, %slice3A_1173, %select_n3A_1169 : vector<128x128xi1>, vector<128x128xf32>
    %min3A_1175 = arith.minimumf %min3A_1170, %slice3A_1171 : vector<128x128xf32>
    %slice3A_1176 = vector.extract_strided_slice %select_n3A_1122 {offsets = [0, 1408], sizes = [128, 128], strides = [1, 1]} : vector<128x1536xf32> to vector<128x128xf32>
    %lt3A_1177 = arith.cmpf olt, %slice3A_1176, %min3A_1175 : vector<128x128xf32>
    %slice3A_1178 = vector.extract_strided_slice %select_n3A_1123 {offsets = [0, 1408], sizes = [128, 128], strides = [1, 1]} : vector<128x1536xf32> to vector<128x128xf32>
    %select_n3A_1179 = arith.select %lt3A_1177, %slice3A_1178, %select_n3A_1174 : vector<128x128xi1>, vector<128x128xf32>
    %min3A_1180 = arith.minimumf %min3A_1175, %slice3A_1176 : vector<128x128xf32>
    %reduce_min3A_1181 = arith.constant dense<0x7F800000> : vector<128xf32>
    %reduce_min3A_1182 = vector.multi_reduction <minimumf>, %min3A_1180, %reduce_min3A_1181 [1] : vector<128x128xf32> to vector<128xf32>
    %broadcast_in_dim3A_1183 = vector.shape_cast %reduce_min3A_1182 : vector<128xf32> to vector<128x1xf32>
    %eq3A_1184 = vector.broadcast %broadcast_in_dim3A_1183 : vector<128x1xf32> to vector<128x128xf32>
    %eq3A_1185 = arith.cmpf oeq, %min3A_1180, %eq3A_1184 : vector<128x128xf32>
    %jit3A_1186 = arith.constant 0x4B7FFFFF : f32
    %broadcast_in_dim3A_1187 = vector.broadcast %jit3A_1186 : f32 to vector<128x128xf32>
    %select_n3A_1188 = arith.select %eq3A_1185, %select_n3A_1179, %broadcast_in_dim3A_1187 : vector<128x128xi1>, vector<128x128xf32>
    %reduce_min3A_1189 = arith.constant dense<0x7F800000> : vector<128xf32>
    %reduce_min3A_1190 = vector.multi_reduction <minimumf>, %select_n3A_1188, %reduce_min3A_1189 [1] : vector<128x128xf32> to vector<128xf32>
    %broadcast_in_dim3A_1191 = vector.shape_cast %reduce_min3A_1190 : vector<128xf32> to vector<128x1xf32>
    %lt3A_1192 = arith.constant 1.000000e+04 : f32
    %lt3A_1193 = vector.broadcast %lt3A_1192 : f32 to vector<128x1xf32>
    %lt3A_1194 = arith.cmpf olt, %broadcast_in_dim3A_1183, %lt3A_1193 : vector<128x1xf32>
    %convert_element_type3A_1195 = arith.extui %lt3A_1194 : vector<128x1xi1> to vector<128x1xi32>
    %convert_element_type3A_1196 = arith.sitofp %convert_element_type3A_1195 : vector<128x1xi32> to vector<128x1xf32>
    %ge3A_1197 = arith.constant 1.536000e+03 : f32
    %ge3A_1198 = vector.broadcast %ge3A_1197 : f32 to vector<128x1xf32>
    %ge3A_1199 = arith.cmpf oge, %broadcast_in_dim3A_1191, %ge3A_1198 : vector<128x1xf32>
    %jit3A_1200 = arith.constant 1.536000e+03 : f32
    %jit3A_1201 = arith.constant 0.000000e+00 : f32
    %broadcast_in_dim3A_1202 = vector.broadcast %jit3A_1200 : f32 to vector<128x1xf32>
    %broadcast_in_dim3A_1203 = vector.broadcast %jit3A_1201 : f32 to vector<128x1xf32>
    %select_n3A_1204 = arith.select %ge3A_1199, %broadcast_in_dim3A_1202, %broadcast_in_dim3A_1203 : vector<128x1xi1>, vector<128x1xf32>
    %sub3A_1205 = arith.subf %broadcast_in_dim3A_1191, %select_n3A_1204 : vector<128x1xf32>
    %eq3A_1206 = arith.cmpf oeq, %sub3A_103, %sub3A_1205 : vector<128x1xf32>
    %eq3A_1207 = arith.cmpf oeq, %sub3A_196, %sub3A_1205 : vector<128x1xf32>
    %or3A_1208 = arith.ori %eq3A_1206, %eq3A_1207 : vector<128x1xi1>
    %eq3A_1209 = arith.cmpf oeq, %sub3A_288, %sub3A_1205 : vector<128x1xf32>
    %or3A_1210 = arith.ori %or3A_1208, %eq3A_1209 : vector<128x1xi1>
    %eq3A_1211 = arith.cmpf oeq, %sub3A_381, %sub3A_1205 : vector<128x1xf32>
    %or3A_1212 = arith.ori %or3A_1210, %eq3A_1211 : vector<128x1xi1>
    %eq3A_1213 = arith.cmpf oeq, %sub3A_477, %sub3A_1205 : vector<128x1xf32>
    %or3A_1214 = arith.ori %or3A_1212, %eq3A_1213 : vector<128x1xi1>
    %eq3A_1215 = arith.cmpf oeq, %sub3A_575, %sub3A_1205 : vector<128x1xf32>
    %or3A_1216 = arith.ori %or3A_1214, %eq3A_1215 : vector<128x1xi1>
    %eq3A_1217 = arith.cmpf oeq, %sub3A_675, %sub3A_1205 : vector<128x1xf32>
    %or3A_1218 = arith.ori %or3A_1216, %eq3A_1217 : vector<128x1xi1>
    %eq3A_1219 = arith.cmpf oeq, %sub3A_777, %sub3A_1205 : vector<128x1xf32>
    %or3A_1220 = arith.ori %or3A_1218, %eq3A_1219 : vector<128x1xi1>
    %eq3A_1221 = arith.cmpf oeq, %sub3A_881, %sub3A_1205 : vector<128x1xf32>
    %or3A_1222 = arith.ori %or3A_1220, %eq3A_1221 : vector<128x1xi1>
    %eq3A_1223 = arith.cmpf oeq, %sub3A_987, %sub3A_1205 : vector<128x1xf32>
    %or3A_1224 = arith.ori %or3A_1222, %eq3A_1223 : vector<128x1xi1>
    %eq3A_1225 = arith.cmpf oeq, %sub3A_1095, %sub3A_1205 : vector<128x1xf32>
    %or3A_1226 = arith.ori %or3A_1224, %eq3A_1225 : vector<128x1xi1>
    %eq3A_1227 = vector.broadcast %sub3A_1205 : vector<128x1xf32> to vector<128x1536xf32>
    %eq3A_1228 = arith.cmpf oeq, %convert_element_type3A, %eq3A_1227 : vector<128x1536xf32>
    %jit3A_1229 = arith.constant 0x7F800000 : f32
    %broadcast_in_dim3A_1230 = vector.shape_cast %or3A_1226 : vector<128x1xi1> to vector<128x1xi1>
    %broadcast_in_dim3A_1231 = vector.broadcast %broadcast_in_dim3A_1230 : vector<128x1xi1> to vector<128x1536xi1>
    %broadcast_in_dim3A_1232 = vector.broadcast %jit3A_1229 : f32 to vector<128x1536xf32>
    %select_n3A_1233 = arith.select %broadcast_in_dim3A_1231, %broadcast_in_dim3A_1232, %max3A : vector<128x1536xi1>, vector<128x1536xf32>
    %select_n3A_1234 = arith.select %eq3A_1228, %select_n3A_1233, %select_n3A_1122 : vector<128x1536xi1>, vector<128x1536xf32>
    %select_n3A_1235 = arith.select %eq3A_1228, %select_n3A_25, %select_n3A_1123 : vector<128x1536xi1>, vector<128x1536xf32>
    %slice3A_1236 = vector.extract_strided_slice %select_n3A_1234 {offsets = [0, 0], sizes = [128, 128], strides = [1, 1]} : vector<128x1536xf32> to vector<128x128xf32>
    %slice3A_1237 = vector.extract_strided_slice %select_n3A_1235 {offsets = [0, 0], sizes = [128, 128], strides = [1, 1]} : vector<128x1536xf32> to vector<128x128xf32>
    %slice3A_1238 = vector.extract_strided_slice %select_n3A_1234 {offsets = [0, 128], sizes = [128, 128], strides = [1, 1]} : vector<128x1536xf32> to vector<128x128xf32>
    %lt3A_1239 = arith.cmpf olt, %slice3A_1238, %slice3A_1236 : vector<128x128xf32>
    %slice3A_1240 = vector.extract_strided_slice %select_n3A_1235 {offsets = [0, 128], sizes = [128, 128], strides = [1, 1]} : vector<128x1536xf32> to vector<128x128xf32>
    %select_n3A_1241 = arith.select %lt3A_1239, %slice3A_1240, %slice3A_1237 : vector<128x128xi1>, vector<128x128xf32>
    %min3A_1242 = arith.minimumf %slice3A_1236, %slice3A_1238 : vector<128x128xf32>
    %slice3A_1243 = vector.extract_strided_slice %select_n3A_1234 {offsets = [0, 256], sizes = [128, 128], strides = [1, 1]} : vector<128x1536xf32> to vector<128x128xf32>
    %lt3A_1244 = arith.cmpf olt, %slice3A_1243, %min3A_1242 : vector<128x128xf32>
    %slice3A_1245 = vector.extract_strided_slice %select_n3A_1235 {offsets = [0, 256], sizes = [128, 128], strides = [1, 1]} : vector<128x1536xf32> to vector<128x128xf32>
    %select_n3A_1246 = arith.select %lt3A_1244, %slice3A_1245, %select_n3A_1241 : vector<128x128xi1>, vector<128x128xf32>
    %min3A_1247 = arith.minimumf %min3A_1242, %slice3A_1243 : vector<128x128xf32>
    %slice3A_1248 = vector.extract_strided_slice %select_n3A_1234 {offsets = [0, 384], sizes = [128, 128], strides = [1, 1]} : vector<128x1536xf32> to vector<128x128xf32>
    %lt3A_1249 = arith.cmpf olt, %slice3A_1248, %min3A_1247 : vector<128x128xf32>
    %slice3A_1250 = vector.extract_strided_slice %select_n3A_1235 {offsets = [0, 384], sizes = [128, 128], strides = [1, 1]} : vector<128x1536xf32> to vector<128x128xf32>
    %select_n3A_1251 = arith.select %lt3A_1249, %slice3A_1250, %select_n3A_1246 : vector<128x128xi1>, vector<128x128xf32>
    %min3A_1252 = arith.minimumf %min3A_1247, %slice3A_1248 : vector<128x128xf32>
    %slice3A_1253 = vector.extract_strided_slice %select_n3A_1234 {offsets = [0, 512], sizes = [128, 128], strides = [1, 1]} : vector<128x1536xf32> to vector<128x128xf32>
    %lt3A_1254 = arith.cmpf olt, %slice3A_1253, %min3A_1252 : vector<128x128xf32>
    %slice3A_1255 = vector.extract_strided_slice %select_n3A_1235 {offsets = [0, 512], sizes = [128, 128], strides = [1, 1]} : vector<128x1536xf32> to vector<128x128xf32>
    %select_n3A_1256 = arith.select %lt3A_1254, %slice3A_1255, %select_n3A_1251 : vector<128x128xi1>, vector<128x128xf32>
    %min3A_1257 = arith.minimumf %min3A_1252, %slice3A_1253 : vector<128x128xf32>
    %slice3A_1258 = vector.extract_strided_slice %select_n3A_1234 {offsets = [0, 640], sizes = [128, 128], strides = [1, 1]} : vector<128x1536xf32> to vector<128x128xf32>
    %lt3A_1259 = arith.cmpf olt, %slice3A_1258, %min3A_1257 : vector<128x128xf32>
    %slice3A_1260 = vector.extract_strided_slice %select_n3A_1235 {offsets = [0, 640], sizes = [128, 128], strides = [1, 1]} : vector<128x1536xf32> to vector<128x128xf32>
    %select_n3A_1261 = arith.select %lt3A_1259, %slice3A_1260, %select_n3A_1256 : vector<128x128xi1>, vector<128x128xf32>
    %min3A_1262 = arith.minimumf %min3A_1257, %slice3A_1258 : vector<128x128xf32>
    %slice3A_1263 = vector.extract_strided_slice %select_n3A_1234 {offsets = [0, 768], sizes = [128, 128], strides = [1, 1]} : vector<128x1536xf32> to vector<128x128xf32>
    %lt3A_1264 = arith.cmpf olt, %slice3A_1263, %min3A_1262 : vector<128x128xf32>
    %slice3A_1265 = vector.extract_strided_slice %select_n3A_1235 {offsets = [0, 768], sizes = [128, 128], strides = [1, 1]} : vector<128x1536xf32> to vector<128x128xf32>
    %select_n3A_1266 = arith.select %lt3A_1264, %slice3A_1265, %select_n3A_1261 : vector<128x128xi1>, vector<128x128xf32>
    %min3A_1267 = arith.minimumf %min3A_1262, %slice3A_1263 : vector<128x128xf32>
    %slice3A_1268 = vector.extract_strided_slice %select_n3A_1234 {offsets = [0, 896], sizes = [128, 128], strides = [1, 1]} : vector<128x1536xf32> to vector<128x128xf32>
    %lt3A_1269 = arith.cmpf olt, %slice3A_1268, %min3A_1267 : vector<128x128xf32>
    %slice3A_1270 = vector.extract_strided_slice %select_n3A_1235 {offsets = [0, 896], sizes = [128, 128], strides = [1, 1]} : vector<128x1536xf32> to vector<128x128xf32>
    %select_n3A_1271 = arith.select %lt3A_1269, %slice3A_1270, %select_n3A_1266 : vector<128x128xi1>, vector<128x128xf32>
    %min3A_1272 = arith.minimumf %min3A_1267, %slice3A_1268 : vector<128x128xf32>
    %slice3A_1273 = vector.extract_strided_slice %select_n3A_1234 {offsets = [0, 1024], sizes = [128, 128], strides = [1, 1]} : vector<128x1536xf32> to vector<128x128xf32>
    %lt3A_1274 = arith.cmpf olt, %slice3A_1273, %min3A_1272 : vector<128x128xf32>
    %slice3A_1275 = vector.extract_strided_slice %select_n3A_1235 {offsets = [0, 1024], sizes = [128, 128], strides = [1, 1]} : vector<128x1536xf32> to vector<128x128xf32>
    %select_n3A_1276 = arith.select %lt3A_1274, %slice3A_1275, %select_n3A_1271 : vector<128x128xi1>, vector<128x128xf32>
    %min3A_1277 = arith.minimumf %min3A_1272, %slice3A_1273 : vector<128x128xf32>
    %slice3A_1278 = vector.extract_strided_slice %select_n3A_1234 {offsets = [0, 1152], sizes = [128, 128], strides = [1, 1]} : vector<128x1536xf32> to vector<128x128xf32>
    %lt3A_1279 = arith.cmpf olt, %slice3A_1278, %min3A_1277 : vector<128x128xf32>
    %slice3A_1280 = vector.extract_strided_slice %select_n3A_1235 {offsets = [0, 1152], sizes = [128, 128], strides = [1, 1]} : vector<128x1536xf32> to vector<128x128xf32>
    %select_n3A_1281 = arith.select %lt3A_1279, %slice3A_1280, %select_n3A_1276 : vector<128x128xi1>, vector<128x128xf32>
    %min3A_1282 = arith.minimumf %min3A_1277, %slice3A_1278 : vector<128x128xf32>
    %slice3A_1283 = vector.extract_strided_slice %select_n3A_1234 {offsets = [0, 1280], sizes = [128, 128], strides = [1, 1]} : vector<128x1536xf32> to vector<128x128xf32>
    %lt3A_1284 = arith.cmpf olt, %slice3A_1283, %min3A_1282 : vector<128x128xf32>
    %slice3A_1285 = vector.extract_strided_slice %select_n3A_1235 {offsets = [0, 1280], sizes = [128, 128], strides = [1, 1]} : vector<128x1536xf32> to vector<128x128xf32>
    %select_n3A_1286 = arith.select %lt3A_1284, %slice3A_1285, %select_n3A_1281 : vector<128x128xi1>, vector<128x128xf32>
    %min3A_1287 = arith.minimumf %min3A_1282, %slice3A_1283 : vector<128x128xf32>
    %slice3A_1288 = vector.extract_strided_slice %select_n3A_1234 {offsets = [0, 1408], sizes = [128, 128], strides = [1, 1]} : vector<128x1536xf32> to vector<128x128xf32>
    %lt3A_1289 = arith.cmpf olt, %slice3A_1288, %min3A_1287 : vector<128x128xf32>
    %slice3A_1290 = vector.extract_strided_slice %select_n3A_1235 {offsets = [0, 1408], sizes = [128, 128], strides = [1, 1]} : vector<128x1536xf32> to vector<128x128xf32>
    %select_n3A_1291 = arith.select %lt3A_1289, %slice3A_1290, %select_n3A_1286 : vector<128x128xi1>, vector<128x128xf32>
    %min3A_1292 = arith.minimumf %min3A_1287, %slice3A_1288 : vector<128x128xf32>
    %reduce_min3A_1293 = arith.constant dense<0x7F800000> : vector<128xf32>
    %reduce_min3A_1294 = vector.multi_reduction <minimumf>, %min3A_1292, %reduce_min3A_1293 [1] : vector<128x128xf32> to vector<128xf32>
    %broadcast_in_dim3A_1295 = vector.shape_cast %reduce_min3A_1294 : vector<128xf32> to vector<128x1xf32>
    %eq3A_1296 = vector.broadcast %broadcast_in_dim3A_1295 : vector<128x1xf32> to vector<128x128xf32>
    %eq3A_1297 = arith.cmpf oeq, %min3A_1292, %eq3A_1296 : vector<128x128xf32>
    %jit3A_1298 = arith.constant 0x4B7FFFFF : f32
    %broadcast_in_dim3A_1299 = vector.broadcast %jit3A_1298 : f32 to vector<128x128xf32>
    %select_n3A_1300 = arith.select %eq3A_1297, %select_n3A_1291, %broadcast_in_dim3A_1299 : vector<128x128xi1>, vector<128x128xf32>
    %reduce_min3A_1301 = arith.constant dense<0x7F800000> : vector<128xf32>
    %reduce_min3A_1302 = vector.multi_reduction <minimumf>, %select_n3A_1300, %reduce_min3A_1301 [1] : vector<128x128xf32> to vector<128xf32>
    %broadcast_in_dim3A_1303 = vector.shape_cast %reduce_min3A_1302 : vector<128xf32> to vector<128x1xf32>
    %lt3A_1304 = arith.constant 1.000000e+04 : f32
    %lt3A_1305 = vector.broadcast %lt3A_1304 : f32 to vector<128x1xf32>
    %lt3A_1306 = arith.cmpf olt, %broadcast_in_dim3A_1295, %lt3A_1305 : vector<128x1xf32>
    %convert_element_type3A_1307 = arith.extui %lt3A_1306 : vector<128x1xi1> to vector<128x1xi32>
    %convert_element_type3A_1308 = arith.sitofp %convert_element_type3A_1307 : vector<128x1xi32> to vector<128x1xf32>
    %ge3A_1309 = arith.constant 1.536000e+03 : f32
    %ge3A_1310 = vector.broadcast %ge3A_1309 : f32 to vector<128x1xf32>
    %ge3A_1311 = arith.cmpf oge, %broadcast_in_dim3A_1303, %ge3A_1310 : vector<128x1xf32>
    %jit3A_1312 = arith.constant 1.536000e+03 : f32
    %jit3A_1313 = arith.constant 0.000000e+00 : f32
    %broadcast_in_dim3A_1314 = vector.broadcast %jit3A_1312 : f32 to vector<128x1xf32>
    %broadcast_in_dim3A_1315 = vector.broadcast %jit3A_1313 : f32 to vector<128x1xf32>
    %select_n3A_1316 = arith.select %ge3A_1311, %broadcast_in_dim3A_1314, %broadcast_in_dim3A_1315 : vector<128x1xi1>, vector<128x1xf32>
    %sub3A_1317 = arith.subf %broadcast_in_dim3A_1303, %select_n3A_1316 : vector<128x1xf32>
    %eq3A_1318 = arith.cmpf oeq, %sub3A_103, %sub3A_1317 : vector<128x1xf32>
    %eq3A_1319 = arith.cmpf oeq, %sub3A_196, %sub3A_1317 : vector<128x1xf32>
    %or3A_1320 = arith.ori %eq3A_1318, %eq3A_1319 : vector<128x1xi1>
    %eq3A_1321 = arith.cmpf oeq, %sub3A_288, %sub3A_1317 : vector<128x1xf32>
    %or3A_1322 = arith.ori %or3A_1320, %eq3A_1321 : vector<128x1xi1>
    %eq3A_1323 = arith.cmpf oeq, %sub3A_381, %sub3A_1317 : vector<128x1xf32>
    %or3A_1324 = arith.ori %or3A_1322, %eq3A_1323 : vector<128x1xi1>
    %eq3A_1325 = arith.cmpf oeq, %sub3A_477, %sub3A_1317 : vector<128x1xf32>
    %or3A_1326 = arith.ori %or3A_1324, %eq3A_1325 : vector<128x1xi1>
    %eq3A_1327 = arith.cmpf oeq, %sub3A_575, %sub3A_1317 : vector<128x1xf32>
    %or3A_1328 = arith.ori %or3A_1326, %eq3A_1327 : vector<128x1xi1>
    %eq3A_1329 = arith.cmpf oeq, %sub3A_675, %sub3A_1317 : vector<128x1xf32>
    %or3A_1330 = arith.ori %or3A_1328, %eq3A_1329 : vector<128x1xi1>
    %eq3A_1331 = arith.cmpf oeq, %sub3A_777, %sub3A_1317 : vector<128x1xf32>
    %or3A_1332 = arith.ori %or3A_1330, %eq3A_1331 : vector<128x1xi1>
    %eq3A_1333 = arith.cmpf oeq, %sub3A_881, %sub3A_1317 : vector<128x1xf32>
    %or3A_1334 = arith.ori %or3A_1332, %eq3A_1333 : vector<128x1xi1>
    %eq3A_1335 = arith.cmpf oeq, %sub3A_987, %sub3A_1317 : vector<128x1xf32>
    %or3A_1336 = arith.ori %or3A_1334, %eq3A_1335 : vector<128x1xi1>
    %eq3A_1337 = arith.cmpf oeq, %sub3A_1095, %sub3A_1317 : vector<128x1xf32>
    %or3A_1338 = arith.ori %or3A_1336, %eq3A_1337 : vector<128x1xi1>
    %eq3A_1339 = arith.cmpf oeq, %sub3A_1205, %sub3A_1317 : vector<128x1xf32>
    %or3A_1340 = arith.ori %or3A_1338, %eq3A_1339 : vector<128x1xi1>
    %eq3A_1341 = vector.broadcast %sub3A_1317 : vector<128x1xf32> to vector<128x1536xf32>
    %eq3A_1342 = arith.cmpf oeq, %convert_element_type3A, %eq3A_1341 : vector<128x1536xf32>
    %jit3A_1343 = arith.constant 0x7F800000 : f32
    %broadcast_in_dim3A_1344 = vector.shape_cast %or3A_1340 : vector<128x1xi1> to vector<128x1xi1>
    %broadcast_in_dim3A_1345 = vector.broadcast %broadcast_in_dim3A_1344 : vector<128x1xi1> to vector<128x1536xi1>
    %broadcast_in_dim3A_1346 = vector.broadcast %jit3A_1343 : f32 to vector<128x1536xf32>
    %select_n3A_1347 = arith.select %broadcast_in_dim3A_1345, %broadcast_in_dim3A_1346, %max3A : vector<128x1536xi1>, vector<128x1536xf32>
    %select_n3A_1348 = arith.select %eq3A_1342, %select_n3A_1347, %select_n3A_1234 : vector<128x1536xi1>, vector<128x1536xf32>
    %select_n3A_1349 = arith.select %eq3A_1342, %select_n3A_25, %select_n3A_1235 : vector<128x1536xi1>, vector<128x1536xf32>
    %slice3A_1350 = vector.extract_strided_slice %select_n3A_1348 {offsets = [0, 0], sizes = [128, 128], strides = [1, 1]} : vector<128x1536xf32> to vector<128x128xf32>
    %slice3A_1351 = vector.extract_strided_slice %select_n3A_1349 {offsets = [0, 0], sizes = [128, 128], strides = [1, 1]} : vector<128x1536xf32> to vector<128x128xf32>
    %slice3A_1352 = vector.extract_strided_slice %select_n3A_1348 {offsets = [0, 128], sizes = [128, 128], strides = [1, 1]} : vector<128x1536xf32> to vector<128x128xf32>
    %lt3A_1353 = arith.cmpf olt, %slice3A_1352, %slice3A_1350 : vector<128x128xf32>
    %slice3A_1354 = vector.extract_strided_slice %select_n3A_1349 {offsets = [0, 128], sizes = [128, 128], strides = [1, 1]} : vector<128x1536xf32> to vector<128x128xf32>
    %select_n3A_1355 = arith.select %lt3A_1353, %slice3A_1354, %slice3A_1351 : vector<128x128xi1>, vector<128x128xf32>
    %min3A_1356 = arith.minimumf %slice3A_1350, %slice3A_1352 : vector<128x128xf32>
    %slice3A_1357 = vector.extract_strided_slice %select_n3A_1348 {offsets = [0, 256], sizes = [128, 128], strides = [1, 1]} : vector<128x1536xf32> to vector<128x128xf32>
    %lt3A_1358 = arith.cmpf olt, %slice3A_1357, %min3A_1356 : vector<128x128xf32>
    %slice3A_1359 = vector.extract_strided_slice %select_n3A_1349 {offsets = [0, 256], sizes = [128, 128], strides = [1, 1]} : vector<128x1536xf32> to vector<128x128xf32>
    %select_n3A_1360 = arith.select %lt3A_1358, %slice3A_1359, %select_n3A_1355 : vector<128x128xi1>, vector<128x128xf32>
    %min3A_1361 = arith.minimumf %min3A_1356, %slice3A_1357 : vector<128x128xf32>
    %slice3A_1362 = vector.extract_strided_slice %select_n3A_1348 {offsets = [0, 384], sizes = [128, 128], strides = [1, 1]} : vector<128x1536xf32> to vector<128x128xf32>
    %lt3A_1363 = arith.cmpf olt, %slice3A_1362, %min3A_1361 : vector<128x128xf32>
    %slice3A_1364 = vector.extract_strided_slice %select_n3A_1349 {offsets = [0, 384], sizes = [128, 128], strides = [1, 1]} : vector<128x1536xf32> to vector<128x128xf32>
    %select_n3A_1365 = arith.select %lt3A_1363, %slice3A_1364, %select_n3A_1360 : vector<128x128xi1>, vector<128x128xf32>
    %min3A_1366 = arith.minimumf %min3A_1361, %slice3A_1362 : vector<128x128xf32>
    %slice3A_1367 = vector.extract_strided_slice %select_n3A_1348 {offsets = [0, 512], sizes = [128, 128], strides = [1, 1]} : vector<128x1536xf32> to vector<128x128xf32>
    %lt3A_1368 = arith.cmpf olt, %slice3A_1367, %min3A_1366 : vector<128x128xf32>
    %slice3A_1369 = vector.extract_strided_slice %select_n3A_1349 {offsets = [0, 512], sizes = [128, 128], strides = [1, 1]} : vector<128x1536xf32> to vector<128x128xf32>
    %select_n3A_1370 = arith.select %lt3A_1368, %slice3A_1369, %select_n3A_1365 : vector<128x128xi1>, vector<128x128xf32>
    %min3A_1371 = arith.minimumf %min3A_1366, %slice3A_1367 : vector<128x128xf32>
    %slice3A_1372 = vector.extract_strided_slice %select_n3A_1348 {offsets = [0, 640], sizes = [128, 128], strides = [1, 1]} : vector<128x1536xf32> to vector<128x128xf32>
    %lt3A_1373 = arith.cmpf olt, %slice3A_1372, %min3A_1371 : vector<128x128xf32>
    %slice3A_1374 = vector.extract_strided_slice %select_n3A_1349 {offsets = [0, 640], sizes = [128, 128], strides = [1, 1]} : vector<128x1536xf32> to vector<128x128xf32>
    %select_n3A_1375 = arith.select %lt3A_1373, %slice3A_1374, %select_n3A_1370 : vector<128x128xi1>, vector<128x128xf32>
    %min3A_1376 = arith.minimumf %min3A_1371, %slice3A_1372 : vector<128x128xf32>
    %slice3A_1377 = vector.extract_strided_slice %select_n3A_1348 {offsets = [0, 768], sizes = [128, 128], strides = [1, 1]} : vector<128x1536xf32> to vector<128x128xf32>
    %lt3A_1378 = arith.cmpf olt, %slice3A_1377, %min3A_1376 : vector<128x128xf32>
    %slice3A_1379 = vector.extract_strided_slice %select_n3A_1349 {offsets = [0, 768], sizes = [128, 128], strides = [1, 1]} : vector<128x1536xf32> to vector<128x128xf32>
    %select_n3A_1380 = arith.select %lt3A_1378, %slice3A_1379, %select_n3A_1375 : vector<128x128xi1>, vector<128x128xf32>
    %min3A_1381 = arith.minimumf %min3A_1376, %slice3A_1377 : vector<128x128xf32>
    %slice3A_1382 = vector.extract_strided_slice %select_n3A_1348 {offsets = [0, 896], sizes = [128, 128], strides = [1, 1]} : vector<128x1536xf32> to vector<128x128xf32>
    %lt3A_1383 = arith.cmpf olt, %slice3A_1382, %min3A_1381 : vector<128x128xf32>
    %slice3A_1384 = vector.extract_strided_slice %select_n3A_1349 {offsets = [0, 896], sizes = [128, 128], strides = [1, 1]} : vector<128x1536xf32> to vector<128x128xf32>
    %select_n3A_1385 = arith.select %lt3A_1383, %slice3A_1384, %select_n3A_1380 : vector<128x128xi1>, vector<128x128xf32>
    %min3A_1386 = arith.minimumf %min3A_1381, %slice3A_1382 : vector<128x128xf32>
    %slice3A_1387 = vector.extract_strided_slice %select_n3A_1348 {offsets = [0, 1024], sizes = [128, 128], strides = [1, 1]} : vector<128x1536xf32> to vector<128x128xf32>
    %lt3A_1388 = arith.cmpf olt, %slice3A_1387, %min3A_1386 : vector<128x128xf32>
    %slice3A_1389 = vector.extract_strided_slice %select_n3A_1349 {offsets = [0, 1024], sizes = [128, 128], strides = [1, 1]} : vector<128x1536xf32> to vector<128x128xf32>
    %select_n3A_1390 = arith.select %lt3A_1388, %slice3A_1389, %select_n3A_1385 : vector<128x128xi1>, vector<128x128xf32>
    %min3A_1391 = arith.minimumf %min3A_1386, %slice3A_1387 : vector<128x128xf32>
    %slice3A_1392 = vector.extract_strided_slice %select_n3A_1348 {offsets = [0, 1152], sizes = [128, 128], strides = [1, 1]} : vector<128x1536xf32> to vector<128x128xf32>
    %lt3A_1393 = arith.cmpf olt, %slice3A_1392, %min3A_1391 : vector<128x128xf32>
    %slice3A_1394 = vector.extract_strided_slice %select_n3A_1349 {offsets = [0, 1152], sizes = [128, 128], strides = [1, 1]} : vector<128x1536xf32> to vector<128x128xf32>
    %select_n3A_1395 = arith.select %lt3A_1393, %slice3A_1394, %select_n3A_1390 : vector<128x128xi1>, vector<128x128xf32>
    %min3A_1396 = arith.minimumf %min3A_1391, %slice3A_1392 : vector<128x128xf32>
    %slice3A_1397 = vector.extract_strided_slice %select_n3A_1348 {offsets = [0, 1280], sizes = [128, 128], strides = [1, 1]} : vector<128x1536xf32> to vector<128x128xf32>
    %lt3A_1398 = arith.cmpf olt, %slice3A_1397, %min3A_1396 : vector<128x128xf32>
    %slice3A_1399 = vector.extract_strided_slice %select_n3A_1349 {offsets = [0, 1280], sizes = [128, 128], strides = [1, 1]} : vector<128x1536xf32> to vector<128x128xf32>
    %select_n3A_1400 = arith.select %lt3A_1398, %slice3A_1399, %select_n3A_1395 : vector<128x128xi1>, vector<128x128xf32>
    %min3A_1401 = arith.minimumf %min3A_1396, %slice3A_1397 : vector<128x128xf32>
    %slice3A_1402 = vector.extract_strided_slice %select_n3A_1348 {offsets = [0, 1408], sizes = [128, 128], strides = [1, 1]} : vector<128x1536xf32> to vector<128x128xf32>
    %lt3A_1403 = arith.cmpf olt, %slice3A_1402, %min3A_1401 : vector<128x128xf32>
    %slice3A_1404 = vector.extract_strided_slice %select_n3A_1349 {offsets = [0, 1408], sizes = [128, 128], strides = [1, 1]} : vector<128x1536xf32> to vector<128x128xf32>
    %select_n3A_1405 = arith.select %lt3A_1403, %slice3A_1404, %select_n3A_1400 : vector<128x128xi1>, vector<128x128xf32>
    %min3A_1406 = arith.minimumf %min3A_1401, %slice3A_1402 : vector<128x128xf32>
    %reduce_min3A_1407 = arith.constant dense<0x7F800000> : vector<128xf32>
    %reduce_min3A_1408 = vector.multi_reduction <minimumf>, %min3A_1406, %reduce_min3A_1407 [1] : vector<128x128xf32> to vector<128xf32>
    %broadcast_in_dim3A_1409 = vector.shape_cast %reduce_min3A_1408 : vector<128xf32> to vector<128x1xf32>
    %eq3A_1410 = vector.broadcast %broadcast_in_dim3A_1409 : vector<128x1xf32> to vector<128x128xf32>
    %eq3A_1411 = arith.cmpf oeq, %min3A_1406, %eq3A_1410 : vector<128x128xf32>
    %jit3A_1412 = arith.constant 0x4B7FFFFF : f32
    %broadcast_in_dim3A_1413 = vector.broadcast %jit3A_1412 : f32 to vector<128x128xf32>
    %select_n3A_1414 = arith.select %eq3A_1411, %select_n3A_1405, %broadcast_in_dim3A_1413 : vector<128x128xi1>, vector<128x128xf32>
    %reduce_min3A_1415 = arith.constant dense<0x7F800000> : vector<128xf32>
    %reduce_min3A_1416 = vector.multi_reduction <minimumf>, %select_n3A_1414, %reduce_min3A_1415 [1] : vector<128x128xf32> to vector<128xf32>
    %broadcast_in_dim3A_1417 = vector.shape_cast %reduce_min3A_1416 : vector<128xf32> to vector<128x1xf32>
    %lt3A_1418 = arith.constant 1.000000e+04 : f32
    %lt3A_1419 = vector.broadcast %lt3A_1418 : f32 to vector<128x1xf32>
    %lt3A_1420 = arith.cmpf olt, %broadcast_in_dim3A_1409, %lt3A_1419 : vector<128x1xf32>
    %convert_element_type3A_1421 = arith.extui %lt3A_1420 : vector<128x1xi1> to vector<128x1xi32>
    %convert_element_type3A_1422 = arith.sitofp %convert_element_type3A_1421 : vector<128x1xi32> to vector<128x1xf32>
    %ge3A_1423 = arith.constant 1.536000e+03 : f32
    %ge3A_1424 = vector.broadcast %ge3A_1423 : f32 to vector<128x1xf32>
    %ge3A_1425 = arith.cmpf oge, %broadcast_in_dim3A_1417, %ge3A_1424 : vector<128x1xf32>
    %jit3A_1426 = arith.constant 1.536000e+03 : f32
    %jit3A_1427 = arith.constant 0.000000e+00 : f32
    %broadcast_in_dim3A_1428 = vector.broadcast %jit3A_1426 : f32 to vector<128x1xf32>
    %broadcast_in_dim3A_1429 = vector.broadcast %jit3A_1427 : f32 to vector<128x1xf32>
    %select_n3A_1430 = arith.select %ge3A_1425, %broadcast_in_dim3A_1428, %broadcast_in_dim3A_1429 : vector<128x1xi1>, vector<128x1xf32>
    %sub3A_1431 = arith.subf %broadcast_in_dim3A_1417, %select_n3A_1430 : vector<128x1xf32>
    %eq3A_1432 = arith.cmpf oeq, %sub3A_103, %sub3A_1431 : vector<128x1xf32>
    %eq3A_1433 = arith.cmpf oeq, %sub3A_196, %sub3A_1431 : vector<128x1xf32>
    %or3A_1434 = arith.ori %eq3A_1432, %eq3A_1433 : vector<128x1xi1>
    %eq3A_1435 = arith.cmpf oeq, %sub3A_288, %sub3A_1431 : vector<128x1xf32>
    %or3A_1436 = arith.ori %or3A_1434, %eq3A_1435 : vector<128x1xi1>
    %eq3A_1437 = arith.cmpf oeq, %sub3A_381, %sub3A_1431 : vector<128x1xf32>
    %or3A_1438 = arith.ori %or3A_1436, %eq3A_1437 : vector<128x1xi1>
    %eq3A_1439 = arith.cmpf oeq, %sub3A_477, %sub3A_1431 : vector<128x1xf32>
    %or3A_1440 = arith.ori %or3A_1438, %eq3A_1439 : vector<128x1xi1>
    %eq3A_1441 = arith.cmpf oeq, %sub3A_575, %sub3A_1431 : vector<128x1xf32>
    %or3A_1442 = arith.ori %or3A_1440, %eq3A_1441 : vector<128x1xi1>
    %eq3A_1443 = arith.cmpf oeq, %sub3A_675, %sub3A_1431 : vector<128x1xf32>
    %or3A_1444 = arith.ori %or3A_1442, %eq3A_1443 : vector<128x1xi1>
    %eq3A_1445 = arith.cmpf oeq, %sub3A_777, %sub3A_1431 : vector<128x1xf32>
    %or3A_1446 = arith.ori %or3A_1444, %eq3A_1445 : vector<128x1xi1>
    %eq3A_1447 = arith.cmpf oeq, %sub3A_881, %sub3A_1431 : vector<128x1xf32>
    %or3A_1448 = arith.ori %or3A_1446, %eq3A_1447 : vector<128x1xi1>
    %eq3A_1449 = arith.cmpf oeq, %sub3A_987, %sub3A_1431 : vector<128x1xf32>
    %or3A_1450 = arith.ori %or3A_1448, %eq3A_1449 : vector<128x1xi1>
    %eq3A_1451 = arith.cmpf oeq, %sub3A_1095, %sub3A_1431 : vector<128x1xf32>
    %or3A_1452 = arith.ori %or3A_1450, %eq3A_1451 : vector<128x1xi1>
    %eq3A_1453 = arith.cmpf oeq, %sub3A_1205, %sub3A_1431 : vector<128x1xf32>
    %or3A_1454 = arith.ori %or3A_1452, %eq3A_1453 : vector<128x1xi1>
    %eq3A_1455 = arith.cmpf oeq, %sub3A_1317, %sub3A_1431 : vector<128x1xf32>
    %or3A_1456 = arith.ori %or3A_1454, %eq3A_1455 : vector<128x1xi1>
    %eq3A_1457 = vector.broadcast %sub3A_1431 : vector<128x1xf32> to vector<128x1536xf32>
    %eq3A_1458 = arith.cmpf oeq, %convert_element_type3A, %eq3A_1457 : vector<128x1536xf32>
    %jit3A_1459 = arith.constant 0x7F800000 : f32
    %broadcast_in_dim3A_1460 = vector.shape_cast %or3A_1456 : vector<128x1xi1> to vector<128x1xi1>
    %broadcast_in_dim3A_1461 = vector.broadcast %broadcast_in_dim3A_1460 : vector<128x1xi1> to vector<128x1536xi1>
    %broadcast_in_dim3A_1462 = vector.broadcast %jit3A_1459 : f32 to vector<128x1536xf32>
    %select_n3A_1463 = arith.select %broadcast_in_dim3A_1461, %broadcast_in_dim3A_1462, %max3A : vector<128x1536xi1>, vector<128x1536xf32>
    %select_n3A_1464 = arith.select %eq3A_1458, %select_n3A_1463, %select_n3A_1348 : vector<128x1536xi1>, vector<128x1536xf32>
    %select_n3A_1465 = arith.select %eq3A_1458, %select_n3A_25, %select_n3A_1349 : vector<128x1536xi1>, vector<128x1536xf32>
    %slice3A_1466 = vector.extract_strided_slice %select_n3A_1464 {offsets = [0, 0], sizes = [128, 128], strides = [1, 1]} : vector<128x1536xf32> to vector<128x128xf32>
    %slice3A_1467 = vector.extract_strided_slice %select_n3A_1465 {offsets = [0, 0], sizes = [128, 128], strides = [1, 1]} : vector<128x1536xf32> to vector<128x128xf32>
    %slice3A_1468 = vector.extract_strided_slice %select_n3A_1464 {offsets = [0, 128], sizes = [128, 128], strides = [1, 1]} : vector<128x1536xf32> to vector<128x128xf32>
    %lt3A_1469 = arith.cmpf olt, %slice3A_1468, %slice3A_1466 : vector<128x128xf32>
    %slice3A_1470 = vector.extract_strided_slice %select_n3A_1465 {offsets = [0, 128], sizes = [128, 128], strides = [1, 1]} : vector<128x1536xf32> to vector<128x128xf32>
    %select_n3A_1471 = arith.select %lt3A_1469, %slice3A_1470, %slice3A_1467 : vector<128x128xi1>, vector<128x128xf32>
    %min3A_1472 = arith.minimumf %slice3A_1466, %slice3A_1468 : vector<128x128xf32>
    %slice3A_1473 = vector.extract_strided_slice %select_n3A_1464 {offsets = [0, 256], sizes = [128, 128], strides = [1, 1]} : vector<128x1536xf32> to vector<128x128xf32>
    %lt3A_1474 = arith.cmpf olt, %slice3A_1473, %min3A_1472 : vector<128x128xf32>
    %slice3A_1475 = vector.extract_strided_slice %select_n3A_1465 {offsets = [0, 256], sizes = [128, 128], strides = [1, 1]} : vector<128x1536xf32> to vector<128x128xf32>
    %select_n3A_1476 = arith.select %lt3A_1474, %slice3A_1475, %select_n3A_1471 : vector<128x128xi1>, vector<128x128xf32>
    %min3A_1477 = arith.minimumf %min3A_1472, %slice3A_1473 : vector<128x128xf32>
    %slice3A_1478 = vector.extract_strided_slice %select_n3A_1464 {offsets = [0, 384], sizes = [128, 128], strides = [1, 1]} : vector<128x1536xf32> to vector<128x128xf32>
    %lt3A_1479 = arith.cmpf olt, %slice3A_1478, %min3A_1477 : vector<128x128xf32>
    %slice3A_1480 = vector.extract_strided_slice %select_n3A_1465 {offsets = [0, 384], sizes = [128, 128], strides = [1, 1]} : vector<128x1536xf32> to vector<128x128xf32>
    %select_n3A_1481 = arith.select %lt3A_1479, %slice3A_1480, %select_n3A_1476 : vector<128x128xi1>, vector<128x128xf32>
    %min3A_1482 = arith.minimumf %min3A_1477, %slice3A_1478 : vector<128x128xf32>
    %slice3A_1483 = vector.extract_strided_slice %select_n3A_1464 {offsets = [0, 512], sizes = [128, 128], strides = [1, 1]} : vector<128x1536xf32> to vector<128x128xf32>
    %lt3A_1484 = arith.cmpf olt, %slice3A_1483, %min3A_1482 : vector<128x128xf32>
    %slice3A_1485 = vector.extract_strided_slice %select_n3A_1465 {offsets = [0, 512], sizes = [128, 128], strides = [1, 1]} : vector<128x1536xf32> to vector<128x128xf32>
    %select_n3A_1486 = arith.select %lt3A_1484, %slice3A_1485, %select_n3A_1481 : vector<128x128xi1>, vector<128x128xf32>
    %min3A_1487 = arith.minimumf %min3A_1482, %slice3A_1483 : vector<128x128xf32>
    %slice3A_1488 = vector.extract_strided_slice %select_n3A_1464 {offsets = [0, 640], sizes = [128, 128], strides = [1, 1]} : vector<128x1536xf32> to vector<128x128xf32>
    %lt3A_1489 = arith.cmpf olt, %slice3A_1488, %min3A_1487 : vector<128x128xf32>
    %slice3A_1490 = vector.extract_strided_slice %select_n3A_1465 {offsets = [0, 640], sizes = [128, 128], strides = [1, 1]} : vector<128x1536xf32> to vector<128x128xf32>
    %select_n3A_1491 = arith.select %lt3A_1489, %slice3A_1490, %select_n3A_1486 : vector<128x128xi1>, vector<128x128xf32>
    %min3A_1492 = arith.minimumf %min3A_1487, %slice3A_1488 : vector<128x128xf32>
    %slice3A_1493 = vector.extract_strided_slice %select_n3A_1464 {offsets = [0, 768], sizes = [128, 128], strides = [1, 1]} : vector<128x1536xf32> to vector<128x128xf32>
    %lt3A_1494 = arith.cmpf olt, %slice3A_1493, %min3A_1492 : vector<128x128xf32>
    %slice3A_1495 = vector.extract_strided_slice %select_n3A_1465 {offsets = [0, 768], sizes = [128, 128], strides = [1, 1]} : vector<128x1536xf32> to vector<128x128xf32>
    %select_n3A_1496 = arith.select %lt3A_1494, %slice3A_1495, %select_n3A_1491 : vector<128x128xi1>, vector<128x128xf32>
    %min3A_1497 = arith.minimumf %min3A_1492, %slice3A_1493 : vector<128x128xf32>
    %slice3A_1498 = vector.extract_strided_slice %select_n3A_1464 {offsets = [0, 896], sizes = [128, 128], strides = [1, 1]} : vector<128x1536xf32> to vector<128x128xf32>
    %lt3A_1499 = arith.cmpf olt, %slice3A_1498, %min3A_1497 : vector<128x128xf32>
    %slice3A_1500 = vector.extract_strided_slice %select_n3A_1465 {offsets = [0, 896], sizes = [128, 128], strides = [1, 1]} : vector<128x1536xf32> to vector<128x128xf32>
    %select_n3A_1501 = arith.select %lt3A_1499, %slice3A_1500, %select_n3A_1496 : vector<128x128xi1>, vector<128x128xf32>
    %min3A_1502 = arith.minimumf %min3A_1497, %slice3A_1498 : vector<128x128xf32>
    %slice3A_1503 = vector.extract_strided_slice %select_n3A_1464 {offsets = [0, 1024], sizes = [128, 128], strides = [1, 1]} : vector<128x1536xf32> to vector<128x128xf32>
    %lt3A_1504 = arith.cmpf olt, %slice3A_1503, %min3A_1502 : vector<128x128xf32>
    %slice3A_1505 = vector.extract_strided_slice %select_n3A_1465 {offsets = [0, 1024], sizes = [128, 128], strides = [1, 1]} : vector<128x1536xf32> to vector<128x128xf32>
    %select_n3A_1506 = arith.select %lt3A_1504, %slice3A_1505, %select_n3A_1501 : vector<128x128xi1>, vector<128x128xf32>
    %min3A_1507 = arith.minimumf %min3A_1502, %slice3A_1503 : vector<128x128xf32>
    %slice3A_1508 = vector.extract_strided_slice %select_n3A_1464 {offsets = [0, 1152], sizes = [128, 128], strides = [1, 1]} : vector<128x1536xf32> to vector<128x128xf32>
    %lt3A_1509 = arith.cmpf olt, %slice3A_1508, %min3A_1507 : vector<128x128xf32>
    %slice3A_1510 = vector.extract_strided_slice %select_n3A_1465 {offsets = [0, 1152], sizes = [128, 128], strides = [1, 1]} : vector<128x1536xf32> to vector<128x128xf32>
    %select_n3A_1511 = arith.select %lt3A_1509, %slice3A_1510, %select_n3A_1506 : vector<128x128xi1>, vector<128x128xf32>
    %min3A_1512 = arith.minimumf %min3A_1507, %slice3A_1508 : vector<128x128xf32>
    %slice3A_1513 = vector.extract_strided_slice %select_n3A_1464 {offsets = [0, 1280], sizes = [128, 128], strides = [1, 1]} : vector<128x1536xf32> to vector<128x128xf32>
    %lt3A_1514 = arith.cmpf olt, %slice3A_1513, %min3A_1512 : vector<128x128xf32>
    %slice3A_1515 = vector.extract_strided_slice %select_n3A_1465 {offsets = [0, 1280], sizes = [128, 128], strides = [1, 1]} : vector<128x1536xf32> to vector<128x128xf32>
    %select_n3A_1516 = arith.select %lt3A_1514, %slice3A_1515, %select_n3A_1511 : vector<128x128xi1>, vector<128x128xf32>
    %min3A_1517 = arith.minimumf %min3A_1512, %slice3A_1513 : vector<128x128xf32>
    %slice3A_1518 = vector.extract_strided_slice %select_n3A_1464 {offsets = [0, 1408], sizes = [128, 128], strides = [1, 1]} : vector<128x1536xf32> to vector<128x128xf32>
    %lt3A_1519 = arith.cmpf olt, %slice3A_1518, %min3A_1517 : vector<128x128xf32>
    %slice3A_1520 = vector.extract_strided_slice %select_n3A_1465 {offsets = [0, 1408], sizes = [128, 128], strides = [1, 1]} : vector<128x1536xf32> to vector<128x128xf32>
    %select_n3A_1521 = arith.select %lt3A_1519, %slice3A_1520, %select_n3A_1516 : vector<128x128xi1>, vector<128x128xf32>
    %min3A_1522 = arith.minimumf %min3A_1517, %slice3A_1518 : vector<128x128xf32>
    %reduce_min3A_1523 = arith.constant dense<0x7F800000> : vector<128xf32>
    %reduce_min3A_1524 = vector.multi_reduction <minimumf>, %min3A_1522, %reduce_min3A_1523 [1] : vector<128x128xf32> to vector<128xf32>
    %broadcast_in_dim3A_1525 = vector.shape_cast %reduce_min3A_1524 : vector<128xf32> to vector<128x1xf32>
    %eq3A_1526 = vector.broadcast %broadcast_in_dim3A_1525 : vector<128x1xf32> to vector<128x128xf32>
    %eq3A_1527 = arith.cmpf oeq, %min3A_1522, %eq3A_1526 : vector<128x128xf32>
    %jit3A_1528 = arith.constant 0x4B7FFFFF : f32
    %broadcast_in_dim3A_1529 = vector.broadcast %jit3A_1528 : f32 to vector<128x128xf32>
    %select_n3A_1530 = arith.select %eq3A_1527, %select_n3A_1521, %broadcast_in_dim3A_1529 : vector<128x128xi1>, vector<128x128xf32>
    %reduce_min3A_1531 = arith.constant dense<0x7F800000> : vector<128xf32>
    %reduce_min3A_1532 = vector.multi_reduction <minimumf>, %select_n3A_1530, %reduce_min3A_1531 [1] : vector<128x128xf32> to vector<128xf32>
    %broadcast_in_dim3A_1533 = vector.shape_cast %reduce_min3A_1532 : vector<128xf32> to vector<128x1xf32>
    %lt3A_1534 = arith.constant 1.000000e+04 : f32
    %lt3A_1535 = vector.broadcast %lt3A_1534 : f32 to vector<128x1xf32>
    %lt3A_1536 = arith.cmpf olt, %broadcast_in_dim3A_1525, %lt3A_1535 : vector<128x1xf32>
    %convert_element_type3A_1537 = arith.extui %lt3A_1536 : vector<128x1xi1> to vector<128x1xi32>
    %convert_element_type3A_1538 = arith.sitofp %convert_element_type3A_1537 : vector<128x1xi32> to vector<128x1xf32>
    %ge3A_1539 = arith.constant 1.536000e+03 : f32
    %ge3A_1540 = vector.broadcast %ge3A_1539 : f32 to vector<128x1xf32>
    %ge3A_1541 = arith.cmpf oge, %broadcast_in_dim3A_1533, %ge3A_1540 : vector<128x1xf32>
    %jit3A_1542 = arith.constant 1.536000e+03 : f32
    %jit3A_1543 = arith.constant 0.000000e+00 : f32
    %broadcast_in_dim3A_1544 = vector.broadcast %jit3A_1542 : f32 to vector<128x1xf32>
    %broadcast_in_dim3A_1545 = vector.broadcast %jit3A_1543 : f32 to vector<128x1xf32>
    %select_n3A_1546 = arith.select %ge3A_1541, %broadcast_in_dim3A_1544, %broadcast_in_dim3A_1545 : vector<128x1xi1>, vector<128x1xf32>
    %sub3A_1547 = arith.subf %broadcast_in_dim3A_1533, %select_n3A_1546 : vector<128x1xf32>
    %eq3A_1548 = arith.cmpf oeq, %sub3A_103, %sub3A_1547 : vector<128x1xf32>
    %eq3A_1549 = arith.cmpf oeq, %sub3A_196, %sub3A_1547 : vector<128x1xf32>
    %or3A_1550 = arith.ori %eq3A_1548, %eq3A_1549 : vector<128x1xi1>
    %eq3A_1551 = arith.cmpf oeq, %sub3A_288, %sub3A_1547 : vector<128x1xf32>
    %or3A_1552 = arith.ori %or3A_1550, %eq3A_1551 : vector<128x1xi1>
    %eq3A_1553 = arith.cmpf oeq, %sub3A_381, %sub3A_1547 : vector<128x1xf32>
    %or3A_1554 = arith.ori %or3A_1552, %eq3A_1553 : vector<128x1xi1>
    %eq3A_1555 = arith.cmpf oeq, %sub3A_477, %sub3A_1547 : vector<128x1xf32>
    %or3A_1556 = arith.ori %or3A_1554, %eq3A_1555 : vector<128x1xi1>
    %eq3A_1557 = arith.cmpf oeq, %sub3A_575, %sub3A_1547 : vector<128x1xf32>
    %or3A_1558 = arith.ori %or3A_1556, %eq3A_1557 : vector<128x1xi1>
    %eq3A_1559 = arith.cmpf oeq, %sub3A_675, %sub3A_1547 : vector<128x1xf32>
    %or3A_1560 = arith.ori %or3A_1558, %eq3A_1559 : vector<128x1xi1>
    %eq3A_1561 = arith.cmpf oeq, %sub3A_777, %sub3A_1547 : vector<128x1xf32>
    %or3A_1562 = arith.ori %or3A_1560, %eq3A_1561 : vector<128x1xi1>
    %eq3A_1563 = arith.cmpf oeq, %sub3A_881, %sub3A_1547 : vector<128x1xf32>
    %or3A_1564 = arith.ori %or3A_1562, %eq3A_1563 : vector<128x1xi1>
    %eq3A_1565 = arith.cmpf oeq, %sub3A_987, %sub3A_1547 : vector<128x1xf32>
    %or3A_1566 = arith.ori %or3A_1564, %eq3A_1565 : vector<128x1xi1>
    %eq3A_1567 = arith.cmpf oeq, %sub3A_1095, %sub3A_1547 : vector<128x1xf32>
    %or3A_1568 = arith.ori %or3A_1566, %eq3A_1567 : vector<128x1xi1>
    %eq3A_1569 = arith.cmpf oeq, %sub3A_1205, %sub3A_1547 : vector<128x1xf32>
    %or3A_1570 = arith.ori %or3A_1568, %eq3A_1569 : vector<128x1xi1>
    %eq3A_1571 = arith.cmpf oeq, %sub3A_1317, %sub3A_1547 : vector<128x1xf32>
    %or3A_1572 = arith.ori %or3A_1570, %eq3A_1571 : vector<128x1xi1>
    %eq3A_1573 = arith.cmpf oeq, %sub3A_1431, %sub3A_1547 : vector<128x1xf32>
    %or3A_1574 = arith.ori %or3A_1572, %eq3A_1573 : vector<128x1xi1>
    %eq3A_1575 = vector.broadcast %sub3A_1547 : vector<128x1xf32> to vector<128x1536xf32>
    %eq3A_1576 = arith.cmpf oeq, %convert_element_type3A, %eq3A_1575 : vector<128x1536xf32>
    %jit3A_1577 = arith.constant 0x7F800000 : f32
    %broadcast_in_dim3A_1578 = vector.shape_cast %or3A_1574 : vector<128x1xi1> to vector<128x1xi1>
    %broadcast_in_dim3A_1579 = vector.broadcast %broadcast_in_dim3A_1578 : vector<128x1xi1> to vector<128x1536xi1>
    %broadcast_in_dim3A_1580 = vector.broadcast %jit3A_1577 : f32 to vector<128x1536xf32>
    %select_n3A_1581 = arith.select %broadcast_in_dim3A_1579, %broadcast_in_dim3A_1580, %max3A : vector<128x1536xi1>, vector<128x1536xf32>
    %select_n3A_1582 = arith.select %eq3A_1576, %select_n3A_1581, %select_n3A_1464 : vector<128x1536xi1>, vector<128x1536xf32>
    %select_n3A_1583 = arith.select %eq3A_1576, %select_n3A_25, %select_n3A_1465 : vector<128x1536xi1>, vector<128x1536xf32>
    %slice3A_1584 = vector.extract_strided_slice %select_n3A_1582 {offsets = [0, 0], sizes = [128, 128], strides = [1, 1]} : vector<128x1536xf32> to vector<128x128xf32>
    %slice3A_1585 = vector.extract_strided_slice %select_n3A_1583 {offsets = [0, 0], sizes = [128, 128], strides = [1, 1]} : vector<128x1536xf32> to vector<128x128xf32>
    %slice3A_1586 = vector.extract_strided_slice %select_n3A_1582 {offsets = [0, 128], sizes = [128, 128], strides = [1, 1]} : vector<128x1536xf32> to vector<128x128xf32>
    %lt3A_1587 = arith.cmpf olt, %slice3A_1586, %slice3A_1584 : vector<128x128xf32>
    %slice3A_1588 = vector.extract_strided_slice %select_n3A_1583 {offsets = [0, 128], sizes = [128, 128], strides = [1, 1]} : vector<128x1536xf32> to vector<128x128xf32>
    %select_n3A_1589 = arith.select %lt3A_1587, %slice3A_1588, %slice3A_1585 : vector<128x128xi1>, vector<128x128xf32>
    %min3A_1590 = arith.minimumf %slice3A_1584, %slice3A_1586 : vector<128x128xf32>
    %slice3A_1591 = vector.extract_strided_slice %select_n3A_1582 {offsets = [0, 256], sizes = [128, 128], strides = [1, 1]} : vector<128x1536xf32> to vector<128x128xf32>
    %lt3A_1592 = arith.cmpf olt, %slice3A_1591, %min3A_1590 : vector<128x128xf32>
    %slice3A_1593 = vector.extract_strided_slice %select_n3A_1583 {offsets = [0, 256], sizes = [128, 128], strides = [1, 1]} : vector<128x1536xf32> to vector<128x128xf32>
    %select_n3A_1594 = arith.select %lt3A_1592, %slice3A_1593, %select_n3A_1589 : vector<128x128xi1>, vector<128x128xf32>
    %min3A_1595 = arith.minimumf %min3A_1590, %slice3A_1591 : vector<128x128xf32>
    %slice3A_1596 = vector.extract_strided_slice %select_n3A_1582 {offsets = [0, 384], sizes = [128, 128], strides = [1, 1]} : vector<128x1536xf32> to vector<128x128xf32>
    %lt3A_1597 = arith.cmpf olt, %slice3A_1596, %min3A_1595 : vector<128x128xf32>
    %slice3A_1598 = vector.extract_strided_slice %select_n3A_1583 {offsets = [0, 384], sizes = [128, 128], strides = [1, 1]} : vector<128x1536xf32> to vector<128x128xf32>
    %select_n3A_1599 = arith.select %lt3A_1597, %slice3A_1598, %select_n3A_1594 : vector<128x128xi1>, vector<128x128xf32>
    %min3A_1600 = arith.minimumf %min3A_1595, %slice3A_1596 : vector<128x128xf32>
    %slice3A_1601 = vector.extract_strided_slice %select_n3A_1582 {offsets = [0, 512], sizes = [128, 128], strides = [1, 1]} : vector<128x1536xf32> to vector<128x128xf32>
    %lt3A_1602 = arith.cmpf olt, %slice3A_1601, %min3A_1600 : vector<128x128xf32>
    %slice3A_1603 = vector.extract_strided_slice %select_n3A_1583 {offsets = [0, 512], sizes = [128, 128], strides = [1, 1]} : vector<128x1536xf32> to vector<128x128xf32>
    %select_n3A_1604 = arith.select %lt3A_1602, %slice3A_1603, %select_n3A_1599 : vector<128x128xi1>, vector<128x128xf32>
    %min3A_1605 = arith.minimumf %min3A_1600, %slice3A_1601 : vector<128x128xf32>
    %slice3A_1606 = vector.extract_strided_slice %select_n3A_1582 {offsets = [0, 640], sizes = [128, 128], strides = [1, 1]} : vector<128x1536xf32> to vector<128x128xf32>
    %lt3A_1607 = arith.cmpf olt, %slice3A_1606, %min3A_1605 : vector<128x128xf32>
    %slice3A_1608 = vector.extract_strided_slice %select_n3A_1583 {offsets = [0, 640], sizes = [128, 128], strides = [1, 1]} : vector<128x1536xf32> to vector<128x128xf32>
    %select_n3A_1609 = arith.select %lt3A_1607, %slice3A_1608, %select_n3A_1604 : vector<128x128xi1>, vector<128x128xf32>
    %min3A_1610 = arith.minimumf %min3A_1605, %slice3A_1606 : vector<128x128xf32>
    %slice3A_1611 = vector.extract_strided_slice %select_n3A_1582 {offsets = [0, 768], sizes = [128, 128], strides = [1, 1]} : vector<128x1536xf32> to vector<128x128xf32>
    %lt3A_1612 = arith.cmpf olt, %slice3A_1611, %min3A_1610 : vector<128x128xf32>
    %slice3A_1613 = vector.extract_strided_slice %select_n3A_1583 {offsets = [0, 768], sizes = [128, 128], strides = [1, 1]} : vector<128x1536xf32> to vector<128x128xf32>
    %select_n3A_1614 = arith.select %lt3A_1612, %slice3A_1613, %select_n3A_1609 : vector<128x128xi1>, vector<128x128xf32>
    %min3A_1615 = arith.minimumf %min3A_1610, %slice3A_1611 : vector<128x128xf32>
    %slice3A_1616 = vector.extract_strided_slice %select_n3A_1582 {offsets = [0, 896], sizes = [128, 128], strides = [1, 1]} : vector<128x1536xf32> to vector<128x128xf32>
    %lt3A_1617 = arith.cmpf olt, %slice3A_1616, %min3A_1615 : vector<128x128xf32>
    %slice3A_1618 = vector.extract_strided_slice %select_n3A_1583 {offsets = [0, 896], sizes = [128, 128], strides = [1, 1]} : vector<128x1536xf32> to vector<128x128xf32>
    %select_n3A_1619 = arith.select %lt3A_1617, %slice3A_1618, %select_n3A_1614 : vector<128x128xi1>, vector<128x128xf32>
    %min3A_1620 = arith.minimumf %min3A_1615, %slice3A_1616 : vector<128x128xf32>
    %slice3A_1621 = vector.extract_strided_slice %select_n3A_1582 {offsets = [0, 1024], sizes = [128, 128], strides = [1, 1]} : vector<128x1536xf32> to vector<128x128xf32>
    %lt3A_1622 = arith.cmpf olt, %slice3A_1621, %min3A_1620 : vector<128x128xf32>
    %slice3A_1623 = vector.extract_strided_slice %select_n3A_1583 {offsets = [0, 1024], sizes = [128, 128], strides = [1, 1]} : vector<128x1536xf32> to vector<128x128xf32>
    %select_n3A_1624 = arith.select %lt3A_1622, %slice3A_1623, %select_n3A_1619 : vector<128x128xi1>, vector<128x128xf32>
    %min3A_1625 = arith.minimumf %min3A_1620, %slice3A_1621 : vector<128x128xf32>
    %slice3A_1626 = vector.extract_strided_slice %select_n3A_1582 {offsets = [0, 1152], sizes = [128, 128], strides = [1, 1]} : vector<128x1536xf32> to vector<128x128xf32>
    %lt3A_1627 = arith.cmpf olt, %slice3A_1626, %min3A_1625 : vector<128x128xf32>
    %slice3A_1628 = vector.extract_strided_slice %select_n3A_1583 {offsets = [0, 1152], sizes = [128, 128], strides = [1, 1]} : vector<128x1536xf32> to vector<128x128xf32>
    %select_n3A_1629 = arith.select %lt3A_1627, %slice3A_1628, %select_n3A_1624 : vector<128x128xi1>, vector<128x128xf32>
    %min3A_1630 = arith.minimumf %min3A_1625, %slice3A_1626 : vector<128x128xf32>
    %slice3A_1631 = vector.extract_strided_slice %select_n3A_1582 {offsets = [0, 1280], sizes = [128, 128], strides = [1, 1]} : vector<128x1536xf32> to vector<128x128xf32>
    %lt3A_1632 = arith.cmpf olt, %slice3A_1631, %min3A_1630 : vector<128x128xf32>
    %slice3A_1633 = vector.extract_strided_slice %select_n3A_1583 {offsets = [0, 1280], sizes = [128, 128], strides = [1, 1]} : vector<128x1536xf32> to vector<128x128xf32>
    %select_n3A_1634 = arith.select %lt3A_1632, %slice3A_1633, %select_n3A_1629 : vector<128x128xi1>, vector<128x128xf32>
    %min3A_1635 = arith.minimumf %min3A_1630, %slice3A_1631 : vector<128x128xf32>
    %slice3A_1636 = vector.extract_strided_slice %select_n3A_1582 {offsets = [0, 1408], sizes = [128, 128], strides = [1, 1]} : vector<128x1536xf32> to vector<128x128xf32>
    %lt3A_1637 = arith.cmpf olt, %slice3A_1636, %min3A_1635 : vector<128x128xf32>
    %slice3A_1638 = vector.extract_strided_slice %select_n3A_1583 {offsets = [0, 1408], sizes = [128, 128], strides = [1, 1]} : vector<128x1536xf32> to vector<128x128xf32>
    %select_n3A_1639 = arith.select %lt3A_1637, %slice3A_1638, %select_n3A_1634 : vector<128x128xi1>, vector<128x128xf32>
    %min3A_1640 = arith.minimumf %min3A_1635, %slice3A_1636 : vector<128x128xf32>
    %reduce_min3A_1641 = arith.constant dense<0x7F800000> : vector<128xf32>
    %reduce_min3A_1642 = vector.multi_reduction <minimumf>, %min3A_1640, %reduce_min3A_1641 [1] : vector<128x128xf32> to vector<128xf32>
    %broadcast_in_dim3A_1643 = vector.shape_cast %reduce_min3A_1642 : vector<128xf32> to vector<128x1xf32>
    %eq3A_1644 = vector.broadcast %broadcast_in_dim3A_1643 : vector<128x1xf32> to vector<128x128xf32>
    %eq3A_1645 = arith.cmpf oeq, %min3A_1640, %eq3A_1644 : vector<128x128xf32>
    %jit3A_1646 = arith.constant 0x4B7FFFFF : f32
    %broadcast_in_dim3A_1647 = vector.broadcast %jit3A_1646 : f32 to vector<128x128xf32>
    %select_n3A_1648 = arith.select %eq3A_1645, %select_n3A_1639, %broadcast_in_dim3A_1647 : vector<128x128xi1>, vector<128x128xf32>
    %reduce_min3A_1649 = arith.constant dense<0x7F800000> : vector<128xf32>
    %reduce_min3A_1650 = vector.multi_reduction <minimumf>, %select_n3A_1648, %reduce_min3A_1649 [1] : vector<128x128xf32> to vector<128xf32>
    %broadcast_in_dim3A_1651 = vector.shape_cast %reduce_min3A_1650 : vector<128xf32> to vector<128x1xf32>
    %lt3A_1652 = arith.constant 1.000000e+04 : f32
    %lt3A_1653 = vector.broadcast %lt3A_1652 : f32 to vector<128x1xf32>
    %lt3A_1654 = arith.cmpf olt, %broadcast_in_dim3A_1643, %lt3A_1653 : vector<128x1xf32>
    %convert_element_type3A_1655 = arith.extui %lt3A_1654 : vector<128x1xi1> to vector<128x1xi32>
    %convert_element_type3A_1656 = arith.sitofp %convert_element_type3A_1655 : vector<128x1xi32> to vector<128x1xf32>
    %concatenate3A = tpu.concatenate %broadcast_in_dim3A_90, %broadcast_in_dim3A_182, %broadcast_in_dim3A_274, %broadcast_in_dim3A_367, %broadcast_in_dim3A_463, %broadcast_in_dim3A_561, %broadcast_in_dim3A_661, %broadcast_in_dim3A_763, %broadcast_in_dim3A_867, %broadcast_in_dim3A_973, %broadcast_in_dim3A_1081, %broadcast_in_dim3A_1191, %broadcast_in_dim3A_1303, %broadcast_in_dim3A_1417, %broadcast_in_dim3A_1533, %broadcast_in_dim3A_1651 in 1 : vector<128x1xf32>, vector<128x1xf32>, vector<128x1xf32>, vector<128x1xf32>, vector<128x1xf32>, vector<128x1xf32>, vector<128x1xf32>, vector<128x1xf32>, vector<128x1xf32>, vector<128x1xf32>, vector<128x1xf32>, vector<128x1xf32>, vector<128x1xf32>, vector<128x1xf32>, vector<128x1xf32>, vector<128x1xf32> -> vector<128x16xf32>
    %convert_element_type3A_1657 = arith.fptosi %concatenate3A : vector<128x16xf32> to vector<128x16xi32>
    %mul3A_1658 = arith.constant 3072 : i32
    %mul3A_1659 = arith.muli %arg0, %mul3A_1658 : i32
    %add3A_1660 = vector.broadcast %mul3A_1659 : i32 to vector<128x16xi32>
    %add3A_1661 = arith.addi %convert_element_type3A_1657, %add3A_1660 : vector<128x16xi32>
    %swap3A = arith.constant 0 : index
    %swap3A_1662 = arith.constant 0 : index
    %swap3A_1663 = vector.load %arg4[%swap3A, %swap3A_1662] : memref<128x16xi32, #tpu.memory_space<vmem>>, vector<128x16xi32>
    tpu.vector_store %arg4[%swap3A, %swap3A_1662], %add3A_1661 {strides = array<i32>} : memref<128x16xi32, #tpu.memory_space<vmem>>, vector<128x16xi32>,
    %concatenate3A_1664 = tpu.concatenate %convert_element_type3A_95, %convert_element_type3A_187, %convert_element_type3A_279, %convert_element_type3A_372, %convert_element_type3A_468, %convert_element_type3A_566, %convert_element_type3A_666, %convert_element_type3A_768, %convert_element_type3A_872, %convert_element_type3A_978, %convert_element_type3A_1086, %convert_element_type3A_1196, %convert_element_type3A_1308, %convert_element_type3A_1422, %convert_element_type3A_1538, %convert_element_type3A_1656 in 1 : vector<128x1xf32>, vector<128x1xf32>, vector<128x1xf32>, vector<128x1xf32>, vector<128x1xf32>, vector<128x1xf32>, vector<128x1xf32>, vector<128x1xf32>, vector<128x1xf32>, vector<128x1xf32>, vector<128x1xf32>, vector<128x1xf32>, vector<128x1xf32>, vector<128x1xf32>, vector<128x1xf32>, vector<128x1xf32> -> vector<128x16xf32>
    %swap3A_1665 = arith.constant 0 : index
    %swap3A_1666 = arith.constant 0 : index
    %swap3A_1667 = vector.load %arg5[%swap3A_1665, %swap3A_1666] : memref<128x16xf32, #tpu.memory_space<vmem>>, vector<128x16xf32>
    tpu.vector_store %arg5[%swap3A_1665, %swap3A_1666], %concatenate3A_1664 {strides = array<i32>} : memref<128x16xf32, #tpu.memory_space<vmem>>, vector<128x16xf32>,
    return
  }
  func.func @transform_0(%arg0: i32, %arg1: i32) -> (i32, i32) {
    %mul3A = arith.constant 24 : i32
    %mul3A_0 = arith.muli %arg0, %mul3A : i32
    %add3A = arith.addi %mul3A_0, %arg1 : i32
    %c0_i32 = arith.constant 0 : i32
    %c0_i32_1 = arith.constant 0 : i32
    return %add3A, %c0_i32 : i32, i32
  }
  func.func @transform_1(%arg0: i32, %arg1: i32) -> (i32, i32, i32) {
    %c0_i32 = arith.constant 0 : i32
    %c0_i32_0 = arith.constant 0 : i32
    %c0_i32_1 = arith.constant 0 : i32
    return %arg0, %c0_i32, %c0_i32_0 : i32, i32, i32
  }
  func.func @transform_2(%arg0: i32, %arg1: i32) -> (i32, i32) {
    %mul3A = arith.constant 24 : i32
    %mul3A_0 = arith.muli %arg0, %mul3A : i32
    %add3A = arith.addi %mul3A_0, %arg1 : i32
    %c0_i32 = arith.constant 0 : i32
    %c0_i32_1 = arith.constant 0 : i32
    return %add3A, %c0_i32 : i32, i32
  }
  func.func @transform_3(%arg0: i32, %arg1: i32) -> (i32, i32) {
    %mul3A = arith.constant 24 : i32
    %mul3A_0 = arith.muli %arg0, %mul3A : i32
    %add3A = arith.addi %mul3A_0, %arg1 : i32
    %c0_i32 = arith.constant 0 : i32
    %c0_i32_1 = arith.constant 0 : i32
    return %add3A, %c0_i32 : i32, i32
  }
}

module attributes {stable_mosaic.version = 14 : i64} {
  func.func @_tables_body(%arg0: i32, %arg1: memref<3072x3xf32, #tpu.memory_space<vmem>>, %arg2: memref<3072x64xf32, #tpu.memory_space<vmem>>, %arg3: memref<3072x3xf32, #tpu.memory_space<vmem>>, %arg4: memref<3072x64xf32, #tpu.memory_space<vmem>>, %arg5: memref<64x64xf32, #tpu.memory_space<vmem>>, %arg6: memref<64x64xf32, #tpu.memory_space<vmem>>, %arg7: memref<3x64xf32, #tpu.memory_space<vmem>>, %arg8: memref<1x64xf32, #tpu.memory_space<vmem>>, %arg9: memref<3x8xf32, #tpu.memory_space<vmem>>, %arg10: memref<1x8xf32, #tpu.memory_space<vmem>>, %arg11: memref<3x8xf32, #tpu.memory_space<vmem>>, %arg12: memref<1x8xf32, #tpu.memory_space<vmem>>, %arg13: memref<3072x64xf32, #tpu.memory_space<vmem>>, %arg14: memref<3072x128xf32, #tpu.memory_space<vmem>>, %arg15: memref<3072x8xf32, #tpu.memory_space<vmem>>, %arg16: memref<3072x8xf32, #tpu.memory_space<vmem>>, %arg17: memref<3072x8xf32, #tpu.memory_space<vmem>>) attributes {dimension_semantics = [#tpu.dimension_semantics<arbitrary>], iteration_bounds = array<i64: 2>, scalar_prefetch = 0 : i64, scratch_operands = 0 : i64, tpu.core_type = #tpu.core_type<tc>, window_params = [{transform_indices = @transform_0, window_bounds = array<i64: 3072, 3>}, {transform_indices = @transform_1, window_bounds = array<i64: 3072, 64>}, {transform_indices = @transform_2, window_bounds = array<i64: 3072, 3>}, {transform_indices = @transform_3, window_bounds = array<i64: 3072, 64>}, {pipeline_mode = #tpu.pipeline_mode<synchronous>, transform_indices = @transform_4, window_bounds = array<i64: 64, 64>}, {pipeline_mode = #tpu.pipeline_mode<synchronous>, transform_indices = @transform_5, window_bounds = array<i64: 64, 64>}, {pipeline_mode = #tpu.pipeline_mode<synchronous>, transform_indices = @transform_6, window_bounds = array<i64: 3, 64>}, {pipeline_mode = #tpu.pipeline_mode<synchronous>, transform_indices = @transform_7, window_bounds = array<i64: 1, 64>}, {pipeline_mode = #tpu.pipeline_mode<synchronous>, transform_indices = @transform_8, window_bounds = array<i64: 3, 8>}, {pipeline_mode = #tpu.pipeline_mode<synchronous>, transform_indices = @transform_9, window_bounds = array<i64: 1, 8>}, {pipeline_mode = #tpu.pipeline_mode<synchronous>, transform_indices = @transform_10, window_bounds = array<i64: 3, 8>}, {pipeline_mode = #tpu.pipeline_mode<synchronous>, transform_indices = @transform_11, window_bounds = array<i64: 1, 8>}, {transform_indices = @transform_12, window_bounds = array<i64: 3072, 64>}, {transform_indices = @transform_13, window_bounds = array<i64: 3072, 128>}, {transform_indices = @transform_14, window_bounds = array<i64: 3072, 8>}, {transform_indices = @transform_15, window_bounds = array<i64: 3072, 8>}, {transform_indices = @transform_16, window_bounds = array<i64: 3072, 8>}]} {
    %get3A = arith.constant 0 : index
    %get3A_0 = arith.constant 0 : index
    %get3A_1 = vector.load %arg1[%get3A, %get3A_0] : memref<3072x3xf32, #tpu.memory_space<vmem>>, vector<3072x3xf32>
    %get3A_2 = arith.constant 0 : index
    %get3A_3 = arith.constant 0 : index
    %get3A_4 = vector.load %arg2[%get3A_2, %get3A_3] : memref<3072x64xf32, #tpu.memory_space<vmem>>, vector<3072x64xf32>
    %get3A_5 = arith.constant 0 : index
    %get3A_6 = arith.constant 0 : index
    %get3A_7 = vector.load %arg3[%get3A_5, %get3A_6] : memref<3072x3xf32, #tpu.memory_space<vmem>>, vector<3072x3xf32>
    %get3A_8 = arith.constant 0 : index
    %get3A_9 = arith.constant 0 : index
    %get3A_10 = vector.load %arg4[%get3A_8, %get3A_9] : memref<3072x64xf32, #tpu.memory_space<vmem>>, vector<3072x64xf32>
    %get3A_11 = arith.constant 0 : index
    %get3A_12 = arith.constant 0 : index
    %get3A_13 = vector.load %arg5[%get3A_11, %get3A_12] : memref<64x64xf32, #tpu.memory_space<vmem>>, vector<64x64xf32>
    %dot_general3A = arith.constant dense<0.000000e+00> : vector<3072x64xf32>
    %dot_general3A_14 = tpu.matmul %get3A_4, %get3A_13, %dot_general3A {dimension_numbers = #tpu.dot_dimension_numbers<[1], [0], [0], [1], [0, 0, 1, 1], [], []>, precision = #tpu.contract_precision<fp32>, transpose_lhs_hint = false} : vector<3072x64xf32>, vector<64x64xf32>, vector<3072x64xf32> -> vector<3072x64xf32>
    %get3A_15 = arith.constant 0 : index
    %get3A_16 = arith.constant 0 : index
    %get3A_17 = vector.load %arg7[%get3A_15, %get3A_16] : memref<3x64xf32, #tpu.memory_space<vmem>>, vector<3x64xf32>
    %dot_general3A_18 = arith.constant dense<0.000000e+00> : vector<3072x64xf32>
    %dot_general3A_19 = tpu.matmul %get3A_1, %get3A_17, %dot_general3A_18 {dimension_numbers = #tpu.dot_dimension_numbers<[1], [0], [0], [1], [0, 0, 1, 1], [], []>, precision = #tpu.contract_precision<fp32>, transpose_lhs_hint = false} : vector<3072x3xf32>, vector<3x64xf32>, vector<3072x64xf32> -> vector<3072x64xf32>
    %sub3A = arith.subf %dot_general3A_14, %dot_general3A_19 : vector<3072x64xf32>
    %get3A_20 = arith.constant 0 : index
    %get3A_21 = arith.constant 0 : index
    %get3A_22 = vector.load %arg8[%get3A_20, %get3A_21] : memref<1x64xf32, #tpu.memory_space<vmem>>, vector<1x64xf32>
    %add3A = vector.broadcast %get3A_22 : vector<1x64xf32> to vector<3072x64xf32>
    %add3A_23 = arith.addf %sub3A, %add3A : vector<3072x64xf32>
    %swap3A = arith.constant 0 : index
    %swap3A_24 = arith.constant 0 : index
    %swap3A_25 = vector.load %arg13[%swap3A, %swap3A_24] : memref<3072x64xf32, #tpu.memory_space<vmem>>, vector<3072x64xf32>
    tpu.vector_store %arg13[%swap3A, %swap3A_24], %add3A_23 {strides = array<i32>} : memref<3072x64xf32, #tpu.memory_space<vmem>>, vector<3072x64xf32>,
    %get3A_26 = arith.constant 0 : index
    %get3A_27 = arith.constant 0 : index
    %get3A_28 = vector.load %arg6[%get3A_26, %get3A_27] : memref<64x64xf32, #tpu.memory_space<vmem>>, vector<64x64xf32>
    %dot_general3A_29 = arith.constant dense<0.000000e+00> : vector<3072x64xf32>
    %dot_general3A_30 = tpu.matmul %get3A_10, %get3A_28, %dot_general3A_29 {dimension_numbers = #tpu.dot_dimension_numbers<[1], [0], [0], [1], [0, 0, 1, 1], [], []>, precision = #tpu.contract_precision<fp32>, transpose_lhs_hint = false} : vector<3072x64xf32>, vector<64x64xf32>, vector<3072x64xf32> -> vector<3072x64xf32>
    %get3A_31 = arith.constant 0 : index
    %get3A_32 = arith.constant 0 : index
    %get3A_33 = vector.load %arg7[%get3A_31, %get3A_32] : memref<3x64xf32, #tpu.memory_space<vmem>>, vector<3x64xf32>
    %dot_general3A_34 = arith.constant dense<0.000000e+00> : vector<3072x64xf32>
    %dot_general3A_35 = tpu.matmul %get3A_7, %get3A_33, %dot_general3A_34 {dimension_numbers = #tpu.dot_dimension_numbers<[1], [0], [0], [1], [0, 0, 1, 1], [], []>, precision = #tpu.contract_precision<fp32>, transpose_lhs_hint = false} : vector<3072x3xf32>, vector<3x64xf32>, vector<3072x64xf32> -> vector<3072x64xf32>
    %add3A_36 = arith.addf %dot_general3A_30, %dot_general3A_35 : vector<3072x64xf32>
    %get3A_37 = arith.constant 0 : index
    %get3A_38 = arith.constant 0 : index
    %get3A_39 = vector.load %arg11[%get3A_37, %get3A_38] : memref<3x8xf32, #tpu.memory_space<vmem>>, vector<3x8xf32>
    %dot_general3A_40 = arith.constant dense<0.000000e+00> : vector<3072x8xf32>
    %dot_general3A_41 = tpu.matmul %get3A_7, %get3A_39, %dot_general3A_40 {dimension_numbers = #tpu.dot_dimension_numbers<[1], [0], [0], [1], [0, 0, 1, 1], [], []>, precision = #tpu.contract_precision<fp32>, transpose_lhs_hint = false} : vector<3072x3xf32>, vector<3x8xf32>, vector<3072x8xf32> -> vector<3072x8xf32>
    %broadcast_in_dim3A = arith.constant 0.000000e+00 : f32
    %broadcast_in_dim3A_42 = vector.broadcast %broadcast_in_dim3A : f32 to vector<3072x56xf32>
    %concatenate3A = tpu.concatenate %add3A_36, %dot_general3A_41, %broadcast_in_dim3A_42 in 1 : vector<3072x64xf32>, vector<3072x8xf32>, vector<3072x56xf32> -> vector<3072x128xf32>
    %swap3A_43 = arith.constant 0 : index
    %swap3A_44 = arith.constant 0 : index
    %swap3A_45 = vector.load %arg14[%swap3A_43, %swap3A_44] : memref<3072x128xf32, #tpu.memory_space<vmem>>, vector<3072x128xf32>
    tpu.vector_store %arg14[%swap3A_43, %swap3A_44], %concatenate3A {strides = array<i32>} : memref<3072x128xf32, #tpu.memory_space<vmem>>, vector<3072x128xf32>,
    %get3A_46 = arith.constant 0 : index
    %get3A_47 = arith.constant 0 : index
    %get3A_48 = vector.load %arg9[%get3A_46, %get3A_47] : memref<3x8xf32, #tpu.memory_space<vmem>>, vector<3x8xf32>
    %dot_general3A_49 = arith.constant dense<0.000000e+00> : vector<3072x8xf32>
    %dot_general3A_50 = tpu.matmul %get3A_1, %get3A_48, %dot_general3A_49 {dimension_numbers = #tpu.dot_dimension_numbers<[1], [0], [0], [1], [0, 0, 1, 1], [], []>, precision = #tpu.contract_precision<fp32>, transpose_lhs_hint = false} : vector<3072x3xf32>, vector<3x8xf32>, vector<3072x8xf32> -> vector<3072x8xf32>
    %swap3A_51 = arith.constant 0 : index
    %swap3A_52 = arith.constant 0 : index
    %swap3A_53 = vector.load %arg16[%swap3A_51, %swap3A_52] : memref<3072x8xf32, #tpu.memory_space<vmem>>, vector<3072x8xf32>
    tpu.vector_store %arg16[%swap3A_51, %swap3A_52], %dot_general3A_50 {strides = array<i32>} : memref<3072x8xf32, #tpu.memory_space<vmem>>, vector<3072x8xf32>,
    %get3A_54 = arith.constant 0 : index
    %get3A_55 = arith.constant 0 : index
    %get3A_56 = vector.load %arg12[%get3A_54, %get3A_55] : memref<1x8xf32, #tpu.memory_space<vmem>>, vector<1x8xf32>
    %get3A_57 = arith.constant 0 : index
    %get3A_58 = arith.constant 0 : index
    %get3A_59 = vector.load %arg11[%get3A_57, %get3A_58] : memref<3x8xf32, #tpu.memory_space<vmem>>, vector<3x8xf32>
    %dot_general3A_60 = arith.constant dense<0.000000e+00> : vector<3072x8xf32>
    %dot_general3A_61 = tpu.matmul %get3A_1, %get3A_59, %dot_general3A_60 {dimension_numbers = #tpu.dot_dimension_numbers<[1], [0], [0], [1], [0, 0, 1, 1], [], []>, precision = #tpu.contract_precision<fp32>, transpose_lhs_hint = false} : vector<3072x3xf32>, vector<3x8xf32>, vector<3072x8xf32> -> vector<3072x8xf32>
    %sub3A_62 = vector.broadcast %get3A_56 : vector<1x8xf32> to vector<3072x8xf32>
    %sub3A_63 = arith.subf %sub3A_62, %dot_general3A_61 : vector<3072x8xf32>
    %swap3A_64 = arith.constant 0 : index
    %swap3A_65 = arith.constant 0 : index
    %swap3A_66 = vector.load %arg15[%swap3A_64, %swap3A_65] : memref<3072x8xf32, #tpu.memory_space<vmem>>, vector<3072x8xf32>
    tpu.vector_store %arg15[%swap3A_64, %swap3A_65], %sub3A_63 {strides = array<i32>} : memref<3072x8xf32, #tpu.memory_space<vmem>>, vector<3072x8xf32>,
    %get3A_67 = arith.constant 0 : index
    %get3A_68 = arith.constant 0 : index
    %get3A_69 = vector.load %arg10[%get3A_67, %get3A_68] : memref<1x8xf32, #tpu.memory_space<vmem>>, vector<1x8xf32>
    %sub3A_70 = vector.broadcast %get3A_69 : vector<1x8xf32> to vector<3072x8xf32>
    %sub3A_71 = arith.subf %sub3A_70, %dot_general3A_50 : vector<3072x8xf32>
    %swap3A_72 = arith.constant 0 : index
    %swap3A_73 = arith.constant 0 : index
    %swap3A_74 = vector.load %arg17[%swap3A_72, %swap3A_73] : memref<3072x8xf32, #tpu.memory_space<vmem>>, vector<3072x8xf32>
    tpu.vector_store %arg17[%swap3A_72, %swap3A_73], %sub3A_71 {strides = array<i32>} : memref<3072x8xf32, #tpu.memory_space<vmem>>, vector<3072x8xf32>,
    return
  }
  func.func @transform_0(%arg0: i32) -> (i32, i32) {
    %c0_i32 = arith.constant 0 : i32
    %c0_i32_0 = arith.constant 0 : i32
    return %arg0, %c0_i32 : i32, i32
  }
  func.func @transform_1(%arg0: i32) -> (i32, i32) {
    %c0_i32 = arith.constant 0 : i32
    %c0_i32_0 = arith.constant 0 : i32
    return %arg0, %c0_i32 : i32, i32
  }
  func.func @transform_2(%arg0: i32) -> (i32, i32) {
    %c0_i32 = arith.constant 0 : i32
    %c0_i32_0 = arith.constant 0 : i32
    return %arg0, %c0_i32 : i32, i32
  }
  func.func @transform_3(%arg0: i32) -> (i32, i32) {
    %c0_i32 = arith.constant 0 : i32
    %c0_i32_0 = arith.constant 0 : i32
    return %arg0, %c0_i32 : i32, i32
  }
  func.func @transform_4(%arg0: i32) -> (i32, i32) {
    %c0_i32 = arith.constant 0 : i32
    %c0_i32_0 = arith.constant 0 : i32
    %c0_i32_1 = arith.constant 0 : i32
    return %c0_i32, %c0_i32_0 : i32, i32
  }
  func.func @transform_5(%arg0: i32) -> (i32, i32) {
    %c0_i32 = arith.constant 0 : i32
    %c0_i32_0 = arith.constant 0 : i32
    %c0_i32_1 = arith.constant 0 : i32
    return %c0_i32, %c0_i32_0 : i32, i32
  }
  func.func @transform_6(%arg0: i32) -> (i32, i32) {
    %c0_i32 = arith.constant 0 : i32
    %c0_i32_0 = arith.constant 0 : i32
    %c0_i32_1 = arith.constant 0 : i32
    return %c0_i32, %c0_i32_0 : i32, i32
  }
  func.func @transform_7(%arg0: i32) -> (i32, i32) {
    %c0_i32 = arith.constant 0 : i32
    %c0_i32_0 = arith.constant 0 : i32
    %c0_i32_1 = arith.constant 0 : i32
    return %c0_i32, %c0_i32_0 : i32, i32
  }
  func.func @transform_8(%arg0: i32) -> (i32, i32) {
    %c0_i32 = arith.constant 0 : i32
    %c0_i32_0 = arith.constant 0 : i32
    %c0_i32_1 = arith.constant 0 : i32
    return %c0_i32, %c0_i32_0 : i32, i32
  }
  func.func @transform_9(%arg0: i32) -> (i32, i32) {
    %c0_i32 = arith.constant 0 : i32
    %c0_i32_0 = arith.constant 0 : i32
    %c0_i32_1 = arith.constant 0 : i32
    return %c0_i32, %c0_i32_0 : i32, i32
  }
  func.func @transform_10(%arg0: i32) -> (i32, i32) {
    %c0_i32 = arith.constant 0 : i32
    %c0_i32_0 = arith.constant 0 : i32
    %c0_i32_1 = arith.constant 0 : i32
    return %c0_i32, %c0_i32_0 : i32, i32
  }
  func.func @transform_11(%arg0: i32) -> (i32, i32) {
    %c0_i32 = arith.constant 0 : i32
    %c0_i32_0 = arith.constant 0 : i32
    %c0_i32_1 = arith.constant 0 : i32
    return %c0_i32, %c0_i32_0 : i32, i32
  }
  func.func @transform_12(%arg0: i32) -> (i32, i32) {
    %c0_i32 = arith.constant 0 : i32
    %c0_i32_0 = arith.constant 0 : i32
    return %arg0, %c0_i32 : i32, i32
  }
  func.func @transform_13(%arg0: i32) -> (i32, i32) {
    %c0_i32 = arith.constant 0 : i32
    %c0_i32_0 = arith.constant 0 : i32
    return %arg0, %c0_i32 : i32, i32
  }
  func.func @transform_14(%arg0: i32) -> (i32, i32) {
    %c0_i32 = arith.constant 0 : i32
    %c0_i32_0 = arith.constant 0 : i32
    return %arg0, %c0_i32 : i32, i32
  }
  func.func @transform_15(%arg0: i32) -> (i32, i32) {
    %c0_i32 = arith.constant 0 : i32
    %c0_i32_0 = arith.constant 0 : i32
    return %arg0, %c0_i32 : i32, i32
  }
  func.func @transform_16(%arg0: i32) -> (i32, i32) {
    %c0_i32 = arith.constant 0 : i32
    %c0_i32_0 = arith.constant 0 : i32
    return %arg0, %c0_i32 : i32, i32
  }
}

module attributes {stable_mosaic.version = 14 : i64} {
  func.func @_stage1_body(%arg0: i32, %arg1: i32, %arg2: memref<2048x128xf32, #tpu.memory_space<vmem>>, %arg3: memref<128x16xf32, #tpu.memory_space<vmem>>, %arg4: memref<128x64xf32, #tpu.memory_space<vmem>>, %arg5: memref<128x8xf32, #tpu.memory_space<vmem>>, %arg6: memref<128x8xf32, #tpu.memory_space<vmem>>, %arg7: memref<72x72xf32, #tpu.memory_space<vmem>>, %arg8: memref<1x72xf32, #tpu.memory_space<vmem>>, %arg9: memref<8x64xf32, #tpu.memory_space<vmem>>, %arg10: memref<1x64xf32, #tpu.memory_space<vmem>>, %arg11: memref<128x128xf32, #tpu.memory_space<vmem>>) attributes {dimension_semantics = [#tpu.dimension_semantics<arbitrary>, #tpu.dimension_semantics<arbitrary>], iteration_bounds = array<i64: 1, 24>, scalar_prefetch = 0 : i64, scratch_operands = 0 : i64, tpu.core_type = #tpu.core_type<tc>, window_params = [{transform_indices = @transform_0, window_bounds = array<i64: 2048, 128>}, {transform_indices = @transform_1, window_bounds = array<i64: 128, 16>}, {transform_indices = @transform_2, window_bounds = array<i64: 128, 64>}, {transform_indices = @transform_3, window_bounds = array<i64: 128, 8>}, {transform_indices = @transform_4, window_bounds = array<i64: 128, 8>}, {pipeline_mode = #tpu.pipeline_mode<synchronous>, transform_indices = @transform_5, window_bounds = array<i64: 72, 72>}, {pipeline_mode = #tpu.pipeline_mode<synchronous>, transform_indices = @transform_6, window_bounds = array<i64: 1, 72>}, {pipeline_mode = #tpu.pipeline_mode<synchronous>, transform_indices = @transform_7, window_bounds = array<i64: 8, 64>}, {pipeline_mode = #tpu.pipeline_mode<synchronous>, transform_indices = @transform_8, window_bounds = array<i64: 1, 64>}, {transform_indices = @transform_9, window_bounds = array<i64: 128, 128>}]} {
    %get3A = arith.constant 0 : index
    %get3A_0 = arith.constant 0 : index
    %get3A_1 = vector.load %arg2[%get3A, %get3A_0] : memref<2048x128xf32, #tpu.memory_space<vmem>>, vector<2048x128xf32>
    %reshape3A = vector.shape_cast %get3A_1 : vector<2048x128xf32> to vector<128x16x128xf32>
    %get3A_2 = arith.constant 0 : index
    %get3A_3 = arith.constant 0 : index
    %get3A_4 = vector.load %arg3[%get3A_2, %get3A_3] : memref<128x16xf32, #tpu.memory_space<vmem>>, vector<128x16xf32>
    %broadcast_in_dim3A = vector.shape_cast %get3A_4 : vector<128x16xf32> to vector<128x16x1xf32>
    %mul3A = vector.broadcast %broadcast_in_dim3A : vector<128x16x1xf32> to vector<128x16x128xf32>
    %mul3A_5 = arith.mulf %reshape3A, %mul3A : vector<128x16x128xf32>
    %slice3A = vector.extract_strided_slice %mul3A_5 {offsets = [0, 0, 0], sizes = [128, 16, 64], strides = [1, 1, 1]} : vector<128x16x128xf32> to vector<128x16x64xf32>
    %get3A_6 = arith.constant 0 : index
    %get3A_7 = arith.constant 0 : index
    %get3A_8 = vector.load %arg4[%get3A_6, %get3A_7] : memref<128x64xf32, #tpu.memory_space<vmem>>, vector<128x64xf32>
    %broadcast_in_dim3A_9 = vector.shape_cast %get3A_8 : vector<128x64xf32> to vector<128x1x64xf32>
    %add3A = vector.broadcast %broadcast_in_dim3A_9 : vector<128x1x64xf32> to vector<128x16x64xf32>
    %add3A_10 = arith.addf %slice3A, %add3A : vector<128x16x64xf32>
    %ge3A = arith.constant 0.000000e+00 : f32
    %ge3A_11 = vector.broadcast %ge3A : f32 to vector<128x16x64xf32>
    %ge3A_12 = arith.cmpf oge, %add3A_10, %ge3A_11 : vector<128x16x64xf32>
    %mul3A_13 = arith.constant 0.00999999977 : f32
    %mul3A_14 = vector.broadcast %mul3A_13 : f32 to vector<128x16x64xf32>
    %mul3A_15 = arith.mulf %mul3A_14, %add3A_10 : vector<128x16x64xf32>
    %select_n3A = arith.select %ge3A_12, %add3A_10, %mul3A_15 : vector<128x16x64xi1>, vector<128x16x64xf32>
    %reshape3A_16 = vector.shape_cast %select_n3A : vector<128x16x64xf32> to vector<2048x64xf32>
    %slice3A_17 = vector.extract_strided_slice %mul3A_5 {offsets = [0, 0, 64], sizes = [128, 16, 8], strides = [1, 1, 1]} : vector<128x16x128xf32> to vector<128x16x8xf32>
    %get3A_18 = arith.constant 0 : index
    %get3A_19 = arith.constant 0 : index
    %get3A_20 = vector.load %arg5[%get3A_18, %get3A_19] : memref<128x8xf32, #tpu.memory_space<vmem>>, vector<128x8xf32>
    %broadcast_in_dim3A_21 = vector.shape_cast %get3A_20 : vector<128x8xf32> to vector<128x1x8xf32>
    %add3A_22 = vector.broadcast %broadcast_in_dim3A_21 : vector<128x1x8xf32> to vector<128x16x8xf32>
    %add3A_23 = arith.addf %slice3A_17, %add3A_22 : vector<128x16x8xf32>
    %max3A = arith.constant 0.000000e+00 : f32
    %max3A_24 = vector.broadcast %max3A : f32 to vector<128x16x8xf32>
    %max3A_25 = arith.maximumf %add3A_23, %max3A_24 : vector<128x16x8xf32>
    %reshape3A_26 = vector.shape_cast %max3A_25 : vector<128x16x8xf32> to vector<2048x8xf32>
    %concatenate3A = tpu.concatenate %reshape3A_16, %reshape3A_26 in 1 : vector<2048x64xf32>, vector<2048x8xf32> -> vector<2048x72xf32>
    %get3A_27 = arith.constant 0 : index
    %get3A_28 = arith.constant 0 : index
    %get3A_29 = vector.load %arg7[%get3A_27, %get3A_28] : memref<72x72xf32, #tpu.memory_space<vmem>>, vector<72x72xf32>
    %dot_general3A = arith.constant dense<0.000000e+00> : vector<2048x72xf32>
    %dot_general3A_30 = tpu.matmul %concatenate3A, %get3A_29, %dot_general3A {dimension_numbers = #tpu.dot_dimension_numbers<[1], [0], [0], [1], [0, 0, 1, 1], [], []>, precision = #tpu.contract_precision<fp32>, transpose_lhs_hint = false} : vector<2048x72xf32>, vector<72x72xf32>, vector<2048x72xf32> -> vector<2048x72xf32>
    %get3A_31 = arith.constant 0 : index
    %get3A_32 = arith.constant 0 : index
    %get3A_33 = vector.load %arg8[%get3A_31, %get3A_32] : memref<1x72xf32, #tpu.memory_space<vmem>>, vector<1x72xf32>
    %add3A_34 = vector.broadcast %get3A_33 : vector<1x72xf32> to vector<2048x72xf32>
    %add3A_35 = arith.addf %dot_general3A_30, %add3A_34 : vector<2048x72xf32>
    %slice3A_36 = vector.extract_strided_slice %add3A_35 {offsets = [0, 0], sizes = [2048, 64], strides = [1, 1]} : vector<2048x72xf32> to vector<2048x64xf32>
    %ge3A_37 = arith.constant 0.000000e+00 : f32
    %ge3A_38 = vector.broadcast %ge3A_37 : f32 to vector<2048x64xf32>
    %ge3A_39 = arith.cmpf oge, %slice3A_36, %ge3A_38 : vector<2048x64xf32>
    %mul3A_40 = arith.constant 0.00999999977 : f32
    %mul3A_41 = vector.broadcast %mul3A_40 : f32 to vector<2048x64xf32>
    %mul3A_42 = arith.mulf %mul3A_41, %slice3A_36 : vector<2048x64xf32>
    %select_n3A_43 = arith.select %ge3A_39, %slice3A_36, %mul3A_42 : vector<2048x64xi1>, vector<2048x64xf32>
    %slice3A_44 = vector.extract_strided_slice %add3A_35 {offsets = [0, 64], sizes = [2048, 8], strides = [1, 1]} : vector<2048x72xf32> to vector<2048x8xf32>
    %max3A_45 = arith.constant 0.000000e+00 : f32
    %max3A_46 = vector.broadcast %max3A_45 : f32 to vector<2048x8xf32>
    %max3A_47 = arith.maximumf %slice3A_44, %max3A_46 : vector<2048x8xf32>
    %get3A_48 = arith.constant 0 : index
    %get3A_49 = arith.constant 0 : index
    %get3A_50 = vector.load %arg9[%get3A_48, %get3A_49] : memref<8x64xf32, #tpu.memory_space<vmem>>, vector<8x64xf32>
    %dot_general3A_51 = arith.constant dense<0.000000e+00> : vector<2048x64xf32>
    %dot_general3A_52 = tpu.matmul %max3A_47, %get3A_50, %dot_general3A_51 {dimension_numbers = #tpu.dot_dimension_numbers<[1], [0], [0], [1], [0, 0, 1, 1], [], []>, transpose_lhs_hint = false} : vector<2048x8xf32>, vector<8x64xf32>, vector<2048x64xf32> -> vector<2048x64xf32>
    %get3A_53 = arith.constant 0 : index
    %get3A_54 = arith.constant 0 : index
    %get3A_55 = vector.load %arg10[%get3A_53, %get3A_54] : memref<1x64xf32, #tpu.memory_space<vmem>>, vector<1x64xf32>
    %add3A_56 = vector.broadcast %get3A_55 : vector<1x64xf32> to vector<2048x64xf32>
    %add3A_57 = arith.addf %dot_general3A_52, %add3A_56 : vector<2048x64xf32>
    %max3A_58 = arith.constant 0.000000e+00 : f32
    %max3A_59 = vector.broadcast %max3A_58 : f32 to vector<2048x64xf32>
    %max3A_60 = arith.maximumf %add3A_57, %max3A_59 : vector<2048x64xf32>
    %mul3A_61 = arith.mulf %max3A_60, %select_n3A_43 : vector<2048x64xf32>
    %reshape3A_62 = vector.shape_cast %mul3A_61 : vector<2048x64xf32> to vector<128x16x64xf32>
    %reduce_sum3A = arith.constant dense<0.000000e+00> : vector<128x64xf32>
    %reduce_sum3A_63 = vector.multi_reduction <add>, %reshape3A_62, %reduce_sum3A [1] : vector<128x16x64xf32> to vector<128x64xf32>
    %get3A_64 = arith.constant 0 : index
    %get3A_65 = arith.constant 0 : index
    %get3A_66 = vector.load %arg6[%get3A_64, %get3A_65] : memref<128x8xf32, #tpu.memory_space<vmem>>, vector<128x8xf32>
    %broadcast_in_dim3A_67 = arith.constant 0.000000e+00 : f32
    %broadcast_in_dim3A_68 = vector.broadcast %broadcast_in_dim3A_67 : f32 to vector<128x56xf32>
    %concatenate3A_69 = tpu.concatenate %reduce_sum3A_63, %get3A_66, %broadcast_in_dim3A_68 in 1 : vector<128x64xf32>, vector<128x8xf32>, vector<128x56xf32> -> vector<128x128xf32>
    %swap3A = arith.constant 0 : index
    %swap3A_70 = arith.constant 0 : index
    %swap3A_71 = vector.load %arg11[%swap3A, %swap3A_70] : memref<128x128xf32, #tpu.memory_space<vmem>>, vector<128x128xf32>
    tpu.vector_store %arg11[%swap3A, %swap3A_70], %concatenate3A_69 {strides = array<i32>} : memref<128x128xf32, #tpu.memory_space<vmem>>, vector<128x128xf32>,
    return
  }
  func.func @transform_0(%arg0: i32, %arg1: i32) -> (i32, i32) {
    %c0_i32 = arith.constant 0 : i32
    %c0_i32_0 = arith.constant 0 : i32
    return %arg1, %c0_i32 : i32, i32
  }
  func.func @transform_1(%arg0: i32, %arg1: i32) -> (i32, i32) {
    %add3A = arith.constant 24 : i32
    %add3A_0 = arith.addi %add3A, %arg1 : i32
    %c0_i32 = arith.constant 0 : i32
    %c0_i32_1 = arith.constant 0 : i32
    return %add3A_0, %c0_i32 : i32, i32
  }
  func.func @transform_2(%arg0: i32, %arg1: i32) -> (i32, i32) {
    %add3A = arith.constant 24 : i32
    %add3A_0 = arith.addi %add3A, %arg1 : i32
    %c0_i32 = arith.constant 0 : i32
    %c0_i32_1 = arith.constant 0 : i32
    return %add3A_0, %c0_i32 : i32, i32
  }
  func.func @transform_3(%arg0: i32, %arg1: i32) -> (i32, i32) {
    %add3A = arith.constant 24 : i32
    %add3A_0 = arith.addi %add3A, %arg1 : i32
    %c0_i32 = arith.constant 0 : i32
    %c0_i32_1 = arith.constant 0 : i32
    return %add3A_0, %c0_i32 : i32, i32
  }
  func.func @transform_4(%arg0: i32, %arg1: i32) -> (i32, i32) {
    %add3A = arith.constant 24 : i32
    %add3A_0 = arith.addi %add3A, %arg1 : i32
    %c0_i32 = arith.constant 0 : i32
    %c0_i32_1 = arith.constant 0 : i32
    return %add3A_0, %c0_i32 : i32, i32
  }
  func.func @transform_5(%arg0: i32, %arg1: i32) -> (i32, i32) {
    %c0_i32 = arith.constant 0 : i32
    %c0_i32_0 = arith.constant 0 : i32
    %c0_i32_1 = arith.constant 0 : i32
    return %c0_i32, %c0_i32_0 : i32, i32
  }
  func.func @transform_6(%arg0: i32, %arg1: i32) -> (i32, i32) {
    %c0_i32 = arith.constant 0 : i32
    %c0_i32_0 = arith.constant 0 : i32
    %c0_i32_1 = arith.constant 0 : i32
    return %c0_i32, %c0_i32_0 : i32, i32
  }
  func.func @transform_7(%arg0: i32, %arg1: i32) -> (i32, i32) {
    %c0_i32 = arith.constant 0 : i32
    %c0_i32_0 = arith.constant 0 : i32
    %c0_i32_1 = arith.constant 0 : i32
    return %c0_i32, %c0_i32_0 : i32, i32
  }
  func.func @transform_8(%arg0: i32, %arg1: i32) -> (i32, i32) {
    %c0_i32 = arith.constant 0 : i32
    %c0_i32_0 = arith.constant 0 : i32
    %c0_i32_1 = arith.constant 0 : i32
    return %c0_i32, %c0_i32_0 : i32, i32
  }
  func.func @transform_9(%arg0: i32, %arg1: i32) -> (i32, i32) {
    %c0_i32 = arith.constant 0 : i32
    %c0_i32_0 = arith.constant 0 : i32
    return %arg1, %c0_i32 : i32, i32
  }
}

module attributes {stable_mosaic.version = 14 : i64} {
  func.func @_stage1_body(%arg0: i32, %arg1: i32, %arg2: memref<2048x128xf32, #tpu.memory_space<vmem>>, %arg3: memref<128x16xf32, #tpu.memory_space<vmem>>, %arg4: memref<128x64xf32, #tpu.memory_space<vmem>>, %arg5: memref<128x8xf32, #tpu.memory_space<vmem>>, %arg6: memref<128x8xf32, #tpu.memory_space<vmem>>, %arg7: memref<72x72xf32, #tpu.memory_space<vmem>>, %arg8: memref<1x72xf32, #tpu.memory_space<vmem>>, %arg9: memref<8x64xf32, #tpu.memory_space<vmem>>, %arg10: memref<1x64xf32, #tpu.memory_space<vmem>>, %arg11: memref<128x128xf32, #tpu.memory_space<vmem>>) attributes {dimension_semantics = [#tpu.dimension_semantics<arbitrary>, #tpu.dimension_semantics<arbitrary>], iteration_bounds = array<i64: 1, 24>, scalar_prefetch = 0 : i64, scratch_operands = 0 : i64, tpu.core_type = #tpu.core_type<tc>, window_params = [{transform_indices = @transform_0, window_bounds = array<i64: 2048, 128>}, {transform_indices = @transform_1, window_bounds = array<i64: 128, 16>}, {transform_indices = @transform_2, window_bounds = array<i64: 128, 64>}, {transform_indices = @transform_3, window_bounds = array<i64: 128, 8>}, {transform_indices = @transform_4, window_bounds = array<i64: 128, 8>}, {pipeline_mode = #tpu.pipeline_mode<synchronous>, transform_indices = @transform_5, window_bounds = array<i64: 72, 72>}, {pipeline_mode = #tpu.pipeline_mode<synchronous>, transform_indices = @transform_6, window_bounds = array<i64: 1, 72>}, {pipeline_mode = #tpu.pipeline_mode<synchronous>, transform_indices = @transform_7, window_bounds = array<i64: 8, 64>}, {pipeline_mode = #tpu.pipeline_mode<synchronous>, transform_indices = @transform_8, window_bounds = array<i64: 1, 64>}, {transform_indices = @transform_9, window_bounds = array<i64: 128, 128>}]} {
    %get3A = arith.constant 0 : index
    %get3A_0 = arith.constant 0 : index
    %get3A_1 = vector.load %arg2[%get3A, %get3A_0] : memref<2048x128xf32, #tpu.memory_space<vmem>>, vector<2048x128xf32>
    %reshape3A = vector.shape_cast %get3A_1 : vector<2048x128xf32> to vector<128x16x128xf32>
    %get3A_2 = arith.constant 0 : index
    %get3A_3 = arith.constant 0 : index
    %get3A_4 = vector.load %arg3[%get3A_2, %get3A_3] : memref<128x16xf32, #tpu.memory_space<vmem>>, vector<128x16xf32>
    %broadcast_in_dim3A = vector.shape_cast %get3A_4 : vector<128x16xf32> to vector<128x16x1xf32>
    %mul3A = vector.broadcast %broadcast_in_dim3A : vector<128x16x1xf32> to vector<128x16x128xf32>
    %mul3A_5 = arith.mulf %reshape3A, %mul3A : vector<128x16x128xf32>
    %slice3A = vector.extract_strided_slice %mul3A_5 {offsets = [0, 0, 0], sizes = [128, 16, 64], strides = [1, 1, 1]} : vector<128x16x128xf32> to vector<128x16x64xf32>
    %get3A_6 = arith.constant 0 : index
    %get3A_7 = arith.constant 0 : index
    %get3A_8 = vector.load %arg4[%get3A_6, %get3A_7] : memref<128x64xf32, #tpu.memory_space<vmem>>, vector<128x64xf32>
    %broadcast_in_dim3A_9 = vector.shape_cast %get3A_8 : vector<128x64xf32> to vector<128x1x64xf32>
    %add3A = vector.broadcast %broadcast_in_dim3A_9 : vector<128x1x64xf32> to vector<128x16x64xf32>
    %add3A_10 = arith.addf %slice3A, %add3A : vector<128x16x64xf32>
    %ge3A = arith.constant 0.000000e+00 : f32
    %ge3A_11 = vector.broadcast %ge3A : f32 to vector<128x16x64xf32>
    %ge3A_12 = arith.cmpf oge, %add3A_10, %ge3A_11 : vector<128x16x64xf32>
    %mul3A_13 = arith.constant 0.00999999977 : f32
    %mul3A_14 = vector.broadcast %mul3A_13 : f32 to vector<128x16x64xf32>
    %mul3A_15 = arith.mulf %mul3A_14, %add3A_10 : vector<128x16x64xf32>
    %select_n3A = arith.select %ge3A_12, %add3A_10, %mul3A_15 : vector<128x16x64xi1>, vector<128x16x64xf32>
    %reshape3A_16 = vector.shape_cast %select_n3A : vector<128x16x64xf32> to vector<2048x64xf32>
    %slice3A_17 = vector.extract_strided_slice %mul3A_5 {offsets = [0, 0, 64], sizes = [128, 16, 8], strides = [1, 1, 1]} : vector<128x16x128xf32> to vector<128x16x8xf32>
    %get3A_18 = arith.constant 0 : index
    %get3A_19 = arith.constant 0 : index
    %get3A_20 = vector.load %arg5[%get3A_18, %get3A_19] : memref<128x8xf32, #tpu.memory_space<vmem>>, vector<128x8xf32>
    %broadcast_in_dim3A_21 = vector.shape_cast %get3A_20 : vector<128x8xf32> to vector<128x1x8xf32>
    %add3A_22 = vector.broadcast %broadcast_in_dim3A_21 : vector<128x1x8xf32> to vector<128x16x8xf32>
    %add3A_23 = arith.addf %slice3A_17, %add3A_22 : vector<128x16x8xf32>
    %max3A = arith.constant 0.000000e+00 : f32
    %max3A_24 = vector.broadcast %max3A : f32 to vector<128x16x8xf32>
    %max3A_25 = arith.maximumf %add3A_23, %max3A_24 : vector<128x16x8xf32>
    %reshape3A_26 = vector.shape_cast %max3A_25 : vector<128x16x8xf32> to vector<2048x8xf32>
    %concatenate3A = tpu.concatenate %reshape3A_16, %reshape3A_26 in 1 : vector<2048x64xf32>, vector<2048x8xf32> -> vector<2048x72xf32>
    %get3A_27 = arith.constant 0 : index
    %get3A_28 = arith.constant 0 : index
    %get3A_29 = vector.load %arg7[%get3A_27, %get3A_28] : memref<72x72xf32, #tpu.memory_space<vmem>>, vector<72x72xf32>
    %dot_general3A = arith.constant dense<0.000000e+00> : vector<2048x72xf32>
    %dot_general3A_30 = tpu.matmul %concatenate3A, %get3A_29, %dot_general3A {dimension_numbers = #tpu.dot_dimension_numbers<[1], [0], [0], [1], [0, 0, 1, 1], [], []>, precision = #tpu.contract_precision<fp32>, transpose_lhs_hint = false} : vector<2048x72xf32>, vector<72x72xf32>, vector<2048x72xf32> -> vector<2048x72xf32>
    %get3A_31 = arith.constant 0 : index
    %get3A_32 = arith.constant 0 : index
    %get3A_33 = vector.load %arg8[%get3A_31, %get3A_32] : memref<1x72xf32, #tpu.memory_space<vmem>>, vector<1x72xf32>
    %add3A_34 = vector.broadcast %get3A_33 : vector<1x72xf32> to vector<2048x72xf32>
    %add3A_35 = arith.addf %dot_general3A_30, %add3A_34 : vector<2048x72xf32>
    %slice3A_36 = vector.extract_strided_slice %add3A_35 {offsets = [0, 0], sizes = [2048, 64], strides = [1, 1]} : vector<2048x72xf32> to vector<2048x64xf32>
    %ge3A_37 = arith.constant 0.000000e+00 : f32
    %ge3A_38 = vector.broadcast %ge3A_37 : f32 to vector<2048x64xf32>
    %ge3A_39 = arith.cmpf oge, %slice3A_36, %ge3A_38 : vector<2048x64xf32>
    %mul3A_40 = arith.constant 0.00999999977 : f32
    %mul3A_41 = vector.broadcast %mul3A_40 : f32 to vector<2048x64xf32>
    %mul3A_42 = arith.mulf %mul3A_41, %slice3A_36 : vector<2048x64xf32>
    %select_n3A_43 = arith.select %ge3A_39, %slice3A_36, %mul3A_42 : vector<2048x64xi1>, vector<2048x64xf32>
    %slice3A_44 = vector.extract_strided_slice %add3A_35 {offsets = [0, 64], sizes = [2048, 8], strides = [1, 1]} : vector<2048x72xf32> to vector<2048x8xf32>
    %max3A_45 = arith.constant 0.000000e+00 : f32
    %max3A_46 = vector.broadcast %max3A_45 : f32 to vector<2048x8xf32>
    %max3A_47 = arith.maximumf %slice3A_44, %max3A_46 : vector<2048x8xf32>
    %get3A_48 = arith.constant 0 : index
    %get3A_49 = arith.constant 0 : index
    %get3A_50 = vector.load %arg9[%get3A_48, %get3A_49] : memref<8x64xf32, #tpu.memory_space<vmem>>, vector<8x64xf32>
    %dot_general3A_51 = arith.constant dense<0.000000e+00> : vector<2048x64xf32>
    %dot_general3A_52 = tpu.matmul %max3A_47, %get3A_50, %dot_general3A_51 {dimension_numbers = #tpu.dot_dimension_numbers<[1], [0], [0], [1], [0, 0, 1, 1], [], []>, transpose_lhs_hint = false} : vector<2048x8xf32>, vector<8x64xf32>, vector<2048x64xf32> -> vector<2048x64xf32>
    %get3A_53 = arith.constant 0 : index
    %get3A_54 = arith.constant 0 : index
    %get3A_55 = vector.load %arg10[%get3A_53, %get3A_54] : memref<1x64xf32, #tpu.memory_space<vmem>>, vector<1x64xf32>
    %add3A_56 = vector.broadcast %get3A_55 : vector<1x64xf32> to vector<2048x64xf32>
    %add3A_57 = arith.addf %dot_general3A_52, %add3A_56 : vector<2048x64xf32>
    %max3A_58 = arith.constant 0.000000e+00 : f32
    %max3A_59 = vector.broadcast %max3A_58 : f32 to vector<2048x64xf32>
    %max3A_60 = arith.maximumf %add3A_57, %max3A_59 : vector<2048x64xf32>
    %mul3A_61 = arith.mulf %max3A_60, %select_n3A_43 : vector<2048x64xf32>
    %reshape3A_62 = vector.shape_cast %mul3A_61 : vector<2048x64xf32> to vector<128x16x64xf32>
    %reduce_sum3A = arith.constant dense<0.000000e+00> : vector<128x64xf32>
    %reduce_sum3A_63 = vector.multi_reduction <add>, %reshape3A_62, %reduce_sum3A [1] : vector<128x16x64xf32> to vector<128x64xf32>
    %get3A_64 = arith.constant 0 : index
    %get3A_65 = arith.constant 0 : index
    %get3A_66 = vector.load %arg6[%get3A_64, %get3A_65] : memref<128x8xf32, #tpu.memory_space<vmem>>, vector<128x8xf32>
    %broadcast_in_dim3A_67 = arith.constant 0.000000e+00 : f32
    %broadcast_in_dim3A_68 = vector.broadcast %broadcast_in_dim3A_67 : f32 to vector<128x56xf32>
    %concatenate3A_69 = tpu.concatenate %reduce_sum3A_63, %get3A_66, %broadcast_in_dim3A_68 in 1 : vector<128x64xf32>, vector<128x8xf32>, vector<128x56xf32> -> vector<128x128xf32>
    %swap3A = arith.constant 0 : index
    %swap3A_70 = arith.constant 0 : index
    %swap3A_71 = vector.load %arg11[%swap3A, %swap3A_70] : memref<128x128xf32, #tpu.memory_space<vmem>>, vector<128x128xf32>
    tpu.vector_store %arg11[%swap3A, %swap3A_70], %concatenate3A_69 {strides = array<i32>} : memref<128x128xf32, #tpu.memory_space<vmem>>, vector<128x128xf32>,
    return
  }
  func.func @transform_0(%arg0: i32, %arg1: i32) -> (i32, i32) {
    %c0_i32 = arith.constant 0 : i32
    %c0_i32_0 = arith.constant 0 : i32
    return %arg1, %c0_i32 : i32, i32
  }
  func.func @transform_1(%arg0: i32, %arg1: i32) -> (i32, i32) {
    %add3A = arith.constant 0 : i32
    %add3A_0 = arith.addi %add3A, %arg1 : i32
    %c0_i32 = arith.constant 0 : i32
    %c0_i32_1 = arith.constant 0 : i32
    return %add3A_0, %c0_i32 : i32, i32
  }
  func.func @transform_2(%arg0: i32, %arg1: i32) -> (i32, i32) {
    %add3A = arith.constant 0 : i32
    %add3A_0 = arith.addi %add3A, %arg1 : i32
    %c0_i32 = arith.constant 0 : i32
    %c0_i32_1 = arith.constant 0 : i32
    return %add3A_0, %c0_i32 : i32, i32
  }
  func.func @transform_3(%arg0: i32, %arg1: i32) -> (i32, i32) {
    %add3A = arith.constant 0 : i32
    %add3A_0 = arith.addi %add3A, %arg1 : i32
    %c0_i32 = arith.constant 0 : i32
    %c0_i32_1 = arith.constant 0 : i32
    return %add3A_0, %c0_i32 : i32, i32
  }
  func.func @transform_4(%arg0: i32, %arg1: i32) -> (i32, i32) {
    %add3A = arith.constant 0 : i32
    %add3A_0 = arith.addi %add3A, %arg1 : i32
    %c0_i32 = arith.constant 0 : i32
    %c0_i32_1 = arith.constant 0 : i32
    return %add3A_0, %c0_i32 : i32, i32
  }
  func.func @transform_5(%arg0: i32, %arg1: i32) -> (i32, i32) {
    %c0_i32 = arith.constant 0 : i32
    %c0_i32_0 = arith.constant 0 : i32
    %c0_i32_1 = arith.constant 0 : i32
    return %c0_i32, %c0_i32_0 : i32, i32
  }
  func.func @transform_6(%arg0: i32, %arg1: i32) -> (i32, i32) {
    %c0_i32 = arith.constant 0 : i32
    %c0_i32_0 = arith.constant 0 : i32
    %c0_i32_1 = arith.constant 0 : i32
    return %c0_i32, %c0_i32_0 : i32, i32
  }
  func.func @transform_7(%arg0: i32, %arg1: i32) -> (i32, i32) {
    %c0_i32 = arith.constant 0 : i32
    %c0_i32_0 = arith.constant 0 : i32
    %c0_i32_1 = arith.constant 0 : i32
    return %c0_i32, %c0_i32_0 : i32, i32
  }
  func.func @transform_8(%arg0: i32, %arg1: i32) -> (i32, i32) {
    %c0_i32 = arith.constant 0 : i32
    %c0_i32_0 = arith.constant 0 : i32
    %c0_i32_1 = arith.constant 0 : i32
    return %c0_i32, %c0_i32_0 : i32, i32
  }
  func.func @transform_9(%arg0: i32, %arg1: i32) -> (i32, i32) {
    %c0_i32 = arith.constant 0 : i32
    %c0_i32_0 = arith.constant 0 : i32
    return %arg1, %c0_i32 : i32, i32
  }
}

module attributes {stable_mosaic.version = 14 : i64} {
  func.func @_stage2_body(%arg0: i32, %arg1: i32, %arg2: memref<2048x128xf32, #tpu.memory_space<vmem>>, %arg3: memref<128x16xf32, #tpu.memory_space<vmem>>, %arg4: memref<128x8xf32, #tpu.memory_space<vmem>>, %arg5: memref<8x8xf32, #tpu.memory_space<vmem>>, %arg6: memref<1x8xf32, #tpu.memory_space<vmem>>, %arg7: memref<8x64xf32, #tpu.memory_space<vmem>>, %arg8: memref<1x64xf32, #tpu.memory_space<vmem>>, %arg9: memref<64x128xf32, #tpu.memory_space<vmem>>) attributes {dimension_semantics = [#tpu.dimension_semantics<arbitrary>, #tpu.dimension_semantics<arbitrary>], iteration_bounds = array<i64: 1, 24>, scalar_prefetch = 0 : i64, scratch_operands = 0 : i64, tpu.core_type = #tpu.core_type<tc>, window_params = [{transform_indices = @transform_0, window_bounds = array<i64: 2048, 128>}, {transform_indices = @transform_1, window_bounds = array<i64: 128, 16>}, {transform_indices = @transform_2, window_bounds = array<i64: 128, 8>}, {pipeline_mode = #tpu.pipeline_mode<synchronous>, transform_indices = @transform_3, window_bounds = array<i64: 8, 8>}, {pipeline_mode = #tpu.pipeline_mode<synchronous>, transform_indices = @transform_4, window_bounds = array<i64: 1, 8>}, {pipeline_mode = #tpu.pipeline_mode<synchronous>, transform_indices = @transform_5, window_bounds = array<i64: 8, 64>}, {pipeline_mode = #tpu.pipeline_mode<synchronous>, transform_indices = @transform_6, window_bounds = array<i64: 1, 64>}, {transform_indices = @transform_7, window_bounds = array<i64: 64, 128>}]} {
    %get3A = arith.constant 0 : index
    %get3A_0 = arith.constant 0 : index
    %get3A_1 = vector.load %arg2[%get3A, %get3A_0] : memref<2048x128xf32, #tpu.memory_space<vmem>>, vector<2048x128xf32>
    %reshape3A = vector.shape_cast %get3A_1 : vector<2048x128xf32> to vector<128x16x128xf32>
    %get3A_2 = arith.constant 0 : index
    %get3A_3 = arith.constant 0 : index
    %get3A_4 = vector.load %arg3[%get3A_2, %get3A_3] : memref<128x16xf32, #tpu.memory_space<vmem>>, vector<128x16xf32>
    %broadcast_in_dim3A = vector.shape_cast %get3A_4 : vector<128x16xf32> to vector<128x16x1xf32>
    %mul3A = vector.broadcast %broadcast_in_dim3A : vector<128x16x1xf32> to vector<128x16x128xf32>
    %mul3A_5 = arith.mulf %reshape3A, %mul3A : vector<128x16x128xf32>
    %slice3A = vector.extract_strided_slice %mul3A_5 {offsets = [0, 0, 64], sizes = [128, 16, 8], strides = [1, 1, 1]} : vector<128x16x128xf32> to vector<128x16x8xf32>
    %get3A_6 = arith.constant 0 : index
    %get3A_7 = arith.constant 0 : index
    %get3A_8 = vector.load %arg4[%get3A_6, %get3A_7] : memref<128x8xf32, #tpu.memory_space<vmem>>, vector<128x8xf32>
    %broadcast_in_dim3A_9 = vector.shape_cast %get3A_8 : vector<128x8xf32> to vector<128x1x8xf32>
    %add3A = vector.broadcast %broadcast_in_dim3A_9 : vector<128x1x8xf32> to vector<128x16x8xf32>
    %add3A_10 = arith.addf %slice3A, %add3A : vector<128x16x8xf32>
    %max3A = arith.constant 0.000000e+00 : f32
    %max3A_11 = vector.broadcast %max3A : f32 to vector<128x16x8xf32>
    %max3A_12 = arith.maximumf %add3A_10, %max3A_11 : vector<128x16x8xf32>
    %reshape3A_13 = vector.shape_cast %max3A_12 : vector<128x16x8xf32> to vector<2048x8xf32>
    %get3A_14 = arith.constant 0 : index
    %get3A_15 = arith.constant 0 : index
    %get3A_16 = vector.load %arg5[%get3A_14, %get3A_15] : memref<8x8xf32, #tpu.memory_space<vmem>>, vector<8x8xf32>
    %dot_general3A = arith.constant dense<0.000000e+00> : vector<2048x8xf32>
    %dot_general3A_17 = tpu.matmul %reshape3A_13, %get3A_16, %dot_general3A {dimension_numbers = #tpu.dot_dimension_numbers<[1], [0], [0], [1], [0, 0, 1, 1], [], []>, transpose_lhs_hint = false} : vector<2048x8xf32>, vector<8x8xf32>, vector<2048x8xf32> -> vector<2048x8xf32>
    %get3A_18 = arith.constant 0 : index
    %get3A_19 = arith.constant 0 : index
    %get3A_20 = vector.load %arg6[%get3A_18, %get3A_19] : memref<1x8xf32, #tpu.memory_space<vmem>>, vector<1x8xf32>
    %add3A_21 = vector.broadcast %get3A_20 : vector<1x8xf32> to vector<2048x8xf32>
    %add3A_22 = arith.addf %dot_general3A_17, %add3A_21 : vector<2048x8xf32>
    %max3A_23 = arith.constant 0.000000e+00 : f32
    %max3A_24 = vector.broadcast %max3A_23 : f32 to vector<2048x8xf32>
    %max3A_25 = arith.maximumf %add3A_22, %max3A_24 : vector<2048x8xf32>
    %get3A_26 = arith.constant 0 : index
    %get3A_27 = arith.constant 0 : index
    %get3A_28 = vector.load %arg7[%get3A_26, %get3A_27] : memref<8x64xf32, #tpu.memory_space<vmem>>, vector<8x64xf32>
    %dot_general3A_29 = arith.constant dense<0.000000e+00> : vector<2048x64xf32>
    %dot_general3A_30 = tpu.matmul %max3A_25, %get3A_28, %dot_general3A_29 {dimension_numbers = #tpu.dot_dimension_numbers<[1], [0], [0], [1], [0, 0, 1, 1], [], []>, transpose_lhs_hint = false} : vector<2048x8xf32>, vector<8x64xf32>, vector<2048x64xf32> -> vector<2048x64xf32>
    %get3A_31 = arith.constant 0 : index
    %get3A_32 = arith.constant 0 : index
    %get3A_33 = vector.load %arg8[%get3A_31, %get3A_32] : memref<1x64xf32, #tpu.memory_space<vmem>>, vector<1x64xf32>
    %add3A_34 = vector.broadcast %get3A_33 : vector<1x64xf32> to vector<2048x64xf32>
    %add3A_35 = arith.addf %dot_general3A_30, %add3A_34 : vector<2048x64xf32>
    %max3A_36 = arith.constant 0.000000e+00 : f32
    %max3A_37 = vector.broadcast %max3A_36 : f32 to vector<2048x64xf32>
    %max3A_38 = arith.maximumf %add3A_35, %max3A_37 : vector<2048x64xf32>
    %slice3A_39 = vector.extract_strided_slice %mul3A_5 {offsets = [0, 0, 0], sizes = [128, 16, 64], strides = [1, 1, 1]} : vector<128x16x128xf32> to vector<128x16x64xf32>
    %reshape3A_40 = vector.shape_cast %slice3A_39 : vector<128x16x64xf32> to vector<2048x64xf32>
    %mul3A_41 = arith.mulf %max3A_38, %reshape3A_40 : vector<2048x64xf32>
    %reshape3A_42 = vector.shape_cast %mul3A_41 : vector<2048x64xf32> to vector<128x16x64xf32>
    %reduce_sum3A = arith.constant dense<0.000000e+00> : vector<128x64xf32>
    %reduce_sum3A_43 = vector.multi_reduction <add>, %reshape3A_42, %reduce_sum3A [1] : vector<128x16x64xf32> to vector<128x64xf32>
    %transpose3A = tpu.transpose %reduce_sum3A_43, [1, 0] : vector<128x64xf32> -> vector<64x128xf32>
    %swap3A = arith.constant 0 : index
    %swap3A_44 = arith.constant 0 : index
    %swap3A_45 = vector.load %arg9[%swap3A, %swap3A_44] : memref<64x128xf32, #tpu.memory_space<vmem>>, vector<64x128xf32>
    tpu.vector_store %arg9[%swap3A, %swap3A_44], %transpose3A {strides = array<i32>} : memref<64x128xf32, #tpu.memory_space<vmem>>, vector<64x128xf32>,
    return
  }
  func.func @transform_0(%arg0: i32, %arg1: i32) -> (i32, i32) {
    %c0_i32 = arith.constant 0 : i32
    %c0_i32_0 = arith.constant 0 : i32
    return %arg1, %c0_i32 : i32, i32
  }
  func.func @transform_1(%arg0: i32, %arg1: i32) -> (i32, i32) {
    %add3A = arith.constant 0 : i32
    %add3A_0 = arith.addi %add3A, %arg1 : i32
    %c0_i32 = arith.constant 0 : i32
    %c0_i32_1 = arith.constant 0 : i32
    return %add3A_0, %c0_i32 : i32, i32
  }
  func.func @transform_2(%arg0: i32, %arg1: i32) -> (i32, i32) {
    %add3A = arith.constant 0 : i32
    %add3A_0 = arith.addi %add3A, %arg1 : i32
    %c0_i32 = arith.constant 0 : i32
    %c0_i32_1 = arith.constant 0 : i32
    return %add3A_0, %c0_i32 : i32, i32
  }
  func.func @transform_3(%arg0: i32, %arg1: i32) -> (i32, i32) {
    %c0_i32 = arith.constant 0 : i32
    %c0_i32_0 = arith.constant 0 : i32
    %c0_i32_1 = arith.constant 0 : i32
    return %c0_i32, %c0_i32_0 : i32, i32
  }
  func.func @transform_4(%arg0: i32, %arg1: i32) -> (i32, i32) {
    %c0_i32 = arith.constant 0 : i32
    %c0_i32_0 = arith.constant 0 : i32
    %c0_i32_1 = arith.constant 0 : i32
    return %c0_i32, %c0_i32_0 : i32, i32
  }
  func.func @transform_5(%arg0: i32, %arg1: i32) -> (i32, i32) {
    %c0_i32 = arith.constant 0 : i32
    %c0_i32_0 = arith.constant 0 : i32
    %c0_i32_1 = arith.constant 0 : i32
    return %c0_i32, %c0_i32_0 : i32, i32
  }
  func.func @transform_6(%arg0: i32, %arg1: i32) -> (i32, i32) {
    %c0_i32 = arith.constant 0 : i32
    %c0_i32_0 = arith.constant 0 : i32
    %c0_i32_1 = arith.constant 0 : i32
    return %c0_i32, %c0_i32_0 : i32, i32
  }
  func.func @transform_7(%arg0: i32, %arg1: i32) -> (i32, i32) {
    %c0_i32 = arith.constant 0 : i32
    return %arg0, %arg1 : i32, i32
  }
}

module attributes {stable_mosaic.version = 14 : i64} {
  func.func @_stage2_body(%arg0: i32, %arg1: i32, %arg2: memref<2048x128xf32, #tpu.memory_space<vmem>>, %arg3: memref<128x16xf32, #tpu.memory_space<vmem>>, %arg4: memref<128x8xf32, #tpu.memory_space<vmem>>, %arg5: memref<8x8xf32, #tpu.memory_space<vmem>>, %arg6: memref<1x8xf32, #tpu.memory_space<vmem>>, %arg7: memref<8x64xf32, #tpu.memory_space<vmem>>, %arg8: memref<1x64xf32, #tpu.memory_space<vmem>>, %arg9: memref<64x128xf32, #tpu.memory_space<vmem>>) attributes {dimension_semantics = [#tpu.dimension_semantics<arbitrary>, #tpu.dimension_semantics<arbitrary>], iteration_bounds = array<i64: 1, 24>, scalar_prefetch = 0 : i64, scratch_operands = 0 : i64, tpu.core_type = #tpu.core_type<tc>, window_params = [{transform_indices = @transform_0, window_bounds = array<i64: 2048, 128>}, {transform_indices = @transform_1, window_bounds = array<i64: 128, 16>}, {transform_indices = @transform_2, window_bounds = array<i64: 128, 8>}, {pipeline_mode = #tpu.pipeline_mode<synchronous>, transform_indices = @transform_3, window_bounds = array<i64: 8, 8>}, {pipeline_mode = #tpu.pipeline_mode<synchronous>, transform_indices = @transform_4, window_bounds = array<i64: 1, 8>}, {pipeline_mode = #tpu.pipeline_mode<synchronous>, transform_indices = @transform_5, window_bounds = array<i64: 8, 64>}, {pipeline_mode = #tpu.pipeline_mode<synchronous>, transform_indices = @transform_6, window_bounds = array<i64: 1, 64>}, {transform_indices = @transform_7, window_bounds = array<i64: 64, 128>}]} {
    %get3A = arith.constant 0 : index
    %get3A_0 = arith.constant 0 : index
    %get3A_1 = vector.load %arg2[%get3A, %get3A_0] : memref<2048x128xf32, #tpu.memory_space<vmem>>, vector<2048x128xf32>
    %reshape3A = vector.shape_cast %get3A_1 : vector<2048x128xf32> to vector<128x16x128xf32>
    %get3A_2 = arith.constant 0 : index
    %get3A_3 = arith.constant 0 : index
    %get3A_4 = vector.load %arg3[%get3A_2, %get3A_3] : memref<128x16xf32, #tpu.memory_space<vmem>>, vector<128x16xf32>
    %broadcast_in_dim3A = vector.shape_cast %get3A_4 : vector<128x16xf32> to vector<128x16x1xf32>
    %mul3A = vector.broadcast %broadcast_in_dim3A : vector<128x16x1xf32> to vector<128x16x128xf32>
    %mul3A_5 = arith.mulf %reshape3A, %mul3A : vector<128x16x128xf32>
    %slice3A = vector.extract_strided_slice %mul3A_5 {offsets = [0, 0, 64], sizes = [128, 16, 8], strides = [1, 1, 1]} : vector<128x16x128xf32> to vector<128x16x8xf32>
    %get3A_6 = arith.constant 0 : index
    %get3A_7 = arith.constant 0 : index
    %get3A_8 = vector.load %arg4[%get3A_6, %get3A_7] : memref<128x8xf32, #tpu.memory_space<vmem>>, vector<128x8xf32>
    %broadcast_in_dim3A_9 = vector.shape_cast %get3A_8 : vector<128x8xf32> to vector<128x1x8xf32>
    %add3A = vector.broadcast %broadcast_in_dim3A_9 : vector<128x1x8xf32> to vector<128x16x8xf32>
    %add3A_10 = arith.addf %slice3A, %add3A : vector<128x16x8xf32>
    %max3A = arith.constant 0.000000e+00 : f32
    %max3A_11 = vector.broadcast %max3A : f32 to vector<128x16x8xf32>
    %max3A_12 = arith.maximumf %add3A_10, %max3A_11 : vector<128x16x8xf32>
    %reshape3A_13 = vector.shape_cast %max3A_12 : vector<128x16x8xf32> to vector<2048x8xf32>
    %get3A_14 = arith.constant 0 : index
    %get3A_15 = arith.constant 0 : index
    %get3A_16 = vector.load %arg5[%get3A_14, %get3A_15] : memref<8x8xf32, #tpu.memory_space<vmem>>, vector<8x8xf32>
    %dot_general3A = arith.constant dense<0.000000e+00> : vector<2048x8xf32>
    %dot_general3A_17 = tpu.matmul %reshape3A_13, %get3A_16, %dot_general3A {dimension_numbers = #tpu.dot_dimension_numbers<[1], [0], [0], [1], [0, 0, 1, 1], [], []>, transpose_lhs_hint = false} : vector<2048x8xf32>, vector<8x8xf32>, vector<2048x8xf32> -> vector<2048x8xf32>
    %get3A_18 = arith.constant 0 : index
    %get3A_19 = arith.constant 0 : index
    %get3A_20 = vector.load %arg6[%get3A_18, %get3A_19] : memref<1x8xf32, #tpu.memory_space<vmem>>, vector<1x8xf32>
    %add3A_21 = vector.broadcast %get3A_20 : vector<1x8xf32> to vector<2048x8xf32>
    %add3A_22 = arith.addf %dot_general3A_17, %add3A_21 : vector<2048x8xf32>
    %max3A_23 = arith.constant 0.000000e+00 : f32
    %max3A_24 = vector.broadcast %max3A_23 : f32 to vector<2048x8xf32>
    %max3A_25 = arith.maximumf %add3A_22, %max3A_24 : vector<2048x8xf32>
    %get3A_26 = arith.constant 0 : index
    %get3A_27 = arith.constant 0 : index
    %get3A_28 = vector.load %arg7[%get3A_26, %get3A_27] : memref<8x64xf32, #tpu.memory_space<vmem>>, vector<8x64xf32>
    %dot_general3A_29 = arith.constant dense<0.000000e+00> : vector<2048x64xf32>
    %dot_general3A_30 = tpu.matmul %max3A_25, %get3A_28, %dot_general3A_29 {dimension_numbers = #tpu.dot_dimension_numbers<[1], [0], [0], [1], [0, 0, 1, 1], [], []>, transpose_lhs_hint = false} : vector<2048x8xf32>, vector<8x64xf32>, vector<2048x64xf32> -> vector<2048x64xf32>
    %get3A_31 = arith.constant 0 : index
    %get3A_32 = arith.constant 0 : index
    %get3A_33 = vector.load %arg8[%get3A_31, %get3A_32] : memref<1x64xf32, #tpu.memory_space<vmem>>, vector<1x64xf32>
    %add3A_34 = vector.broadcast %get3A_33 : vector<1x64xf32> to vector<2048x64xf32>
    %add3A_35 = arith.addf %dot_general3A_30, %add3A_34 : vector<2048x64xf32>
    %max3A_36 = arith.constant 0.000000e+00 : f32
    %max3A_37 = vector.broadcast %max3A_36 : f32 to vector<2048x64xf32>
    %max3A_38 = arith.maximumf %add3A_35, %max3A_37 : vector<2048x64xf32>
    %slice3A_39 = vector.extract_strided_slice %mul3A_5 {offsets = [0, 0, 0], sizes = [128, 16, 64], strides = [1, 1, 1]} : vector<128x16x128xf32> to vector<128x16x64xf32>
    %reshape3A_40 = vector.shape_cast %slice3A_39 : vector<128x16x64xf32> to vector<2048x64xf32>
    %mul3A_41 = arith.mulf %max3A_38, %reshape3A_40 : vector<2048x64xf32>
    %reshape3A_42 = vector.shape_cast %mul3A_41 : vector<2048x64xf32> to vector<128x16x64xf32>
    %reduce_sum3A = arith.constant dense<0.000000e+00> : vector<128x64xf32>
    %reduce_sum3A_43 = vector.multi_reduction <add>, %reshape3A_42, %reduce_sum3A [1] : vector<128x16x64xf32> to vector<128x64xf32>
    %transpose3A = tpu.transpose %reduce_sum3A_43, [1, 0] : vector<128x64xf32> -> vector<64x128xf32>
    %swap3A = arith.constant 0 : index
    %swap3A_44 = arith.constant 0 : index
    %swap3A_45 = vector.load %arg9[%swap3A, %swap3A_44] : memref<64x128xf32, #tpu.memory_space<vmem>>, vector<64x128xf32>
    tpu.vector_store %arg9[%swap3A, %swap3A_44], %transpose3A {strides = array<i32>} : memref<64x128xf32, #tpu.memory_space<vmem>>, vector<64x128xf32>,
    return
  }
  func.func @transform_0(%arg0: i32, %arg1: i32) -> (i32, i32) {
    %c0_i32 = arith.constant 0 : i32
    %c0_i32_0 = arith.constant 0 : i32
    return %arg1, %c0_i32 : i32, i32
  }
  func.func @transform_1(%arg0: i32, %arg1: i32) -> (i32, i32) {
    %add3A = arith.constant 24 : i32
    %add3A_0 = arith.addi %add3A, %arg1 : i32
    %c0_i32 = arith.constant 0 : i32
    %c0_i32_1 = arith.constant 0 : i32
    return %add3A_0, %c0_i32 : i32, i32
  }
  func.func @transform_2(%arg0: i32, %arg1: i32) -> (i32, i32) {
    %add3A = arith.constant 24 : i32
    %add3A_0 = arith.addi %add3A, %arg1 : i32
    %c0_i32 = arith.constant 0 : i32
    %c0_i32_1 = arith.constant 0 : i32
    return %add3A_0, %c0_i32 : i32, i32
  }
  func.func @transform_3(%arg0: i32, %arg1: i32) -> (i32, i32) {
    %c0_i32 = arith.constant 0 : i32
    %c0_i32_0 = arith.constant 0 : i32
    %c0_i32_1 = arith.constant 0 : i32
    return %c0_i32, %c0_i32_0 : i32, i32
  }
  func.func @transform_4(%arg0: i32, %arg1: i32) -> (i32, i32) {
    %c0_i32 = arith.constant 0 : i32
    %c0_i32_0 = arith.constant 0 : i32
    %c0_i32_1 = arith.constant 0 : i32
    return %c0_i32, %c0_i32_0 : i32, i32
  }
  func.func @transform_5(%arg0: i32, %arg1: i32) -> (i32, i32) {
    %c0_i32 = arith.constant 0 : i32
    %c0_i32_0 = arith.constant 0 : i32
    %c0_i32_1 = arith.constant 0 : i32
    return %c0_i32, %c0_i32_0 : i32, i32
  }
  func.func @transform_6(%arg0: i32, %arg1: i32) -> (i32, i32) {
    %c0_i32 = arith.constant 0 : i32
    %c0_i32_0 = arith.constant 0 : i32
    %c0_i32_1 = arith.constant 0 : i32
    return %c0_i32, %c0_i32_0 : i32, i32
  }
  func.func @transform_7(%arg0: i32, %arg1: i32) -> (i32, i32) {
    %c0_i32 = arith.constant 0 : i32
    return %arg0, %arg1 : i32, i32
  }
}

</mosaic_0001>

<sc_bundles>
// kernel: kernel.13.cloned.1.call-start
scs
__scs_entry_jumppad:
0x0: {  	(pc) =	sbr.rel $0x88, $3  }
0x1: {  	(tag) =	ssettag $0x0;
	lr =	simm.s32 $0x1  }
0x2: {  	[smem:$0x3F8D] =	sst lr;
	_ =	strace $0xD0000000  }
0x3: {  	_ = 	snop  }
0x4: {  	_ = 	snop  }
0x5: {  	_ = 	snop  }
0x6: {  	_ = 	snop  }
0x7: {  	_ = 	snop  }
__scs_overlays_trampoline_lowered:
0x8: {  	[smem:$0x3F9C] =	sst s0  }
0x9: {  	[smem:$0x3F9D] =	sst s1  }
0xa: {  	[smem:$0x3F9E] =	sst s2  }
0xb: {  	[smem:$0x3F9F] =	sst s3  }
0xc: {  	[smem:$0x3FA0] =	sst s4  }
0xd: {  	[smem:$0x3FA1] =	sst s5  }
0xe: {  	[smem:$0x3FA2] =	sst s6  }
0xf: {  	[smem:$0x3FA3] =	sst s7  }
0x10: {  	[smem:$0x3FA4] =	sst s8  }
0x11: {  	[smem:$0x3FA5] =	sst s9;
	s0 =	simm.s32 @!p0 $0x0  }
0x12: {  	s1 =	sld [smem:$0x3F8B];
	s0 =	simm.s32 @p0 $0x1  }
0x13: {  	[smem:$0x3FA6] =	sst s0;
	s0 =	simm.s32 @!p1 $0x0  }
0x14: {  	s2 =	sld [smem:$0x3F8A];
	s0 =	simm.s32 @p1 $0x1  }
0x15: {  	[smem:$0x3FA7] =	sst s0;
	s0 =	simm.s32 @!p2 $0x0  }
0x16: {  	s3 =	sld [smem:$0x3FDB];
	s0 =	simm.s32 @p2 $0x1  }
0x17: {  	s4 =	simm.s32 $0x1BF5;
	[smem:$0x3FA9] =	sst s0  }
0x18: {  	s0 =	sld [smem:$0x3F8C];
	_ =	swait.ge [sflag:s4], $0x0  }
0x19: {  	s7 =	sld [smem:$0x3F8D]  }
0x1a: {  	s8 =	sadd.s32 $0xFFFFE003, lr  }
0x1b: {  	s9 =	sadd.s32 $0xFFFFFEF7, lr;
	s5 =	simm.s32 $0xFFFFFFFF;
	p2 =	slt.u32 s8, $0xFFFFF086  }
0x1c: {  	p1 =	slt.u32 s9, $0xF7A;
	s5 =	simm.s32 @!p2 $0x0  }
0x1d: {  	s5 =	simm.s32 @p1 $0x1;
	p0 =	seq.s32 s7, s2  }
0x1e: {  	s7 =	smul.u32 @!p0 $0xF7A, s2;
	p2 =	seq.s32 @!p0 s5, $0x0  }
0x1f: {  	s9 =	smul.u32 $0xF7A, s1;
	s8 =	simm.s32 @!p0 $0x1BF5;
	p2 =	por !p2, p0  }
0x20: {  	[sflag:s8] =	ssyncset.s32 @!p0 $0xFFFFF086;
	s6 =	sadd.s32 @!p0 s3, s7;
	s7 =	simm.s32 @!p0 $0x108  }
0x21: {  	s3 =	sadd.s32 s3, s9;
	s6 =	sadd.s32 @!p0 $0x88, s6;
	s7 =	simm.s32 @p2 $0x1082  }
0x22: {  	[simem:s7], [sflag:s8] =	dma.local @!p0 [hbm:s6], $0xF7A  }
0x23: {  	s9 =	sor.u32 $0xD0000000, s2;
	s6 =	simm.s32 $0x108;
	_ =	swait.ge @!p0 [sflag:s8], $0x0  }
0x24: {  	s3 =	sadd.s32 $0x88, s3;
	s6 =	simm.s32 @!p1 $0x1082;
	[sflag:s4] =	ssyncset.s32 $0xFFFFF086  }
0x25: {  	[simem:s6], [sflag:s4] =	dma.local [hbm:s3], $0xF7A  }
0x26: {  	[smem:$0x3F8D] =	sst s1;
	(tag) =	ssettag s2;
	_ =	strace s9  }
0x27: {  	s1 =	sld [smem:$0x3F9D]  }
0x28: {  	s2 =	sld [smem:$0x3F9E]  }
0x29: {  	s4 =	sld [smem:$0x3FA0]  }
0x2a: {  	p0 =	seq.s32 s5, $0x0;
	s5 =	sld [smem:$0x3FA1]  }
0x2b: {  	s6 =	sld [smem:$0x3FA2]  }
0x2c: {  	s7 =	sld [smem:$0x3FA3]  }
0x2d: {  	s3 =	simm.s32 $0x108;
	s8 =	sld [smem:$0x3FA4]  }
0x2e: {  	s3 =	simm.s32 @!p0 $0x1082;
	s9 =	sld [smem:$0x3FA5]  }
0x2f: {  	lr =	sadd.s32 s0, s3;
	s0 =	sld [smem:$0x3F9C]  }
0x30: {  	s3 =	sld [smem:$0x3F9F]  }
0x31: {  	[smem:$0x3FA8] =	sst s10  }
0x32: {  	s10 =	sld [smem:$0x3FA6];
	_ =	sdelay $0x3  }
0x33: {  	p0 =	seq.s32 s10, $0x1;
	s10 =	sld [smem:$0x3FA8];
	_ =	sdelay $0x3  }
0x34: {  	[smem:$0x3FA8] =	sst s10  }
0x35: {  	s10 =	sld [smem:$0x3FA7];
	_ =	sdelay $0x3  }
0x36: {  	p1 =	seq.s32 s10, $0x1;
	s10 =	sld [smem:$0x3FA8];
	_ =	sdelay $0x3  }
0x37: {  	[smem:$0x3FA8] =	sst s10  }
0x38: {  	s10 =	sld [smem:$0x3FA9]  }
0x39: {  	_ = 	snop;
	(pc) =	sbr.ind lr, $3  }
0x3a: {  	_ = 	snop  }
0x3b: {  	_ = 	snop  }
0x3c: {  	p2 =	seq.s32 s10, $0x1;
	s10 =	sld [smem:$0x3FA8]  }
0x3d: {  	_ =	shalt  }
0x3e: {  	_ =	shalt  }
0x3f: {  	_ =	shalt  }
0x40: {  	_ =	shalt  }
0x41: {  	_ =	shalt  }
0x42: {  	_ =	shalt  }
0x43: {  	_ =	shalt  }
0x44: {  	_ =	shalt  }
0x45: {  	_ =	shalt  }
0x46: {  	_ =	shalt  }
0x47: {  	_ =	shalt  }
0x48: {  	_ =	shalt  }
0x49: {  	_ =	shalt  }
0x4a: {  	_ =	shalt  }
0x4b: {  	_ =	shalt  }
0x4c: {  	_ =	shalt  }
0x4d: {  	_ =	shalt  }
0x4e: {  	_ =	shalt  }
0x4f: {  	_ =	shalt  }
0x50: {  	_ =	shalt  }
0x51: {  	_ =	shalt  }
0x52: {  	_ =	shalt  }
0x53: {  	_ =	shalt  }
0x54: {  	_ =	shalt  }
0x55: {  	_ =	shalt  }
0x56: {  	_ =	shalt  }
0x57: {  	_ =	shalt  }
0x58: {  	_ =	shalt  }
0x59: {  	_ =	shalt  }
0x5a: {  	_ =	shalt  }
0x5b: {  	_ =	shalt  }
0x5c: {  	_ =	shalt  }
0x5d: {  	_ =	shalt  }
0x5e: {  	_ =	shalt  }
0x5f: {  	_ =	shalt  }
0x60: {  	_ =	shalt  }
0x61: {  	_ =	shalt  }
0x62: {  	_ =	shalt  }
0x63: {  	_ =	shalt  }
0x64: {  	_ =	shalt  }
0x65: {  	_ =	shalt  }
0x66: {  	_ =	shalt  }
0x67: {  	_ =	shalt  }
0x68: {  	_ =	shalt  }
0x69: {  	_ =	shalt  }
0x6a: {  	_ =	shalt  }
0x6b: {  	_ =	shalt  }
0x6c: {  	_ =	shalt  }
0x6d: {  	_ =	shalt  }
0x6e: {  	_ =	shalt  }
0x6f: {  	_ =	shalt  }
0x70: {  	_ =	shalt  }
0x71: {  	_ =	shalt  }
0x72: {  	_ =	shalt  }
0x73: {  	_ =	shalt  }
0x74: {  	_ =	shalt  }
0x75: {  	_ =	shalt  }
0x76: {  	_ =	shalt  }
0x77: {  	_ =	shalt  }
0x78: {  	_ =	shalt  }
0x79: {  	_ =	shalt  }
0x7a: {  	_ =	shalt  }
0x7b: {  	_ =	shalt  }
0x7c: {  	_ =	shalt  }
0x7d: {  	_ =	shalt  }
0x7e: {  	_ =	shalt  }
0x7f: {  	_ =	shalt  }
0x80: {  	_ =	shalt  }
0x81: {  	_ =	shalt  }
0x82: {  	_ =	shalt  }
0x83: {  	_ =	shalt  }
0x84: {  	_ =	shalt  }
0x85: {  	_ =	shalt  }
0x86: {  	_ =	shalt  }
0x87: {  	_ =	shalt  }
.Lfunc_end0:
.L_simem_size_0:
called_computation_lowered:
.L_overlay_start_0:
0x88: {  	s2 =	sld [smem:$0x3FD9]  }
0x89: {  	s3 =	sld [smem:$0x3FFE];
	_ =	sdelay $0x1  }
0x8a: {  	s1 =	srdreg.scid  }
0x8b: {  	s0 =	sand.u32 $0x1, s1  }
0x8c: {  	s17 =	sshll.u32 s0, $0xA;
	s2 =	sadd.s32 s3, s2  }
0x8d: {  	s2 =	sadd.s32 s2, s17  }
0x8e: {  	[smem:$0x3FB4] =	sst s2  }
0x8f: {  	_ = 	snop  }
0x90: {  	s2 =	sld [smem:$0x3FD0];
	(tm) =	ssettm $0x1  }
0x91: {  	s18 =	sld [smem:$0x3FFB];
	_ =	sdelay $0x3  }
0x92: {  	_ =	strace s18  }
0x93: {  	s3 =	sld [smem:$0x3FFC];
	_ =	sdelay $0x3  }
0x94: {  	_ =	strace s3  }
0x95: {  	s3 =	sld [smem:$0x3FFD];
	_ =	sdelay $0x3  }
0x96: {  	_ =	strace s3  }
0x97: {  	_ =	strace $0x8FFFFFFF  }
0x98: {  	s19 =	sld [smem:$0x3FDB];
	_ =	sdelay $0x1  }
0x99: {  	s4 =	simm.s32 $_scs_section_size  }
0x9a: {  	s5 =	simm.s32 $_size__tile_overlayer_lowered;
	s6 =	simm.s32 $_tile_overlayer_lowered  }
0x9b: {  	s22 =	simm.s32 $0x1BFF;
	s21 =	sshll.u32 s6, $0x1;
	s3 =	sadd.s32 s4, s19  }
0x9c: {  	s7 =	simm.s32 $0x0;
	s20 =	sshll.u32 s5, $0x1;
	s5 =	sadd.s32 s21, s3  }
0x9d: {  	[timem:s7], [sflag:s22] =	dma.local [hbm:s5], s20  }
0x9e: {  	_ =	swait.ge [sflag:s22], s20  }
0x9f: {  	s4 =	ssub.s32 $0x0, s20;
	[sflag:s22] =	ssyncset.done $0x0  }
0xa0: {  	[sflag:s22] =	ssyncadd.s32 s4;
	_ =	sdelay $0x1  }
0xa1: {  	s23 =	simm.s32 $0x1B8B  }
0xa2: {  	_ =	swait.ge [sflag:s23], $0x1  }
0xa3: {  	[sflag:s23] =	ssyncset.done $0x0  }
0xa4: {  	s25 =	simm.s32 $0x1B8E;
	s24 =	sld [smem:$0x3FFE];
	[sflag:s23] =	ssyncadd.s32 $0xFFFFFFFF  }
0xa5: {  	s26 =	simm.s32 $execute0_lowered;
	[smem:$0x3FD2] =	sst s25  }
0xa6: {  	s5 =	sshll.u32 s26, $0x1;
	_ =	strace $0x80000046;
	[dreg:$0x1] =	wrdreg $0xFFFFFFFF  }
0xa7: {  	s28 =	simm.s32 $_size_execute0_lowered;
	s3 =	sadd.s32 s3, s5;
	[dreg:$0x0] =	wrdreg $0x0  }
0xa8: {  	s5 =	sshll.u32 s28, $0x1;
	[dreg:$0x2] =	wrdreg s3  }
0xa9: {  	[dreg:$0x3] =	wrdreg s5  }
0xaa: {  	[dreg:$0x4] =	wrdreg $0xC0  }
0xab: {  	_ =	task [dreg:s7], $0x5FFFF  }
0xac: {  	[dreg:$0x1] =	wrdreg $0xFFFFFFFF  }
0xad: {  	[dreg:$0x0] =	wrdreg $0x60  }
0xae: {  	[dreg:$0x2] =	wrdreg s2  }
0xaf: {  	[dreg:$0x3] =	wrdreg s24  }
0xb0: {  	[dreg:$0x4] =	wrdreg $0x9  }
0xb1: {  	_ =	task.clear_ibuf [dreg:s7], $0x5FFFF;
	_ =	strace $0x90000046  }
0xb2: {  	s29 =	simm.s32 $0x9;
	_ =	strace $0x80000048  }
0xb3: {  	_ =	swait.ge [sflag:s29], $0x1  }
0xb4: {  	[sflag:s29] =	ssyncadd.s32 $0xFFFFFFFF  }
0xb5: {  	_ =	strace $0x90000048  }
0xb6: {  	_ =	sfence  }
0xb7: {  	s30 =	sld [smem:$0x0];
	_ =	sdelay $0x2  }
0xb8: {  	s31 =	sshll.u32 s1, $0xD;
	s1 =	sshrl.u32 s1, $0x2  }
0xb9: {  	s3 =	sand.u32 $0x4000, s31;
	s1 =	sadd.s32 s1, s30  }
0xba: {  	s0 =	sor.u32 s3, s0;
	s1 =	sshll.u32 s1, $0x11  }
0xbb: {  	s0 =	sor.u32 s1, s0  }
0xbc: {  	s0 =	sadd.s32 $0x8F2B, s0  }
0xbd: {  	[sflag:s0] =	ssyncadd.remote.s32 $0x1  }
0xbe: {  	_ =	sfence.sel $0xFFFF  }
0xbf: {  	[dreg:$0x0] =	wrdreg $0xFFFFFFFF;
	(pc) =	sbr.abs _section_cstart, $3  }
0xc0: {  	[dreg:$0x1] =	wrdreg $0xFFFFFFFF  }
0xc1: {  	_ =	task.clear_ibuf [dreg:s7], $0x2FFFF;
	_ =	strace $0x9FFFFFFF  }
0xc2: {  	(tm) =	ssettm $0x7FFFFFFF  }
0xc3: {  	_ =	shalt  }
tec
execute0_lowered:
.L_overlay_start_1:
0x0: {  	(tag) =	ssettag $0x1  }
0x1: {  	s1 =	srdreg.scid;
	s0 =	stileid.u32  }
0x2: {  	s17 =	sand.u32 $0x1, s1;
	s24 =	sshll.u32 s0, $0x1  }
0x3: {  	s10 =	sor.u32 s17, s24  }
0x4: {  	s2 =	rddreg [dreg:$0x0];
	s14 =	smul.u32 $0x600, s10  }
0x5: {  	s11 =	rddreg [dreg:$0x1];
	s3 =	simm.s32 $0x0;
	s5 =	simm.s32 $0x3  }
0x6: {  	[smem:$0x7FF] =	sst s3;
	s15 =	sadd.s32 $0x1D200, s11;
	s4 =	sshrl.u32 s14, $0x3  }
0x7: {  	s1 =	rddreg [dreg:$0x2];
	_ =	strace $0x80000047;
	s4 =	sadd.s32 s15, s4  }
0x8: {  	[tilespmem:s3], [sflag:$0x3] =	stream.linear.gather [hbm4b:s4+s3], $0x180, $0x38;
	[tilespmem:$0x18300] =	vst v63  }
0x9: {  	_ =	swait.ge [sflag:s5], $0x180  }
0xa: {  	s6 =	simm.s32 $0x180;
	s16 =	sor.u32 $0x180, s14;
	[sflag:s5] =	ssyncset.done $0x0  }
0xb: {  	s7 =	simm.s32 $0x300;
	s8 =	sshrl.u32 s16, $0x3;
	[sflag:s5] =	ssyncadd.s32 $0xFFFFFE80  }
0xc: {  	[tilespmem:s7], [sflag:$0x1] =	stream.indirect.gather [hbm4b:s2+s6], $0x80, s3, s6, $0xb8;
	[tilespmem:$0x18300] =	vst v63  }
0xd: {  	s8 =	sadd.s32 s15, s8  }
0xe: {  	[tilespmem:s6], [sflag:$0x3] =	stream.linear.gather [hbm4b:s8+s3], $0x180, $0x38;
	[tilespmem:$0x18300] =	vst v63  }
0xf: {  	_ =	swait.ge [sflag:s5], $0x180  }
0x10: {  	[sflag:s5] =	ssyncset.done $0x0  }
0x11: {  	s9 =	simm.s32 $0x1;
	[sflag:s5] =	ssyncadd.s32 $0xFFFFFE80  }
0x12: {  	_ =	swait.ge [sflag:s9], $0xC000  }
0x13: {  	s18 =	sadd.s32 $0x50200, s11;
	s25 =	smul.u32 $0x6000, s10;
	[sflag:s9] =	ssyncset.done $0x0  }
0x14: {  	s10 =	simm.s32 $0xC300;
	s19 =	sadd.s32 $0x300, s14;
	[sflag:s9] =	ssyncadd.s32 $0xFFFF4000  }
0x15: {  	[tilespmem:s10], [sflag:$0x1] =	stream.indirect.gather [hbm4b:s2+s6], $0x80, s6, s6, $0xb8;
	[tilespmem:$0x18300] =	vst v63  }
0x16: {  	s11 =	sadd.s32 s18, s25;
	s12 =	sshrl.u32 s19, $0x3  }
0x17: {  	[hbm4b:s11+s3] =	stream.linear.scatter [tilespmem:s7], [sflag:$0x2], $0xC000, $0x38;
	[tilespmem:$0x18300] =	vst v63  }
0x18: {  	s12 =	sadd.s32 s15, s12  }
0x19: {  	[tilespmem:s3], [sflag:$0x3] =	stream.linear.gather [hbm4b:s12+s3], $0x180, $0x38;
	[tilespmem:$0x18300] =	vst v63  }
0x1a: {  	_ =	swait.ge [sflag:s5], $0x180  }
0x1b: {  	[sflag:s5] =	ssyncset.done $0x0  }
0x1c: {  	[sflag:s5] =	ssyncadd.s32 $0xFFFFFE80  }
0x1d: {  	_ =	swait.ge [sflag:s9], $0xC000  }
0x1e: {  	[sflag:s9] =	ssyncset.done $0x0  }
0x1f: {  	s13 =	simm.s32 $0x2;
	[sflag:s9] =	ssyncadd.s32 $0xFFFF4000  }
0x20: {  	_ =	swait.ge [sflag:s13], $0xC000  }
0x21: {  	[sflag:s13] =	ssyncset.done $0x0  }
0x22: {  	s20 =	sadd.s32 $0x480, s14;
	s16 =	sshll.u32 s16, $0x4;
	[sflag:s13] =	ssyncadd.s32 $0xFFFF4000  }
0x23: {  	[tilespmem:s7], [sflag:$0x1] =	stream.indirect.gather [hbm4b:s2+s6], $0x80, s3, s6, $0xb8;
	[tilespmem:$0x18300] =	vst v63  }
0x24: {  	s26 =	sshrl.u32 s20, $0x3;
	s14 =	sadd.s32 s18, s16  }
0x25: {  	[hbm4b:s14+s3] =	stream.linear.scatter [tilespmem:s10], [sflag:$0x2], $0xC000, $0x38;
	[tilespmem:$0x18300] =	vst v63  }
0x26: {  	s15 =	sadd.s32 s15, s26  }
0x27: {  	[tilespmem:s6], [sflag:$0x3] =	stream.linear.gather [hbm4b:s15+s3], $0x180, $0x38;
	[tilespmem:$0x18300] =	vst v63  }
0x28: {  	_ =	swait.ge [sflag:s5], $0x180  }
0x29: {  	[sflag:s5] =	ssyncset.done $0x0  }
0x2a: {  	[sflag:s5] =	ssyncadd.s32 $0xFFFFFE80  }
0x2b: {  	_ =	swait.ge [sflag:s9], $0xC000  }
0x2c: {  	[sflag:s9] =	ssyncset.done $0x0  }
0x2d: {  	[sflag:s9] =	ssyncadd.s32 $0xFFFF4000  }
0x2e: {  	_ =	swait.ge [sflag:s13], $0xC000  }
0x2f: {  	[sflag:s13] =	ssyncset.done $0x0  }
0x30: {  	s28 =	sshll.u32 s19, $0x4;
	[sflag:s13] =	ssyncadd.s32 $0xFFFF4000  }
0x31: {  	[tilespmem:s10], [sflag:$0x1] =	stream.indirect.gather [hbm4b:s2+s6], $0x80, s6, s6, $0xb8;
	[tilespmem:$0x18300] =	vst v63  }
0x32: {  	s17 =	ssub.s32 $0x2, s17;
	s16 =	sadd.s32 s18, s28  }
0x33: {  	[hbm4b:s16+s3] =	stream.linear.scatter [tilespmem:s7], [sflag:$0x2], $0xC000, $0x38;
	[tilespmem:$0x18300] =	vst v63  }
0x34: {  	s29 =	sshrl.u32 s17, $0x1;
	_ =	swait.ge [sflag:s9], $0xC000  }
0x35: {  	s19 =	ssub.s32 s17, s29;
	[sflag:s9] =	ssyncset.done $0x0  }
0x36: {  	s31 =	smax.u32 s19, $0x1;
	[sflag:s9] =	ssyncadd.s32 $0xFFFF4000  }
0x37: {  	p0 =	sne.s32 s31, $0x1;
	_ =	swait.ge [sflag:s13], $0xC000  }
.Ltmp0:
0x38: {  	s30 =	sshll.u32 s20, $0x4;
	[sflag:s13] =	ssyncset.done $0x0;
	(pc) =	sbr.rel @!p0 .LBB2_2-.Ltmp0, $4  }
0x39: {  	s17 =	sadd.s32 s18, s30;
	[sflag:s13] =	ssyncadd.s32 $0xFFFF4000  }
0x3a: {  	[hbm4b:s17+s3] =	stream.linear.scatter [tilespmem:s10], [sflag:$0x2], $0xC000, $0x38;
	[tilespmem:$0x18300] =	vst v63  }
0x3b: {  	_ =	swait.ge [sflag:s13], $0xC000  }
0x3c: {  	s18 =	sadd.s32 $0xFFFFFFFF, s31;
	[sflag:s13] =	ssyncset.done $0x0  }
.LBB2_1:
0x3d: {  	p0 =	sne.s32 s18, $0x1;
	s18 =	sadd.s32 $0xFFFFFFFF, s18;
	[sflag:s13] =	ssyncadd.s32 $0xFFFF4000  }
0x3e: {  	[tilespmem:s3], [sflag:$0x3] =	stream.linear.gather [hbm4b:s4+s3], $0x180, $0x38;
	[tilespmem:$0x18300] =	vst v63  }
0x3f: {  	_ =	swait.ge [sflag:s5], $0x180  }
0x40: {  	[sflag:s5] =	ssyncset.done $0x0  }
0x41: {  	[sflag:s5] =	ssyncadd.s32 $0xFFFFFE80  }
0x42: {  	[tilespmem:s7], [sflag:$0x1] =	stream.indirect.gather [hbm4b:s2+s6], $0x80, s3, s6, $0xb8;
	[tilespmem:$0x18300] =	vst v63  }
0x43: {  	_ = 	snop  }
0x44: {  	[tilespmem:s6], [sflag:$0x3] =	stream.linear.gather [hbm4b:s8+s3], $0x180, $0x38;
	[tilespmem:$0x18300] =	vst v63  }
0x45: {  	_ =	swait.ge [sflag:s5], $0x180  }
0x46: {  	[sflag:s5] =	ssyncset.done $0x0  }
0x47: {  	[sflag:s5] =	ssyncadd.s32 $0xFFFFFE80  }
0x48: {  	_ =	swait.ge [sflag:s9], $0xC000  }
0x49: {  	[sflag:s9] =	ssyncset.done $0x0  }
0x4a: {  	[sflag:s9] =	ssyncadd.s32 $0xFFFF4000  }
0x4b: {  	[tilespmem:s10], [sflag:$0x1] =	stream.indirect.gather [hbm4b:s2+s6], $0x80, s6, s6, $0xb8;
	[tilespmem:$0x18300] =	vst v63  }
0x4c: {  	_ = 	snop  }
0x4d: {  	[hbm4b:s11+s3] =	stream.linear.scatter [tilespmem:s7], [sflag:$0x2], $0xC000, $0x38;
	[tilespmem:$0x18300] =	vst v63  }
0x4e: {  	_ = 	snop  }
0x4f: {  	[tilespmem:s3], [sflag:$0x3] =	stream.linear.gather [hbm4b:s12+s3], $0x180, $0x38;
	[tilespmem:$0x18300] =	vst v63  }
0x50: {  	_ =	swait.ge [sflag:s5], $0x180  }
0x51: {  	[sflag:s5] =	ssyncset.done $0x0  }
0x52: {  	[sflag:s5] =	ssyncadd.s32 $0xFFFFFE80  }
0x53: {  	_ =	swait.ge [sflag:s9], $0xC000  }
0x54: {  	[sflag:s9] =	ssyncset.done $0x0  }
0x55: {  	[sflag:s9] =	ssyncadd.s32 $0xFFFF4000  }
0x56: {  	_ =	swait.ge [sflag:s13], $0xC000  }
0x57: {  	[sflag:s13] =	ssyncset.done $0x0  }
0x58: {  	[sflag:s13] =	ssyncadd.s32 $0xFFFF4000  }
0x59: {  	[tilespmem:s7], [sflag:$0x1] =	stream.indirect.gather [hbm4b:s2+s6], $0x80, s3, s6, $0xb8;
	[tilespmem:$0x18300] =	vst v63  }
0x5a: {  	_ = 	snop  }
0x5b: {  	[hbm4b:s14+s3] =	stream.linear.scatter [tilespmem:s10], [sflag:$0x2], $0xC000, $0x38;
	[tilespmem:$0x18300] =	vst v63  }
0x5c: {  	_ = 	snop  }
0x5d: {  	[tilespmem:s6], [sflag:$0x3] =	stream.linear.gather [hbm4b:s15+s3], $0x180, $0x38;
	[tilespmem:$0x18300] =	vst v63  }
0x5e: {  	_ =	swait.ge [sflag:s5], $0x180  }
0x5f: {  	[sflag:s5] =	ssyncset.done $0x0  }
0x60: {  	[sflag:s5] =	ssyncadd.s32 $0xFFFFFE80  }
0x61: {  	_ =	swait.ge [sflag:s9], $0xC000  }
0x62: {  	[sflag:s9] =	ssyncset.done $0x0  }
0x63: {  	[sflag:s9] =	ssyncadd.s32 $0xFFFF4000  }
0x64: {  	_ =	swait.ge [sflag:s13], $0xC000  }
0x65: {  	[sflag:s13] =	ssyncset.done $0x0  }
0x66: {  	[sflag:s13] =	ssyncadd.s32 $0xFFFF4000  }
0x67: {  	[tilespmem:s10], [sflag:$0x1] =	stream.indirect.gather [hbm4b:s2+s6], $0x80, s6, s6, $0xb8;
	[tilespmem:$0x18300] =	vst v63  }
0x68: {  	_ = 	snop  }
0x69: {  	[hbm4b:s16+s3] =	stream.linear.scatter [tilespmem:s7], [sflag:$0x2], $0xC000, $0x38;
	[tilespmem:$0x18300] =	vst v63  }
0x6a: {  	_ =	swait.ge [sflag:s9], $0xC000  }
0x6b: {  	[sflag:s9] =	ssyncset.done $0x0  }
0x6c: {  	[sflag:s9] =	ssyncadd.s32 $0xFFFF4000  }
0x6d: {  	_ =	swait.ge [sflag:s13], $0xC000  }
.Ltmp1:
0x6e: {  	[sflag:s13] =	ssyncset.done $0x0;
	(pc) =	sbr.rel @p0 .LBB2_1-.Ltmp1, $4  }
0x6f: {  	[sflag:s13] =	ssyncadd.s32 $0xFFFF4000  }
0x70: {  	[hbm4b:s17+s3] =	stream.linear.scatter [tilespmem:s10], [sflag:$0x2], $0xC000, $0x38;
	[tilespmem:$0x18300] =	vst v63  }
0x71: {  	_ =	swait.ge [sflag:s13], $0xC000  }
0x72: {  	[sflag:s13] =	ssyncset.done $0x0  }
.LBB2_2:
0x73: {  	[sflag:s13] =	ssyncadd.s32 $0xFFFF4000  }
0x74: {  	_ =	sfence.sel $0x180000  }
0x75: {  	[bflag:$0x0] =	sbarrier.arrive $0xFFFF  }
0x76: {  	p0 =	sne.s32 s0, $0x0;
	_ =	strace $0x90000047  }
0x77: {  	s0 =	sadd.s32 @!p0 $0x100000, s1;
	[bflag:$0x2] =	sbarrier.arrive $0xFFFF  }
0x78: {  	[sflag:s0] =	ssyncadd.tile.s32 @!p0 $0x1;
	_ =	shalt  }
.Lfunc_end2:
_tile_overlayer_lowered:
.L_overlay_start_2:
0x79: {  	(tag) =	ssettag $0x2  }
0x7a: {  	s0 =	rddreg [dreg:$0x0];
	s2 =	stileid.u32  }
0x7b: {  	s1 =	rddreg [dreg:$0x1];
	p0 =	sne.s32 s2, $0x0  }
0x7c: {  	s3 =	rddreg [dreg:$0x2];
	[bflag:$0x3] =	sbarrier.arrive $0xFFFF;
	s2 =	simm.s32 @!p0 $0x1C03  }
0x7d: {  	[timem:s3], [sflag:s2] =	dma.local @!p0 [hbm:s0], s1  }
0x7e: {  	s0 =	simm.s32 @!p0 $0x3  }
0x7f: {  	_ =	swait.ge @!p0 [sflag:s0], s1  }
0x80: {  	s1 =	ssub.s32 @!p0 $0x0, s1;
	[sflag:s0] =	ssyncset.done @!p0 $0x0  }
0x81: {  	[sflag:s0] =	ssyncadd.s32 @!p0 s1  }
0x82: {  	[bflag:$0x3] =	sbarrier.arrive $0xFFFF  }
0x83: {  	_ =	shalt  }

// kernel: kernel.16.cloned.1.call-start
scs
__scs_entry_jumppad:
0x0: {  	(pc) =	sbr.rel $0x88, $3  }
0x1: {  	(tag) =	ssettag $0x0;
	lr =	simm.s32 $0x1  }
0x2: {  	[smem:$0x3F8D] =	sst lr;
	_ =	strace $0xD0000000  }
0x3: {  	_ = 	snop  }
0x4: {  	_ = 	snop  }
0x5: {  	_ = 	snop  }
0x6: {  	_ = 	snop  }
0x7: {  	_ = 	snop  }
__scs_overlays_trampoline_lowered:
0x8: {  	[smem:$0x3F9C] =	sst s0  }
0x9: {  	[smem:$0x3F9D] =	sst s1  }
0xa: {  	[smem:$0x3F9E] =	sst s2  }
0xb: {  	[smem:$0x3F9F] =	sst s3  }
0xc: {  	[smem:$0x3FA0] =	sst s4  }
0xd: {  	[smem:$0x3FA1] =	sst s5  }
0xe: {  	[smem:$0x3FA2] =	sst s6  }
0xf: {  	[smem:$0x3FA3] =	sst s7  }
0x10: {  	[smem:$0x3FA4] =	sst s8  }
0x11: {  	[smem:$0x3FA5] =	sst s9;
	s0 =	simm.s32 @!p0 $0x0  }
0x12: {  	s1 =	sld [smem:$0x3F8B];
	s0 =	simm.s32 @p0 $0x1  }
0x13: {  	[smem:$0x3FA6] =	sst s0;
	s0 =	simm.s32 @!p1 $0x0  }
0x14: {  	s2 =	sld [smem:$0x3F8A];
	s0 =	simm.s32 @p1 $0x1  }
0x15: {  	[smem:$0x3FA7] =	sst s0;
	s0 =	simm.s32 @!p2 $0x0  }
0x16: {  	s3 =	sld [smem:$0x3FDB];
	s0 =	simm.s32 @p2 $0x1  }
0x17: {  	s4 =	simm.s32 $0x1BF5;
	[smem:$0x3FA9] =	sst s0  }
0x18: {  	s0 =	sld [smem:$0x3F8C];
	_ =	swait.ge [sflag:s4], $0x0  }
0x19: {  	s7 =	sld [smem:$0x3F8D]  }
0x1a: {  	s8 =	sadd.s32 $0xFFFFE003, lr  }
0x1b: {  	s9 =	sadd.s32 $0xFFFFFEF7, lr;
	s5 =	simm.s32 $0xFFFFFFFF;
	p2 =	slt.u32 s8, $0xFFFFF086  }
0x1c: {  	p1 =	slt.u32 s9, $0xF7A;
	s5 =	simm.s32 @!p2 $0x0  }
0x1d: {  	s5 =	simm.s32 @p1 $0x1;
	p0 =	seq.s32 s7, s2  }
0x1e: {  	s7 =	smul.u32 @!p0 $0xF7A, s2;
	p2 =	seq.s32 @!p0 s5, $0x0  }
0x1f: {  	s9 =	smul.u32 $0xF7A, s1;
	s8 =	simm.s32 @!p0 $0x1BF5;
	p2 =	por !p2, p0  }
0x20: {  	[sflag:s8] =	ssyncset.s32 @!p0 $0xFFFFF086;
	s6 =	sadd.s32 @!p0 s3, s7;
	s7 =	simm.s32 @!p0 $0x108  }
0x21: {  	s3 =	sadd.s32 s3, s9;
	s6 =	sadd.s32 @!p0 $0x88, s6;
	s7 =	simm.s32 @p2 $0x1082  }
0x22: {  	[simem:s7], [sflag:s8] =	dma.local @!p0 [hbm:s6], $0xF7A  }
0x23: {  	s9 =	sor.u32 $0xD0000000, s2;
	s6 =	simm.s32 $0x108;
	_ =	swait.ge @!p0 [sflag:s8], $0x0  }
0x24: {  	s3 =	sadd.s32 $0x88, s3;
	s6 =	simm.s32 @!p1 $0x1082;
	[sflag:s4] =	ssyncset.s32 $0xFFFFF086  }
0x25: {  	[simem:s6], [sflag:s4] =	dma.local [hbm:s3], $0xF7A  }
0x26: {  	[smem:$0x3F8D] =	sst s1;
	(tag) =	ssettag s2;
	_ =	strace s9  }
0x27: {  	s1 =	sld [smem:$0x3F9D]  }
0x28: {  	s2 =	sld [smem:$0x3F9E]  }
0x29: {  	s4 =	sld [smem:$0x3FA0]  }
0x2a: {  	p0 =	seq.s32 s5, $0x0;
	s5 =	sld [smem:$0x3FA1]  }
0x2b: {  	s6 =	sld [smem:$0x3FA2]  }
0x2c: {  	s7 =	sld [smem:$0x3FA3]  }
0x2d: {  	s3 =	simm.s32 $0x108;
	s8 =	sld [smem:$0x3FA4]  }
0x2e: {  	s3 =	simm.s32 @!p0 $0x1082;
	s9 =	sld [smem:$0x3FA5]  }
0x2f: {  	lr =	sadd.s32 s0, s3;
	s0 =	sld [smem:$0x3F9C]  }
0x30: {  	s3 =	sld [smem:$0x3F9F]  }
0x31: {  	[smem:$0x3FA8] =	sst s10  }
0x32: {  	s10 =	sld [smem:$0x3FA6];
	_ =	sdelay $0x3  }
0x33: {  	p0 =	seq.s32 s10, $0x1;
	s10 =	sld [smem:$0x3FA8];
	_ =	sdelay $0x3  }
0x34: {  	[smem:$0x3FA8] =	sst s10  }
0x35: {  	s10 =	sld [smem:$0x3FA7];
	_ =	sdelay $0x3  }
0x36: {  	p1 =	seq.s32 s10, $0x1;
	s10 =	sld [smem:$0x3FA8];
	_ =	sdelay $0x3  }
0x37: {  	[smem:$0x3FA8] =	sst s10  }
0x38: {  	s10 =	sld [smem:$0x3FA9]  }
0x39: {  	_ = 	snop;
	(pc) =	sbr.ind lr, $3  }
0x3a: {  	_ = 	snop  }
0x3b: {  	_ = 	snop  }
0x3c: {  	p2 =	seq.s32 s10, $0x1;
	s10 =	sld [smem:$0x3FA8]  }
0x3d: {  	_ =	shalt  }
0x3e: {  	_ =	shalt  }
0x3f: {  	_ =	shalt  }
0x40: {  	_ =	shalt  }
0x41: {  	_ =	shalt  }
0x42: {  	_ =	shalt  }
0x43: {  	_ =	shalt  }
0x44: {  	_ =	shalt  }
0x45: {  	_ =	shalt  }
0x46: {  	_ =	shalt  }
0x47: {  	_ =	shalt  }
0x48: {  	_ =	shalt  }
0x49: {  	_ =	shalt  }
0x4a: {  	_ =	shalt  }
0x4b: {  	_ =	shalt  }
0x4c: {  	_ =	shalt  }
0x4d: {  	_ =	shalt  }
0x4e: {  	_ =	shalt  }
0x4f: {  	_ =	shalt  }
0x50: {  	_ =	shalt  }
0x51: {  	_ =	shalt  }
0x52: {  	_ =	shalt  }
0x53: {  	_ =	shalt  }
0x54: {  	_ =	shalt  }
0x55: {  	_ =	shalt  }
0x56: {  	_ =	shalt  }
0x57: {  	_ =	shalt  }
0x58: {  	_ =	shalt  }
0x59: {  	_ =	shalt  }
0x5a: {  	_ =	shalt  }
0x5b: {  	_ =	shalt  }
0x5c: {  	_ =	shalt  }
0x5d: {  	_ =	shalt  }
0x5e: {  	_ =	shalt  }
0x5f: {  	_ =	shalt  }
0x60: {  	_ =	shalt  }
0x61: {  	_ =	shalt  }
0x62: {  	_ =	shalt  }
0x63: {  	_ =	shalt  }
0x64: {  	_ =	shalt  }
0x65: {  	_ =	shalt  }
0x66: {  	_ =	shalt  }
0x67: {  	_ =	shalt  }
0x68: {  	_ =	shalt  }
0x69: {  	_ =	shalt  }
0x6a: {  	_ =	shalt  }
0x6b: {  	_ =	shalt  }
0x6c: {  	_ =	shalt  }
0x6d: {  	_ =	shalt  }
0x6e: {  	_ =	shalt  }
0x6f: {  	_ =	shalt  }
0x70: {  	_ =	shalt  }
0x71: {  	_ =	shalt  }
0x72: {  	_ =	shalt  }
0x73: {  	_ =	shalt  }
0x74: {  	_ =	shalt  }
0x75: {  	_ =	shalt  }
0x76: {  	_ =	shalt  }
0x77: {  	_ =	shalt  }
0x78: {  	_ =	shalt  }
0x79: {  	_ =	shalt  }
0x7a: {  	_ =	shalt  }
0x7b: {  	_ =	shalt  }
0x7c: {  	_ =	shalt  }
0x7d: {  	_ =	shalt  }
0x7e: {  	_ =	shalt  }
0x7f: {  	_ =	shalt  }
0x80: {  	_ =	shalt  }
0x81: {  	_ =	shalt  }
0x82: {  	_ =	shalt  }
0x83: {  	_ =	shalt  }
0x84: {  	_ =	shalt  }
0x85: {  	_ =	shalt  }
0x86: {  	_ =	shalt  }
0x87: {  	_ =	shalt  }
.Lfunc_end0:
.L_simem_size_0:
called_computation.1_lowered:
.L_overlay_start_0:
0x88: {  	s2 =	sld [smem:$0x3FD9]  }
0x89: {  	s3 =	sld [smem:$0x3FFE];
	_ =	sdelay $0x1  }
0x8a: {  	s1 =	srdreg.scid  }
0x8b: {  	s0 =	sand.u32 $0x1, s1  }
0x8c: {  	s17 =	sshll.u32 s0, $0xA;
	s2 =	sadd.s32 s3, s2  }
0x8d: {  	s2 =	sadd.s32 s2, s17  }
0x8e: {  	[smem:$0x3FB4] =	sst s2  }
0x8f: {  	_ = 	snop  }
0x90: {  	(tm) =	ssettm $0x1  }
0x91: {  	s18 =	sld [smem:$0x3FFB];
	_ =	sdelay $0x3  }
0x92: {  	_ =	strace s18  }
0x93: {  	s2 =	sld [smem:$0x3FFC];
	_ =	sdelay $0x3  }
0x94: {  	_ =	strace s2  }
0x95: {  	s2 =	sld [smem:$0x3FFD];
	_ =	sdelay $0x3  }
0x96: {  	_ =	strace s2  }
0x97: {  	_ =	strace $0x8FFFFFFF  }
0x98: {  	s19 =	sld [smem:$0x3FDB];
	_ =	sdelay $0x1  }
0x99: {  	s20 =	simm.s32 $_scs_section_size  }
0x9a: {  	s4 =	simm.s32 $_size__tile_overlayer_lowered;
	s5 =	simm.s32 $_tile_overlayer_lowered  }
0x9b: {  	s6 =	simm.s32 $0x1BFF;
	s21 =	sshll.u32 s5, $0x1;
	s3 =	sadd.s32 s20, s19  }
0x9c: {  	s22 =	simm.s32 $0x0;
	s4 =	sshll.u32 s4, $0x1;
	s5 =	sadd.s32 s21, s3  }
0x9d: {  	[timem:s22], [sflag:s6] =	dma.local [hbm:s5], s4  }
0x9e: {  	_ =	swait.ge [sflag:s6], s4  }
0x9f: {  	s4 =	ssub.s32 $0x0, s4;
	[sflag:s6] =	ssyncset.done $0x0  }
0xa0: {  	[sflag:s6] =	ssyncadd.s32 s4;
	_ =	sdelay $0x1  }
0xa1: {  	s23 =	simm.s32 $0x1B8B  }
0xa2: {  	_ =	swait.ge [sflag:s23], $0x1  }
0xa3: {  	[sflag:s23] =	ssyncset.done $0x0  }
0xa4: {  	[sflag:s23] =	ssyncadd.s32 $0xFFFFFFFF  }
0xa5: {  	s4 =	sld [smem:$0x0]  }
0xa6: {  	s5 =	sand.u32 $0xFFFFFFFE, s1  }
0xa7: {  	p0 =	sne.s32 s1, s5  }
0xa8: {  	s5 =	sshll.u32 @p0 s5, $0xE  }
0xa9: {  	s5 =	sadd.s32 @p0 $0x11B8D, s5;
	s6 =	sshll.u32 @p0 s4, $0x11  }
0xaa: {  	s5 =	sor.u32 @p0 s6, s5  }
0xab: {  	[sflag:s5] =	ssyncadd.remote.s32 @p0 $0x1;
	_ =	sdelay $0x1  }
0xac: {  	s5 =	simm.s32 @p0 $0x1B8D  }
0xad: {  	_ =	swait.eq @p0 [sflag:s5], $0x1  }
0xae: {  	[sflag:s5] =	ssyncadd.s32 @p0 $0xFFFFFFFF  }
0xaf: {  	s6 =	sshll.u32 @!p0 s1, $0xE  }
0xb0: {  	s6 =	sor.u32 @!p0 $0x4000, s6;
	s5 =	simm.s32 @!p0 $0x1B8D  }
0xb1: {  	s4 =	sshll.u32 @!p0 s4, $0x11;
	s6 =	sadd.s32 @!p0 $0x11B8D, s6;
	_ =	swait.eq @!p0 [sflag:s5], $0x1  }
0xb2: {  	s4 =	sor.u32 @!p0 s4, s6;
	[sflag:s5] =	ssyncadd.s32 @!p0 $0xFFFFFFFF  }
0xb3: {  	s25 =	simm.s32 $0x1B8E;
	s24 =	sld [smem:$0x3FFE];
	[sflag:s4] =	ssyncadd.remote.s32 @!p0 $0x1  }
0xb4: {  	s26 =	simm.s32 $execute0_lowered;
	[smem:$0x3FD2] =	sst s25  }
0xb5: {  	s5 =	sshll.u32 s26, $0x1;
	_ =	strace $0x8000004C;
	[dreg:$0x1] =	wrdreg $0xFFFFFFFF  }
0xb6: {  	s28 =	simm.s32 $_size_execute0_lowered;
	s3 =	sadd.s32 s3, s5;
	[dreg:$0x0] =	wrdreg $0x0  }
0xb7: {  	s5 =	sshll.u32 s28, $0x1;
	[dreg:$0x2] =	wrdreg s3  }
0xb8: {  	[dreg:$0x3] =	wrdreg s5  }
0xb9: {  	[dreg:$0x4] =	wrdreg $0xC0  }
0xba: {  	_ =	task [dreg:s22], $0x5FFFF  }
0xbb: {  	[dreg:$0x1] =	wrdreg $0xFFFFFFFF  }
0xbc: {  	[dreg:$0x0] =	wrdreg $0x60  }
0xbd: {  	[dreg:$0x2] =	wrdreg s24  }
0xbe: {  	[dreg:$0x3] =	wrdreg $0x9  }
0xbf: {  	_ =	task.clear_ibuf [dreg:s22], $0x4FFFF;
	_ =	strace $0x9000004C  }
0xc0: {  	s29 =	simm.s32 $0x9;
	_ =	strace $0x8000004E  }
0xc1: {  	_ =	swait.ge [sflag:s29], $0x1  }
0xc2: {  	[sflag:s29] =	ssyncadd.s32 $0xFFFFFFFF  }
0xc3: {  	_ =	strace $0x9000004E  }
0xc4: {  	_ =	sfence  }
0xc5: {  	s30 =	sld [smem:$0x0];
	_ =	sdelay $0x2  }
0xc6: {  	s31 =	sshll.u32 s1, $0xD;
	s1 =	sshrl.u32 s1, $0x2  }
0xc7: {  	s4 =	sand.u32 $0x4000, s31;
	s1 =	sadd.s32 s1, s30  }
0xc8: {  	s0 =	sor.u32 s4, s0;
	s1 =	sshll.u32 s1, $0x11  }
0xc9: {  	s0 =	sor.u32 s1, s0  }
0xca: {  	s0 =	sadd.s32 $0x8F2B, s0  }
0xcb: {  	[sflag:s0] =	ssyncadd.remote.s32 $0x1  }
0xcc: {  	_ =	sfence.sel $0xFFFF  }
0xcd: {  	[dreg:$0x0] =	wrdreg $0xFFFFFFFF;
	(pc) =	sbr.abs _section_cstart, $3  }
0xce: {  	[dreg:$0x1] =	wrdreg $0xFFFFFFFF  }
0xcf: {  	_ =	task.clear_ibuf [dreg:s22], $0x2FFFF;
	_ =	strace $0x9FFFFFFF  }
0xd0: {  	(tm) =	ssettm $0x7FFFFFFF  }
0xd1: {  	_ =	shalt  }
tec
execute0_lowered:
.L_overlay_start_1:
0x0: {  	(tag) =	ssettag $0x1  }
0x1: {  	s1 =	srdreg.scid;
	s0 =	stileid.u32  }
0x2: {  	s17 =	sand.u32 $0x1, s1;
	s24 =	sshll.u32 s0, $0x1  }
0x3: {  	s10 =	sor.u32 s17, s24  }
0x4: {  	s14 =	smul.u32 $0x600, s10  }
0x5: {  	s11 =	rddreg [dreg:$0x0];
	s2 =	simm.s32 $0x0;
	s4 =	simm.s32 $0x3  }
0x6: {  	[smem:$0x7FF] =	sst s2;
	s15 =	sadd.s32 $0x1D0200, s11;
	s3 =	sshrl.u32 s14, $0x3  }
0x7: {  	s1 =	rddreg [dreg:$0x1];
	_ =	strace $0x8000004D;
	s3 =	sadd.s32 s15, s3  }
0x8: {  	[tilespmem:s2], [sflag:$0x3] =	stream.linear.gather [hbm4b:s3+s2], $0x180, $0x38;
	[tilespmem:$0x18300] =	vst v63  }
0x9: {  	s6 =	simm.s32 $0x180;
	_ =	swait.ge [sflag:s4], $0x180  }
0xa: {  	s7 =	simm.s32 $0x300;
	s16 =	sor.u32 $0x180, s14;
	[sflag:s4] =	ssyncset.done $0x0  }
0xb: {  	s5 =	sadd.s32 $0x5200, s11;
	s8 =	sshrl.u32 s16, $0x3;
	[sflag:s4] =	ssyncadd.s32 $0xFFFFFE80  }
0xc: {  	[tilespmem:s7], [sflag:$0x1] =	stream.indirect.gather [hbm4b:s5+s6], $0x80, s2, s6, $0xb8;
	[tilespmem:$0x18300] =	vst v63  }
0xd: {  	s8 =	sadd.s32 s15, s8  }
0xe: {  	[tilespmem:s6], [sflag:$0x3] =	stream.linear.gather [hbm4b:s8+s2], $0x180, $0x38;
	[tilespmem:$0x18300] =	vst v63  }
0xf: {  	_ =	swait.ge [sflag:s4], $0x180  }
0x10: {  	[sflag:s4] =	ssyncset.done $0x0  }
0x11: {  	s9 =	simm.s32 $0x1;
	[sflag:s4] =	ssyncadd.s32 $0xFFFFFE80  }
0x12: {  	_ =	swait.ge [sflag:s9], $0xC000  }
0x13: {  	s18 =	sadd.s32 $0x20200, s11;
	s25 =	smul.u32 $0x6000, s10;
	[sflag:s9] =	ssyncset.done $0x0  }
0x14: {  	s10 =	simm.s32 $0xC300;
	s19 =	sadd.s32 $0x300, s14;
	[sflag:s9] =	ssyncadd.s32 $0xFFFF4000  }
0x15: {  	[tilespmem:s10], [sflag:$0x1] =	stream.indirect.gather [hbm4b:s5+s6], $0x80, s6, s6, $0xb8;
	[tilespmem:$0x18300] =	vst v63  }
0x16: {  	s11 =	sadd.s32 s18, s25;
	s12 =	sshrl.u32 s19, $0x3  }
0x17: {  	[hbm4b:s11+s2] =	stream.linear.scatter [tilespmem:s7], [sflag:$0x2], $0xC000, $0x38;
	[tilespmem:$0x18300] =	vst v63  }
0x18: {  	s12 =	sadd.s32 s15, s12  }
0x19: {  	[tilespmem:s2], [sflag:$0x3] =	stream.linear.gather [hbm4b:s12+s2], $0x180, $0x38;
	[tilespmem:$0x18300] =	vst v63  }
0x1a: {  	_ =	swait.ge [sflag:s4], $0x180  }
0x1b: {  	[sflag:s4] =	ssyncset.done $0x0  }
0x1c: {  	[sflag:s4] =	ssyncadd.s32 $0xFFFFFE80  }
0x1d: {  	_ =	swait.ge [sflag:s9], $0xC000  }
0x1e: {  	[sflag:s9] =	ssyncset.done $0x0  }
0x1f: {  	s13 =	simm.s32 $0x2;
	[sflag:s9] =	ssyncadd.s32 $0xFFFF4000  }
0x20: {  	_ =	swait.ge [sflag:s13], $0xC000  }
0x21: {  	[sflag:s13] =	ssyncset.done $0x0  }
0x22: {  	s20 =	sadd.s32 $0x480, s14;
	s16 =	sshll.u32 s16, $0x4;
	[sflag:s13] =	ssyncadd.s32 $0xFFFF4000  }
0x23: {  	[tilespmem:s7], [sflag:$0x1] =	stream.indirect.gather [hbm4b:s5+s6], $0x80, s2, s6, $0xb8;
	[tilespmem:$0x18300] =	vst v63  }
0x24: {  	s26 =	sshrl.u32 s20, $0x3;
	s14 =	sadd.s32 s18, s16  }
0x25: {  	[hbm4b:s14+s2] =	stream.linear.scatter [tilespmem:s10], [sflag:$0x2], $0xC000, $0x38;
	[tilespmem:$0x18300] =	vst v63  }
0x26: {  	s15 =	sadd.s32 s15, s26  }
0x27: {  	[tilespmem:s6], [sflag:$0x3] =	stream.linear.gather [hbm4b:s15+s2], $0x180, $0x38;
	[tilespmem:$0x18300] =	vst v63  }
0x28: {  	_ =	swait.ge [sflag:s4], $0x180  }
0x29: {  	[sflag:s4] =	ssyncset.done $0x0  }
0x2a: {  	[sflag:s4] =	ssyncadd.s32 $0xFFFFFE80  }
0x2b: {  	_ =	swait.ge [sflag:s9], $0xC000  }
0x2c: {  	[sflag:s9] =	ssyncset.done $0x0  }
0x2d: {  	[sflag:s9] =	ssyncadd.s32 $0xFFFF4000  }
0x2e: {  	_ =	swait.ge [sflag:s13], $0xC000  }
0x2f: {  	[sflag:s13] =	ssyncset.done $0x0  }
0x30: {  	s28 =	sshll.u32 s19, $0x4;
	[sflag:s13] =	ssyncadd.s32 $0xFFFF4000  }
0x31: {  	[tilespmem:s10], [sflag:$0x1] =	stream.indirect.gather [hbm4b:s5+s6], $0x80, s6, s6, $0xb8;
	[tilespmem:$0x18300] =	vst v63  }
0x32: {  	s17 =	ssub.s32 $0x2, s17;
	s16 =	sadd.s32 s18, s28  }
0x33: {  	[hbm4b:s16+s2] =	stream.linear.scatter [tilespmem:s7], [sflag:$0x2], $0xC000, $0x38;
	[tilespmem:$0x18300] =	vst v63  }
0x34: {  	s29 =	sshrl.u32 s17, $0x1;
	_ =	swait.ge [sflag:s9], $0xC000  }
0x35: {  	s19 =	ssub.s32 s17, s29;
	[sflag:s9] =	ssyncset.done $0x0  }
0x36: {  	s31 =	smax.u32 s19, $0x1;
	[sflag:s9] =	ssyncadd.s32 $0xFFFF4000  }
0x37: {  	p0 =	sne.s32 s31, $0x1;
	_ =	swait.ge [sflag:s13], $0xC000  }
.Ltmp0:
0x38: {  	s30 =	sshll.u32 s20, $0x4;
	[sflag:s13] =	ssyncset.done $0x0;
	(pc) =	sbr.rel @!p0 .LBB2_2-.Ltmp0, $4  }
0x39: {  	s17 =	sadd.s32 s18, s30;
	[sflag:s13] =	ssyncadd.s32 $0xFFFF4000  }
0x3a: {  	[hbm4b:s17+s2] =	stream.linear.scatter [tilespmem:s10], [sflag:$0x2], $0xC000, $0x38;
	[tilespmem:$0x18300] =	vst v63  }
0x3b: {  	_ =	swait.ge [sflag:s13], $0xC000  }
0x3c: {  	s18 =	sadd.s32 $0xFFFFFFFF, s31;
	[sflag:s13] =	ssyncset.done $0x0  }
.LBB2_1:
0x3d: {  	p0 =	sne.s32 s18, $0x1;
	s18 =	sadd.s32 $0xFFFFFFFF, s18;
	[sflag:s13] =	ssyncadd.s32 $0xFFFF4000  }
0x3e: {  	[tilespmem:s2], [sflag:$0x3] =	stream.linear.gather [hbm4b:s3+s2], $0x180, $0x38;
	[tilespmem:$0x18300] =	vst v63  }
0x3f: {  	_ =	swait.ge [sflag:s4], $0x180  }
0x40: {  	[sflag:s4] =	ssyncset.done $0x0  }
0x41: {  	[sflag:s4] =	ssyncadd.s32 $0xFFFFFE80  }
0x42: {  	[tilespmem:s7], [sflag:$0x1] =	stream.indirect.gather [hbm4b:s5+s6], $0x80, s2, s6, $0xb8;
	[tilespmem:$0x18300] =	vst v63  }
0x43: {  	_ = 	snop  }
0x44: {  	[tilespmem:s6], [sflag:$0x3] =	stream.linear.gather [hbm4b:s8+s2], $0x180, $0x38;
	[tilespmem:$0x18300] =	vst v63  }
0x45: {  	_ =	swait.ge [sflag:s4], $0x180  }
0x46: {  	[sflag:s4] =	ssyncset.done $0x0  }
0x47: {  	[sflag:s4] =	ssyncadd.s32 $0xFFFFFE80  }
0x48: {  	_ =	swait.ge [sflag:s9], $0xC000  }
0x49: {  	[sflag:s9] =	ssyncset.done $0x0  }
0x4a: {  	[sflag:s9] =	ssyncadd.s32 $0xFFFF4000  }
0x4b: {  	[tilespmem:s10], [sflag:$0x1] =	stream.indirect.gather [hbm4b:s5+s6], $0x80, s6, s6, $0xb8;
	[tilespmem:$0x18300] =	vst v63  }
0x4c: {  	_ = 	snop  }
0x4d: {  	[hbm4b:s11+s2] =	stream.linear.scatter [tilespmem:s7], [sflag:$0x2], $0xC000, $0x38;
	[tilespmem:$0x18300] =	vst v63  }
0x4e: {  	_ = 	snop  }
0x4f: {  	[tilespmem:s2], [sflag:$0x3] =	stream.linear.gather [hbm4b:s12+s2], $0x180, $0x38;
	[tilespmem:$0x18300] =	vst v63  }
0x50: {  	_ =	swait.ge [sflag:s4], $0x180  }
0x51: {  	[sflag:s4] =	ssyncset.done $0x0  }
0x52: {  	[sflag:s4] =	ssyncadd.s32 $0xFFFFFE80  }
0x53: {  	_ =	swait.ge [sflag:s9], $0xC000  }
0x54: {  	[sflag:s9] =	ssyncset.done $0x0  }
0x55: {  	[sflag:s9] =	ssyncadd.s32 $0xFFFF4000  }
0x56: {  	_ =	swait.ge [sflag:s13], $0xC000  }
0x57: {  	[sflag:s13] =	ssyncset.done $0x0  }
0x58: {  	[sflag:s13] =	ssyncadd.s32 $0xFFFF4000  }
0x59: {  	[tilespmem:s7], [sflag:$0x1] =	stream.indirect.gather [hbm4b:s5+s6], $0x80, s2, s6, $0xb8;
	[tilespmem:$0x18300] =	vst v63  }
0x5a: {  	_ = 	snop  }
0x5b: {  	[hbm4b:s14+s2] =	stream.linear.scatter [tilespmem:s10], [sflag:$0x2], $0xC000, $0x38;
	[tilespmem:$0x18300] =	vst v63  }
0x5c: {  	_ = 	snop  }
0x5d: {  	[tilespmem:s6], [sflag:$0x3] =	stream.linear.gather [hbm4b:s15+s2], $0x180, $0x38;
	[tilespmem:$0x18300] =	vst v63  }
0x5e: {  	_ =	swait.ge [sflag:s4], $0x180  }
0x5f: {  	[sflag:s4] =	ssyncset.done $0x0  }
0x60: {  	[sflag:s4] =	ssyncadd.s32 $0xFFFFFE80  }
0x61: {  	_ =	swait.ge [sflag:s9], $0xC000  }
0x62: {  	[sflag:s9] =	ssyncset.done $0x0  }
0x63: {  	[sflag:s9] =	ssyncadd.s32 $0xFFFF4000  }
0x64: {  	_ =	swait.ge [sflag:s13], $0xC000  }
0x65: {  	[sflag:s13] =	ssyncset.done $0x0  }
0x66: {  	[sflag:s13] =	ssyncadd.s32 $0xFFFF4000  }
0x67: {  	[tilespmem:s10], [sflag:$0x1] =	stream.indirect.gather [hbm4b:s5+s6], $0x80, s6, s6, $0xb8;
	[tilespmem:$0x18300] =	vst v63  }
0x68: {  	_ = 	snop  }
0x69: {  	[hbm4b:s16+s2] =	stream.linear.scatter [tilespmem:s7], [sflag:$0x2], $0xC000, $0x38;
	[tilespmem:$0x18300] =	vst v63  }
0x6a: {  	_ =	swait.ge [sflag:s9], $0xC000  }
0x6b: {  	[sflag:s9] =	ssyncset.done $0x0  }
0x6c: {  	[sflag:s9] =	ssyncadd.s32 $0xFFFF4000  }
0x6d: {  	_ =	swait.ge [sflag:s13], $0xC000  }
.Ltmp1:
0x6e: {  	[sflag:s13] =	ssyncset.done $0x0;
	(pc) =	sbr.rel @p0 .LBB2_1-.Ltmp1, $4  }
0x6f: {  	[sflag:s13] =	ssyncadd.s32 $0xFFFF4000  }
0x70: {  	[hbm4b:s17+s2] =	stream.linear.scatter [tilespmem:s10], [sflag:$0x2], $0xC000, $0x38;
	[tilespmem:$0x18300] =	vst v63  }
0x71: {  	_ =	swait.ge [sflag:s13], $0xC000  }
0x72: {  	[sflag:s13] =	ssyncset.done $0x0  }
.LBB2_2:
0x73: {  	[sflag:s13] =	ssyncadd.s32 $0xFFFF4000  }
0x74: {  	_ =	sfence.sel $0x180000  }
0x75: {  	[bflag:$0x0] =	sbarrier.arrive $0xFFFF  }
0x76: {  	p0 =	sne.s32 s0, $0x0;
	_ =	strace $0x9000004D  }
0x77: {  	s0 =	sadd.s32 @!p0 $0x100000, s1;
	[bflag:$0x2] =	sbarrier.arrive $0xFFFF  }
0x78: {  	[sflag:s0] =	ssyncadd.tile.s32 @!p0 $0x1;
	_ =	shalt  }
.Lfunc_end2:
_tile_overlayer_lowered:
.L_overlay_start_2:
0x79: {  	(tag) =	ssettag $0x2  }
0x7a: {  	s0 =	rddreg [dreg:$0x0];
	s2 =	stileid.u32  }
0x7b: {  	s1 =	rddreg [dreg:$0x1];
	p0 =	sne.s32 s2, $0x0  }
0x7c: {  	s3 =	rddreg [dreg:$0x2];
	[bflag:$0x3] =	sbarrier.arrive $0xFFFF;
	s2 =	simm.s32 @!p0 $0x1C03  }
0x7d: {  	[timem:s3], [sflag:s2] =	dma.local @!p0 [hbm:s0], s1  }
0x7e: {  	s0 =	simm.s32 @!p0 $0x3  }
0x7f: {  	_ =	swait.ge @!p0 [sflag:s0], s1  }
0x80: {  	s1 =	ssub.s32 @!p0 $0x0, s1;
	[sflag:s0] =	ssyncset.done @!p0 $0x0  }
0x81: {  	[sflag:s0] =	ssyncadd.s32 @!p0 s1  }
0x82: {  	[bflag:$0x3] =	sbarrier.arrive $0xFFFF  }
0x83: {  	_ =	shalt  }

// kernel: kernel.19.cloned.1.call-start
scs
__scs_entry_jumppad:
0x0: {  	(pc) =	sbr.rel $0x88, $3  }
0x1: {  	(tag) =	ssettag $0x0;
	lr =	simm.s32 $0x1  }
0x2: {  	[smem:$0x3F8D] =	sst lr;
	_ =	strace $0xD0000000  }
0x3: {  	_ = 	snop  }
0x4: {  	_ = 	snop  }
0x5: {  	_ = 	snop  }
0x6: {  	_ = 	snop  }
0x7: {  	_ = 	snop  }
__scs_overlays_trampoline_lowered:
0x8: {  	[smem:$0x3F9C] =	sst s0  }
0x9: {  	[smem:$0x3F9D] =	sst s1  }
0xa: {  	[smem:$0x3F9E] =	sst s2  }
0xb: {  	[smem:$0x3F9F] =	sst s3  }
0xc: {  	[smem:$0x3FA0] =	sst s4  }
0xd: {  	[smem:$0x3FA1] =	sst s5  }
0xe: {  	[smem:$0x3FA2] =	sst s6  }
0xf: {  	[smem:$0x3FA3] =	sst s7  }
0x10: {  	[smem:$0x3FA4] =	sst s8  }
0x11: {  	[smem:$0x3FA5] =	sst s9;
	s0 =	simm.s32 @!p0 $0x0  }
0x12: {  	s1 =	sld [smem:$0x3F8B];
	s0 =	simm.s32 @p0 $0x1  }
0x13: {  	[smem:$0x3FA6] =	sst s0;
	s0 =	simm.s32 @!p1 $0x0  }
0x14: {  	s2 =	sld [smem:$0x3F8A];
	s0 =	simm.s32 @p1 $0x1  }
0x15: {  	[smem:$0x3FA7] =	sst s0;
	s0 =	simm.s32 @!p2 $0x0  }
0x16: {  	s3 =	sld [smem:$0x3FDB];
	s0 =	simm.s32 @p2 $0x1  }
0x17: {  	s4 =	simm.s32 $0x1BF5;
	[smem:$0x3FA9] =	sst s0  }
0x18: {  	s0 =	sld [smem:$0x3F8C];
	_ =	swait.ge [sflag:s4], $0x0  }
0x19: {  	s7 =	sld [smem:$0x3F8D]  }
0x1a: {  	s8 =	sadd.s32 $0xFFFFE003, lr  }
0x1b: {  	s9 =	sadd.s32 $0xFFFFFEF7, lr;
	s5 =	simm.s32 $0xFFFFFFFF;
	p2 =	slt.u32 s8, $0xFFFFF086  }
0x1c: {  	p1 =	slt.u32 s9, $0xF7A;
	s5 =	simm.s32 @!p2 $0x0  }
0x1d: {  	s5 =	simm.s32 @p1 $0x1;
	p0 =	seq.s32 s7, s2  }
0x1e: {  	s7 =	smul.u32 @!p0 $0xF7A, s2;
	p2 =	seq.s32 @!p0 s5, $0x0  }
0x1f: {  	s9 =	smul.u32 $0xF7A, s1;
	s8 =	simm.s32 @!p0 $0x1BF5;
	p2 =	por !p2, p0  }
0x20: {  	[sflag:s8] =	ssyncset.s32 @!p0 $0xFFFFF086;
	s6 =	sadd.s32 @!p0 s3, s7;
	s7 =	simm.s32 @!p0 $0x108  }
0x21: {  	s3 =	sadd.s32 s3, s9;
	s6 =	sadd.s32 @!p0 $0x88, s6;
	s7 =	simm.s32 @p2 $0x1082  }
0x22: {  	[simem:s7], [sflag:s8] =	dma.local @!p0 [hbm:s6], $0xF7A  }
0x23: {  	s9 =	sor.u32 $0xD0000000, s2;
	s6 =	simm.s32 $0x108;
	_ =	swait.ge @!p0 [sflag:s8], $0x0  }
0x24: {  	s3 =	sadd.s32 $0x88, s3;
	s6 =	simm.s32 @!p1 $0x1082;
	[sflag:s4] =	ssyncset.s32 $0xFFFFF086  }
0x25: {  	[simem:s6], [sflag:s4] =	dma.local [hbm:s3], $0xF7A  }
0x26: {  	[smem:$0x3F8D] =	sst s1;
	(tag) =	ssettag s2;
	_ =	strace s9  }
0x27: {  	s1 =	sld [smem:$0x3F9D]  }
0x28: {  	s2 =	sld [smem:$0x3F9E]  }
0x29: {  	s4 =	sld [smem:$0x3FA0]  }
0x2a: {  	p0 =	seq.s32 s5, $0x0;
	s5 =	sld [smem:$0x3FA1]  }
0x2b: {  	s6 =	sld [smem:$0x3FA2]  }
0x2c: {  	s7 =	sld [smem:$0x3FA3]  }
0x2d: {  	s3 =	simm.s32 $0x108;
	s8 =	sld [smem:$0x3FA4]  }
0x2e: {  	s3 =	simm.s32 @!p0 $0x1082;
	s9 =	sld [smem:$0x3FA5]  }
0x2f: {  	lr =	sadd.s32 s0, s3;
	s0 =	sld [smem:$0x3F9C]  }
0x30: {  	s3 =	sld [smem:$0x3F9F]  }
0x31: {  	[smem:$0x3FA8] =	sst s10  }
0x32: {  	s10 =	sld [smem:$0x3FA6];
	_ =	sdelay $0x3  }
0x33: {  	p0 =	seq.s32 s10, $0x1;
	s10 =	sld [smem:$0x3FA8];
	_ =	sdelay $0x3  }
0x34: {  	[smem:$0x3FA8] =	sst s10  }
0x35: {  	s10 =	sld [smem:$0x3FA7];
	_ =	sdelay $0x3  }
0x36: {  	p1 =	seq.s32 s10, $0x1;
	s10 =	sld [smem:$0x3FA8];
	_ =	sdelay $0x3  }
0x37: {  	[smem:$0x3FA8] =	sst s10  }
0x38: {  	s10 =	sld [smem:$0x3FA9]  }
0x39: {  	_ = 	snop;
	(pc) =	sbr.ind lr, $3  }
0x3a: {  	_ = 	snop  }
0x3b: {  	_ = 	snop  }
0x3c: {  	p2 =	seq.s32 s10, $0x1;
	s10 =	sld [smem:$0x3FA8]  }
0x3d: {  	_ =	shalt  }
0x3e: {  	_ =	shalt  }
0x3f: {  	_ =	shalt  }
0x40: {  	_ =	shalt  }
0x41: {  	_ =	shalt  }
0x42: {  	_ =	shalt  }
0x43: {  	_ =	shalt  }
0x44: {  	_ =	shalt  }
0x45: {  	_ =	shalt  }
0x46: {  	_ =	shalt  }
0x47: {  	_ =	shalt  }
0x48: {  	_ =	shalt  }
0x49: {  	_ =	shalt  }
0x4a: {  	_ =	shalt  }
0x4b: {  	_ =	shalt  }
0x4c: {  	_ =	shalt  }
0x4d: {  	_ =	shalt  }
0x4e: {  	_ =	shalt  }
0x4f: {  	_ =	shalt  }
0x50: {  	_ =	shalt  }
0x51: {  	_ =	shalt  }
0x52: {  	_ =	shalt  }
0x53: {  	_ =	shalt  }
0x54: {  	_ =	shalt  }
0x55: {  	_ =	shalt  }
0x56: {  	_ =	shalt  }
0x57: {  	_ =	shalt  }
0x58: {  	_ =	shalt  }
0x59: {  	_ =	shalt  }
0x5a: {  	_ =	shalt  }
0x5b: {  	_ =	shalt  }
0x5c: {  	_ =	shalt  }
0x5d: {  	_ =	shalt  }
0x5e: {  	_ =	shalt  }
0x5f: {  	_ =	shalt  }
0x60: {  	_ =	shalt  }
0x61: {  	_ =	shalt  }
0x62: {  	_ =	shalt  }
0x63: {  	_ =	shalt  }
0x64: {  	_ =	shalt  }
0x65: {  	_ =	shalt  }
0x66: {  	_ =	shalt  }
0x67: {  	_ =	shalt  }
0x68: {  	_ =	shalt  }
0x69: {  	_ =	shalt  }
0x6a: {  	_ =	shalt  }
0x6b: {  	_ =	shalt  }
0x6c: {  	_ =	shalt  }
0x6d: {  	_ =	shalt  }
0x6e: {  	_ =	shalt  }
0x6f: {  	_ =	shalt  }
0x70: {  	_ =	shalt  }
0x71: {  	_ =	shalt  }
0x72: {  	_ =	shalt  }
0x73: {  	_ =	shalt  }
0x74: {  	_ =	shalt  }
0x75: {  	_ =	shalt  }
0x76: {  	_ =	shalt  }
0x77: {  	_ =	shalt  }
0x78: {  	_ =	shalt  }
0x79: {  	_ =	shalt  }
0x7a: {  	_ =	shalt  }
0x7b: {  	_ =	shalt  }
0x7c: {  	_ =	shalt  }
0x7d: {  	_ =	shalt  }
0x7e: {  	_ =	shalt  }
0x7f: {  	_ =	shalt  }
0x80: {  	_ =	shalt  }
0x81: {  	_ =	shalt  }
0x82: {  	_ =	shalt  }
0x83: {  	_ =	shalt  }
0x84: {  	_ =	shalt  }
0x85: {  	_ =	shalt  }
0x86: {  	_ =	shalt  }
0x87: {  	_ =	shalt  }
.Lfunc_end0:
.L_simem_size_0:
called_computation.2_lowered:
.L_overlay_start_0:
0x88: {  	s2 =	sld [smem:$0x3FD9]  }
0x89: {  	s3 =	sld [smem:$0x3FFE];
	_ =	sdelay $0x1  }
0x8a: {  	s1 =	srdreg.scid  }
0x8b: {  	s0 =	sand.u32 $0x1, s1  }
0x8c: {  	s17 =	sshll.u32 s0, $0xA;
	s2 =	sadd.s32 s3, s2  }
0x8d: {  	s2 =	sadd.s32 s2, s17  }
0x8e: {  	[smem:$0x3FB4] =	sst s2  }
0x8f: {  	_ = 	snop  }
0x90: {  	s18 =	sld [smem:$0x3FD0];
	(tm) =	ssettm $0x1  }
0x91: {  	s19 =	sld [smem:$0x3FFB];
	_ =	sdelay $0x3  }
0x92: {  	_ =	strace s19  }
0x93: {  	s2 =	sld [smem:$0x3FFC];
	_ =	sdelay $0x3  }
0x94: {  	_ =	strace s2  }
0x95: {  	s2 =	sld [smem:$0x3FFD];
	_ =	sdelay $0x3  }
0x96: {  	_ =	strace s2  }
0x97: {  	_ =	strace $0x8FFFFFFF  }
0x98: {  	s20 =	sld [smem:$0x3FDB];
	_ =	sdelay $0x1  }
0x99: {  	s4 =	simm.s32 $_scs_section_size  }
0x9a: {  	s5 =	simm.s32 $_size__tile_overlayer_lowered;
	s6 =	simm.s32 $_tile_overlayer_lowered  }
0x9b: {  	s7 =	simm.s32 $0x1BFF;
	s21 =	sshll.u32 s6, $0x1;
	s4 =	sadd.s32 s4, s20  }
0x9c: {  	s22 =	simm.s32 $0x0;
	s5 =	sshll.u32 s5, $0x1;
	s6 =	sadd.s32 s21, s4  }
0x9d: {  	[timem:s22], [sflag:s7] =	dma.local [hbm:s6], s5  }
0x9e: {  	_ =	swait.ge [sflag:s7], s5  }
0x9f: {  	s5 =	ssub.s32 $0x0, s5;
	[sflag:s7] =	ssyncset.done $0x0  }
0xa0: {  	[sflag:s7] =	ssyncadd.s32 s5;
	_ =	sdelay $0x1  }
0xa1: {  	s23 =	simm.s32 $0x1B8B  }
0xa2: {  	_ =	swait.ge [sflag:s23], $0x1  }
0xa3: {  	[sflag:s23] =	ssyncset.done $0x0  }
0xa4: {  	[sflag:s23] =	ssyncadd.s32 $0xFFFFFFFF  }
0xa5: {  	s5 =	sld [smem:$0x0]  }
0xa6: {  	s6 =	sand.u32 $0xFFFFFFFE, s1  }
0xa7: {  	p0 =	sne.s32 s1, s6  }
0xa8: {  	s6 =	sshll.u32 @p0 s6, $0xE  }
0xa9: {  	s6 =	sadd.s32 @p0 $0x11B8D, s6;
	s7 =	sshll.u32 @p0 s5, $0x11  }
0xaa: {  	s6 =	sor.u32 @p0 s7, s6  }
0xab: {  	[sflag:s6] =	ssyncadd.remote.s32 @p0 $0x1;
	_ =	sdelay $0x1  }
0xac: {  	s6 =	simm.s32 @p0 $0x1B8D  }
0xad: {  	_ =	swait.eq @p0 [sflag:s6], $0x1  }
0xae: {  	[sflag:s6] =	ssyncadd.s32 @p0 $0xFFFFFFFF  }
0xaf: {  	s7 =	sshll.u32 @!p0 s1, $0xE  }
0xb0: {  	s7 =	sor.u32 @!p0 $0x4000, s7;
	s6 =	simm.s32 @!p0 $0x1B8D  }
0xb1: {  	s5 =	sshll.u32 @!p0 s5, $0x11;
	s7 =	sadd.s32 @!p0 $0x11B8D, s7;
	_ =	swait.eq @!p0 [sflag:s6], $0x1  }
0xb2: {  	s5 =	sor.u32 @!p0 s5, s7;
	[sflag:s6] =	ssyncadd.s32 @!p0 $0xFFFFFFFF  }
0xb3: {  	s25 =	simm.s32 $0x1B8E;
	s24 =	sld [smem:$0x3FFE];
	[sflag:s5] =	ssyncadd.remote.s32 @!p0 $0x1  }
0xb4: {  	s26 =	simm.s32 $execute0_lowered;
	[smem:$0x3FD2] =	sst s25  }
0xb5: {  	s6 =	sshll.u32 s26, $0x1;
	_ =	strace $0x80000049;
	[dreg:$0x1] =	wrdreg $0xFFFFFFFF  }
0xb6: {  	s28 =	simm.s32 $_size_execute0_lowered;
	s4 =	sadd.s32 s4, s6;
	[dreg:$0x0] =	wrdreg $0x0  }
0xb7: {  	s6 =	sshll.u32 s28, $0x1;
	[dreg:$0x2] =	wrdreg s4  }
0xb8: {  	[dreg:$0x3] =	wrdreg s6  }
0xb9: {  	[dreg:$0x4] =	wrdreg $0xC0  }
0xba: {  	_ =	task [dreg:s22], $0x5FFFF  }
0xbb: {  	[dreg:$0x1] =	wrdreg $0xFFFFFFFF  }
0xbc: {  	[dreg:$0x0] =	wrdreg $0x60  }
0xbd: {  	[dreg:$0x2] =	wrdreg s18  }
0xbe: {  	[dreg:$0x3] =	wrdreg s24  }
0xbf: {  	[dreg:$0x4] =	wrdreg $0xA  }
0xc0: {  	_ =	task.clear_ibuf [dreg:s22], $0x5FFFF;
	_ =	strace $0x90000049  }
0xc1: {  	s29 =	simm.s32 $0xA;
	_ =	strace $0x8000004B  }
0xc2: {  	_ =	swait.ge [sflag:s29], $0x1  }
0xc3: {  	[sflag:s29] =	ssyncadd.s32 $0xFFFFFFFF  }
0xc4: {  	_ =	strace $0x9000004B  }
0xc5: {  	_ =	sfence  }
0xc6: {  	s30 =	sld [smem:$0x0];
	_ =	sdelay $0x2  }
0xc7: {  	s31 =	sshll.u32 s1, $0xD;
	s1 =	sshrl.u32 s1, $0x2  }
0xc8: {  	s4 =	sand.u32 $0x4000, s31;
	s1 =	sadd.s32 s1, s30  }
0xc9: {  	s0 =	sor.u32 s4, s0;
	s1 =	sshll.u32 s1, $0x11  }
0xca: {  	s0 =	sor.u32 s1, s0  }
0xcb: {  	s0 =	sadd.s32 $0x8F2B, s0  }
0xcc: {  	[sflag:s0] =	ssyncadd.remote.s32 $0x1  }
0xcd: {  	_ =	sfence.sel $0xFFFF  }
0xce: {  	[dreg:$0x0] =	wrdreg $0xFFFFFFFF;
	(pc) =	sbr.abs _section_cstart, $3  }
0xcf: {  	[dreg:$0x1] =	wrdreg $0xFFFFFFFF  }
0xd0: {  	_ =	task.clear_ibuf [dreg:s22], $0x2FFFF;
	_ =	strace $0x9FFFFFFF  }
0xd1: {  	(tm) =	ssettm $0x7FFFFFFF  }
tec
execute0_lowered:
.L_overlay_start_1:
0x0: {  	(tag) =	ssettag $0x1  }
0x1: {  	s1 =	srdreg.scid;
	s0 =	stileid.u32  }
0x2: {  	s17 =	sand.u32 $0x1, s1;
	s30 =	sshll.u32 s0, $0x1  }
0x3: {  	s16 =	sor.u32 s17, s30  }
0x4: {  	s4 =	smul.u32 $0x600, s16  }
0x5: {  	s2 =	rddreg [dreg:$0x0]  }
0x6: {  	s10 =	rddreg [dreg:$0x1];
	s3 =	simm.s32 $0x0;
	s4 =	sshrl.u32 s4, $0x3  }
0x7: {  	s5 =	simm.s32 $0x3;
	[smem:$0x7FF] =	sst s3;
	s15 =	sadd.s32 s4, s10  }
0x8: {  	s1 =	rddreg [dreg:$0x2];
	_ =	strace $0x8000004A;
	s4 =	sadd.s32 $0x1EA00, s15  }
0x9: {  	[tilespmem:s3], [sflag:$0x3] =	stream.linear.gather [hbm4b:s4+s3], $0x180, $0x38;
	[tilespmem:$0x18300] =	vst v63  }
0xa: {  	_ =	swait.ge [sflag:s5], $0x180  }
0xb: {  	[sflag:s5] =	ssyncset.done $0x0  }
0xc: {  	s6 =	simm.s32 $0x180;
	s7 =	simm.s32 $0x300;
	[sflag:s5] =	ssyncadd.s32 $0xFFFFFE80  }
0xd: {  	[tilespmem:s7], [sflag:$0x1] =	stream.indirect.gather [hbm4b:s2+s6], $0x80, s3, s6, $0xb8;
	[tilespmem:$0x18300] =	vst v63  }
0xe: {  	s8 =	sadd.s32 $0x1EA30, s15  }
0xf: {  	[tilespmem:s6], [sflag:$0x3] =	stream.linear.gather [hbm4b:s8+s3], $0x180, $0x38;
	[tilespmem:$0x18300] =	vst v63  }
0x10: {  	_ =	swait.ge [sflag:s5], $0x180  }
0x11: {  	[sflag:s5] =	ssyncset.done $0x0  }
0x12: {  	s9 =	simm.s32 $0x1;
	[sflag:s5] =	ssyncadd.s32 $0xFFFFFE80  }
0x13: {  	_ =	swait.ge [sflag:s9], $0xC000  }
0x14: {  	s18 =	sadd.s32 $0x110200, s10;
	[sflag:s9] =	ssyncset.done $0x0  }
0x15: {  	s11 =	smul.u32 $0x6000, s16;
	s10 =	simm.s32 $0xC300;
	[sflag:s9] =	ssyncadd.s32 $0xFFFF4000  }
0x16: {  	[tilespmem:s10], [sflag:$0x1] =	stream.indirect.gather [hbm4b:s2+s6], $0x80, s6, s6, $0xb8;
	[tilespmem:$0x18300] =	vst v63  }
0x17: {  	s11 =	sadd.s32 s18, s11  }
0x18: {  	[hbm4b:s11+s3] =	stream.linear.scatter [tilespmem:s7], [sflag:$0x2], $0xC000, $0x38;
	[tilespmem:$0x18300] =	vst v63  }
0x19: {  	s12 =	sadd.s32 $0x1EA60, s15  }
0x1a: {  	[tilespmem:s3], [sflag:$0x3] =	stream.linear.gather [hbm4b:s12+s3], $0x180, $0x38;
	[tilespmem:$0x18300] =	vst v63  }
0x1b: {  	_ =	swait.ge [sflag:s5], $0x180  }
0x1c: {  	[sflag:s5] =	ssyncset.done $0x0  }
0x1d: {  	[sflag:s5] =	ssyncadd.s32 $0xFFFFFE80  }
0x1e: {  	_ =	swait.ge [sflag:s9], $0xC000  }
0x1f: {  	[sflag:s9] =	ssyncset.done $0x0  }
0x20: {  	s13 =	simm.s32 $0x2;
	[sflag:s9] =	ssyncadd.s32 $0xFFFF4000  }
0x21: {  	_ =	swait.ge [sflag:s13], $0xC000  }
0x22: {  	[sflag:s13] =	ssyncset.done $0x0  }
0x23: {  	[sflag:s13] =	ssyncadd.s32 $0xFFFF4000  }
0x24: {  	[tilespmem:s7], [sflag:$0x1] =	stream.indirect.gather [hbm4b:s2+s6], $0x80, s3, s6, $0xb8;
	[tilespmem:$0x18300] =	vst v63  }
0x25: {  	s14 =	sadd.s32 $0x1800, s11  }
0x26: {  	[hbm4b:s14+s3] =	stream.linear.scatter [tilespmem:s10], [sflag:$0x2], $0xC000, $0x38;
	[tilespmem:$0x18300] =	vst v63  }
0x27: {  	s15 =	sadd.s32 $0x1EA90, s15  }
0x28: {  	[tilespmem:s6], [sflag:$0x3] =	stream.linear.gather [hbm4b:s15+s3], $0x180, $0x38;
	[tilespmem:$0x18300] =	vst v63  }
0x29: {  	_ =	swait.ge [sflag:s5], $0x180  }
0x2a: {  	[sflag:s5] =	ssyncset.done $0x0  }
0x2b: {  	[sflag:s5] =	ssyncadd.s32 $0xFFFFFE80  }
0x2c: {  	_ =	swait.ge [sflag:s9], $0xC000  }
0x2d: {  	[sflag:s9] =	ssyncset.done $0x0  }
0x2e: {  	s16 =	smul.u32 $0x30000, s16;
	[sflag:s9] =	ssyncadd.s32 $0xFFFF4000  }
0x2f: {  	_ =	swait.ge [sflag:s13], $0xC000  }
0x30: {  	s16 =	sshrl.u32 s16, $0x3;
	[sflag:s13] =	ssyncset.done $0x0  }
0x31: {  	s18 =	sadd.s32 s18, s16;
	[sflag:s13] =	ssyncadd.s32 $0xFFFF4000  }
0x32: {  	[tilespmem:s10], [sflag:$0x1] =	stream.indirect.gather [hbm4b:s2+s6], $0x80, s6, s6, $0xb8;
	[tilespmem:$0x18300] =	vst v63  }
0x33: {  	s17 =	ssub.s32 $0x2, s17;
	s16 =	sadd.s32 $0x3000, s18  }
0x34: {  	[hbm4b:s16+s3] =	stream.linear.scatter [tilespmem:s7], [sflag:$0x2], $0xC000, $0x38;
	[tilespmem:$0x18300] =	vst v63  }
0x35: {  	s19 =	sshrl.u32 s17, $0x1;
	_ =	swait.ge [sflag:s9], $0xC000  }
0x36: {  	s19 =	ssub.s32 s17, s19;
	[sflag:s9] =	ssyncset.done $0x0  }
0x37: {  	s31 =	smax.u32 s19, $0x1;
	[sflag:s9] =	ssyncadd.s32 $0xFFFF4000  }
0x38: {  	p0 =	sne.s32 s31, $0x1;
	_ =	swait.ge [sflag:s13], $0xC000  }
.Ltmp0:
0x39: {  	[sflag:s13] =	ssyncset.done $0x0;
	(pc) =	sbr.rel @!p0 .LBB2_2-.Ltmp0, $4  }
0x3a: {  	s17 =	sadd.s32 $0x4800, s18;
	[sflag:s13] =	ssyncadd.s32 $0xFFFF4000  }
0x3b: {  	[hbm4b:s17+s3] =	stream.linear.scatter [tilespmem:s10], [sflag:$0x2], $0xC000, $0x38;
	[tilespmem:$0x18300] =	vst v63  }
0x3c: {  	_ =	swait.ge [sflag:s13], $0xC000  }
0x3d: {  	s18 =	sadd.s32 $0xFFFFFFFF, s31;
	[sflag:s13] =	ssyncset.done $0x0  }
.LBB2_1:
0x3e: {  	p0 =	sne.s32 s18, $0x1;
	s18 =	sadd.s32 $0xFFFFFFFF, s18;
	[sflag:s13] =	ssyncadd.s32 $0xFFFF4000  }
0x3f: {  	[tilespmem:s3], [sflag:$0x3] =	stream.linear.gather [hbm4b:s4+s3], $0x180, $0x38;
	[tilespmem:$0x18300] =	vst v63  }
0x40: {  	_ =	swait.ge [sflag:s5], $0x180  }
0x41: {  	[sflag:s5] =	ssyncset.done $0x0  }
0x42: {  	[sflag:s5] =	ssyncadd.s32 $0xFFFFFE80  }
0x43: {  	[tilespmem:s7], [sflag:$0x1] =	stream.indirect.gather [hbm4b:s2+s6], $0x80, s3, s6, $0xb8;
	[tilespmem:$0x18300] =	vst v63  }
0x44: {  	_ = 	snop  }
0x45: {  	[tilespmem:s6], [sflag:$0x3] =	stream.linear.gather [hbm4b:s8+s3], $0x180, $0x38;
	[tilespmem:$0x18300] =	vst v63  }
0x46: {  	_ =	swait.ge [sflag:s5], $0x180  }
0x47: {  	[sflag:s5] =	ssyncset.done $0x0  }
0x48: {  	[sflag:s5] =	ssyncadd.s32 $0xFFFFFE80  }
0x49: {  	_ =	swait.ge [sflag:s9], $0xC000  }
0x4a: {  	[sflag:s9] =	ssyncset.done $0x0  }
0x4b: {  	[sflag:s9] =	ssyncadd.s32 $0xFFFF4000  }
0x4c: {  	[tilespmem:s10], [sflag:$0x1] =	stream.indirect.gather [hbm4b:s2+s6], $0x80, s6, s6, $0xb8;
	[tilespmem:$0x18300] =	vst v63  }
0x4d: {  	_ = 	snop  }
0x4e: {  	[hbm4b:s11+s3] =	stream.linear.scatter [tilespmem:s7], [sflag:$0x2], $0xC000, $0x38;
	[tilespmem:$0x18300] =	vst v63  }
0x4f: {  	_ = 	snop  }
0x50: {  	[tilespmem:s3], [sflag:$0x3] =	stream.linear.gather [hbm4b:s12+s3], $0x180, $0x38;
	[tilespmem:$0x18300] =	vst v63  }
0x51: {  	_ =	swait.ge [sflag:s5], $0x180  }
0x52: {  	[sflag:s5] =	ssyncset.done $0x0  }
0x53: {  	[sflag:s5] =	ssyncadd.s32 $0xFFFFFE80  }
0x54: {  	_ =	swait.ge [sflag:s9], $0xC000  }
0x55: {  	[sflag:s9] =	ssyncset.done $0x0  }
0x56: {  	[sflag:s9] =	ssyncadd.s32 $0xFFFF4000  }
0x57: {  	_ =	swait.ge [sflag:s13], $0xC000  }
0x58: {  	[sflag:s13] =	ssyncset.done $0x0  }
0x59: {  	[sflag:s13] =	ssyncadd.s32 $0xFFFF4000  }
0x5a: {  	[tilespmem:s7], [sflag:$0x1] =	stream.indirect.gather [hbm4b:s2+s6], $0x80, s3, s6, $0xb8;
	[tilespmem:$0x18300] =	vst v63  }
0x5b: {  	_ = 	snop  }
0x5c: {  	[hbm4b:s14+s3] =	stream.linear.scatter [tilespmem:s10], [sflag:$0x2], $0xC000, $0x38;
	[tilespmem:$0x18300] =	vst v63  }
0x5d: {  	_ = 	snop  }
0x5e: {  	[tilespmem:s6], [sflag:$0x3] =	stream.linear.gather [hbm4b:s15+s3], $0x180, $0x38;
	[tilespmem:$0x18300] =	vst v63  }
0x5f: {  	_ =	swait.ge [sflag:s5], $0x180  }
0x60: {  	[sflag:s5] =	ssyncset.done $0x0  }
0x61: {  	[sflag:s5] =	ssyncadd.s32 $0xFFFFFE80  }
0x62: {  	_ =	swait.ge [sflag:s9], $0xC000  }
0x63: {  	[sflag:s9] =	ssyncset.done $0x0  }
0x64: {  	[sflag:s9] =	ssyncadd.s32 $0xFFFF4000  }
0x65: {  	_ =	swait.ge [sflag:s13], $0xC000  }
0x66: {  	[sflag:s13] =	ssyncset.done $0x0  }
0x67: {  	[sflag:s13] =	ssyncadd.s32 $0xFFFF4000  }
0x68: {  	[tilespmem:s10], [sflag:$0x1] =	stream.indirect.gather [hbm4b:s2+s6], $0x80, s6, s6, $0xb8;
	[tilespmem:$0x18300] =	vst v63  }
0x69: {  	_ = 	snop  }
0x6a: {  	[hbm4b:s16+s3] =	stream.linear.scatter [tilespmem:s7], [sflag:$0x2], $0xC000, $0x38;
	[tilespmem:$0x18300] =	vst v63  }
0x6b: {  	_ =	swait.ge [sflag:s9], $0xC000  }
0x6c: {  	[sflag:s9] =	ssyncset.done $0x0  }
0x6d: {  	[sflag:s9] =	ssyncadd.s32 $0xFFFF4000  }
0x6e: {  	_ =	swait.ge [sflag:s13], $0xC000  }
.Ltmp1:
0x6f: {  	[sflag:s13] =	ssyncset.done $0x0;
	(pc) =	sbr.rel @p0 .LBB2_1-.Ltmp1, $4  }
0x70: {  	[sflag:s13] =	ssyncadd.s32 $0xFFFF4000  }
0x71: {  	[hbm4b:s17+s3] =	stream.linear.scatter [tilespmem:s10], [sflag:$0x2], $0xC000, $0x38;
	[tilespmem:$0x18300] =	vst v63  }
0x72: {  	_ =	swait.ge [sflag:s13], $0xC000  }
0x73: {  	[sflag:s13] =	ssyncset.done $0x0  }
.LBB2_2:
0x74: {  	[sflag:s13] =	ssyncadd.s32 $0xFFFF4000  }
0x75: {  	_ =	sfence.sel $0x180000  }
0x76: {  	[bflag:$0x0] =	sbarrier.arrive $0xFFFF  }
0x77: {  	p0 =	sne.s32 s0, $0x0;
	_ =	strace $0x9000004A  }
0x78: {  	s0 =	sadd.s32 @!p0 $0x100000, s1;
	[bflag:$0x2] =	sbarrier.arrive $0xFFFF  }
0x79: {  	[sflag:s0] =	ssyncadd.tile.s32 @!p0 $0x1;
	_ =	shalt  }
.Lfunc_end2:
_tile_overlayer_lowered:
.L_overlay_start_2:
0x7a: {  	(tag) =	ssettag $0x2  }
0x7b: {  	s0 =	rddreg [dreg:$0x0];
	s2 =	stileid.u32  }
0x7c: {  	s1 =	rddreg [dreg:$0x1];
	p0 =	sne.s32 s2, $0x0  }
0x7d: {  	s3 =	rddreg [dreg:$0x2];
	[bflag:$0x3] =	sbarrier.arrive $0xFFFF;
	s2 =	simm.s32 @!p0 $0x1C03  }
0x7e: {  	[timem:s3], [sflag:s2] =	dma.local @!p0 [hbm:s0], s1  }
0x7f: {  	s0 =	simm.s32 @!p0 $0x3  }
0x80: {  	_ =	swait.ge @!p0 [sflag:s0], s1  }
0x81: {  	s1 =	ssub.s32 @!p0 $0x0, s1;
	[sflag:s0] =	ssyncset.done @!p0 $0x0  }
0x82: {  	[sflag:s0] =	ssyncadd.s32 @!p0 s1  }
0x83: {  	[bflag:$0x3] =	sbarrier.arrive $0xFFFF  }
0x84: {  	_ =	shalt  }

// kernel: kernel.22.cloned.1.call-start
scs
__scs_entry_jumppad:
0x0: {  	(pc) =	sbr.rel $0x88, $3  }
0x1: {  	(tag) =	ssettag $0x0;
	lr =	simm.s32 $0x1  }
0x2: {  	[smem:$0x3F8D] =	sst lr;
	_ =	strace $0xD0000000  }
0x3: {  	_ = 	snop  }
0x4: {  	_ = 	snop  }
0x5: {  	_ = 	snop  }
0x6: {  	_ = 	snop  }
0x7: {  	_ = 	snop  }
__scs_overlays_trampoline_lowered:
0x8: {  	[smem:$0x3F9C] =	sst s0  }
0x9: {  	[smem:$0x3F9D] =	sst s1  }
0xa: {  	[smem:$0x3F9E] =	sst s2  }
0xb: {  	[smem:$0x3F9F] =	sst s3  }
0xc: {  	[smem:$0x3FA0] =	sst s4  }
0xd: {  	[smem:$0x3FA1] =	sst s5  }
0xe: {  	[smem:$0x3FA2] =	sst s6  }
0xf: {  	[smem:$0x3FA3] =	sst s7  }
0x10: {  	[smem:$0x3FA4] =	sst s8  }
0x11: {  	[smem:$0x3FA5] =	sst s9;
	s0 =	simm.s32 @!p0 $0x0  }
0x12: {  	s1 =	sld [smem:$0x3F8B];
	s0 =	simm.s32 @p0 $0x1  }
0x13: {  	[smem:$0x3FA6] =	sst s0;
	s0 =	simm.s32 @!p1 $0x0  }
0x14: {  	s2 =	sld [smem:$0x3F8A];
	s0 =	simm.s32 @p1 $0x1  }
0x15: {  	[smem:$0x3FA7] =	sst s0;
	s0 =	simm.s32 @!p2 $0x0  }
0x16: {  	s3 =	sld [smem:$0x3FDB];
	s0 =	simm.s32 @p2 $0x1  }
0x17: {  	s4 =	simm.s32 $0x1BF5;
	[smem:$0x3FA9] =	sst s0  }
0x18: {  	s0 =	sld [smem:$0x3F8C];
	_ =	swait.ge [sflag:s4], $0x0  }
0x19: {  	s7 =	sld [smem:$0x3F8D]  }
0x1a: {  	s8 =	sadd.s32 $0xFFFFE003, lr  }
0x1b: {  	s9 =	sadd.s32 $0xFFFFFEF7, lr;
	s5 =	simm.s32 $0xFFFFFFFF;
	p2 =	slt.u32 s8, $0xFFFFF086  }
0x1c: {  	p1 =	slt.u32 s9, $0xF7A;
	s5 =	simm.s32 @!p2 $0x0  }
0x1d: {  	s5 =	simm.s32 @p1 $0x1;
	p0 =	seq.s32 s7, s2  }
0x1e: {  	s7 =	smul.u32 @!p0 $0xF7A, s2;
	p2 =	seq.s32 @!p0 s5, $0x0  }
0x1f: {  	s9 =	smul.u32 $0xF7A, s1;
	s8 =	simm.s32 @!p0 $0x1BF5;
	p2 =	por !p2, p0  }
0x20: {  	[sflag:s8] =	ssyncset.s32 @!p0 $0xFFFFF086;
	s6 =	sadd.s32 @!p0 s3, s7;
	s7 =	simm.s32 @!p0 $0x108  }
0x21: {  	s3 =	sadd.s32 s3, s9;
	s6 =	sadd.s32 @!p0 $0x88, s6;
	s7 =	simm.s32 @p2 $0x1082  }
0x22: {  	[simem:s7], [sflag:s8] =	dma.local @!p0 [hbm:s6], $0xF7A  }
0x23: {  	s9 =	sor.u32 $0xD0000000, s2;
	s6 =	simm.s32 $0x108;
	_ =	swait.ge @!p0 [sflag:s8], $0x0  }
0x24: {  	s3 =	sadd.s32 $0x88, s3;
	s6 =	simm.s32 @!p1 $0x1082;
	[sflag:s4] =	ssyncset.s32 $0xFFFFF086  }
0x25: {  	[simem:s6], [sflag:s4] =	dma.local [hbm:s3], $0xF7A  }
0x26: {  	[smem:$0x3F8D] =	sst s1;
	(tag) =	ssettag s2;
	_ =	strace s9  }
0x27: {  	s1 =	sld [smem:$0x3F9D]  }
0x28: {  	s2 =	sld [smem:$0x3F9E]  }
0x29: {  	s4 =	sld [smem:$0x3FA0]  }
0x2a: {  	p0 =	seq.s32 s5, $0x0;
	s5 =	sld [smem:$0x3FA1]  }
0x2b: {  	s6 =	sld [smem:$0x3FA2]  }
0x2c: {  	s7 =	sld [smem:$0x3FA3]  }
0x2d: {  	s3 =	simm.s32 $0x108;
	s8 =	sld [smem:$0x3FA4]  }
0x2e: {  	s3 =	simm.s32 @!p0 $0x1082;
	s9 =	sld [smem:$0x3FA5]  }
0x2f: {  	lr =	sadd.s32 s0, s3;
	s0 =	sld [smem:$0x3F9C]  }
0x30: {  	s3 =	sld [smem:$0x3F9F]  }
0x31: {  	[smem:$0x3FA8] =	sst s10  }
0x32: {  	s10 =	sld [smem:$0x3FA6];
	_ =	sdelay $0x3  }
0x33: {  	p0 =	seq.s32 s10, $0x1;
	s10 =	sld [smem:$0x3FA8];
	_ =	sdelay $0x3  }
0x34: {  	[smem:$0x3FA8] =	sst s10  }
0x35: {  	s10 =	sld [smem:$0x3FA7];
	_ =	sdelay $0x3  }
0x36: {  	p1 =	seq.s32 s10, $0x1;
	s10 =	sld [smem:$0x3FA8];
	_ =	sdelay $0x3  }
0x37: {  	[smem:$0x3FA8] =	sst s10  }
0x38: {  	s10 =	sld [smem:$0x3FA9]  }
0x39: {  	_ = 	snop;
	(pc) =	sbr.ind lr, $3  }
0x3a: {  	_ = 	snop  }
0x3b: {  	_ = 	snop  }
0x3c: {  	p2 =	seq.s32 s10, $0x1;
	s10 =	sld [smem:$0x3FA8]  }
0x3d: {  	_ =	shalt  }
0x3e: {  	_ =	shalt  }
0x3f: {  	_ =	shalt  }
0x40: {  	_ =	shalt  }
0x41: {  	_ =	shalt  }
0x42: {  	_ =	shalt  }
0x43: {  	_ =	shalt  }
0x44: {  	_ =	shalt  }
0x45: {  	_ =	shalt  }
0x46: {  	_ =	shalt  }
0x47: {  	_ =	shalt  }
0x48: {  	_ =	shalt  }
0x49: {  	_ =	shalt  }
0x4a: {  	_ =	shalt  }
0x4b: {  	_ =	shalt  }
0x4c: {  	_ =	shalt  }
0x4d: {  	_ =	shalt  }
0x4e: {  	_ =	shalt  }
0x4f: {  	_ =	shalt  }
0x50: {  	_ =	shalt  }
0x51: {  	_ =	shalt  }
0x52: {  	_ =	shalt  }
0x53: {  	_ =	shalt  }
0x54: {  	_ =	shalt  }
0x55: {  	_ =	shalt  }
0x56: {  	_ =	shalt  }
0x57: {  	_ =	shalt  }
0x58: {  	_ =	shalt  }
0x59: {  	_ =	shalt  }
0x5a: {  	_ =	shalt  }
0x5b: {  	_ =	shalt  }
0x5c: {  	_ =	shalt  }
0x5d: {  	_ =	shalt  }
0x5e: {  	_ =	shalt  }
0x5f: {  	_ =	shalt  }
0x60: {  	_ =	shalt  }
0x61: {  	_ =	shalt  }
0x62: {  	_ =	shalt  }
0x63: {  	_ =	shalt  }
0x64: {  	_ =	shalt  }
0x65: {  	_ =	shalt  }
0x66: {  	_ =	shalt  }
0x67: {  	_ =	shalt  }
0x68: {  	_ =	shalt  }
0x69: {  	_ =	shalt  }
0x6a: {  	_ =	shalt  }
0x6b: {  	_ =	shalt  }
0x6c: {  	_ =	shalt  }
0x6d: {  	_ =	shalt  }
0x6e: {  	_ =	shalt  }
0x6f: {  	_ =	shalt  }
0x70: {  	_ =	shalt  }
0x71: {  	_ =	shalt  }
0x72: {  	_ =	shalt  }
0x73: {  	_ =	shalt  }
0x74: {  	_ =	shalt  }
0x75: {  	_ =	shalt  }
0x76: {  	_ =	shalt  }
0x77: {  	_ =	shalt  }
0x78: {  	_ =	shalt  }
0x79: {  	_ =	shalt  }
0x7a: {  	_ =	shalt  }
0x7b: {  	_ =	shalt  }
0x7c: {  	_ =	shalt  }
0x7d: {  	_ =	shalt  }
0x7e: {  	_ =	shalt  }
0x7f: {  	_ =	shalt  }
0x80: {  	_ =	shalt  }
0x81: {  	_ =	shalt  }
0x82: {  	_ =	shalt  }
0x83: {  	_ =	shalt  }
0x84: {  	_ =	shalt  }
0x85: {  	_ =	shalt  }
0x86: {  	_ =	shalt  }
0x87: {  	_ =	shalt  }
.Lfunc_end0:
.L_simem_size_0:
called_computation.3_lowered:
.L_overlay_start_0:
0x88: {  	s2 =	sld [smem:$0x3FD9]  }
0x89: {  	s3 =	sld [smem:$0x3FFE];
	_ =	sdelay $0x1  }
0x8a: {  	s1 =	srdreg.scid  }
0x8b: {  	s0 =	sand.u32 $0x1, s1  }
0x8c: {  	s17 =	sshll.u32 s0, $0xA;
	s2 =	sadd.s32 s3, s2  }
0x8d: {  	s2 =	sadd.s32 s2, s17  }
0x8e: {  	[smem:$0x3FB4] =	sst s2  }
0x8f: {  	_ = 	snop  }
0x90: {  	s18 =	sld [smem:$0x3FD0];
	(tm) =	ssettm $0x1  }
0x91: {  	s19 =	sld [smem:$0x3FFB];
	_ =	sdelay $0x3  }
0x92: {  	_ =	strace s19  }
0x93: {  	s2 =	sld [smem:$0x3FFC];
	_ =	sdelay $0x3  }
0x94: {  	_ =	strace s2  }
0x95: {  	s2 =	sld [smem:$0x3FFD];
	_ =	sdelay $0x3  }
0x96: {  	_ =	strace s2  }
0x97: {  	_ =	strace $0x8FFFFFFF  }
0x98: {  	s20 =	sld [smem:$0x3FDB];
	_ =	sdelay $0x1  }
0x99: {  	s4 =	simm.s32 $_scs_section_size  }
0x9a: {  	s5 =	simm.s32 $_size__tile_overlayer_lowered;
	s6 =	simm.s32 $_tile_overlayer_lowered  }
0x9b: {  	s7 =	simm.s32 $0x1BFF;
	s21 =	sshll.u32 s6, $0x1;
	s4 =	sadd.s32 s4, s20  }
0x9c: {  	s22 =	simm.s32 $0x0;
	s5 =	sshll.u32 s5, $0x1;
	s6 =	sadd.s32 s21, s4  }
0x9d: {  	[timem:s22], [sflag:s7] =	dma.local [hbm:s6], s5  }
0x9e: {  	_ =	swait.ge [sflag:s7], s5  }
0x9f: {  	s5 =	ssub.s32 $0x0, s5;
	[sflag:s7] =	ssyncset.done $0x0  }
0xa0: {  	[sflag:s7] =	ssyncadd.s32 s5;
	_ =	sdelay $0x1  }
0xa1: {  	s23 =	simm.s32 $0x1B8B  }
0xa2: {  	_ =	swait.ge [sflag:s23], $0x1  }
0xa3: {  	[sflag:s23] =	ssyncset.done $0x0  }
0xa4: {  	[sflag:s23] =	ssyncadd.s32 $0xFFFFFFFF  }
0xa5: {  	s5 =	sld [smem:$0x0]  }
0xa6: {  	s6 =	sand.u32 $0xFFFFFFFE, s1  }
0xa7: {  	p0 =	sne.s32 s1, s6  }
0xa8: {  	s6 =	sshll.u32 @p0 s6, $0xE  }
0xa9: {  	s6 =	sadd.s32 @p0 $0x11B8D, s6;
	s7 =	sshll.u32 @p0 s5, $0x11  }
0xaa: {  	s6 =	sor.u32 @p0 s7, s6  }
0xab: {  	[sflag:s6] =	ssyncadd.remote.s32 @p0 $0x1;
	_ =	sdelay $0x1  }
0xac: {  	s6 =	simm.s32 @p0 $0x1B8D  }
0xad: {  	_ =	swait.eq @p0 [sflag:s6], $0x1  }
0xae: {  	[sflag:s6] =	ssyncadd.s32 @p0 $0xFFFFFFFF  }
0xaf: {  	s7 =	sshll.u32 @!p0 s1, $0xE  }
0xb0: {  	s7 =	sor.u32 @!p0 $0x4000, s7;
	s6 =	simm.s32 @!p0 $0x1B8D  }
0xb1: {  	s5 =	sshll.u32 @!p0 s5, $0x11;
	s7 =	sadd.s32 @!p0 $0x11B8D, s7;
	_ =	swait.eq @!p0 [sflag:s6], $0x1  }
0xb2: {  	s5 =	sor.u32 @!p0 s5, s7;
	[sflag:s6] =	ssyncadd.s32 @!p0 $0xFFFFFFFF  }
0xb3: {  	s25 =	simm.s32 $0x1B8E;
	s24 =	sld [smem:$0x3FFE];
	[sflag:s5] =	ssyncadd.remote.s32 @!p0 $0x1  }
0xb4: {  	s26 =	simm.s32 $execute0_lowered;
	[smem:$0x3FD2] =	sst s25  }
0xb5: {  	s6 =	sshll.u32 s26, $0x1;
	_ =	strace $0x8000004F;
	[dreg:$0x1] =	wrdreg $0xFFFFFFFF  }
0xb6: {  	s28 =	simm.s32 $_size_execute0_lowered;
	s4 =	sadd.s32 s4, s6;
	[dreg:$0x0] =	wrdreg $0x0  }
0xb7: {  	s6 =	sshll.u32 s28, $0x1;
	[dreg:$0x2] =	wrdreg s4  }
0xb8: {  	[dreg:$0x3] =	wrdreg s6  }
0xb9: {  	[dreg:$0x4] =	wrdreg $0xC0  }
0xba: {  	_ =	task [dreg:s22], $0x5FFFF  }
0xbb: {  	[dreg:$0x1] =	wrdreg $0xFFFFFFFF  }
0xbc: {  	[dreg:$0x0] =	wrdreg $0x60  }
0xbd: {  	[dreg:$0x2] =	wrdreg s18  }
0xbe: {  	[dreg:$0x3] =	wrdreg s24  }
0xbf: {  	[dreg:$0x4] =	wrdreg $0xA  }
0xc0: {  	_ =	task.clear_ibuf [dreg:s22], $0x5FFFF;
	_ =	strace $0x9000004F  }
0xc1: {  	s29 =	simm.s32 $0xA;
	_ =	strace $0x80000051  }
0xc2: {  	_ =	swait.ge [sflag:s29], $0x1  }
0xc3: {  	[sflag:s29] =	ssyncadd.s32 $0xFFFFFFFF  }
0xc4: {  	_ =	strace $0x90000051  }
0xc5: {  	_ =	sfence  }
0xc6: {  	s30 =	sld [smem:$0x0];
	_ =	sdelay $0x2  }
0xc7: {  	s31 =	sshll.u32 s1, $0xD;
	s1 =	sshrl.u32 s1, $0x2  }
0xc8: {  	s4 =	sand.u32 $0x4000, s31;
	s1 =	sadd.s32 s1, s30  }
0xc9: {  	s0 =	sor.u32 s4, s0;
	s1 =	sshll.u32 s1, $0x11  }
0xca: {  	s0 =	sor.u32 s1, s0  }
0xcb: {  	s0 =	sadd.s32 $0x8F2B, s0  }
0xcc: {  	[sflag:s0] =	ssyncadd.remote.s32 $0x1  }
0xcd: {  	_ =	sfence.sel $0xFFFF  }
0xce: {  	[dreg:$0x0] =	wrdreg $0xFFFFFFFF;
	(pc) =	sbr.abs _section_cstart, $3  }
0xcf: {  	[dreg:$0x1] =	wrdreg $0xFFFFFFFF  }
0xd0: {  	_ =	task.clear_ibuf [dreg:s22], $0x2FFFF;
	_ =	strace $0x9FFFFFFF  }
0xd1: {  	(tm) =	ssettm $0x7FFFFFFF  }
tec
execute0_lowered:
.L_overlay_start_1:
0x0: {  	(tag) =	ssettag $0x1  }
0x1: {  	s1 =	srdreg.scid;
	s2 =	rddreg [dreg:$0x0]  }
0x2: {  	s0 =	stileid.u32;
	s5 =	rddreg [dreg:$0x1]  }
0x3: {  	s3 =	simm.s32 $0x0;
	s13 =	simm.s32 $0x3;
	s14 =	simm.s32 $0x180  }
0x4: {  	s15 =	simm.s32 $0x300;
	s4 =	sand.u32 $0x1, s1;
	s29 =	sshll.u32 s0, $0x1  }
0x5: {  	s16 =	simm.s32 $0x1;
	s17 =	simm.s32 $0xC300;
	s6 =	sor.u32 s4, s29  }
0x6: {  	s18 =	simm.s32 $0x2;
	s1 =	rddreg [dreg:$0x2];
	s7 =	smul.u32 $0x600, s6  }
0x7: {  	[smem:$0x7FF] =	sst s3;
	s4 =	ssub.s32 $0x2, s4;
	s30 =	smul.u32 $0x6000, s6  }
0x8: {  	s10 =	sadd.s32 $0xE0200, s5;
	s31 =	sshrl.u32 s4, $0x1;
	s8 =	smul.u32 $0x30000, s6  }
0x9: {  	_ =	strace $0x80000050;
	s12 =	ssub.s32 s4, s31;
	s7 =	sshrl.u32 s7, $0x3  }
0xa: {  	s6 =	sadd.s32 s10, s30;
	s11 =	sshrl.u32 s8, $0x3;
	s9 =	sadd.s32 s7, s5  }
0xb: {  	s12 =	smax.u32 s12, $0x1;
	s8 =	sadd.s32 $0x1800, s6;
	s4 =	sadd.s32 $0x1D1A00, s9  }
0xc: {  	s11 =	sadd.s32 s10, s11;
	s5 =	sadd.s32 $0x1D1A30, s9;
	s7 =	sadd.s32 $0x1D1A60, s9  }
0xd: {  	s9 =	sadd.s32 $0x1D1A90, s9;
	s10 =	sadd.s32 $0x3000, s11;
	s11 =	sadd.s32 $0x4800, s11  }
.LBB2_1:
0xe: {  	[tilespmem:s3], [sflag:$0x3] =	stream.linear.gather [hbm4b:s4+s3], $0x180, $0x38;
	[tilespmem:$0x18300] =	vst v63  }
0xf: {  	_ =	swait.ge [sflag:s13], $0x180  }
0x10: {  	[sflag:s13] =	ssyncset.done $0x0  }
0x11: {  	[sflag:s13] =	ssyncadd.s32 $0xFFFFFE80  }
0x12: {  	v0 =	vld [tilespmem:$0x0]  }
0x13: {  	v1 =	vld [tilespmem:$0x10]  }
0x14: {  	v2 =	vld [tilespmem:$0x20]  }
0x15: {  	v3 =	vld [tilespmem:$0x30]  }
0x16: {  	v4 =	vld [tilespmem:$0x40]  }
0x17: {  	v5 =	vld [tilespmem:$0x50];
	v0 =	vadd.s32 $0xFFFFF400, v0  }
0x18: {  	v55 =	vld [tilespmem:$0x60];
	v54 =	vadd.s32 $0xFFFFF400, v1;
	[tilespmem:$0x0] =	vst v0  }
0x19: {  	v57 =	vld [tilespmem:$0x70];
	v56 =	vadd.s32 $0xFFFFF400, v2;
	[tilespmem:$0x10] =	vst v54  }
0x1a: {  	v59 =	vld [tilespmem:$0x80];
	v58 =	vadd.s32 $0xFFFFF400, v3;
	[tilespmem:$0x20] =	vst v56  }
0x1b: {  	v61 =	vld [tilespmem:$0x90];
	v60 =	vadd.s32 $0xFFFFF400, v4;
	[tilespmem:$0x30] =	vst v58  }
0x1c: {  	v63 =	vld [tilespmem:$0xA0];
	v62 =	vadd.s32 $0xFFFFF400, v5;
	[tilespmem:$0x40] =	vst v60  }
0x1d: {  	v8 =	vld [tilespmem:$0xB0];
	v7 =	vadd.s32 $0xFFFFF400, v55;
	[tilespmem:$0x50] =	vst v62  }
0x1e: {  	v10 =	vld [tilespmem:$0xC0];
	v9 =	vadd.s32 $0xFFFFF400, v57;
	[tilespmem:$0x60] =	vst v7  }
0x1f: {  	v12 =	vld [tilespmem:$0xD0];
	v11 =	vadd.s32 $0xFFFFF400, v59;
	[tilespmem:$0x70] =	vst v9  }
0x20: {  	v14 =	vld [tilespmem:$0xE0];
	v13 =	vadd.s32 $0xFFFFF400, v61;
	[tilespmem:$0x80] =	vst v11  }
0x21: {  	v16 =	vld [tilespmem:$0xF0];
	v15 =	vadd.s32 $0xFFFFF400, v63;
	[tilespmem:$0x90] =	vst v13  }
0x22: {  	v18 =	vld [tilespmem:$0x100];
	v17 =	vadd.s32 $0xFFFFF400, v8;
	[tilespmem:$0xA0] =	vst v15  }
0x23: {  	v20 =	vld [tilespmem:$0x110];
	v19 =	vadd.s32 $0xFFFFF400, v10;
	[tilespmem:$0xB0] =	vst v17  }
0x24: {  	v22 =	vld [tilespmem:$0x120];
	v21 =	vadd.s32 $0xFFFFF400, v12;
	[tilespmem:$0xC0] =	vst v19  }
0x25: {  	v24 =	vld [tilespmem:$0x130];
	v23 =	vadd.s32 $0xFFFFF400, v14;
	[tilespmem:$0xD0] =	vst v21  }
0x26: {  	v26 =	vld [tilespmem:$0x140];
	v25 =	vadd.s32 $0xFFFFF400, v16;
	[tilespmem:$0xE0] =	vst v23  }
0x27: {  	v28 =	vld [tilespmem:$0x150];
	v27 =	vadd.s32 $0xFFFFF400, v18;
	[tilespmem:$0xF0] =	vst v25  }
0x28: {  	v30 =	vld [tilespmem:$0x160];
	v29 =	vadd.s32 $0xFFFFF400, v20;
	[tilespmem:$0x100] =	vst v27  }
0x29: {  	v32 =	vld [tilespmem:$0x170];
	v31 =	vadd.s32 $0xFFFFF400, v22;
	[tilespmem:$0x110] =	vst v29  }
0x2a: {  	v33 =	vadd.s32 $0xFFFFF400, v24;
	[tilespmem:$0x120] =	vst v31  }
0x2b: {  	v34 =	vadd.s32 $0xFFFFF400, v26;
	[tilespmem:$0x130] =	vst v33  }
0x2c: {  	v35 =	vadd.s32 $0xFFFFF400, v28;
	[tilespmem:$0x140] =	vst v34  }
0x2d: {  	v36 =	vadd.s32 $0xFFFFF400, v30;
	[tilespmem:$0x150] =	vst v35  }
0x2e: {  	v37 =	vadd.s32 $0xFFFFF400, v32;
	[tilespmem:$0x160] =	vst v36  }
0x2f: {  	[tilespmem:$0x170] =	vst v37  }
0x30: {  	[tilespmem:s15], [sflag:$0x1] =	stream.indirect.gather [hbm4b:s2+s14], $0x80, s3, s14, $0xb8;
	[tilespmem:$0x18300] =	vst v63  }
0x31: {  	_ = 	snop  }
0x32: {  	[tilespmem:s14], [sflag:$0x3] =	stream.linear.gather [hbm4b:s5+s3], $0x180, $0x38;
	[tilespmem:$0x18300] =	vst v63  }
0x33: {  	_ =	swait.ge [sflag:s13], $0x180  }
0x34: {  	[sflag:s13] =	ssyncset.done $0x0  }
0x35: {  	[sflag:s13] =	ssyncadd.s32 $0xFFFFFE80  }
0x36: {  	v38 =	vld [tilespmem:$0x180]  }
0x37: {  	v39 =	vld [tilespmem:$0x190]  }
0x38: {  	v40 =	vld [tilespmem:$0x1A0]  }
0x39: {  	v41 =	vld [tilespmem:$0x1B0]  }
0x3a: {  	v42 =	vld [tilespmem:$0x1C0]  }
0x3b: {  	v43 =	vld [tilespmem:$0x1D0];
	v0 =	vadd.s32 $0xFFFFF400, v38  }
0x3c: {  	v45 =	vld [tilespmem:$0x1E0];
	v44 =	vadd.s32 $0xFFFFF400, v39;
	[tilespmem:$0x180] =	vst v0  }
0x3d: {  	v47 =	vld [tilespmem:$0x1F0];
	v46 =	vadd.s32 $0xFFFFF400, v40;
	[tilespmem:$0x190] =	vst v44  }
0x3e: {  	v49 =	vld [tilespmem:$0x200];
	v48 =	vadd.s32 $0xFFFFF400, v41;
	[tilespmem:$0x1A0] =	vst v46  }
0x3f: {  	v51 =	vld [tilespmem:$0x210];
	v50 =	vadd.s32 $0xFFFFF400, v42;
	[tilespmem:$0x1B0] =	vst v48  }
0x40: {  	v53 =	vld [tilespmem:$0x220];
	v52 =	vadd.s32 $0xFFFFF400, v43;
	[tilespmem:$0x1C0] =	vst v50  }
0x41: {  	v55 =	vld [tilespmem:$0x230];
	v54 =	vadd.s32 $0xFFFFF400, v45;
	[tilespmem:$0x1D0] =	vst v52  }
0x42: {  	v57 =	vld [tilespmem:$0x240];
	v56 =	vadd.s32 $0xFFFFF400, v47;
	[tilespmem:$0x1E0] =	vst v54  }
0x43: {  	v59 =	vld [tilespmem:$0x250];
	v58 =	vadd.s32 $0xFFFFF400, v49;
	[tilespmem:$0x1F0] =	vst v56  }
0x44: {  	v61 =	vld [tilespmem:$0x260];
	v60 =	vadd.s32 $0xFFFFF400, v51;
	[tilespmem:$0x200] =	vst v58  }
0x45: {  	v63 =	vld [tilespmem:$0x270];
	v62 =	vadd.s32 $0xFFFFF400, v53;
	[tilespmem:$0x210] =	vst v60  }
0x46: {  	v8 =	vld [tilespmem:$0x280];
	v7 =	vadd.s32 $0xFFFFF400, v55;
	[tilespmem:$0x220] =	vst v62  }
0x47: {  	v10 =	vld [tilespmem:$0x290];
	v9 =	vadd.s32 $0xFFFFF400, v57;
	[tilespmem:$0x230] =	vst v7  }
0x48: {  	v12 =	vld [tilespmem:$0x2A0];
	v11 =	vadd.s32 $0xFFFFF400, v59;
	[tilespmem:$0x240] =	vst v9  }
0x49: {  	v14 =	vld [tilespmem:$0x2B0];
	v13 =	vadd.s32 $0xFFFFF400, v61;
	[tilespmem:$0x250] =	vst v11  }
0x4a: {  	v16 =	vld [tilespmem:$0x2C0];
	v15 =	vadd.s32 $0xFFFFF400, v63;
	[tilespmem:$0x260] =	vst v13  }
0x4b: {  	v18 =	vld [tilespmem:$0x2D0];
	v17 =	vadd.s32 $0xFFFFF400, v8;
	[tilespmem:$0x270] =	vst v15  }
0x4c: {  	v20 =	vld [tilespmem:$0x2E0];
	v19 =	vadd.s32 $0xFFFFF400, v10;
	[tilespmem:$0x280] =	vst v17  }
0x4d: {  	v22 =	vld [tilespmem:$0x2F0];
	v21 =	vadd.s32 $0xFFFFF400, v12;
	[tilespmem:$0x290] =	vst v19  }
0x4e: {  	v23 =	vadd.s32 $0xFFFFF400, v14;
	[tilespmem:$0x2A0] =	vst v21  }
0x4f: {  	v24 =	vadd.s32 $0xFFFFF400, v16;
	[tilespmem:$0x2B0] =	vst v23  }
0x50: {  	v25 =	vadd.s32 $0xFFFFF400, v18;
	[tilespmem:$0x2C0] =	vst v24  }
0x51: {  	v26 =	vadd.s32 $0xFFFFF400, v20;
	[tilespmem:$0x2D0] =	vst v25  }
0x52: {  	v27 =	vadd.s32 $0xFFFFF400, v22;
	[tilespmem:$0x2E0] =	vst v26  }
0x53: {  	[tilespmem:$0x2F0] =	vst v27  }
0x54: {  	_ =	swait.ge [sflag:s16], $0xC000  }
0x55: {  	[sflag:s16] =	ssyncset.done $0x0  }
0x56: {  	[sflag:s16] =	ssyncadd.s32 $0xFFFF4000  }
0x57: {  	[tilespmem:s17], [sflag:$0x1] =	stream.indirect.gather [hbm4b:s2+s14], $0x80, s14, s14, $0xb8;
	[tilespmem:$0x18300] =	vst v63  }
0x58: {  	_ = 	snop  }
0x59: {  	[hbm4b:s6+s3] =	stream.linear.scatter [tilespmem:s15], [sflag:$0x2], $0xC000, $0x38;
	[tilespmem:$0x18300] =	vst v63  }
0x5a: {  	_ = 	snop  }
0x5b: {  	[tilespmem:s3], [sflag:$0x3] =	stream.linear.gather [hbm4b:s7+s3], $0x180, $0x38;
	[tilespmem:$0x18300] =	vst v63  }
0x5c: {  	_ =	swait.ge [sflag:s13], $0x180  }
0x5d: {  	[sflag:s13] =	ssyncset.done $0x0  }
0x5e: {  	[sflag:s13] =	ssyncadd.s32 $0xFFFFFE80  }
0x5f: {  	v28 =	vld [tilespmem:$0x0]  }
0x60: {  	v29 =	vld [tilespmem:$0x10]  }
0x61: {  	v30 =	vld [tilespmem:$0x20]  }
0x62: {  	v31 =	vld [tilespmem:$0x30]  }
0x63: {  	v32 =	vld [tilespmem:$0x40]  }
0x64: {  	v33 =	vld [tilespmem:$0x50];
	v0 =	vadd.s32 $0xFFFFF400, v28  }
0x65: {  	v35 =	vld [tilespmem:$0x60];
	v34 =	vadd.s32 $0xFFFFF400, v29;
	[tilespmem:$0x0] =	vst v0  }
0x66: {  	v37 =	vld [tilespmem:$0x70];
	v36 =	vadd.s32 $0xFFFFF400, v30;
	[tilespmem:$0x10] =	vst v34  }
0x67: {  	v39 =	vld [tilespmem:$0x80];
	v38 =	vadd.s32 $0xFFFFF400, v31;
	[tilespmem:$0x20] =	vst v36  }
0x68: {  	v41 =	vld [tilespmem:$0x90];
	v40 =	vadd.s32 $0xFFFFF400, v32;
	[tilespmem:$0x30] =	vst v38  }
0x69: {  	v43 =	vld [tilespmem:$0xA0];
	v42 =	vadd.s32 $0xFFFFF400, v33;
	[tilespmem:$0x40] =	vst v40  }
0x6a: {  	v45 =	vld [tilespmem:$0xB0];
	v44 =	vadd.s32 $0xFFFFF400, v35;
	[tilespmem:$0x50] =	vst v42  }
0x6b: {  	v47 =	vld [tilespmem:$0xC0];
	v46 =	vadd.s32 $0xFFFFF400, v37;
	[tilespmem:$0x60] =	vst v44  }
0x6c: {  	v49 =	vld [tilespmem:$0xD0];
	v48 =	vadd.s32 $0xFFFFF400, v39;
	[tilespmem:$0x70] =	vst v46  }
0x6d: {  	v51 =	vld [tilespmem:$0xE0];
	v50 =	vadd.s32 $0xFFFFF400, v41;
	[tilespmem:$0x80] =	vst v48  }
0x6e: {  	v53 =	vld [tilespmem:$0xF0];
	v52 =	vadd.s32 $0xFFFFF400, v43;
	[tilespmem:$0x90] =	vst v50  }
0x6f: {  	v55 =	vld [tilespmem:$0x100];
	v54 =	vadd.s32 $0xFFFFF400, v45;
	[tilespmem:$0xA0] =	vst v52  }
0x70: {  	v57 =	vld [tilespmem:$0x110];
	v56 =	vadd.s32 $0xFFFFF400, v47;
	[tilespmem:$0xB0] =	vst v54  }
0x71: {  	v59 =	vld [tilespmem:$0x120];
	v58 =	vadd.s32 $0xFFFFF400, v49;
	[tilespmem:$0xC0] =	vst v56  }
0x72: {  	v61 =	vld [tilespmem:$0x130];
	v60 =	vadd.s32 $0xFFFFF400, v51;
	[tilespmem:$0xD0] =	vst v58  }
0x73: {  	v63 =	vld [tilespmem:$0x140];
	v62 =	vadd.s32 $0xFFFFF400, v53;
	[tilespmem:$0xE0] =	vst v60  }
0x74: {  	v7 =	vld [tilespmem:$0x150];
	v6 =	vadd.s32 $0xFFFFF400, v55;
	[tilespmem:$0xF0] =	vst v62  }
0x75: {  	v9 =	vld [tilespmem:$0x160];
	v8 =	vadd.s32 $0xFFFFF400, v57;
	[tilespmem:$0x100] =	vst v6  }
0x76: {  	v11 =	vld [tilespmem:$0x170];
	v10 =	vadd.s32 $0xFFFFF400, v59;
	[tilespmem:$0x110] =	vst v8  }
0x77: {  	v12 =	vadd.s32 $0xFFFFF400, v61;
	[tilespmem:$0x120] =	vst v10  }
0x78: {  	v13 =	vadd.s32 $0xFFFFF400, v63;
	[tilespmem:$0x130] =	vst v12  }
0x79: {  	v14 =	vadd.s32 $0xFFFFF400, v7;
	[tilespmem:$0x140] =	vst v13  }
0x7a: {  	v15 =	vadd.s32 $0xFFFFF400, v9;
	[tilespmem:$0x150] =	vst v14  }
0x7b: {  	v16 =	vadd.s32 $0xFFFFF400, v11;
	[tilespmem:$0x160] =	vst v15  }
0x7c: {  	[tilespmem:$0x170] =	vst v16  }
0x7d: {  	_ =	swait.ge [sflag:s16], $0xC000  }
0x7e: {  	[sflag:s16] =	ssyncset.done $0x0  }
0x7f: {  	[sflag:s16] =	ssyncadd.s32 $0xFFFF4000  }
0x80: {  	_ =	swait.ge [sflag:s18], $0xC000  }
0x81: {  	[sflag:s18] =	ssyncset.done $0x0  }
0x82: {  	[sflag:s18] =	ssyncadd.s32 $0xFFFF4000  }
0x83: {  	[tilespmem:s15], [sflag:$0x1] =	stream.indirect.gather [hbm4b:s2+s14], $0x80, s3, s14, $0xb8;
	[tilespmem:$0x18300] =	vst v63  }
0x84: {  	_ = 	snop  }
0x85: {  	[hbm4b:s8+s3] =	stream.linear.scatter [tilespmem:s17], [sflag:$0x2], $0xC000, $0x38;
	[tilespmem:$0x18300] =	vst v63  }
0x86: {  	_ = 	snop  }
0x87: {  	[tilespmem:s14], [sflag:$0x3] =	stream.linear.gather [hbm4b:s9+s3], $0x180, $0x38;
	[tilespmem:$0x18300] =	vst v63  }
0x88: {  	_ =	swait.ge [sflag:s13], $0x180  }
0x89: {  	[sflag:s13] =	ssyncset.done $0x0  }
0x8a: {  	[sflag:s13] =	ssyncadd.s32 $0xFFFFFE80  }
0x8b: {  	v17 =	vld [tilespmem:$0x180]  }
0x8c: {  	v18 =	vld [tilespmem:$0x190]  }
0x8d: {  	v19 =	vld [tilespmem:$0x1A0]  }
0x8e: {  	v20 =	vld [tilespmem:$0x1B0]  }
0x8f: {  	v21 =	vld [tilespmem:$0x1C0]  }
0x90: {  	v22 =	vld [tilespmem:$0x1D0];
	v0 =	vadd.s32 $0xFFFFF400, v17  }
0x91: {  	v24 =	vld [tilespmem:$0x1E0];
	v23 =	vadd.s32 $0xFFFFF400, v18;
	[tilespmem:$0x180] =	vst v0  }
0x92: {  	v26 =	vld [tilespmem:$0x1F0];
	v25 =	vadd.s32 $0xFFFFF400, v19;
	[tilespmem:$0x190] =	vst v23  }
0x93: {  	v28 =	vld [tilespmem:$0x200];
	v27 =	vadd.s32 $0xFFFFF400, v20;
	[tilespmem:$0x1A0] =	vst v25  }
0x94: {  	v30 =	vld [tilespmem:$0x210];
	v29 =	vadd.s32 $0xFFFFF400, v21;
	[tilespmem:$0x1B0] =	vst v27  }
0x95: {  	v32 =	vld [tilespmem:$0x220];
	v31 =	vadd.s32 $0xFFFFF400, v22;
	[tilespmem:$0x1C0] =	vst v29  }
0x96: {  	v34 =	vld [tilespmem:$0x230];
	v33 =	vadd.s32 $0xFFFFF400, v24;
	[tilespmem:$0x1D0] =	vst v31  }
0x97: {  	v36 =	vld [tilespmem:$0x240];
	v35 =	vadd.s32 $0xFFFFF400, v26;
	[tilespmem:$0x1E0] =	vst v33  }
0x98: {  	v38 =	vld [tilespmem:$0x250];
	v37 =	vadd.s32 $0xFFFFF400, v28;
	[tilespmem:$0x1F0] =	vst v35  }
0x99: {  	v40 =	vld [tilespmem:$0x260];
	v39 =	vadd.s32 $0xFFFFF400, v30;
	[tilespmem:$0x200] =	vst v37  }
0x9a: {  	v42 =	vld [tilespmem:$0x270];
	v41 =	vadd.s32 $0xFFFFF400, v32;
	[tilespmem:$0x210] =	vst v39  }
0x9b: {  	v44 =	vld [tilespmem:$0x280];
	v43 =	vadd.s32 $0xFFFFF400, v34;
	[tilespmem:$0x220] =	vst v41  }
0x9c: {  	v46 =	vld [tilespmem:$0x290];
	v45 =	vadd.s32 $0xFFFFF400, v36;
	[tilespmem:$0x230] =	vst v43  }
0x9d: {  	v48 =	vld [tilespmem:$0x2A0];
	v47 =	vadd.s32 $0xFFFFF400, v38;
	[tilespmem:$0x240] =	vst v45  }
0x9e: {  	v50 =	vld [tilespmem:$0x2B0];
	v49 =	vadd.s32 $0xFFFFF400, v40;
	[tilespmem:$0x250] =	vst v47  }
0x9f: {  	v52 =	vld [tilespmem:$0x2C0];
	v51 =	vadd.s32 $0xFFFFF400, v42;
	[tilespmem:$0x260] =	vst v49  }
0xa0: {  	v54 =	vld [tilespmem:$0x2D0];
	v53 =	vadd.s32 $0xFFFFF400, v44;
	[tilespmem:$0x270] =	vst v51  }
0xa1: {  	v56 =	vld [tilespmem:$0x2E0];
	v55 =	vadd.s32 $0xFFFFF400, v46;
	[tilespmem:$0x280] =	vst v53  }
0xa2: {  	v58 =	vld [tilespmem:$0x2F0];
	v57 =	vadd.s32 $0xFFFFF400, v48;
	[tilespmem:$0x290] =	vst v55  }
0xa3: {  	v59 =	vadd.s32 $0xFFFFF400, v50;
	[tilespmem:$0x2A0] =	vst v57  }
0xa4: {  	v60 =	vadd.s32 $0xFFFFF400, v52;
	[tilespmem:$0x2B0] =	vst v59  }
0xa5: {  	v61 =	vadd.s32 $0xFFFFF400, v54;
	[tilespmem:$0x2C0] =	vst v60  }
0xa6: {  	v62 =	vadd.s32 $0xFFFFF400, v56;
	[tilespmem:$0x2D0] =	vst v61  }
0xa7: {  	v63 =	vadd.s32 $0xFFFFF400, v58;
	[tilespmem:$0x2E0] =	vst v62  }
0xa8: {  	[tilespmem:$0x2F0] =	vst v63  }
0xa9: {  	_ =	swait.ge [sflag:s16], $0xC000  }
0xaa: {  	[sflag:s16] =	ssyncset.done $0x0  }
0xab: {  	[sflag:s16] =	ssyncadd.s32 $0xFFFF4000  }
0xac: {  	_ =	swait.ge [sflag:s18], $0xC000  }
0xad: {  	[sflag:s18] =	ssyncset.done $0x0  }
0xae: {  	[sflag:s18] =	ssyncadd.s32 $0xFFFF4000  }
0xaf: {  	[tilespmem:s17], [sflag:$0x1] =	stream.indirect.gather [hbm4b:s2+s14], $0x80, s14, s14, $0xb8;
	[tilespmem:$0x18300] =	vst v63  }
0xb0: {  	_ = 	snop  }
0xb1: {  	[hbm4b:s10+s3] =	stream.linear.scatter [tilespmem:s15], [sflag:$0x2], $0xC000, $0x38;
	[tilespmem:$0x18300] =	vst v63  }
0xb2: {  	_ =	swait.ge [sflag:s16], $0xC000  }
0xb3: {  	[sflag:s16] =	ssyncset.done $0x0  }
0xb4: {  	[sflag:s16] =	ssyncadd.s32 $0xFFFF4000  }
0xb5: {  	_ =	swait.ge [sflag:s18], $0xC000  }
0xb6: {  	p0 =	sne.s32 s12, $0x1;
	[sflag:s18] =	ssyncset.done $0x0  }
.Ltmp0:
0xb7: {  	[sflag:s18] =	ssyncadd.s32 $0xFFFF4000;
	(pc) =	sbr.rel @p0 .LBB2_1-.Ltmp0, $4  }
0xb8: {  	[hbm4b:s11+s3] =	stream.linear.scatter [tilespmem:s17], [sflag:$0x2], $0xC000, $0x38;
	[tilespmem:$0x18300] =	vst v63  }
0xb9: {  	_ =	swait.ge [sflag:s18], $0xC000  }
0xba: {  	[sflag:s18] =	ssyncset.done $0x0  }
0xbb: {  	s12 =	sadd.s32 $0xFFFFFFFF, s12;
	[sflag:s18] =	ssyncadd.s32 $0xFFFF4000  }
0xbc: {  	_ =	sfence.sel $0x180000  }
0xbd: {  	[bflag:$0x0] =	sbarrier.arrive $0xFFFF  }
0xbe: {  	p0 =	sne.s32 s0, $0x0;
	_ =	strace $0x90000050  }
0xbf: {  	s0 =	sadd.s32 @!p0 $0x100000, s1;
	[bflag:$0x2] =	sbarrier.arrive $0xFFFF  }
0xc0: {  	[sflag:s0] =	ssyncadd.tile.s32 @!p0 $0x1;
	_ =	shalt  }
.Lfunc_end2:
_tile_overlayer_lowered:
.L_overlay_start_2:
0xc1: {  	(tag) =	ssettag $0x2  }
0xc2: {  	s0 =	rddreg [dreg:$0x0];
	s2 =	stileid.u32  }
0xc3: {  	s1 =	rddreg [dreg:$0x1];
	p0 =	sne.s32 s2, $0x0  }
0xc4: {  	s3 =	rddreg [dreg:$0x2];
	[bflag:$0x3] =	sbarrier.arrive $0xFFFF;
	s2 =	simm.s32 @!p0 $0x1C03  }
0xc5: {  	[timem:s3], [sflag:s2] =	dma.local @!p0 [hbm:s0], s1  }
0xc6: {  	s0 =	simm.s32 @!p0 $0x3  }
0xc7: {  	_ =	swait.ge @!p0 [sflag:s0], s1  }
0xc8: {  	s1 =	ssub.s32 @!p0 $0x0, s1;
	[sflag:s0] =	ssyncset.done @!p0 $0x0  }
0xc9: {  	[sflag:s0] =	ssyncadd.s32 @!p0 s1  }
0xca: {  	[bflag:$0x3] =	sbarrier.arrive $0xFFFF  }
0xcb: {  	_ =	shalt  }

</sc_bundles>
